<compile_context>
chip_gen: v7x
topology: tpu7x:2x2x1
jax: 0.10.2.dev20260603
libtpu: 0.0.44.dev20260713+nightly
codegen_flags: <defaults>
</compile_context>

<pallas_src>
import functools

import jax
import jax.numpy as jnp
from jax import lax
from jax.experimental import pallas as pl
from jax.experimental.pallas import tpu as pltpu
from jax.experimental.pallas import tpu_sc as plsc

N = 10000
E = 160000
D = 256
H = 128
NC = 2
NS = 16
KB = 80
EPT = E // NS
KBM = 128
NFULL = EPT // KBM
TAIL = EPT - NFULL * KBM

ROWS_PER_TILE = 624
LAST_ROWS = N - 15 * ROWS_PER_TILE

_mesh = plsc.VectorSubcoreMesh(core_axis_name="c", subcore_axis_name="s")
_sc_params = pltpu.CompilerParams(needs_layout_passes=False)


def _tc_body(x_ref, w_ref, y_ref):
    y_ref[...] = lax.dot_general(x_ref[...], w_ref[...],
                                 dimension_numbers=(((1,), (1,)), ((), ())),
                                 preferred_element_type=jnp.float32)


_NB = 5


def _tc_call(x, W):
    return pl.pallas_call(
        _tc_body,
        grid=(_NB, NC),
        in_specs=[
            pl.BlockSpec((N // _NB, D), lambda nb, c: (nb, 0)),
            pl.BlockSpec((H, D), lambda nb, c: (c, 0)),
        ],
        out_specs=pl.BlockSpec((N // _NB, H), lambda nb, c: (c * _NB + nb, 0)),
        out_shape=jax.ShapeDtypeStruct((NC * N, H), jnp.float32),
    )(x, W)


def _fill_idx(dst, src, base, n):
    for j in range(n // 16):
        dst[pl.ds(16 * j, 16)] = src[pl.ds(base + 16 * j, 16)]


@functools.partial(
    pl.kernel,
    out_type=[
        jax.ShapeDtypeStruct((N, D), jnp.float32),
        jax.ShapeDtypeStruct((NC * N, H), jnp.float32),
    ],
    mesh=_mesh,
    scratch_types=[
        pltpu.VMEM((EPT,), jnp.int32),
        pltpu.VMEM((KBM,), jnp.int32),
        pltpu.VMEM((KBM,), jnp.int32),
        pltpu.VMEM((KBM,), jnp.int32),
        pltpu.VMEM((KBM,), jnp.int32),
        pltpu.VMEM((TAIL,), jnp.int32),
        pltpu.VMEM((TAIL,), jnp.int32),
        pltpu.VMEM((KB,), jnp.int32),
        pltpu.VMEM((KB,), jnp.int32),
        pltpu.VMEM((KB,), jnp.int32),
        pltpu.VMEM((KB,), jnp.int32),
        pltpu.VMEM((KB,), jnp.int32),
        pltpu.VMEM((KB,), jnp.float32),
        pltpu.VMEM((KBM, H), jnp.float32),
        pltpu.VMEM((KBM, H), jnp.float32),
        pltpu.VMEM((640,), jnp.float32),
        pltpu.SemaphoreType.DMA,
        pltpu.SemaphoreType.DMA,
        pltpu.SemaphoreType.DMA,
        pltpu.SemaphoreType.DMA,
        pltpu.SemaphoreType.DMA,
        pltpu.SemaphoreType.DMA,
        pltpu.SemaphoreType.DMA,
        pltpu.VMEM_SHARED((N,), jnp.float32),
        pltpu.VMEM_SHARED((N, H), jnp.float32),
    ],
    compiler_params=_sc_params,
)
def _sc_kernel(xw_hbm, colf_hbm, rowf_hbm, out_hbm, ysc_hbm,
               rowfv, cb0, cb1, rb0, rb1, cbt, rbt, d0, d1, d2, d3, d4,
               ones_v, st0, st1, dinv_v,
               sem_g0, sem_g1, sem_c0, sem_c1, sem_s0, sem_s1, sem_d,
               deg_sh, acc_sh):
    c = lax.axis_index("c")
    s = lax.axis_index("s")
    r0 = s * ROWS_PER_TILE
    last = s == NS - 1

    pltpu.async_copy(rowf_hbm.at[pl.ds(s * EPT, EPT)], rowfv, sem_d)

    one = jnp.ones((16,), jnp.float32)
    for i in range(KB // 16):
        ones_v[pl.ds(16 * i, 16)] = one
    z = jnp.zeros((16,), jnp.float32)

    def zf(i, _):
        dinv_v[pl.ds(16 * i, 16)] = z
        return 0

    lax.fori_loop(0, 40, zf, 0)

    def zb(i, _):
        st0[i // 8, pl.ds(16 * (i % 8), 16)] = z
        return 0

    lax.fori_loop(0, KBM * (H // 16), zb, 0)

    pltpu.sync_copy(dinv_v.at[pl.ds(0, ROWS_PER_TILE)],
                    deg_sh.at[pl.ds(r0, ROWS_PER_TILE)])

    @pl.when(last)
    def _():
        off = 16 * ROWS_PER_TILE
        pltpu.sync_copy(dinv_v.at[pl.ds(0, 16)], deg_sh.at[pl.ds(off, 16)])

    for k in range(4):
        pltpu.sync_copy(st0, acc_sh.at[pl.ds(r0 + 128 * k, 128)])

    @pl.when(jnp.logical_not(last))
    def _():
        pltpu.sync_copy(st0.at[pl.ds(0, 112), :],
                        acc_sh.at[pl.ds(r0 + 512, 112)])

    @pl.when(last)
    def _():
        pltpu.sync_copy(st0, acc_sh.at[pl.ds(r0 + 512, 128)])

    pltpu.make_async_copy(rowf_hbm.at[pl.ds(s * EPT, EPT)], rowfv,
                          sem_d).wait()
    plsc.subcore_barrier()

    dbufs = (d0, d1, d2, d3, d4)

    def grp(g, _):
        for j in range(5):
            _fill_idx(dbufs[j], rowfv, KB * (5 * g + j), KB)
        for j in range(5):
            pltpu.async_copy(ones_v, deg_sh.at[dbufs[j]], sem_d, add=True)
        for j in range(5):
            pltpu.make_async_copy(ones_v, deg_sh.at[dbufs[j]], sem_d).wait()
        return 0

    lax.fori_loop(0, (EPT // KB) // 5, grp, 0)
    plsc.subcore_barrier()

    pltpu.sync_copy(deg_sh.at[pl.ds(r0, ROWS_PER_TILE)],
                    dinv_v.at[pl.ds(0, ROWS_PER_TILE)])

    @pl.when(last)
    def _():
        off = 16 * ROWS_PER_TILE
        pltpu.sync_copy(deg_sh.at[pl.ds(off, 16)],
                        dinv_v.at[pl.ds(ROWS_PER_TILE, 16)])

    def newt(m, _):
        x = dinv_v[pl.ds(16 * m, 16)] + 1e-12
        i = plsc.bitcast(x, jnp.int32)
        i = 0x5F3759DF - lax.shift_right_logical(i, 1)
        y = plsc.bitcast(i, jnp.float32)
        for _ in range(3):
            y = y * (1.5 - 0.5 * x * y * y)
        dinv_v[pl.ds(16 * m, 16)] = y
        return 0

    lax.fori_loop(0, 40, newt, 0)

    lanes = lax.iota(jnp.int32, 16)
    stage = (st0, st1)
    wsems = (sem_g0, sem_g1)

    def blk_scale(k, b, nr):
        def w16(m, _):
            dv = dinv_v[pl.ds(128 * k + 16 * m, 16)]

            def wrow(j, _):
                sv = jnp.sum(jnp.where(lanes == j, dv, 0.0), axis=0)
                for d in range(H // 16):
                    v = stage[b][16 * m + j, pl.ds(16 * d, 16)]
                    stage[b][16 * m + j, pl.ds(16 * d, 16)] = v * sv
                return 0

            lax.fori_loop(0, 16, wrow, 0)
            return 0

        lax.fori_loop(0, nr // 16, w16, 0)

    def run_blocks(b_in, b_out, b_drain):
        def full(k, b):
            b_in(k, b, 128)
            blk_scale(k, b, 128)
            b_out(k, b, 128)

        full(0, 0)
        full(1, 1)
        b_drain(0, 0, 128)
        full(2, 0)
        b_drain(1, 1, 128)
        full(3, 1)
        b_drain(2, 0, 128)

        @pl.when(jnp.logical_not(last))
        def _():
            b_in(4, 0, 112)
            blk_scale(4, 0, 112)
            b_out(4, 0, 112)
            b_drain(4, 0, 112)

        @pl.when(last)
        def _():
            full(4, 0)
            b_drain(4, 0, 128)

        b_drain(3, 1, 128)

    def sc_in(k, b, nr):
        pltpu.sync_copy(xw_hbm.at[pl.ds(c * N + r0 + 128 * k, nr), :],
                        stage[b].at[pl.ds(0, nr), :])

    def sc_out(k, b, nr):
        pltpu.async_copy(stage[b].at[pl.ds(0, nr), :],
                         ysc_hbm.at[pl.ds(c * N + r0 + 128 * k, nr), :],
                         wsems[b])

    def sc_drain(k, b, nr):
        pltpu.make_async_copy(
            stage[b].at[pl.ds(0, nr), :],
            ysc_hbm.at[pl.ds(c * N + r0 + 128 * k, nr), :],
            wsems[b]).wait()

    run_blocks(sc_in, sc_out, sc_drain)
    plsc.subcore_barrier()

    bufs = (st0, st1)
    cbufs = (cb0, cb1)
    rbufs = (rb0, rb1)
    gsems = (sem_g0, sem_g1)
    csems = (sem_c0, sem_c1)
    ssems = (sem_s0, sem_s1)
    ebase = s * EPT
    coff = c * N

    def c_start(i, b):
        pltpu.async_copy(colf_hbm.at[pl.ds(ebase + KBM * i, KBM)],
                         cbufs[b], csems[b])

    def g_start(i, b):
        pltpu.make_async_copy(colf_hbm.at[pl.ds(ebase + KBM * i, KBM)],
                              cbufs[b], csems[b]).wait()
        for j in range(KBM // 16):
            v = cbufs[b][pl.ds(16 * j, 16)]
            cbufs[b][pl.ds(16 * j, 16)] = v + coff
        pltpu.async_copy(ysc_hbm.at[cbufs[b]], bufs[b], gsems[b])

    def g_wait(b):
        pltpu.make_async_copy(ysc_hbm.at[cbufs[b]], bufs[b],
                              gsems[b]).wait()

    def s_start(i, b):
        _fill_idx(rbufs[b], rowfv, KBM * i, KBM)
        pltpu.async_copy(bufs[b], acc_sh.at[rbufs[b]], ssems[b], add=True)

    def s_wait(b):
        pltpu.make_async_copy(bufs[b], acc_sh.at[rbufs[b]], ssems[b]).wait()

    c_start(0, 0)
    g_start(0, 0)
    c_start(1, 1)

    def pair(j, _):
        i0 = 2 * j

        @pl.when(j > 0)
        def _():
            s_wait(1)

        g_start(i0 + 1, 1)
        g_wait(0)
        s_start(i0, 0)

        @pl.when(i0 + 2 < NFULL)
        def _():
            c_start(i0 + 2, 0)

        s_wait(0)

        @pl.when(i0 + 2 < NFULL)
        def _():
            g_start(i0 + 2, 0)

        g_wait(1)
        s_start(i0 + 1, 1)

        @pl.when(i0 + 3 < NFULL)
        def _():
            c_start(i0 + 3, 1)

        return 0

    lax.fori_loop(0, NFULL // 2, pair, 0)
    s_wait(1)

    pltpu.sync_copy(colf_hbm.at[pl.ds(ebase + NFULL * KBM, TAIL)], cbt)
    vt = cbt[pl.ds(0, 16)]
    cbt[pl.ds(0, 16)] = vt + coff
    pltpu.async_copy(ysc_hbm.at[cbt], st0.at[pl.ds(0, TAIL), :], sem_g0)
    _fill_idx(rbt, rowfv, NFULL * KBM, TAIL)
    pltpu.make_async_copy(ysc_hbm.at[cbt], st0.at[pl.ds(0, TAIL), :],
                          sem_g0).wait()
    pltpu.sync_copy(st0.at[pl.ds(0, TAIL), :], acc_sh.at[rbt], add=True)
    plsc.subcore_barrier()

    def w_in(k, b, nr):
        pltpu.sync_copy(acc_sh.at[pl.ds(r0 + 128 * k, nr)],
                        stage[b].at[pl.ds(0, nr), :])

    def w_out(k, b, nr):
        pltpu.async_copy(stage[b].at[pl.ds(0, nr), :],
                         out_hbm.at[pl.ds(r0 + 128 * k, nr),
                                    pl.ds(c * H, H)],
                         wsems[b])

    def w_drain(k, b, nr):
        pltpu.make_async_copy(
            stage[b].at[pl.ds(0, nr), :],
            out_hbm.at[pl.ds(r0 + 128 * k, nr), pl.ds(c * H, H)],
            wsems[b]).wait()

    run_blocks(w_in, w_out, w_drain)


def kernel(x, edge_index, W):
    rowf = edge_index[0]
    colf = edge_index[1]
    xw = _tc_call(x, W)
    out, _ = _sc_kernel(xw, colf, rowf)
    return out

# --- scband reference (transcript-rebuilt; emitter-appended) ---
"""Pipeline reference for scband-graph-conv-89481348645710 (READ-ONLY COPY).

The authoritative reference and input builder live on the scoring server;
editing this copy changes nothing except your own understanding.
"""

import jax, jax.numpy as jnp
import numpy as np

N_NODES = 10000
N_EDGES = 160000
D_IN = 256
D_OUT = 256

def setup_inputs(seed: int = 0) -> dict:
    key = jax.random.key(seed)
    k1, k2, k3 = jax.random.split(key, 3)
    x = jax.random.normal(k1, (N_NODES, D_IN), dtype=jnp.float32)
    edge_index = jax.random.randint(k2, (2, N_EDGES), 0, N_NODES, dtype=jnp.int32)
    # nn.Linear(in_dim, out_dim, bias=False) weight has shape (out_dim, in_dim)
    W = jax.random.normal(k3, (D_OUT, D_IN), dtype=jnp.float32) * (1.0 / np.sqrt(D_IN))
    return {"x": x, "edge_index": edge_index, "W": W}

def reference(x, edge_index, W):
    row = edge_index[0]
    col = edge_index[1]
    num_nodes = x.shape[0]
    # gcn_norm: symmetric degree normalization based on out-degree of row
    deg = jnp.bincount(row, length=num_nodes).astype(jnp.float32)
    deg_inv_sqrt = 1.0 / jnp.sqrt(deg + 1e-12)
    norm = deg_inv_sqrt[row] * deg_inv_sqrt[col]
    # xW = linear(x)
    xW = x @ W.T
    # scatter-add of gathered, normalized messages
    msgs = jnp.take(xW, col, axis=0) * norm[:, None]
    out = jnp.zeros_like(xW).at[row].add(msgs)
    return out

if __name__ == "__main__":
    import jax
    _d = setup_inputs()
    print(jax.jit(kernel)(*tuple(_d.values())))

</pallas_src>

<mosaic_0001>
#map = affine_map<(d0, d1) -> (0, 0)>
#map1 = affine_map<(d0, d1) -> (0)>
module attributes {stable_mosaic.version = 14 : i64} {
  func.func @_sc_kernel(%arg0: i32, %arg1: i32, %arg2: memref<20000x128xf32, #tpu.memory_space<hbm>>, %arg3: memref<160000xi32, #tpu.memory_space<hbm>>, %arg4: memref<160000xi32, #tpu.memory_space<hbm>>, %arg5: memref<10000x256xf32, #tpu.memory_space<hbm>>, %arg6: memref<20000x128xf32, #tpu.memory_space<hbm>>, %arg7: memref<10000xi32, #tpu.memory_space<vmem>>, %arg8: memref<128xi32, #tpu.memory_space<vmem>>, %arg9: memref<128xi32, #tpu.memory_space<vmem>>, %arg10: memref<128xi32, #tpu.memory_space<vmem>>, %arg11: memref<128xi32, #tpu.memory_space<vmem>>, %arg12: memref<16xi32, #tpu.memory_space<vmem>>, %arg13: memref<16xi32, #tpu.memory_space<vmem>>, %arg14: memref<80xi32, #tpu.memory_space<vmem>>, %arg15: memref<80xi32, #tpu.memory_space<vmem>>, %arg16: memref<80xi32, #tpu.memory_space<vmem>>, %arg17: memref<80xi32, #tpu.memory_space<vmem>>, %arg18: memref<80xi32, #tpu.memory_space<vmem>>, %arg19: memref<80xf32, #tpu.memory_space<vmem>>, %arg20: memref<128x128xf32, #tpu.memory_space<vmem>>, %arg21: memref<128x128xf32, #tpu.memory_space<vmem>>, %arg22: memref<640xf32, #tpu.memory_space<vmem>>, %arg23: memref<!tpu.dma_semaphore, #tpu.memory_space<semaphore_mem>>, %arg24: memref<!tpu.dma_semaphore, #tpu.memory_space<semaphore_mem>>, %arg25: memref<!tpu.dma_semaphore, #tpu.memory_space<semaphore_mem>>, %arg26: memref<!tpu.dma_semaphore, #tpu.memory_space<semaphore_mem>>, %arg27: memref<!tpu.dma_semaphore, #tpu.memory_space<semaphore_mem>>, %arg28: memref<!tpu.dma_semaphore, #tpu.memory_space<semaphore_mem>>, %arg29: memref<!tpu.dma_semaphore, #tpu.memory_space<semaphore_mem>>, %arg30: memref<10000xf32, #tpu.memory_space<vmem_shared>>, %arg31: memref<10000x128xf32, #tpu.memory_space<vmem_shared>>) attributes {dimension_semantics = [#tpu.dimension_semantics<core_parallel>, #tpu.dimension_semantics<subcore_parallel>], iteration_bounds = array<i64: 2, 16>, scalar_prefetch = 0 : i64, scratch_operands = 25 : i64, tpu.core_type = #tpu.core_type<sc_vector_subcore>, window_params = [{transform_indices = #map}, {transform_indices = #map1}, {transform_indices = #map1}, {transform_indices = #map}, {transform_indices = #map}]} {
    %mul3A = arith.constant 624 : i32
    %mul3A_0 = arith.muli %arg1, %mul3A : i32
    %eq3A = arith.constant 15 : i32
    %eq3A_1 = arith.cmpi eq, %arg1, %eq3A : i32
    %mul3A_2 = arith.constant 10000 : i32
    %mul3A_3 = arith.muli %arg1, %mul3A_2 : i32
    %dma_start3A = tpu.memref_slice %arg4[%mul3A_3] : memref<160000xi32, #tpu.memory_space<hbm>> -> memref<10000xi32, #tpu.memory_space<hbm>>
    %dma_start3A_4 = tpu.memref_slice %arg4[%mul3A_3] : memref<160000xi32, #tpu.memory_space<hbm>> -> memref<10000xi32, #tpu.memory_space<hbm>>
    tpu.enqueue_dma source(%dma_start3A_4 : memref<10000xi32, #tpu.memory_space<hbm>>) target(%arg7 : memref<10000xi32, #tpu.memory_space<vmem>>) target_semaphore(%arg29 : memref<!tpu.dma_semaphore, #tpu.memory_space<semaphore_mem>>)
    %broadcast_in_dim3A = arith.constant 1.000000e+00 : f32
    %broadcast_in_dim3A_5 = vector.broadcast %broadcast_in_dim3A : f32 to vector<16xf32>
    %swap3A = arith.constant 0 : index
    %swap3A_6 = tpu.vector_load %arg19[%swap3A] {strides = array<i32>} : memref<80xf32, #tpu.memory_space<vmem>>, vector<16xf32>,
    tpu.vector_store %arg19[%swap3A], %broadcast_in_dim3A_5 {strides = array<i32>} : memref<80xf32, #tpu.memory_space<vmem>>, vector<16xf32>,
    %swap3A_7 = arith.constant 16 : index
    %swap3A_8 = tpu.vector_load %arg19[%swap3A_7] {strides = array<i32>} : memref<80xf32, #tpu.memory_space<vmem>>, vector<16xf32>,
    tpu.vector_store %arg19[%swap3A_7], %broadcast_in_dim3A_5 {strides = array<i32>} : memref<80xf32, #tpu.memory_space<vmem>>, vector<16xf32>,
    %swap3A_9 = arith.constant 32 : index
    %swap3A_10 = tpu.vector_load %arg19[%swap3A_9] {strides = array<i32>} : memref<80xf32, #tpu.memory_space<vmem>>, vector<16xf32>,
    tpu.vector_store %arg19[%swap3A_9], %broadcast_in_dim3A_5 {strides = array<i32>} : memref<80xf32, #tpu.memory_space<vmem>>, vector<16xf32>,
    %swap3A_11 = arith.constant 48 : index
    %swap3A_12 = tpu.vector_load %arg19[%swap3A_11] {strides = array<i32>} : memref<80xf32, #tpu.memory_space<vmem>>, vector<16xf32>,
    tpu.vector_store %arg19[%swap3A_11], %broadcast_in_dim3A_5 {strides = array<i32>} : memref<80xf32, #tpu.memory_space<vmem>>, vector<16xf32>,
    %swap3A_13 = arith.constant 64 : index
    %swap3A_14 = tpu.vector_load %arg19[%swap3A_13] {strides = array<i32>} : memref<80xf32, #tpu.memory_space<vmem>>, vector<16xf32>,
    tpu.vector_store %arg19[%swap3A_13], %broadcast_in_dim3A_5 {strides = array<i32>} : memref<80xf32, #tpu.memory_space<vmem>>, vector<16xf32>,
    %broadcast_in_dim3A_15 = arith.constant 0.000000e+00 : f32
    %broadcast_in_dim3A_16 = vector.broadcast %broadcast_in_dim3A_15 : f32 to vector<16xf32>
    %scan3A = arith.constant 0 : i32
    %scan3A_17 = arith.constant 0 : i32
    %scan3A_18 = arith.constant 40 : i32
    %scan3A_19 = arith.addi %scan3A_17, %scan3A_18 : i32
    %scan3A_20 = arith.constant 1 : i32
    %scan3A_21 = scf.for %scan3A_484 = %scan3A_17 to %scan3A_19 step %scan3A_20 iter_args(%scan3A_485 = %scan3A) -> (i32)  : i32 {
      %mul3A_486 = arith.constant 16 : i32
      %mul3A_487 = arith.muli %mul3A_486, %scan3A_484 : i32
      %swap3A_488 = arith.index_cast %mul3A_487 : i32 to index
      %swap3A_489 = tpu.vector_load %arg22[%swap3A_488] {strides = array<i32>} : memref<640xf32, #tpu.memory_space<vmem>>, vector<16xf32>,
      tpu.vector_store %arg22[%swap3A_488], %broadcast_in_dim3A_16 {strides = array<i32>} : memref<640xf32, #tpu.memory_space<vmem>>, vector<16xf32>,
      %scan3A_490 = arith.constant 0 : i32
      scf.yield %scan3A_490 : i32
    }
    %scan3A_22 = arith.constant 40 : i32
    %scan3A_23 = arith.constant 0 : i32
    %scan3A_24 = arith.constant 0 : i32
    %scan3A_25 = arith.constant 1024 : i32
    %scan3A_26 = arith.addi %scan3A_24, %scan3A_25 : i32
    %scan3A_27 = arith.constant 1 : i32
    %scan3A_28 = scf.for %scan3A_484 = %scan3A_24 to %scan3A_26 step %scan3A_27 iter_args(%scan3A_485 = %scan3A_23) -> (i32)  : i32 {
      %jit3A = arith.constant 8 : i32
      %div3A = arith.divsi %scan3A_484, %jit3A : i32
      %sign3A = arith.constant 0 : i32
      %sign3A_486 = arith.cmpi sgt, %scan3A_484, %sign3A : i32
      %sign3A_487 = arith.extui %sign3A_486 : i1 to i32
      %sign3A_488 = arith.constant 0 : i32
      %sign3A_489 = arith.cmpi slt, %scan3A_484, %sign3A_488 : i32
      %sign3A_490 = arith.extui %sign3A_489 : i1 to i32
      %sign3A_491 = arith.subi %sign3A_487, %sign3A_490 : i32
      %sign3A_492 = arith.constant 0 : i32
      %sign3A_493 = arith.cmpi sgt, %jit3A, %sign3A_492 : i32
      %sign3A_494 = arith.extui %sign3A_493 : i1 to i32
      %sign3A_495 = arith.constant 0 : i32
      %sign3A_496 = arith.cmpi slt, %jit3A, %sign3A_495 : i32
      %sign3A_497 = arith.extui %sign3A_496 : i1 to i32
      %sign3A_498 = arith.subi %sign3A_494, %sign3A_497 : i32
      %ne3A = arith.cmpi ne, %sign3A_491, %sign3A_498 : i32
      %rem3A = arith.remsi %scan3A_484, %jit3A : i32
      %ne3A_499 = arith.constant 0 : i32
      %ne3A_500 = arith.cmpi ne, %rem3A, %ne3A_499 : i32
      %and3A = arith.andi %ne3A, %ne3A_500 : i1
      %sub3A = arith.constant 1 : i32
      %sub3A_501 = arith.subi %div3A, %sub3A : i32
      %select_n3A = arith.select %and3A, %sub3A_501, %div3A : i32
      %jit3A_502 = arith.constant 8 : i32
      %eq3A_503 = arith.constant 0 : i32
      %eq3A_504 = arith.cmpi eq, %jit3A_502, %eq3A_503 : i32
      %jit3A_505 = arith.constant 1 : i32
      %select_n3A_506 = arith.select %eq3A_504, %jit3A_505, %jit3A_502 : i32
      %rem3A_507 = arith.remsi %scan3A_484, %select_n3A_506 : i32
      %ne3A_508 = arith.constant 0 : i32
      %ne3A_509 = arith.cmpi ne, %rem3A_507, %ne3A_508 : i32
      %lt3A = arith.constant 0 : i32
      %lt3A_510 = arith.cmpi slt, %rem3A_507, %lt3A : i32
      %lt3A_511 = arith.constant 0 : i32
      %lt3A_512 = arith.cmpi slt, %select_n3A_506, %lt3A_511 : i32
      %ne3A_513 = arith.xori %lt3A_510, %lt3A_512 : i1
      %and3A_514 = arith.andi %ne3A_513, %ne3A_509 : i1
      %add3A_515 = arith.addi %rem3A_507, %select_n3A_506 : i32
      %select_n3A_516 = arith.select %and3A_514, %add3A_515, %rem3A_507 : i32
      %mul3A_517 = arith.constant 16 : i32
      %mul3A_518 = arith.muli %mul3A_517, %select_n3A_516 : i32
      %swap3A_519 = arith.index_cast %select_n3A : i32 to index
      %swap3A_520 = arith.index_cast %mul3A_518 : i32 to index
      %swap3A_521 = tpu.vector_load %arg20[%swap3A_519, %swap3A_520] {strides = array<i32>} : memref<128x128xf32, #tpu.memory_space<vmem>>, vector<16xf32>,
      tpu.vector_store %arg20[%swap3A_519, %swap3A_520], %broadcast_in_dim3A_16 {strides = array<i32>} : memref<128x128xf32, #tpu.memory_space<vmem>>, vector<16xf32>,
      %scan3A_522 = arith.constant 0 : i32
      scf.yield %scan3A_522 : i32
    }
    %scan3A_29 = arith.constant 1024 : i32
    "tpu.region"() ({
      %run_scoped3A = tpu.sem_alloc : memref<!tpu.dma_semaphore, #tpu.memory_space<semaphore_mem>>
      %dma_start3A_484 = arith.constant 0 : i32
      %dma_start3A_485 = tpu.memref_slice %arg22[%dma_start3A_484] : memref<640xf32, #tpu.memory_space<vmem>> -> memref<624xf32, #tpu.memory_space<vmem>>
      %dma_start3A_486 = tpu.memref_slice %arg30[%mul3A_0] : memref<10000xf32, #tpu.memory_space<vmem_shared>> -> memref<624xf32, #tpu.memory_space<vmem_shared>>
      %dma_start3A_487 = tpu.memref_slice %arg30[%mul3A_0] : memref<10000xf32, #tpu.memory_space<vmem_shared>> -> memref<624xf32, #tpu.memory_space<vmem_shared>>
      %dma_start3A_488 = arith.constant 0 : i32
      %dma_start3A_489 = tpu.memref_slice %arg22[%dma_start3A_488] : memref<640xf32, #tpu.memory_space<vmem>> -> memref<624xf32, #tpu.memory_space<vmem>>
      tpu.enqueue_dma source(%dma_start3A_489 : memref<624xf32, #tpu.memory_space<vmem>>) target(%dma_start3A_487 : memref<624xf32, #tpu.memory_space<vmem_shared>>) target_semaphore(%run_scoped3A : memref<!tpu.dma_semaphore, #tpu.memory_space<semaphore_mem>>)
      %dma_wait3A_490 = arith.constant 0 : i32
      %dma_wait3A_491 = tpu.memref_slice %arg22[%dma_wait3A_490] : memref<640xf32, #tpu.memory_space<vmem>> -> memref<624xf32, #tpu.memory_space<vmem>>
      %dma_wait3A_492 = tpu.memref_slice %arg30[%mul3A_0] : memref<10000xf32, #tpu.memory_space<vmem_shared>> -> memref<624xf32, #tpu.memory_space<vmem_shared>>
      %dma_wait3A_493 = tpu.memref_slice %arg30[%mul3A_0] : memref<10000xf32, #tpu.memory_space<vmem_shared>> -> memref<624xf32, #tpu.memory_space<vmem_shared>>
      %dma_wait3A_494 = arith.constant 0 : i32
      %dma_wait3A_495 = tpu.memref_slice %arg22[%dma_wait3A_494] : memref<640xf32, #tpu.memory_space<vmem>> -> memref<624xf32, #tpu.memory_space<vmem>>
      tpu.wait_dma2 semaphore(%run_scoped3A : memref<!tpu.dma_semaphore, #tpu.memory_space<semaphore_mem>>) src(%dma_wait3A_495 : memref<624xf32, #tpu.memory_space<vmem>>) dst(%dma_wait3A_493 : memref<624xf32, #tpu.memory_space<vmem_shared>>)
      tpu.yield
    }) : () -> ()
    %convert_element_type3A = arith.extui %eq3A_1 : i1 to i32
    %cond3A = arith.constant 0 : i32
    %cond3A_30 = arith.cmpi ne, %convert_element_type3A, %cond3A : i32
    scf.if %cond3A_30 {
      "tpu.region"() ({
        %run_scoped3A = tpu.sem_alloc : memref<!tpu.dma_semaphore, #tpu.memory_space<semaphore_mem>>
        %dma_start3A_484 = arith.constant 0 : i32
        %dma_start3A_485 = tpu.memref_slice %arg22[%dma_start3A_484] : memref<640xf32, #tpu.memory_space<vmem>> -> memref<16xf32, #tpu.memory_space<vmem>>
        %dma_start3A_486 = arith.constant 9984 : i32
        %dma_start3A_487 = tpu.memref_slice %arg30[%dma_start3A_486] : memref<10000xf32, #tpu.memory_space<vmem_shared>> -> memref<16xf32, #tpu.memory_space<vmem_shared>>
        %dma_start3A_488 = arith.constant 9984 : i32
        %dma_start3A_489 = tpu.memref_slice %arg30[%dma_start3A_488] : memref<10000xf32, #tpu.memory_space<vmem_shared>> -> memref<16xf32, #tpu.memory_space<vmem_shared>>
        %dma_start3A_490 = arith.constant 0 : i32
        %dma_start3A_491 = tpu.memref_slice %arg22[%dma_start3A_490] : memref<640xf32, #tpu.memory_space<vmem>> -> memref<16xf32, #tpu.memory_space<vmem>>
        tpu.enqueue_dma source(%dma_start3A_491 : memref<16xf32, #tpu.memory_space<vmem>>) target(%dma_start3A_489 : memref<16xf32, #tpu.memory_space<vmem_shared>>) target_semaphore(%run_scoped3A : memref<!tpu.dma_semaphore, #tpu.memory_space<semaphore_mem>>)
        %dma_wait3A_492 = arith.constant 0 : i32
        %dma_wait3A_493 = tpu.memref_slice %arg22[%dma_wait3A_492] : memref<640xf32, #tpu.memory_space<vmem>> -> memref<16xf32, #tpu.memory_space<vmem>>
        %dma_wait3A_494 = arith.constant 9984 : i32
        %dma_wait3A_495 = tpu.memref_slice %arg30[%dma_wait3A_494] : memref<10000xf32, #tpu.memory_space<vmem_shared>> -> memref<16xf32, #tpu.memory_space<vmem_shared>>
        %dma_wait3A_496 = arith.constant 9984 : i32
        %dma_wait3A_497 = tpu.memref_slice %arg30[%dma_wait3A_496] : memref<10000xf32, #tpu.memory_space<vmem_shared>> -> memref<16xf32, #tpu.memory_space<vmem_shared>>
        %dma_wait3A_498 = arith.constant 0 : i32
        %dma_wait3A_499 = tpu.memref_slice %arg22[%dma_wait3A_498] : memref<640xf32, #tpu.memory_space<vmem>> -> memref<16xf32, #tpu.memory_space<vmem>>
        tpu.wait_dma2 semaphore(%run_scoped3A : memref<!tpu.dma_semaphore, #tpu.memory_space<semaphore_mem>>) src(%dma_wait3A_499 : memref<16xf32, #tpu.memory_space<vmem>>) dst(%dma_wait3A_497 : memref<16xf32, #tpu.memory_space<vmem_shared>>)
        tpu.yield
      }) : () -> ()
    } else {
    }
    %add3A = arith.constant 0 : i32
    %add3A_31 = arith.addi %mul3A_0, %add3A : i32
    "tpu.region"() ({
      %run_scoped3A = tpu.sem_alloc : memref<!tpu.dma_semaphore, #tpu.memory_space<semaphore_mem>>
      %dma_start3A_484 = arith.constant 0 : i32
      %dma_start3A_485 = tpu.memref_slice %arg31[%add3A_31, %dma_start3A_484] : memref<10000x128xf32, #tpu.memory_space<vmem_shared>> -> memref<128x128xf32, #tpu.memory_space<vmem_shared>>
      %dma_start3A_486 = arith.constant 0 : i32
      %dma_start3A_487 = tpu.memref_slice %arg31[%add3A_31, %dma_start3A_486] : memref<10000x128xf32, #tpu.memory_space<vmem_shared>> -> memref<128x128xf32, #tpu.memory_space<vmem_shared>>
      tpu.enqueue_dma source(%arg20 : memref<128x128xf32, #tpu.memory_space<vmem>>) target(%dma_start3A_487 : memref<128x128xf32, #tpu.memory_space<vmem_shared>>) target_semaphore(%run_scoped3A : memref<!tpu.dma_semaphore, #tpu.memory_space<semaphore_mem>>)
      %dma_wait3A_488 = arith.constant 0 : i32
      %dma_wait3A_489 = tpu.memref_slice %arg31[%add3A_31, %dma_wait3A_488] : memref<10000x128xf32, #tpu.memory_space<vmem_shared>> -> memref<128x128xf32, #tpu.memory_space<vmem_shared>>
      %dma_wait3A_490 = arith.constant 0 : i32
      %dma_wait3A_491 = tpu.memref_slice %arg31[%add3A_31, %dma_wait3A_490] : memref<10000x128xf32, #tpu.memory_space<vmem_shared>> -> memref<128x128xf32, #tpu.memory_space<vmem_shared>>
      tpu.wait_dma2 semaphore(%run_scoped3A : memref<!tpu.dma_semaphore, #tpu.memory_space<semaphore_mem>>) src(%arg20 : memref<128x128xf32, #tpu.memory_space<vmem>>) dst(%dma_wait3A_491 : memref<128x128xf32, #tpu.memory_space<vmem_shared>>)
      tpu.yield
    }) : () -> ()
    %add3A_32 = arith.constant 128 : i32
    %add3A_33 = arith.addi %mul3A_0, %add3A_32 : i32
    "tpu.region"() ({
      %run_scoped3A = tpu.sem_alloc : memref<!tpu.dma_semaphore, #tpu.memory_space<semaphore_mem>>
      %dma_start3A_484 = arith.constant 0 : i32
      %dma_start3A_485 = tpu.memref_slice %arg31[%add3A_33, %dma_start3A_484] : memref<10000x128xf32, #tpu.memory_space<vmem_shared>> -> memref<128x128xf32, #tpu.memory_space<vmem_shared>>
      %dma_start3A_486 = arith.constant 0 : i32
      %dma_start3A_487 = tpu.memref_slice %arg31[%add3A_33, %dma_start3A_486] : memref<10000x128xf32, #tpu.memory_space<vmem_shared>> -> memref<128x128xf32, #tpu.memory_space<vmem_shared>>
      tpu.enqueue_dma source(%arg20 : memref<128x128xf32, #tpu.memory_space<vmem>>) target(%dma_start3A_487 : memref<128x128xf32, #tpu.memory_space<vmem_shared>>) target_semaphore(%run_scoped3A : memref<!tpu.dma_semaphore, #tpu.memory_space<semaphore_mem>>)
      %dma_wait3A_488 = arith.constant 0 : i32
      %dma_wait3A_489 = tpu.memref_slice %arg31[%add3A_33, %dma_wait3A_488] : memref<10000x128xf32, #tpu.memory_space<vmem_shared>> -> memref<128x128xf32, #tpu.memory_space<vmem_shared>>
      %dma_wait3A_490 = arith.constant 0 : i32
      %dma_wait3A_491 = tpu.memref_slice %arg31[%add3A_33, %dma_wait3A_490] : memref<10000x128xf32, #tpu.memory_space<vmem_shared>> -> memref<128x128xf32, #tpu.memory_space<vmem_shared>>
      tpu.wait_dma2 semaphore(%run_scoped3A : memref<!tpu.dma_semaphore, #tpu.memory_space<semaphore_mem>>) src(%arg20 : memref<128x128xf32, #tpu.memory_space<vmem>>) dst(%dma_wait3A_491 : memref<128x128xf32, #tpu.memory_space<vmem_shared>>)
      tpu.yield
    }) : () -> ()
    %add3A_34 = arith.constant 256 : i32
    %add3A_35 = arith.addi %mul3A_0, %add3A_34 : i32
    "tpu.region"() ({
      %run_scoped3A = tpu.sem_alloc : memref<!tpu.dma_semaphore, #tpu.memory_space<semaphore_mem>>
      %dma_start3A_484 = arith.constant 0 : i32
      %dma_start3A_485 = tpu.memref_slice %arg31[%add3A_35, %dma_start3A_484] : memref<10000x128xf32, #tpu.memory_space<vmem_shared>> -> memref<128x128xf32, #tpu.memory_space<vmem_shared>>
      %dma_start3A_486 = arith.constant 0 : i32
      %dma_start3A_487 = tpu.memref_slice %arg31[%add3A_35, %dma_start3A_486] : memref<10000x128xf32, #tpu.memory_space<vmem_shared>> -> memref<128x128xf32, #tpu.memory_space<vmem_shared>>
      tpu.enqueue_dma source(%arg20 : memref<128x128xf32, #tpu.memory_space<vmem>>) target(%dma_start3A_487 : memref<128x128xf32, #tpu.memory_space<vmem_shared>>) target_semaphore(%run_scoped3A : memref<!tpu.dma_semaphore, #tpu.memory_space<semaphore_mem>>)
      %dma_wait3A_488 = arith.constant 0 : i32
      %dma_wait3A_489 = tpu.memref_slice %arg31[%add3A_35, %dma_wait3A_488] : memref<10000x128xf32, #tpu.memory_space<vmem_shared>> -> memref<128x128xf32, #tpu.memory_space<vmem_shared>>
      %dma_wait3A_490 = arith.constant 0 : i32
      %dma_wait3A_491 = tpu.memref_slice %arg31[%add3A_35, %dma_wait3A_490] : memref<10000x128xf32, #tpu.memory_space<vmem_shared>> -> memref<128x128xf32, #tpu.memory_space<vmem_shared>>
      tpu.wait_dma2 semaphore(%run_scoped3A : memref<!tpu.dma_semaphore, #tpu.memory_space<semaphore_mem>>) src(%arg20 : memref<128x128xf32, #tpu.memory_space<vmem>>) dst(%dma_wait3A_491 : memref<128x128xf32, #tpu.memory_space<vmem_shared>>)
      tpu.yield
    }) : () -> ()
    %add3A_36 = arith.constant 384 : i32
    %add3A_37 = arith.addi %mul3A_0, %add3A_36 : i32
    "tpu.region"() ({
      %run_scoped3A = tpu.sem_alloc : memref<!tpu.dma_semaphore, #tpu.memory_space<semaphore_mem>>
      %dma_start3A_484 = arith.constant 0 : i32
      %dma_start3A_485 = tpu.memref_slice %arg31[%add3A_37, %dma_start3A_484] : memref<10000x128xf32, #tpu.memory_space<vmem_shared>> -> memref<128x128xf32, #tpu.memory_space<vmem_shared>>
      %dma_start3A_486 = arith.constant 0 : i32
      %dma_start3A_487 = tpu.memref_slice %arg31[%add3A_37, %dma_start3A_486] : memref<10000x128xf32, #tpu.memory_space<vmem_shared>> -> memref<128x128xf32, #tpu.memory_space<vmem_shared>>
      tpu.enqueue_dma source(%arg20 : memref<128x128xf32, #tpu.memory_space<vmem>>) target(%dma_start3A_487 : memref<128x128xf32, #tpu.memory_space<vmem_shared>>) target_semaphore(%run_scoped3A : memref<!tpu.dma_semaphore, #tpu.memory_space<semaphore_mem>>)
      %dma_wait3A_488 = arith.constant 0 : i32
      %dma_wait3A_489 = tpu.memref_slice %arg31[%add3A_37, %dma_wait3A_488] : memref<10000x128xf32, #tpu.memory_space<vmem_shared>> -> memref<128x128xf32, #tpu.memory_space<vmem_shared>>
      %dma_wait3A_490 = arith.constant 0 : i32
      %dma_wait3A_491 = tpu.memref_slice %arg31[%add3A_37, %dma_wait3A_490] : memref<10000x128xf32, #tpu.memory_space<vmem_shared>> -> memref<128x128xf32, #tpu.memory_space<vmem_shared>>
      tpu.wait_dma2 semaphore(%run_scoped3A : memref<!tpu.dma_semaphore, #tpu.memory_space<semaphore_mem>>) src(%arg20 : memref<128x128xf32, #tpu.memory_space<vmem>>) dst(%dma_wait3A_491 : memref<128x128xf32, #tpu.memory_space<vmem_shared>>)
      tpu.yield
    }) : () -> ()
    %not3A = arith.constant true
    %not3A_38 = arith.xori %eq3A_1, %not3A : i1
    %convert_element_type3A_39 = arith.extui %not3A_38 : i1 to i32
    %cond3A_40 = arith.constant 0 : i32
    %cond3A_41 = arith.cmpi ne, %convert_element_type3A_39, %cond3A_40 : i32
    scf.if %cond3A_41 {
      %add3A_484 = arith.constant 512 : i32
      %add3A_485 = arith.addi %mul3A_0, %add3A_484 : i32
      "tpu.region"() ({
        %run_scoped3A = tpu.sem_alloc : memref<!tpu.dma_semaphore, #tpu.memory_space<semaphore_mem>>
        %dma_start3A_486 = arith.constant 0 : i32
        %dma_start3A_487 = arith.constant 0 : i32
        %dma_start3A_488 = tpu.memref_slice %arg20[%dma_start3A_486, %dma_start3A_487] : memref<128x128xf32, #tpu.memory_space<vmem>> -> memref<112x128xf32, #tpu.memory_space<vmem>>
        %dma_start3A_489 = arith.constant 0 : i32
        %dma_start3A_490 = tpu.memref_slice %arg31[%add3A_485, %dma_start3A_489] : memref<10000x128xf32, #tpu.memory_space<vmem_shared>> -> memref<112x128xf32, #tpu.memory_space<vmem_shared>>
        %dma_start3A_491 = arith.constant 0 : i32
        %dma_start3A_492 = tpu.memref_slice %arg31[%add3A_485, %dma_start3A_491] : memref<10000x128xf32, #tpu.memory_space<vmem_shared>> -> memref<112x128xf32, #tpu.memory_space<vmem_shared>>
        %dma_start3A_493 = arith.constant 0 : i32
        %dma_start3A_494 = arith.constant 0 : i32
        %dma_start3A_495 = tpu.memref_slice %arg20[%dma_start3A_493, %dma_start3A_494] : memref<128x128xf32, #tpu.memory_space<vmem>> -> memref<112x128xf32, #tpu.memory_space<vmem>>
        tpu.enqueue_dma source(%dma_start3A_495 : memref<112x128xf32, #tpu.memory_space<vmem>>) target(%dma_start3A_492 : memref<112x128xf32, #tpu.memory_space<vmem_shared>>) target_semaphore(%run_scoped3A : memref<!tpu.dma_semaphore, #tpu.memory_space<semaphore_mem>>)
        %dma_wait3A_496 = arith.constant 0 : i32
        %dma_wait3A_497 = arith.constant 0 : i32
        %dma_wait3A_498 = tpu.memref_slice %arg20[%dma_wait3A_496, %dma_wait3A_497] : memref<128x128xf32, #tpu.memory_space<vmem>> -> memref<112x128xf32, #tpu.memory_space<vmem>>
        %dma_wait3A_499 = arith.constant 0 : i32
        %dma_wait3A_500 = tpu.memref_slice %arg31[%add3A_485, %dma_wait3A_499] : memref<10000x128xf32, #tpu.memory_space<vmem_shared>> -> memref<112x128xf32, #tpu.memory_space<vmem_shared>>
        %dma_wait3A_501 = arith.constant 0 : i32
        %dma_wait3A_502 = tpu.memref_slice %arg31[%add3A_485, %dma_wait3A_501] : memref<10000x128xf32, #tpu.memory_space<vmem_shared>> -> memref<112x128xf32, #tpu.memory_space<vmem_shared>>
        %dma_wait3A_503 = arith.constant 0 : i32
        %dma_wait3A_504 = arith.constant 0 : i32
        %dma_wait3A_505 = tpu.memref_slice %arg20[%dma_wait3A_503, %dma_wait3A_504] : memref<128x128xf32, #tpu.memory_space<vmem>> -> memref<112x128xf32, #tpu.memory_space<vmem>>
        tpu.wait_dma2 semaphore(%run_scoped3A : memref<!tpu.dma_semaphore, #tpu.memory_space<semaphore_mem>>) src(%dma_wait3A_505 : memref<112x128xf32, #tpu.memory_space<vmem>>) dst(%dma_wait3A_502 : memref<112x128xf32, #tpu.memory_space<vmem_shared>>)
        tpu.yield
      }) : () -> ()
    } else {
    }
    %convert_element_type3A_42 = arith.extui %eq3A_1 : i1 to i32
    %cond3A_43 = arith.constant 0 : i32
    %cond3A_44 = arith.cmpi ne, %convert_element_type3A_42, %cond3A_43 : i32
    scf.if %cond3A_44 {
      %add3A_484 = arith.constant 512 : i32
      %add3A_485 = arith.addi %mul3A_0, %add3A_484 : i32
      "tpu.region"() ({
        %run_scoped3A = tpu.sem_alloc : memref<!tpu.dma_semaphore, #tpu.memory_space<semaphore_mem>>
        %dma_start3A_486 = arith.constant 0 : i32
        %dma_start3A_487 = tpu.memref_slice %arg31[%add3A_485, %dma_start3A_486] : memref<10000x128xf32, #tpu.memory_space<vmem_shared>> -> memref<128x128xf32, #tpu.memory_space<vmem_shared>>
        %dma_start3A_488 = arith.constant 0 : i32
        %dma_start3A_489 = tpu.memref_slice %arg31[%add3A_485, %dma_start3A_488] : memref<10000x128xf32, #tpu.memory_space<vmem_shared>> -> memref<128x128xf32, #tpu.memory_space<vmem_shared>>
        tpu.enqueue_dma source(%arg20 : memref<128x128xf32, #tpu.memory_space<vmem>>) target(%dma_start3A_489 : memref<128x128xf32, #tpu.memory_space<vmem_shared>>) target_semaphore(%run_scoped3A : memref<!tpu.dma_semaphore, #tpu.memory_space<semaphore_mem>>)
        %dma_wait3A_490 = arith.constant 0 : i32
        %dma_wait3A_491 = tpu.memref_slice %arg31[%add3A_485, %dma_wait3A_490] : memref<10000x128xf32, #tpu.memory_space<vmem_shared>> -> memref<128x128xf32, #tpu.memory_space<vmem_shared>>
        %dma_wait3A_492 = arith.constant 0 : i32
        %dma_wait3A_493 = tpu.memref_slice %arg31[%add3A_485, %dma_wait3A_492] : memref<10000x128xf32, #tpu.memory_space<vmem_shared>> -> memref<128x128xf32, #tpu.memory_space<vmem_shared>>
        tpu.wait_dma2 semaphore(%run_scoped3A : memref<!tpu.dma_semaphore, #tpu.memory_space<semaphore_mem>>) src(%arg20 : memref<128x128xf32, #tpu.memory_space<vmem>>) dst(%dma_wait3A_493 : memref<128x128xf32, #tpu.memory_space<vmem_shared>>)
        tpu.yield
      }) : () -> ()
    } else {
    }
    %mul3A_45 = arith.constant 10000 : i32
    %mul3A_46 = arith.muli %arg1, %mul3A_45 : i32
    %dma_wait3A = tpu.memref_slice %arg4[%mul3A_46] : memref<160000xi32, #tpu.memory_space<hbm>> -> memref<10000xi32, #tpu.memory_space<hbm>>
    %dma_wait3A_47 = tpu.memref_slice %arg4[%mul3A_46] : memref<160000xi32, #tpu.memory_space<hbm>> -> memref<10000xi32, #tpu.memory_space<hbm>>
    tpu.wait_dma2 semaphore(%arg29 : memref<!tpu.dma_semaphore, #tpu.memory_space<semaphore_mem>>) src(%dma_wait3A_47 : memref<10000xi32, #tpu.memory_space<hbm>>) dst(%arg7 : memref<10000xi32, #tpu.memory_space<vmem>>)
    %barrier3A = arith.constant 0 : index
    tpu.barrier barrier_id(%barrier3A)
    %scan3A_48 = arith.constant 0 : i32
    %scan3A_49 = arith.constant 0 : i32
    %scan3A_50 = arith.constant 25 : i32
    %scan3A_51 = arith.addi %scan3A_49, %scan3A_50 : i32
    %scan3A_52 = arith.constant 1 : i32
    %scan3A_53 = scf.for %scan3A_484 = %scan3A_49 to %scan3A_51 step %scan3A_52 iter_args(%scan3A_485 = %scan3A_48) -> (i32)  : i32 {
      %mul3A_486 = arith.constant 5 : i32
      %mul3A_487 = arith.muli %mul3A_486, %scan3A_484 : i32
      %add3A_488 = arith.constant 0 : i32
      %add3A_489 = arith.addi %mul3A_487, %add3A_488 : i32
      %mul3A_490 = arith.constant 80 : i32
      %mul3A_491 = arith.muli %mul3A_490, %add3A_489 : i32
      %add3A_492 = arith.constant 0 : i32
      %add3A_493 = arith.addi %mul3A_491, %add3A_492 : i32
      %get3A_494 = arith.index_cast %add3A_493 : i32 to index
      %get3A_495 = tpu.vector_load %arg7[%get3A_494] {strides = array<i32>} : memref<10000xi32, #tpu.memory_space<vmem>>, vector<16xi32>,
      %swap3A_496 = arith.constant 0 : index
      %swap3A_497 = tpu.vector_load %arg14[%swap3A_496] {strides = array<i32>} : memref<80xi32, #tpu.memory_space<vmem>>, vector<16xi32>,
      tpu.vector_store %arg14[%swap3A_496], %get3A_495 {strides = array<i32>} : memref<80xi32, #tpu.memory_space<vmem>>, vector<16xi32>,
      %add3A_498 = arith.constant 16 : i32
      %add3A_499 = arith.addi %mul3A_491, %add3A_498 : i32
      %get3A_500 = arith.index_cast %add3A_499 : i32 to index
      %get3A_501 = tpu.vector_load %arg7[%get3A_500] {strides = array<i32>} : memref<10000xi32, #tpu.memory_space<vmem>>, vector<16xi32>,
      %swap3A_502 = arith.constant 16 : index
      %swap3A_503 = tpu.vector_load %arg14[%swap3A_502] {strides = array<i32>} : memref<80xi32, #tpu.memory_space<vmem>>, vector<16xi32>,
      tpu.vector_store %arg14[%swap3A_502], %get3A_501 {strides = array<i32>} : memref<80xi32, #tpu.memory_space<vmem>>, vector<16xi32>,
      %add3A_504 = arith.constant 32 : i32
      %add3A_505 = arith.addi %mul3A_491, %add3A_504 : i32
      %get3A_506 = arith.index_cast %add3A_505 : i32 to index
      %get3A_507 = tpu.vector_load %arg7[%get3A_506] {strides = array<i32>} : memref<10000xi32, #tpu.memory_space<vmem>>, vector<16xi32>,
      %swap3A_508 = arith.constant 32 : index
      %swap3A_509 = tpu.vector_load %arg14[%swap3A_508] {strides = array<i32>} : memref<80xi32, #tpu.memory_space<vmem>>, vector<16xi32>,
      tpu.vector_store %arg14[%swap3A_508], %get3A_507 {strides = array<i32>} : memref<80xi32, #tpu.memory_space<vmem>>, vector<16xi32>,
      %add3A_510 = arith.constant 48 : i32
      %add3A_511 = arith.addi %mul3A_491, %add3A_510 : i32
      %get3A_512 = arith.index_cast %add3A_511 : i32 to index
      %get3A_513 = tpu.vector_load %arg7[%get3A_512] {strides = array<i32>} : memref<10000xi32, #tpu.memory_space<vmem>>, vector<16xi32>,
      %swap3A_514 = arith.constant 48 : index
      %swap3A_515 = tpu.vector_load %arg14[%swap3A_514] {strides = array<i32>} : memref<80xi32, #tpu.memory_space<vmem>>, vector<16xi32>,
      tpu.vector_store %arg14[%swap3A_514], %get3A_513 {strides = array<i32>} : memref<80xi32, #tpu.memory_space<vmem>>, vector<16xi32>,
      %add3A_516 = arith.constant 64 : i32
      %add3A_517 = arith.addi %mul3A_491, %add3A_516 : i32
      %get3A_518 = arith.index_cast %add3A_517 : i32 to index
      %get3A_519 = tpu.vector_load %arg7[%get3A_518] {strides = array<i32>} : memref<10000xi32, #tpu.memory_space<vmem>>, vector<16xi32>,
      %swap3A_520 = arith.constant 64 : index
      %swap3A_521 = tpu.vector_load %arg14[%swap3A_520] {strides = array<i32>} : memref<80xi32, #tpu.memory_space<vmem>>, vector<16xi32>,
      tpu.vector_store %arg14[%swap3A_520], %get3A_519 {strides = array<i32>} : memref<80xi32, #tpu.memory_space<vmem>>, vector<16xi32>,
      %mul3A_522 = arith.constant 5 : i32
      %mul3A_523 = arith.muli %mul3A_522, %scan3A_484 : i32
      %add3A_524 = arith.constant 1 : i32
      %add3A_525 = arith.addi %mul3A_523, %add3A_524 : i32
      %mul3A_526 = arith.constant 80 : i32
      %mul3A_527 = arith.muli %mul3A_526, %add3A_525 : i32
      %add3A_528 = arith.constant 0 : i32
      %add3A_529 = arith.addi %mul3A_527, %add3A_528 : i32
      %get3A_530 = arith.index_cast %add3A_529 : i32 to index
      %get3A_531 = tpu.vector_load %arg7[%get3A_530] {strides = array<i32>} : memref<10000xi32, #tpu.memory_space<vmem>>, vector<16xi32>,
      %swap3A_532 = arith.constant 0 : index
      %swap3A_533 = tpu.vector_load %arg15[%swap3A_532] {strides = array<i32>} : memref<80xi32, #tpu.memory_space<vmem>>, vector<16xi32>,
      tpu.vector_store %arg15[%swap3A_532], %get3A_531 {strides = array<i32>} : memref<80xi32, #tpu.memory_space<vmem>>, vector<16xi32>,
      %add3A_534 = arith.constant 16 : i32
      %add3A_535 = arith.addi %mul3A_527, %add3A_534 : i32
      %get3A_536 = arith.index_cast %add3A_535 : i32 to index
      %get3A_537 = tpu.vector_load %arg7[%get3A_536] {strides = array<i32>} : memref<10000xi32, #tpu.memory_space<vmem>>, vector<16xi32>,
      %swap3A_538 = arith.constant 16 : index
      %swap3A_539 = tpu.vector_load %arg15[%swap3A_538] {strides = array<i32>} : memref<80xi32, #tpu.memory_space<vmem>>, vector<16xi32>,
      tpu.vector_store %arg15[%swap3A_538], %get3A_537 {strides = array<i32>} : memref<80xi32, #tpu.memory_space<vmem>>, vector<16xi32>,
      %add3A_540 = arith.constant 32 : i32
      %add3A_541 = arith.addi %mul3A_527, %add3A_540 : i32
      %get3A_542 = arith.index_cast %add3A_541 : i32 to index
      %get3A_543 = tpu.vector_load %arg7[%get3A_542] {strides = array<i32>} : memref<10000xi32, #tpu.memory_space<vmem>>, vector<16xi32>,
      %swap3A_544 = arith.constant 32 : index
      %swap3A_545 = tpu.vector_load %arg15[%swap3A_544] {strides = array<i32>} : memref<80xi32, #tpu.memory_space<vmem>>, vector<16xi32>,
      tpu.vector_store %arg15[%swap3A_544], %get3A_543 {strides = array<i32>} : memref<80xi32, #tpu.memory_space<vmem>>, vector<16xi32>,
      %add3A_546 = arith.constant 48 : i32
      %add3A_547 = arith.addi %mul3A_527, %add3A_546 : i32
      %get3A_548 = arith.index_cast %add3A_547 : i32 to index
      %get3A_549 = tpu.vector_load %arg7[%get3A_548] {strides = array<i32>} : memref<10000xi32, #tpu.memory_space<vmem>>, vector<16xi32>,
      %swap3A_550 = arith.constant 48 : index
      %swap3A_551 = tpu.vector_load %arg15[%swap3A_550] {strides = array<i32>} : memref<80xi32, #tpu.memory_space<vmem>>, vector<16xi32>,
      tpu.vector_store %arg15[%swap3A_550], %get3A_549 {strides = array<i32>} : memref<80xi32, #tpu.memory_space<vmem>>, vector<16xi32>,
      %add3A_552 = arith.constant 64 : i32
      %add3A_553 = arith.addi %mul3A_527, %add3A_552 : i32
      %get3A_554 = arith.index_cast %add3A_553 : i32 to index
      %get3A_555 = tpu.vector_load %arg7[%get3A_554] {strides = array<i32>} : memref<10000xi32, #tpu.memory_space<vmem>>, vector<16xi32>,
      %swap3A_556 = arith.constant 64 : index
      %swap3A_557 = tpu.vector_load %arg15[%swap3A_556] {strides = array<i32>} : memref<80xi32, #tpu.memory_space<vmem>>, vector<16xi32>,
      tpu.vector_store %arg15[%swap3A_556], %get3A_555 {strides = array<i32>} : memref<80xi32, #tpu.memory_space<vmem>>, vector<16xi32>,
      %mul3A_558 = arith.constant 5 : i32
      %mul3A_559 = arith.muli %mul3A_558, %scan3A_484 : i32
      %add3A_560 = arith.constant 2 : i32
      %add3A_561 = arith.addi %mul3A_559, %add3A_560 : i32
      %mul3A_562 = arith.constant 80 : i32
      %mul3A_563 = arith.muli %mul3A_562, %add3A_561 : i32
      %add3A_564 = arith.constant 0 : i32
      %add3A_565 = arith.addi %mul3A_563, %add3A_564 : i32
      %get3A_566 = arith.index_cast %add3A_565 : i32 to index
      %get3A_567 = tpu.vector_load %arg7[%get3A_566] {strides = array<i32>} : memref<10000xi32, #tpu.memory_space<vmem>>, vector<16xi32>,
      %swap3A_568 = arith.constant 0 : index
      %swap3A_569 = tpu.vector_load %arg16[%swap3A_568] {strides = array<i32>} : memref<80xi32, #tpu.memory_space<vmem>>, vector<16xi32>,
      tpu.vector_store %arg16[%swap3A_568], %get3A_567 {strides = array<i32>} : memref<80xi32, #tpu.memory_space<vmem>>, vector<16xi32>,
      %add3A_570 = arith.constant 16 : i32
      %add3A_571 = arith.addi %mul3A_563, %add3A_570 : i32
      %get3A_572 = arith.index_cast %add3A_571 : i32 to index
      %get3A_573 = tpu.vector_load %arg7[%get3A_572] {strides = array<i32>} : memref<10000xi32, #tpu.memory_space<vmem>>, vector<16xi32>,
      %swap3A_574 = arith.constant 16 : index
      %swap3A_575 = tpu.vector_load %arg16[%swap3A_574] {strides = array<i32>} : memref<80xi32, #tpu.memory_space<vmem>>, vector<16xi32>,
      tpu.vector_store %arg16[%swap3A_574], %get3A_573 {strides = array<i32>} : memref<80xi32, #tpu.memory_space<vmem>>, vector<16xi32>,
      %add3A_576 = arith.constant 32 : i32
      %add3A_577 = arith.addi %mul3A_563, %add3A_576 : i32
      %get3A_578 = arith.index_cast %add3A_577 : i32 to index
      %get3A_579 = tpu.vector_load %arg7[%get3A_578] {strides = array<i32>} : memref<10000xi32, #tpu.memory_space<vmem>>, vector<16xi32>,
      %swap3A_580 = arith.constant 32 : index
      %swap3A_581 = tpu.vector_load %arg16[%swap3A_580] {strides = array<i32>} : memref<80xi32, #tpu.memory_space<vmem>>, vector<16xi32>,
      tpu.vector_store %arg16[%swap3A_580], %get3A_579 {strides = array<i32>} : memref<80xi32, #tpu.memory_space<vmem>>, vector<16xi32>,
      %add3A_582 = arith.constant 48 : i32
      %add3A_583 = arith.addi %mul3A_563, %add3A_582 : i32
      %get3A_584 = arith.index_cast %add3A_583 : i32 to index
      %get3A_585 = tpu.vector_load %arg7[%get3A_584] {strides = array<i32>} : memref<10000xi32, #tpu.memory_space<vmem>>, vector<16xi32>,
      %swap3A_586 = arith.constant 48 : index
      %swap3A_587 = tpu.vector_load %arg16[%swap3A_586] {strides = array<i32>} : memref<80xi32, #tpu.memory_space<vmem>>, vector<16xi32>,
      tpu.vector_store %arg16[%swap3A_586], %get3A_585 {strides = array<i32>} : memref<80xi32, #tpu.memory_space<vmem>>, vector<16xi32>,
      %add3A_588 = arith.constant 64 : i32
      %add3A_589 = arith.addi %mul3A_563, %add3A_588 : i32
      %get3A_590 = arith.index_cast %add3A_589 : i32 to index
      %get3A_591 = tpu.vector_load %arg7[%get3A_590] {strides = array<i32>} : memref<10000xi32, #tpu.memory_space<vmem>>, vector<16xi32>,
      %swap3A_592 = arith.constant 64 : index
      %swap3A_593 = tpu.vector_load %arg16[%swap3A_592] {strides = array<i32>} : memref<80xi32, #tpu.memory_space<vmem>>, vector<16xi32>,
      tpu.vector_store %arg16[%swap3A_592], %get3A_591 {strides = array<i32>} : memref<80xi32, #tpu.memory_space<vmem>>, vector<16xi32>,
      %mul3A_594 = arith.constant 5 : i32
      %mul3A_595 = arith.muli %mul3A_594, %scan3A_484 : i32
      %add3A_596 = arith.constant 3 : i32
      %add3A_597 = arith.addi %mul3A_595, %add3A_596 : i32
      %mul3A_598 = arith.constant 80 : i32
      %mul3A_599 = arith.muli %mul3A_598, %add3A_597 : i32
      %add3A_600 = arith.constant 0 : i32
      %add3A_601 = arith.addi %mul3A_599, %add3A_600 : i32
      %get3A_602 = arith.index_cast %add3A_601 : i32 to index
      %get3A_603 = tpu.vector_load %arg7[%get3A_602] {strides = array<i32>} : memref<10000xi32, #tpu.memory_space<vmem>>, vector<16xi32>,
      %swap3A_604 = arith.constant 0 : index
      %swap3A_605 = tpu.vector_load %arg17[%swap3A_604] {strides = array<i32>} : memref<80xi32, #tpu.memory_space<vmem>>, vector<16xi32>,
      tpu.vector_store %arg17[%swap3A_604], %get3A_603 {strides = array<i32>} : memref<80xi32, #tpu.memory_space<vmem>>, vector<16xi32>,
      %add3A_606 = arith.constant 16 : i32
      %add3A_607 = arith.addi %mul3A_599, %add3A_606 : i32
      %get3A_608 = arith.index_cast %add3A_607 : i32 to index
      %get3A_609 = tpu.vector_load %arg7[%get3A_608] {strides = array<i32>} : memref<10000xi32, #tpu.memory_space<vmem>>, vector<16xi32>,
      %swap3A_610 = arith.constant 16 : index
      %swap3A_611 = tpu.vector_load %arg17[%swap3A_610] {strides = array<i32>} : memref<80xi32, #tpu.memory_space<vmem>>, vector<16xi32>,
      tpu.vector_store %arg17[%swap3A_610], %get3A_609 {strides = array<i32>} : memref<80xi32, #tpu.memory_space<vmem>>, vector<16xi32>,
      %add3A_612 = arith.constant 32 : i32
      %add3A_613 = arith.addi %mul3A_599, %add3A_612 : i32
      %get3A_614 = arith.index_cast %add3A_613 : i32 to index
      %get3A_615 = tpu.vector_load %arg7[%get3A_614] {strides = array<i32>} : memref<10000xi32, #tpu.memory_space<vmem>>, vector<16xi32>,
      %swap3A_616 = arith.constant 32 : index
      %swap3A_617 = tpu.vector_load %arg17[%swap3A_616] {strides = array<i32>} : memref<80xi32, #tpu.memory_space<vmem>>, vector<16xi32>,
      tpu.vector_store %arg17[%swap3A_616], %get3A_615 {strides = array<i32>} : memref<80xi32, #tpu.memory_space<vmem>>, vector<16xi32>,
      %add3A_618 = arith.constant 48 : i32
      %add3A_619 = arith.addi %mul3A_599, %add3A_618 : i32
      %get3A_620 = arith.index_cast %add3A_619 : i32 to index
      %get3A_621 = tpu.vector_load %arg7[%get3A_620] {strides = array<i32>} : memref<10000xi32, #tpu.memory_space<vmem>>, vector<16xi32>,
      %swap3A_622 = arith.constant 48 : index
      %swap3A_623 = tpu.vector_load %arg17[%swap3A_622] {strides = array<i32>} : memref<80xi32, #tpu.memory_space<vmem>>, vector<16xi32>,
      tpu.vector_store %arg17[%swap3A_622], %get3A_621 {strides = array<i32>} : memref<80xi32, #tpu.memory_space<vmem>>, vector<16xi32>,
      %add3A_624 = arith.constant 64 : i32
      %add3A_625 = arith.addi %mul3A_599, %add3A_624 : i32
      %get3A_626 = arith.index_cast %add3A_625 : i32 to index
      %get3A_627 = tpu.vector_load %arg7[%get3A_626] {strides = array<i32>} : memref<10000xi32, #tpu.memory_space<vmem>>, vector<16xi32>,
      %swap3A_628 = arith.constant 64 : index
      %swap3A_629 = tpu.vector_load %arg17[%swap3A_628] {strides = array<i32>} : memref<80xi32, #tpu.memory_space<vmem>>, vector<16xi32>,
      tpu.vector_store %arg17[%swap3A_628], %get3A_627 {strides = array<i32>} : memref<80xi32, #tpu.memory_space<vmem>>, vector<16xi32>,
      %mul3A_630 = arith.constant 5 : i32
      %mul3A_631 = arith.muli %mul3A_630, %scan3A_484 : i32
      %add3A_632 = arith.constant 4 : i32
      %add3A_633 = arith.addi %mul3A_631, %add3A_632 : i32
      %mul3A_634 = arith.constant 80 : i32
      %mul3A_635 = arith.muli %mul3A_634, %add3A_633 : i32
      %add3A_636 = arith.constant 0 : i32
      %add3A_637 = arith.addi %mul3A_635, %add3A_636 : i32
      %get3A_638 = arith.index_cast %add3A_637 : i32 to index
      %get3A_639 = tpu.vector_load %arg7[%get3A_638] {strides = array<i32>} : memref<10000xi32, #tpu.memory_space<vmem>>, vector<16xi32>,
      %swap3A_640 = arith.constant 0 : index
      %swap3A_641 = tpu.vector_load %arg18[%swap3A_640] {strides = array<i32>} : memref<80xi32, #tpu.memory_space<vmem>>, vector<16xi32>,
      tpu.vector_store %arg18[%swap3A_640], %get3A_639 {strides = array<i32>} : memref<80xi32, #tpu.memory_space<vmem>>, vector<16xi32>,
      %add3A_642 = arith.constant 16 : i32
      %add3A_643 = arith.addi %mul3A_635, %add3A_642 : i32
      %get3A_644 = arith.index_cast %add3A_643 : i32 to index
      %get3A_645 = tpu.vector_load %arg7[%get3A_644] {strides = array<i32>} : memref<10000xi32, #tpu.memory_space<vmem>>, vector<16xi32>,
      %swap3A_646 = arith.constant 16 : index
      %swap3A_647 = tpu.vector_load %arg18[%swap3A_646] {strides = array<i32>} : memref<80xi32, #tpu.memory_space<vmem>>, vector<16xi32>,
      tpu.vector_store %arg18[%swap3A_646], %get3A_645 {strides = array<i32>} : memref<80xi32, #tpu.memory_space<vmem>>, vector<16xi32>,
      %add3A_648 = arith.constant 32 : i32
      %add3A_649 = arith.addi %mul3A_635, %add3A_648 : i32
      %get3A_650 = arith.index_cast %add3A_649 : i32 to index
      %get3A_651 = tpu.vector_load %arg7[%get3A_650] {strides = array<i32>} : memref<10000xi32, #tpu.memory_space<vmem>>, vector<16xi32>,
      %swap3A_652 = arith.constant 32 : index
      %swap3A_653 = tpu.vector_load %arg18[%swap3A_652] {strides = array<i32>} : memref<80xi32, #tpu.memory_space<vmem>>, vector<16xi32>,
      tpu.vector_store %arg18[%swap3A_652], %get3A_651 {strides = array<i32>} : memref<80xi32, #tpu.memory_space<vmem>>, vector<16xi32>,
      %add3A_654 = arith.constant 48 : i32
      %add3A_655 = arith.addi %mul3A_635, %add3A_654 : i32
      %get3A_656 = arith.index_cast %add3A_655 : i32 to index
      %get3A_657 = tpu.vector_load %arg7[%get3A_656] {strides = array<i32>} : memref<10000xi32, #tpu.memory_space<vmem>>, vector<16xi32>,
      %swap3A_658 = arith.constant 48 : index
      %swap3A_659 = tpu.vector_load %arg18[%swap3A_658] {strides = array<i32>} : memref<80xi32, #tpu.memory_space<vmem>>, vector<16xi32>,
      tpu.vector_store %arg18[%swap3A_658], %get3A_657 {strides = array<i32>} : memref<80xi32, #tpu.memory_space<vmem>>, vector<16xi32>,
      %add3A_660 = arith.constant 64 : i32
      %add3A_661 = arith.addi %mul3A_635, %add3A_660 : i32
      %get3A_662 = arith.index_cast %add3A_661 : i32 to index
      %get3A_663 = tpu.vector_load %arg7[%get3A_662] {strides = array<i32>} : memref<10000xi32, #tpu.memory_space<vmem>>, vector<16xi32>,
      %swap3A_664 = arith.constant 64 : index
      %swap3A_665 = tpu.vector_load %arg18[%swap3A_664] {strides = array<i32>} : memref<80xi32, #tpu.memory_space<vmem>>, vector<16xi32>,
      tpu.vector_store %arg18[%swap3A_664], %get3A_663 {strides = array<i32>} : memref<80xi32, #tpu.memory_space<vmem>>, vector<16xi32>,
      %dma_start3A_666 = arith.constant 0 : i32
      %dma_start3A_667 = tpu.memref_slice %arg30[%dma_start3A_666] : memref<10000xf32, #tpu.memory_space<vmem_shared>> -> memref<10000xf32, #tpu.memory_space<vmem_shared>>
      tpu.enqueue_indirect_dma source(%arg19 : memref<80xf32, #tpu.memory_space<vmem>>) target(%dma_start3A_667 : memref<10000xf32, #tpu.memory_space<vmem_shared>>) offsets(%arg14 : memref<80xi32, #tpu.memory_space<vmem>>) semaphore(%arg29 : memref<!tpu.dma_semaphore, #tpu.memory_space<semaphore_mem>>) {add = true}
      %dma_start3A_668 = arith.constant 0 : i32
      %dma_start3A_669 = tpu.memref_slice %arg30[%dma_start3A_668] : memref<10000xf32, #tpu.memory_space<vmem_shared>> -> memref<10000xf32, #tpu.memory_space<vmem_shared>>
      tpu.enqueue_indirect_dma source(%arg19 : memref<80xf32, #tpu.memory_space<vmem>>) target(%dma_start3A_669 : memref<10000xf32, #tpu.memory_space<vmem_shared>>) offsets(%arg15 : memref<80xi32, #tpu.memory_space<vmem>>) semaphore(%arg29 : memref<!tpu.dma_semaphore, #tpu.memory_space<semaphore_mem>>) {add = true}
      %dma_start3A_670 = arith.constant 0 : i32
      %dma_start3A_671 = tpu.memref_slice %arg30[%dma_start3A_670] : memref<10000xf32, #tpu.memory_space<vmem_shared>> -> memref<10000xf32, #tpu.memory_space<vmem_shared>>
      tpu.enqueue_indirect_dma source(%arg19 : memref<80xf32, #tpu.memory_space<vmem>>) target(%dma_start3A_671 : memref<10000xf32, #tpu.memory_space<vmem_shared>>) offsets(%arg16 : memref<80xi32, #tpu.memory_space<vmem>>) semaphore(%arg29 : memref<!tpu.dma_semaphore, #tpu.memory_space<semaphore_mem>>) {add = true}
      %dma_start3A_672 = arith.constant 0 : i32
      %dma_start3A_673 = tpu.memref_slice %arg30[%dma_start3A_672] : memref<10000xf32, #tpu.memory_space<vmem_shared>> -> memref<10000xf32, #tpu.memory_space<vmem_shared>>
      tpu.enqueue_indirect_dma source(%arg19 : memref<80xf32, #tpu.memory_space<vmem>>) target(%dma_start3A_673 : memref<10000xf32, #tpu.memory_space<vmem_shared>>) offsets(%arg17 : memref<80xi32, #tpu.memory_space<vmem>>) semaphore(%arg29 : memref<!tpu.dma_semaphore, #tpu.memory_space<semaphore_mem>>) {add = true}
      %dma_start3A_674 = arith.constant 0 : i32
      %dma_start3A_675 = tpu.memref_slice %arg30[%dma_start3A_674] : memref<10000xf32, #tpu.memory_space<vmem_shared>> -> memref<10000xf32, #tpu.memory_space<vmem_shared>>
      tpu.enqueue_indirect_dma source(%arg19 : memref<80xf32, #tpu.memory_space<vmem>>) target(%dma_start3A_675 : memref<10000xf32, #tpu.memory_space<vmem_shared>>) offsets(%arg18 : memref<80xi32, #tpu.memory_space<vmem>>) semaphore(%arg29 : memref<!tpu.dma_semaphore, #tpu.memory_space<semaphore_mem>>) {add = true}
      %dma_wait3A_676 = arith.constant 0 : i32
      %dma_wait3A_677 = tpu.memref_slice %arg30[%dma_wait3A_676] : memref<10000xf32, #tpu.memory_space<vmem_shared>> -> memref<10000xf32, #tpu.memory_space<vmem_shared>>
      tpu.wait_indirect_dma semaphore(%arg29 : memref<!tpu.dma_semaphore, #tpu.memory_space<semaphore_mem>>) src(%arg19 : memref<80xf32, #tpu.memory_space<vmem>>) dst(%dma_wait3A_677 : memref<10000xf32, #tpu.memory_space<vmem_shared>>)
      %dma_wait3A_678 = arith.constant 0 : i32
      %dma_wait3A_679 = tpu.memref_slice %arg30[%dma_wait3A_678] : memref<10000xf32, #tpu.memory_space<vmem_shared>> -> memref<10000xf32, #tpu.memory_space<vmem_shared>>
      tpu.wait_indirect_dma semaphore(%arg29 : memref<!tpu.dma_semaphore, #tpu.memory_space<semaphore_mem>>) src(%arg19 : memref<80xf32, #tpu.memory_space<vmem>>) dst(%dma_wait3A_679 : memref<10000xf32, #tpu.memory_space<vmem_shared>>)
      %dma_wait3A_680 = arith.constant 0 : i32
      %dma_wait3A_681 = tpu.memref_slice %arg30[%dma_wait3A_680] : memref<10000xf32, #tpu.memory_space<vmem_shared>> -> memref<10000xf32, #tpu.memory_space<vmem_shared>>
      tpu.wait_indirect_dma semaphore(%arg29 : memref<!tpu.dma_semaphore, #tpu.memory_space<semaphore_mem>>) src(%arg19 : memref<80xf32, #tpu.memory_space<vmem>>) dst(%dma_wait3A_681 : memref<10000xf32, #tpu.memory_space<vmem_shared>>)
      %dma_wait3A_682 = arith.constant 0 : i32
      %dma_wait3A_683 = tpu.memref_slice %arg30[%dma_wait3A_682] : memref<10000xf32, #tpu.memory_space<vmem_shared>> -> memref<10000xf32, #tpu.memory_space<vmem_shared>>
      tpu.wait_indirect_dma semaphore(%arg29 : memref<!tpu.dma_semaphore, #tpu.memory_space<semaphore_mem>>) src(%arg19 : memref<80xf32, #tpu.memory_space<vmem>>) dst(%dma_wait3A_683 : memref<10000xf32, #tpu.memory_space<vmem_shared>>)
      %dma_wait3A_684 = arith.constant 0 : i32
      %dma_wait3A_685 = tpu.memref_slice %arg30[%dma_wait3A_684] : memref<10000xf32, #tpu.memory_space<vmem_shared>> -> memref<10000xf32, #tpu.memory_space<vmem_shared>>
      tpu.wait_indirect_dma semaphore(%arg29 : memref<!tpu.dma_semaphore, #tpu.memory_space<semaphore_mem>>) src(%arg19 : memref<80xf32, #tpu.memory_space<vmem>>) dst(%dma_wait3A_685 : memref<10000xf32, #tpu.memory_space<vmem_shared>>)
      %scan3A_686 = arith.constant 0 : i32
      scf.yield %scan3A_686 : i32
    }
    %scan3A_54 = arith.constant 25 : i32
    %barrier3A_55 = arith.constant 0 : index
    tpu.barrier barrier_id(%barrier3A_55)
    "tpu.region"() ({
      %run_scoped3A = tpu.sem_alloc : memref<!tpu.dma_semaphore, #tpu.memory_space<semaphore_mem>>
      %dma_start3A_484 = arith.constant 0 : i32
      %dma_start3A_485 = tpu.memref_slice %arg22[%dma_start3A_484] : memref<640xf32, #tpu.memory_space<vmem>> -> memref<624xf32, #tpu.memory_space<vmem>>
      %dma_start3A_486 = tpu.memref_slice %arg30[%mul3A_0] : memref<10000xf32, #tpu.memory_space<vmem_shared>> -> memref<624xf32, #tpu.memory_space<vmem_shared>>
      %dma_start3A_487 = arith.constant 0 : i32
      %dma_start3A_488 = tpu.memref_slice %arg22[%dma_start3A_487] : memref<640xf32, #tpu.memory_space<vmem>> -> memref<624xf32, #tpu.memory_space<vmem>>
      %dma_start3A_489 = tpu.memref_slice %arg30[%mul3A_0] : memref<10000xf32, #tpu.memory_space<vmem_shared>> -> memref<624xf32, #tpu.memory_space<vmem_shared>>
      tpu.enqueue_dma source(%dma_start3A_489 : memref<624xf32, #tpu.memory_space<vmem_shared>>) target(%dma_start3A_488 : memref<624xf32, #tpu.memory_space<vmem>>) target_semaphore(%run_scoped3A : memref<!tpu.dma_semaphore, #tpu.memory_space<semaphore_mem>>)
      %dma_wait3A_490 = arith.constant 0 : i32
      %dma_wait3A_491 = tpu.memref_slice %arg22[%dma_wait3A_490] : memref<640xf32, #tpu.memory_space<vmem>> -> memref<624xf32, #tpu.memory_space<vmem>>
      %dma_wait3A_492 = tpu.memref_slice %arg30[%mul3A_0] : memref<10000xf32, #tpu.memory_space<vmem_shared>> -> memref<624xf32, #tpu.memory_space<vmem_shared>>
      %dma_wait3A_493 = arith.constant 0 : i32
      %dma_wait3A_494 = tpu.memref_slice %arg22[%dma_wait3A_493] : memref<640xf32, #tpu.memory_space<vmem>> -> memref<624xf32, #tpu.memory_space<vmem>>
      %dma_wait3A_495 = tpu.memref_slice %arg30[%mul3A_0] : memref<10000xf32, #tpu.memory_space<vmem_shared>> -> memref<624xf32, #tpu.memory_space<vmem_shared>>
      tpu.wait_dma2 semaphore(%run_scoped3A : memref<!tpu.dma_semaphore, #tpu.memory_space<semaphore_mem>>) src(%dma_wait3A_495 : memref<624xf32, #tpu.memory_space<vmem_shared>>) dst(%dma_wait3A_494 : memref<624xf32, #tpu.memory_space<vmem>>)
      tpu.yield
    }) : () -> ()
    %convert_element_type3A_56 = arith.extui %eq3A_1 : i1 to i32
    %cond3A_57 = arith.constant 0 : i32
    %cond3A_58 = arith.cmpi ne, %convert_element_type3A_56, %cond3A_57 : i32
    scf.if %cond3A_58 {
      "tpu.region"() ({
        %run_scoped3A = tpu.sem_alloc : memref<!tpu.dma_semaphore, #tpu.memory_space<semaphore_mem>>
        %dma_start3A_484 = arith.constant 624 : i32
        %dma_start3A_485 = tpu.memref_slice %arg22[%dma_start3A_484] : memref<640xf32, #tpu.memory_space<vmem>> -> memref<16xf32, #tpu.memory_space<vmem>>
        %dma_start3A_486 = arith.constant 9984 : i32
        %dma_start3A_487 = tpu.memref_slice %arg30[%dma_start3A_486] : memref<10000xf32, #tpu.memory_space<vmem_shared>> -> memref<16xf32, #tpu.memory_space<vmem_shared>>
        %dma_start3A_488 = arith.constant 624 : i32
        %dma_start3A_489 = tpu.memref_slice %arg22[%dma_start3A_488] : memref<640xf32, #tpu.memory_space<vmem>> -> memref<16xf32, #tpu.memory_space<vmem>>
        %dma_start3A_490 = arith.constant 9984 : i32
        %dma_start3A_491 = tpu.memref_slice %arg30[%dma_start3A_490] : memref<10000xf32, #tpu.memory_space<vmem_shared>> -> memref<16xf32, #tpu.memory_space<vmem_shared>>
        tpu.enqueue_dma source(%dma_start3A_491 : memref<16xf32, #tpu.memory_space<vmem_shared>>) target(%dma_start3A_489 : memref<16xf32, #tpu.memory_space<vmem>>) target_semaphore(%run_scoped3A : memref<!tpu.dma_semaphore, #tpu.memory_space<semaphore_mem>>)
        %dma_wait3A_492 = arith.constant 624 : i32
        %dma_wait3A_493 = tpu.memref_slice %arg22[%dma_wait3A_492] : memref<640xf32, #tpu.memory_space<vmem>> -> memref<16xf32, #tpu.memory_space<vmem>>
        %dma_wait3A_494 = arith.constant 9984 : i32
        %dma_wait3A_495 = tpu.memref_slice %arg30[%dma_wait3A_494] : memref<10000xf32, #tpu.memory_space<vmem_shared>> -> memref<16xf32, #tpu.memory_space<vmem_shared>>
        %dma_wait3A_496 = arith.constant 624 : i32
        %dma_wait3A_497 = tpu.memref_slice %arg22[%dma_wait3A_496] : memref<640xf32, #tpu.memory_space<vmem>> -> memref<16xf32, #tpu.memory_space<vmem>>
        %dma_wait3A_498 = arith.constant 9984 : i32
        %dma_wait3A_499 = tpu.memref_slice %arg30[%dma_wait3A_498] : memref<10000xf32, #tpu.memory_space<vmem_shared>> -> memref<16xf32, #tpu.memory_space<vmem_shared>>
        tpu.wait_dma2 semaphore(%run_scoped3A : memref<!tpu.dma_semaphore, #tpu.memory_space<semaphore_mem>>) src(%dma_wait3A_499 : memref<16xf32, #tpu.memory_space<vmem_shared>>) dst(%dma_wait3A_497 : memref<16xf32, #tpu.memory_space<vmem>>)
        tpu.yield
      }) : () -> ()
    } else {
    }
    %scan3A_59 = arith.constant 0 : i32
    %scan3A_60 = arith.constant 0 : i32
    %scan3A_61 = arith.constant 40 : i32
    %scan3A_62 = arith.addi %scan3A_60, %scan3A_61 : i32
    %scan3A_63 = arith.constant 1 : i32
    %scan3A_64 = scf.for %scan3A_484 = %scan3A_60 to %scan3A_62 step %scan3A_63 iter_args(%scan3A_485 = %scan3A_59) -> (i32)  : i32 {
      %mul3A_486 = arith.constant 16 : i32
      %mul3A_487 = arith.muli %mul3A_486, %scan3A_484 : i32
      %get3A_488 = arith.index_cast %mul3A_487 : i32 to index
      %get3A_489 = tpu.vector_load %arg22[%get3A_488] {strides = array<i32>} : memref<640xf32, #tpu.memory_space<vmem>>, vector<16xf32>,
      %add3A_490 = arith.constant 9.99999996E-13 : f32
      %add3A_491 = vector.broadcast %add3A_490 : f32 to vector<16xf32>
      %add3A_492 = arith.addf %get3A_489, %add3A_491 : vector<16xf32>
      %bitcast3A = vector.bitcast %add3A_492 : vector<16xf32> to vector<16xi32>
      %shift_right_logical3A = arith.constant 1 : i32
      %shift_right_logical3A_493 = vector.broadcast %shift_right_logical3A : i32 to vector<16xi32>
      %shift_right_logical3A_494 = arith.shrui %bitcast3A, %shift_right_logical3A_493 : vector<16xi32>
      %sub3A = arith.constant 1597463007 : i32
      %sub3A_495 = vector.broadcast %sub3A : i32 to vector<16xi32>
      %sub3A_496 = arith.subi %sub3A_495, %shift_right_logical3A_494 : vector<16xi32>
      %bitcast3A_497 = vector.bitcast %sub3A_496 : vector<16xi32> to vector<16xf32>
      %mul3A_498 = arith.constant 5.000000e-01 : f32
      %mul3A_499 = vector.broadcast %mul3A_498 : f32 to vector<16xf32>
      %mul3A_500 = arith.mulf %mul3A_499, %add3A_492 : vector<16xf32>
      %mul3A_501 = arith.mulf %mul3A_500, %bitcast3A_497 : vector<16xf32>
      %mul3A_502 = arith.mulf %mul3A_501, %bitcast3A_497 : vector<16xf32>
      %sub3A_503 = arith.constant 1.500000e+00 : f32
      %sub3A_504 = vector.broadcast %sub3A_503 : f32 to vector<16xf32>
      %sub3A_505 = arith.subf %sub3A_504, %mul3A_502 : vector<16xf32>
      %mul3A_506 = arith.mulf %bitcast3A_497, %sub3A_505 : vector<16xf32>
      %mul3A_507 = arith.constant 5.000000e-01 : f32
      %mul3A_508 = vector.broadcast %mul3A_507 : f32 to vector<16xf32>
      %mul3A_509 = arith.mulf %mul3A_508, %add3A_492 : vector<16xf32>
      %mul3A_510 = arith.mulf %mul3A_509, %mul3A_506 : vector<16xf32>
      %mul3A_511 = arith.mulf %mul3A_510, %mul3A_506 : vector<16xf32>
      %sub3A_512 = arith.constant 1.500000e+00 : f32
      %sub3A_513 = vector.broadcast %sub3A_512 : f32 to vector<16xf32>
      %sub3A_514 = arith.subf %sub3A_513, %mul3A_511 : vector<16xf32>
      %mul3A_515 = arith.mulf %mul3A_506, %sub3A_514 : vector<16xf32>
      %mul3A_516 = arith.constant 5.000000e-01 : f32
      %mul3A_517 = vector.broadcast %mul3A_516 : f32 to vector<16xf32>
      %mul3A_518 = arith.mulf %mul3A_517, %add3A_492 : vector<16xf32>
      %mul3A_519 = arith.mulf %mul3A_518, %mul3A_515 : vector<16xf32>
      %mul3A_520 = arith.mulf %mul3A_519, %mul3A_515 : vector<16xf32>
      %sub3A_521 = arith.constant 1.500000e+00 : f32
      %sub3A_522 = vector.broadcast %sub3A_521 : f32 to vector<16xf32>
      %sub3A_523 = arith.subf %sub3A_522, %mul3A_520 : vector<16xf32>
      %mul3A_524 = arith.mulf %mul3A_515, %sub3A_523 : vector<16xf32>
      %mul3A_525 = arith.constant 16 : i32
      %mul3A_526 = arith.muli %mul3A_525, %scan3A_484 : i32
      %swap3A_527 = arith.index_cast %mul3A_526 : i32 to index
      %swap3A_528 = tpu.vector_load %arg22[%swap3A_527] {strides = array<i32>} : memref<640xf32, #tpu.memory_space<vmem>>, vector<16xf32>,
      tpu.vector_store %arg22[%swap3A_527], %mul3A_524 {strides = array<i32>} : memref<640xf32, #tpu.memory_space<vmem>>, vector<16xf32>,
      %scan3A_529 = arith.constant 0 : i32
      scf.yield %scan3A_529 : i32
    }
    %scan3A_65 = arith.constant 40 : i32
    %iota3A = tpu.iota {dimensions = array<i32: 0>} : vector<16xi32>
    %mul3A_66 = arith.constant 10000 : i32
    %mul3A_67 = arith.muli %arg0, %mul3A_66 : i32
    %add3A_68 = arith.addi %mul3A_67, %mul3A_0 : i32
    %add3A_69 = arith.constant 0 : i32
    %add3A_70 = arith.addi %add3A_68, %add3A_69 : i32
    "tpu.region"() ({
      %run_scoped3A = tpu.sem_alloc : memref<!tpu.dma_semaphore, #tpu.memory_space<semaphore_mem>>
      %dma_start3A_484 = arith.constant 0 : i32
      %dma_start3A_485 = arith.constant 0 : i32
      %dma_start3A_486 = tpu.memref_slice %arg20[%dma_start3A_484, %dma_start3A_485] : memref<128x128xf32, #tpu.memory_space<vmem>> -> memref<128x128xf32, #tpu.memory_space<vmem>>
      %dma_start3A_487 = arith.constant 0 : i32
      %dma_start3A_488 = tpu.memref_slice %arg2[%add3A_70, %dma_start3A_487] : memref<20000x128xf32, #tpu.memory_space<hbm>> -> memref<128x128xf32, #tpu.memory_space<hbm>>
      %dma_start3A_489 = arith.constant 0 : i32
      %dma_start3A_490 = arith.constant 0 : i32
      %dma_start3A_491 = tpu.memref_slice %arg20[%dma_start3A_489, %dma_start3A_490] : memref<128x128xf32, #tpu.memory_space<vmem>> -> memref<128x128xf32, #tpu.memory_space<vmem>>
      %dma_start3A_492 = arith.constant 0 : i32
      %dma_start3A_493 = tpu.memref_slice %arg2[%add3A_70, %dma_start3A_492] : memref<20000x128xf32, #tpu.memory_space<hbm>> -> memref<128x128xf32, #tpu.memory_space<hbm>>
      tpu.enqueue_dma source(%dma_start3A_493 : memref<128x128xf32, #tpu.memory_space<hbm>>) target(%dma_start3A_491 : memref<128x128xf32, #tpu.memory_space<vmem>>) target_semaphore(%run_scoped3A : memref<!tpu.dma_semaphore, #tpu.memory_space<semaphore_mem>>)
      %dma_wait3A_494 = arith.constant 0 : i32
      %dma_wait3A_495 = arith.constant 0 : i32
      %dma_wait3A_496 = tpu.memref_slice %arg20[%dma_wait3A_494, %dma_wait3A_495] : memref<128x128xf32, #tpu.memory_space<vmem>> -> memref<128x128xf32, #tpu.memory_space<vmem>>
      %dma_wait3A_497 = arith.constant 0 : i32
      %dma_wait3A_498 = tpu.memref_slice %arg2[%add3A_70, %dma_wait3A_497] : memref<20000x128xf32, #tpu.memory_space<hbm>> -> memref<128x128xf32, #tpu.memory_space<hbm>>
      %dma_wait3A_499 = arith.constant 0 : i32
      %dma_wait3A_500 = arith.constant 0 : i32
      %dma_wait3A_501 = tpu.memref_slice %arg20[%dma_wait3A_499, %dma_wait3A_500] : memref<128x128xf32, #tpu.memory_space<vmem>> -> memref<128x128xf32, #tpu.memory_space<vmem>>
      %dma_wait3A_502 = arith.constant 0 : i32
      %dma_wait3A_503 = tpu.memref_slice %arg2[%add3A_70, %dma_wait3A_502] : memref<20000x128xf32, #tpu.memory_space<hbm>> -> memref<128x128xf32, #tpu.memory_space<hbm>>
      tpu.wait_dma2 semaphore(%run_scoped3A : memref<!tpu.dma_semaphore, #tpu.memory_space<semaphore_mem>>) src(%dma_wait3A_503 : memref<128x128xf32, #tpu.memory_space<hbm>>) dst(%dma_wait3A_501 : memref<128x128xf32, #tpu.memory_space<vmem>>)
      tpu.yield
    }) : () -> ()
    %scan3A_71 = arith.constant 0 : i32
    %scan3A_72 = arith.constant 0 : i32
    %scan3A_73 = arith.constant 8 : i32
    %scan3A_74 = arith.addi %scan3A_72, %scan3A_73 : i32
    %scan3A_75 = arith.constant 1 : i32
    %scan3A_76 = scf.for %scan3A_484 = %scan3A_72 to %scan3A_74 step %scan3A_75 iter_args(%scan3A_485 = %scan3A_71) -> (i32)  : i32 {
      %mul3A_486 = arith.constant 16 : i32
      %mul3A_487 = arith.muli %mul3A_486, %scan3A_484 : i32
      %add3A_488 = arith.constant 0 : i32
      %add3A_489 = arith.addi %add3A_488, %mul3A_487 : i32
      %get3A_490 = arith.index_cast %add3A_489 : i32 to index
      %get3A_491 = tpu.vector_load %arg22[%get3A_490] {strides = array<i32>} : memref<640xf32, #tpu.memory_space<vmem>>, vector<16xf32>,
      %scan3A_492 = arith.constant 0 : i32
      %scan3A_493 = arith.constant 0 : i32
      %scan3A_494 = arith.constant 16 : i32
      %scan3A_495 = arith.addi %scan3A_493, %scan3A_494 : i32
      %scan3A_496 = arith.constant 1 : i32
      %scan3A_497 = scf.for %scan3A_500 = %scan3A_493 to %scan3A_495 step %scan3A_496 iter_args(%scan3A_501 = %scan3A_492) -> (i32)  : i32 {
        %eq3A_502 = vector.broadcast %scan3A_500 : i32 to vector<16xi32>
        %eq3A_503 = arith.cmpi eq, %iota3A, %eq3A_502 : vector<16xi32>
        %jit3A = arith.constant 0.000000e+00 : f32
        %broadcast_in_dim3A_504 = vector.broadcast %jit3A : f32 to vector<16xf32>
        %select_n3A = arith.select %eq3A_503, %get3A_491, %broadcast_in_dim3A_504 : vector<16xi1>, vector<16xf32>
        %reduce_sum3A = arith.constant true
        %reduce_sum3A_505 = vector.broadcast %reduce_sum3A : i1 to vector<16xi1>
        %reduce_sum3A_506 = tpu.scan <sum>, %select_n3A masked %reduce_sum3A_505 : vector<16xf32>, vector<16xi1> -> vector<16xf32>
        %reduce_sum3A_507 = vector.extract %reduce_sum3A_506[15] : f32 from vector<16xf32>
        %mul3A_508 = arith.constant 16 : i32
        %mul3A_509 = arith.muli %mul3A_508, %scan3A_484 : i32
        %add3A_510 = arith.addi %mul3A_509, %scan3A_500 : i32
        %get3A_511 = arith.index_cast %add3A_510 : i32 to index
        %get3A_512 = arith.constant 0 : index
        %get3A_513 = tpu.vector_load %arg20[%get3A_511, %get3A_512] {strides = array<i32>} : memref<128x128xf32, #tpu.memory_space<vmem>>, vector<16xf32>,
        %mul3A_514 = vector.broadcast %reduce_sum3A_507 : f32 to vector<16xf32>
        %mul3A_515 = arith.mulf %get3A_513, %mul3A_514 : vector<16xf32>
        %mul3A_516 = arith.constant 16 : i32
        %mul3A_517 = arith.muli %mul3A_516, %scan3A_484 : i32
        %add3A_518 = arith.addi %mul3A_517, %scan3A_500 : i32
        %swap3A_519 = arith.index_cast %add3A_518 : i32 to index
        %swap3A_520 = arith.constant 0 : index
        %swap3A_521 = tpu.vector_load %arg20[%swap3A_519, %swap3A_520] {strides = array<i32>} : memref<128x128xf32, #tpu.memory_space<vmem>>, vector<16xf32>,
        tpu.vector_store %arg20[%swap3A_519, %swap3A_520], %mul3A_515 {strides = array<i32>} : memref<128x128xf32, #tpu.memory_space<vmem>>, vector<16xf32>,
        %mul3A_522 = arith.constant 16 : i32
        %mul3A_523 = arith.muli %mul3A_522, %scan3A_484 : i32
        %add3A_524 = arith.addi %mul3A_523, %scan3A_500 : i32
        %get3A_525 = arith.index_cast %add3A_524 : i32 to index
        %get3A_526 = arith.constant 16 : index
        %get3A_527 = tpu.vector_load %arg20[%get3A_525, %get3A_526] {strides = array<i32>} : memref<128x128xf32, #tpu.memory_space<vmem>>, vector<16xf32>,
        %mul3A_528 = vector.broadcast %reduce_sum3A_507 : f32 to vector<16xf32>
        %mul3A_529 = arith.mulf %get3A_527, %mul3A_528 : vector<16xf32>
        %mul3A_530 = arith.constant 16 : i32
        %mul3A_531 = arith.muli %mul3A_530, %scan3A_484 : i32
        %add3A_532 = arith.addi %mul3A_531, %scan3A_500 : i32
        %swap3A_533 = arith.index_cast %add3A_532 : i32 to index
        %swap3A_534 = arith.constant 16 : index
        %swap3A_535 = tpu.vector_load %arg20[%swap3A_533, %swap3A_534] {strides = array<i32>} : memref<128x128xf32, #tpu.memory_space<vmem>>, vector<16xf32>,
        tpu.vector_store %arg20[%swap3A_533, %swap3A_534], %mul3A_529 {strides = array<i32>} : memref<128x128xf32, #tpu.memory_space<vmem>>, vector<16xf32>,
        %mul3A_536 = arith.constant 16 : i32
        %mul3A_537 = arith.muli %mul3A_536, %scan3A_484 : i32
        %add3A_538 = arith.addi %mul3A_537, %scan3A_500 : i32
        %get3A_539 = arith.index_cast %add3A_538 : i32 to index
        %get3A_540 = arith.constant 32 : index
        %get3A_541 = tpu.vector_load %arg20[%get3A_539, %get3A_540] {strides = array<i32>} : memref<128x128xf32, #tpu.memory_space<vmem>>, vector<16xf32>,
        %mul3A_542 = vector.broadcast %reduce_sum3A_507 : f32 to vector<16xf32>
        %mul3A_543 = arith.mulf %get3A_541, %mul3A_542 : vector<16xf32>
        %mul3A_544 = arith.constant 16 : i32
        %mul3A_545 = arith.muli %mul3A_544, %scan3A_484 : i32
        %add3A_546 = arith.addi %mul3A_545, %scan3A_500 : i32
        %swap3A_547 = arith.index_cast %add3A_546 : i32 to index
        %swap3A_548 = arith.constant 32 : index
        %swap3A_549 = tpu.vector_load %arg20[%swap3A_547, %swap3A_548] {strides = array<i32>} : memref<128x128xf32, #tpu.memory_space<vmem>>, vector<16xf32>,
        tpu.vector_store %arg20[%swap3A_547, %swap3A_548], %mul3A_543 {strides = array<i32>} : memref<128x128xf32, #tpu.memory_space<vmem>>, vector<16xf32>,
        %mul3A_550 = arith.constant 16 : i32
        %mul3A_551 = arith.muli %mul3A_550, %scan3A_484 : i32
        %add3A_552 = arith.addi %mul3A_551, %scan3A_500 : i32
        %get3A_553 = arith.index_cast %add3A_552 : i32 to index
        %get3A_554 = arith.constant 48 : index
        %get3A_555 = tpu.vector_load %arg20[%get3A_553, %get3A_554] {strides = array<i32>} : memref<128x128xf32, #tpu.memory_space<vmem>>, vector<16xf32>,
        %mul3A_556 = vector.broadcast %reduce_sum3A_507 : f32 to vector<16xf32>
        %mul3A_557 = arith.mulf %get3A_555, %mul3A_556 : vector<16xf32>
        %mul3A_558 = arith.constant 16 : i32
        %mul3A_559 = arith.muli %mul3A_558, %scan3A_484 : i32
        %add3A_560 = arith.addi %mul3A_559, %scan3A_500 : i32
        %swap3A_561 = arith.index_cast %add3A_560 : i32 to index
        %swap3A_562 = arith.constant 48 : index
        %swap3A_563 = tpu.vector_load %arg20[%swap3A_561, %swap3A_562] {strides = array<i32>} : memref<128x128xf32, #tpu.memory_space<vmem>>, vector<16xf32>,
        tpu.vector_store %arg20[%swap3A_561, %swap3A_562], %mul3A_557 {strides = array<i32>} : memref<128x128xf32, #tpu.memory_space<vmem>>, vector<16xf32>,
        %mul3A_564 = arith.constant 16 : i32
        %mul3A_565 = arith.muli %mul3A_564, %scan3A_484 : i32
        %add3A_566 = arith.addi %mul3A_565, %scan3A_500 : i32
        %get3A_567 = arith.index_cast %add3A_566 : i32 to index
        %get3A_568 = arith.constant 64 : index
        %get3A_569 = tpu.vector_load %arg20[%get3A_567, %get3A_568] {strides = array<i32>} : memref<128x128xf32, #tpu.memory_space<vmem>>, vector<16xf32>,
        %mul3A_570 = vector.broadcast %reduce_sum3A_507 : f32 to vector<16xf32>
        %mul3A_571 = arith.mulf %get3A_569, %mul3A_570 : vector<16xf32>
        %mul3A_572 = arith.constant 16 : i32
        %mul3A_573 = arith.muli %mul3A_572, %scan3A_484 : i32
        %add3A_574 = arith.addi %mul3A_573, %scan3A_500 : i32
        %swap3A_575 = arith.index_cast %add3A_574 : i32 to index
        %swap3A_576 = arith.constant 64 : index
        %swap3A_577 = tpu.vector_load %arg20[%swap3A_575, %swap3A_576] {strides = array<i32>} : memref<128x128xf32, #tpu.memory_space<vmem>>, vector<16xf32>,
        tpu.vector_store %arg20[%swap3A_575, %swap3A_576], %mul3A_571 {strides = array<i32>} : memref<128x128xf32, #tpu.memory_space<vmem>>, vector<16xf32>,
        %mul3A_578 = arith.constant 16 : i32
        %mul3A_579 = arith.muli %mul3A_578, %scan3A_484 : i32
        %add3A_580 = arith.addi %mul3A_579, %scan3A_500 : i32
        %get3A_581 = arith.index_cast %add3A_580 : i32 to index
        %get3A_582 = arith.constant 80 : index
        %get3A_583 = tpu.vector_load %arg20[%get3A_581, %get3A_582] {strides = array<i32>} : memref<128x128xf32, #tpu.memory_space<vmem>>, vector<16xf32>,
        %mul3A_584 = vector.broadcast %reduce_sum3A_507 : f32 to vector<16xf32>
        %mul3A_585 = arith.mulf %get3A_583, %mul3A_584 : vector<16xf32>
        %mul3A_586 = arith.constant 16 : i32
        %mul3A_587 = arith.muli %mul3A_586, %scan3A_484 : i32
        %add3A_588 = arith.addi %mul3A_587, %scan3A_500 : i32
        %swap3A_589 = arith.index_cast %add3A_588 : i32 to index
        %swap3A_590 = arith.constant 80 : index
        %swap3A_591 = tpu.vector_load %arg20[%swap3A_589, %swap3A_590] {strides = array<i32>} : memref<128x128xf32, #tpu.memory_space<vmem>>, vector<16xf32>,
        tpu.vector_store %arg20[%swap3A_589, %swap3A_590], %mul3A_585 {strides = array<i32>} : memref<128x128xf32, #tpu.memory_space<vmem>>, vector<16xf32>,
        %mul3A_592 = arith.constant 16 : i32
        %mul3A_593 = arith.muli %mul3A_592, %scan3A_484 : i32
        %add3A_594 = arith.addi %mul3A_593, %scan3A_500 : i32
        %get3A_595 = arith.index_cast %add3A_594 : i32 to index
        %get3A_596 = arith.constant 96 : index
        %get3A_597 = tpu.vector_load %arg20[%get3A_595, %get3A_596] {strides = array<i32>} : memref<128x128xf32, #tpu.memory_space<vmem>>, vector<16xf32>,
        %mul3A_598 = vector.broadcast %reduce_sum3A_507 : f32 to vector<16xf32>
        %mul3A_599 = arith.mulf %get3A_597, %mul3A_598 : vector<16xf32>
        %mul3A_600 = arith.constant 16 : i32
        %mul3A_601 = arith.muli %mul3A_600, %scan3A_484 : i32
        %add3A_602 = arith.addi %mul3A_601, %scan3A_500 : i32
        %swap3A_603 = arith.index_cast %add3A_602 : i32 to index
        %swap3A_604 = arith.constant 96 : index
        %swap3A_605 = tpu.vector_load %arg20[%swap3A_603, %swap3A_604] {strides = array<i32>} : memref<128x128xf32, #tpu.memory_space<vmem>>, vector<16xf32>,
        tpu.vector_store %arg20[%swap3A_603, %swap3A_604], %mul3A_599 {strides = array<i32>} : memref<128x128xf32, #tpu.memory_space<vmem>>, vector<16xf32>,
        %mul3A_606 = arith.constant 16 : i32
        %mul3A_607 = arith.muli %mul3A_606, %scan3A_484 : i32
        %add3A_608 = arith.addi %mul3A_607, %scan3A_500 : i32
        %get3A_609 = arith.index_cast %add3A_608 : i32 to index
        %get3A_610 = arith.constant 112 : index
        %get3A_611 = tpu.vector_load %arg20[%get3A_609, %get3A_610] {strides = array<i32>} : memref<128x128xf32, #tpu.memory_space<vmem>>, vector<16xf32>,
        %mul3A_612 = vector.broadcast %reduce_sum3A_507 : f32 to vector<16xf32>
        %mul3A_613 = arith.mulf %get3A_611, %mul3A_612 : vector<16xf32>
        %mul3A_614 = arith.constant 16 : i32
        %mul3A_615 = arith.muli %mul3A_614, %scan3A_484 : i32
        %add3A_616 = arith.addi %mul3A_615, %scan3A_500 : i32
        %swap3A_617 = arith.index_cast %add3A_616 : i32 to index
        %swap3A_618 = arith.constant 112 : index
        %swap3A_619 = tpu.vector_load %arg20[%swap3A_617, %swap3A_618] {strides = array<i32>} : memref<128x128xf32, #tpu.memory_space<vmem>>, vector<16xf32>,
        tpu.vector_store %arg20[%swap3A_617, %swap3A_618], %mul3A_613 {strides = array<i32>} : memref<128x128xf32, #tpu.memory_space<vmem>>, vector<16xf32>,
        %scan3A_620 = arith.constant 0 : i32
        scf.yield %scan3A_620 : i32
      }
      %scan3A_498 = arith.constant 16 : i32
      %scan3A_499 = arith.constant 0 : i32
      scf.yield %scan3A_499 : i32
    }
    %scan3A_77 = arith.constant 8 : i32
    %mul3A_78 = arith.constant 10000 : i32
    %mul3A_79 = arith.muli %arg0, %mul3A_78 : i32
    %add3A_80 = arith.addi %mul3A_79, %mul3A_0 : i32
    %add3A_81 = arith.constant 0 : i32
    %add3A_82 = arith.addi %add3A_80, %add3A_81 : i32
    %dma_start3A_83 = arith.constant 0 : i32
    %dma_start3A_84 = arith.constant 0 : i32
    %dma_start3A_85 = tpu.memref_slice %arg20[%dma_start3A_83, %dma_start3A_84] : memref<128x128xf32, #tpu.memory_space<vmem>> -> memref<128x128xf32, #tpu.memory_space<vmem>>
    %dma_start3A_86 = arith.constant 0 : i32
    %dma_start3A_87 = tpu.memref_slice %arg6[%add3A_82, %dma_start3A_86] : memref<20000x128xf32, #tpu.memory_space<hbm>> -> memref<128x128xf32, #tpu.memory_space<hbm>>
    %dma_start3A_88 = arith.constant 0 : i32
    %dma_start3A_89 = tpu.memref_slice %arg6[%add3A_82, %dma_start3A_88] : memref<20000x128xf32, #tpu.memory_space<hbm>> -> memref<128x128xf32, #tpu.memory_space<hbm>>
    %dma_start3A_90 = arith.constant 0 : i32
    %dma_start3A_91 = arith.constant 0 : i32
    %dma_start3A_92 = tpu.memref_slice %arg20[%dma_start3A_90, %dma_start3A_91] : memref<128x128xf32, #tpu.memory_space<vmem>> -> memref<128x128xf32, #tpu.memory_space<vmem>>
    tpu.enqueue_dma source(%dma_start3A_92 : memref<128x128xf32, #tpu.memory_space<vmem>>) target(%dma_start3A_89 : memref<128x128xf32, #tpu.memory_space<hbm>>) target_semaphore(%arg23 : memref<!tpu.dma_semaphore, #tpu.memory_space<semaphore_mem>>)
    %mul3A_93 = arith.constant 10000 : i32
    %mul3A_94 = arith.muli %arg0, %mul3A_93 : i32
    %add3A_95 = arith.addi %mul3A_94, %mul3A_0 : i32
    %add3A_96 = arith.constant 128 : i32
    %add3A_97 = arith.addi %add3A_95, %add3A_96 : i32
    "tpu.region"() ({
      %run_scoped3A = tpu.sem_alloc : memref<!tpu.dma_semaphore, #tpu.memory_space<semaphore_mem>>
      %dma_start3A_484 = arith.constant 0 : i32
      %dma_start3A_485 = arith.constant 0 : i32
      %dma_start3A_486 = tpu.memref_slice %arg21[%dma_start3A_484, %dma_start3A_485] : memref<128x128xf32, #tpu.memory_space<vmem>> -> memref<128x128xf32, #tpu.memory_space<vmem>>
      %dma_start3A_487 = arith.constant 0 : i32
      %dma_start3A_488 = tpu.memref_slice %arg2[%add3A_97, %dma_start3A_487] : memref<20000x128xf32, #tpu.memory_space<hbm>> -> memref<128x128xf32, #tpu.memory_space<hbm>>
      %dma_start3A_489 = arith.constant 0 : i32
      %dma_start3A_490 = arith.constant 0 : i32
      %dma_start3A_491 = tpu.memref_slice %arg21[%dma_start3A_489, %dma_start3A_490] : memref<128x128xf32, #tpu.memory_space<vmem>> -> memref<128x128xf32, #tpu.memory_space<vmem>>
      %dma_start3A_492 = arith.constant 0 : i32
      %dma_start3A_493 = tpu.memref_slice %arg2[%add3A_97, %dma_start3A_492] : memref<20000x128xf32, #tpu.memory_space<hbm>> -> memref<128x128xf32, #tpu.memory_space<hbm>>
      tpu.enqueue_dma source(%dma_start3A_493 : memref<128x128xf32, #tpu.memory_space<hbm>>) target(%dma_start3A_491 : memref<128x128xf32, #tpu.memory_space<vmem>>) target_semaphore(%run_scoped3A : memref<!tpu.dma_semaphore, #tpu.memory_space<semaphore_mem>>)
      %dma_wait3A_494 = arith.constant 0 : i32
      %dma_wait3A_495 = arith.constant 0 : i32
      %dma_wait3A_496 = tpu.memref_slice %arg21[%dma_wait3A_494, %dma_wait3A_495] : memref<128x128xf32, #tpu.memory_space<vmem>> -> memref<128x128xf32, #tpu.memory_space<vmem>>
      %dma_wait3A_497 = arith.constant 0 : i32
      %dma_wait3A_498 = tpu.memref_slice %arg2[%add3A_97, %dma_wait3A_497] : memref<20000x128xf32, #tpu.memory_space<hbm>> -> memref<128x128xf32, #tpu.memory_space<hbm>>
      %dma_wait3A_499 = arith.constant 0 : i32
      %dma_wait3A_500 = arith.constant 0 : i32
      %dma_wait3A_501 = tpu.memref_slice %arg21[%dma_wait3A_499, %dma_wait3A_500] : memref<128x128xf32, #tpu.memory_space<vmem>> -> memref<128x128xf32, #tpu.memory_space<vmem>>
      %dma_wait3A_502 = arith.constant 0 : i32
      %dma_wait3A_503 = tpu.memref_slice %arg2[%add3A_97, %dma_wait3A_502] : memref<20000x128xf32, #tpu.memory_space<hbm>> -> memref<128x128xf32, #tpu.memory_space<hbm>>
      tpu.wait_dma2 semaphore(%run_scoped3A : memref<!tpu.dma_semaphore, #tpu.memory_space<semaphore_mem>>) src(%dma_wait3A_503 : memref<128x128xf32, #tpu.memory_space<hbm>>) dst(%dma_wait3A_501 : memref<128x128xf32, #tpu.memory_space<vmem>>)
      tpu.yield
    }) : () -> ()
    %scan3A_98 = arith.constant 0 : i32
    %scan3A_99 = arith.constant 0 : i32
    %scan3A_100 = arith.constant 8 : i32
    %scan3A_101 = arith.addi %scan3A_99, %scan3A_100 : i32
    %scan3A_102 = arith.constant 1 : i32
    %scan3A_103 = scf.for %scan3A_484 = %scan3A_99 to %scan3A_101 step %scan3A_102 iter_args(%scan3A_485 = %scan3A_98) -> (i32)  : i32 {
      %mul3A_486 = arith.constant 16 : i32
      %mul3A_487 = arith.muli %mul3A_486, %scan3A_484 : i32
      %add3A_488 = arith.constant 128 : i32
      %add3A_489 = arith.addi %add3A_488, %mul3A_487 : i32
      %get3A_490 = arith.index_cast %add3A_489 : i32 to index
      %get3A_491 = tpu.vector_load %arg22[%get3A_490] {strides = array<i32>} : memref<640xf32, #tpu.memory_space<vmem>>, vector<16xf32>,
      %scan3A_492 = arith.constant 0 : i32
      %scan3A_493 = arith.constant 0 : i32
      %scan3A_494 = arith.constant 16 : i32
      %scan3A_495 = arith.addi %scan3A_493, %scan3A_494 : i32
      %scan3A_496 = arith.constant 1 : i32
      %scan3A_497 = scf.for %scan3A_500 = %scan3A_493 to %scan3A_495 step %scan3A_496 iter_args(%scan3A_501 = %scan3A_492) -> (i32)  : i32 {
        %eq3A_502 = vector.broadcast %scan3A_500 : i32 to vector<16xi32>
        %eq3A_503 = arith.cmpi eq, %iota3A, %eq3A_502 : vector<16xi32>
        %jit3A = arith.constant 0.000000e+00 : f32
        %broadcast_in_dim3A_504 = vector.broadcast %jit3A : f32 to vector<16xf32>
        %select_n3A = arith.select %eq3A_503, %get3A_491, %broadcast_in_dim3A_504 : vector<16xi1>, vector<16xf32>
        %reduce_sum3A = arith.constant true
        %reduce_sum3A_505 = vector.broadcast %reduce_sum3A : i1 to vector<16xi1>
        %reduce_sum3A_506 = tpu.scan <sum>, %select_n3A masked %reduce_sum3A_505 : vector<16xf32>, vector<16xi1> -> vector<16xf32>
        %reduce_sum3A_507 = vector.extract %reduce_sum3A_506[15] : f32 from vector<16xf32>
        %mul3A_508 = arith.constant 16 : i32
        %mul3A_509 = arith.muli %mul3A_508, %scan3A_484 : i32
        %add3A_510 = arith.addi %mul3A_509, %scan3A_500 : i32
        %get3A_511 = arith.index_cast %add3A_510 : i32 to index
        %get3A_512 = arith.constant 0 : index
        %get3A_513 = tpu.vector_load %arg21[%get3A_511, %get3A_512] {strides = array<i32>} : memref<128x128xf32, #tpu.memory_space<vmem>>, vector<16xf32>,
        %mul3A_514 = vector.broadcast %reduce_sum3A_507 : f32 to vector<16xf32>
        %mul3A_515 = arith.mulf %get3A_513, %mul3A_514 : vector<16xf32>
        %mul3A_516 = arith.constant 16 : i32
        %mul3A_517 = arith.muli %mul3A_516, %scan3A_484 : i32
        %add3A_518 = arith.addi %mul3A_517, %scan3A_500 : i32
        %swap3A_519 = arith.index_cast %add3A_518 : i32 to index
        %swap3A_520 = arith.constant 0 : index
        %swap3A_521 = tpu.vector_load %arg21[%swap3A_519, %swap3A_520] {strides = array<i32>} : memref<128x128xf32, #tpu.memory_space<vmem>>, vector<16xf32>,
        tpu.vector_store %arg21[%swap3A_519, %swap3A_520], %mul3A_515 {strides = array<i32>} : memref<128x128xf32, #tpu.memory_space<vmem>>, vector<16xf32>,
        %mul3A_522 = arith.constant 16 : i32
        %mul3A_523 = arith.muli %mul3A_522, %scan3A_484 : i32
        %add3A_524 = arith.addi %mul3A_523, %scan3A_500 : i32
        %get3A_525 = arith.index_cast %add3A_524 : i32 to index
        %get3A_526 = arith.constant 16 : index
        %get3A_527 = tpu.vector_load %arg21[%get3A_525, %get3A_526] {strides = array<i32>} : memref<128x128xf32, #tpu.memory_space<vmem>>, vector<16xf32>,
        %mul3A_528 = vector.broadcast %reduce_sum3A_507 : f32 to vector<16xf32>
        %mul3A_529 = arith.mulf %get3A_527, %mul3A_528 : vector<16xf32>
        %mul3A_530 = arith.constant 16 : i32
        %mul3A_531 = arith.muli %mul3A_530, %scan3A_484 : i32
        %add3A_532 = arith.addi %mul3A_531, %scan3A_500 : i32
        %swap3A_533 = arith.index_cast %add3A_532 : i32 to index
        %swap3A_534 = arith.constant 16 : index
        %swap3A_535 = tpu.vector_load %arg21[%swap3A_533, %swap3A_534] {strides = array<i32>} : memref<128x128xf32, #tpu.memory_space<vmem>>, vector<16xf32>,
        tpu.vector_store %arg21[%swap3A_533, %swap3A_534], %mul3A_529 {strides = array<i32>} : memref<128x128xf32, #tpu.memory_space<vmem>>, vector<16xf32>,
        %mul3A_536 = arith.constant 16 : i32
        %mul3A_537 = arith.muli %mul3A_536, %scan3A_484 : i32
        %add3A_538 = arith.addi %mul3A_537, %scan3A_500 : i32
        %get3A_539 = arith.index_cast %add3A_538 : i32 to index
        %get3A_540 = arith.constant 32 : index
        %get3A_541 = tpu.vector_load %arg21[%get3A_539, %get3A_540] {strides = array<i32>} : memref<128x128xf32, #tpu.memory_space<vmem>>, vector<16xf32>,
        %mul3A_542 = vector.broadcast %reduce_sum3A_507 : f32 to vector<16xf32>
        %mul3A_543 = arith.mulf %get3A_541, %mul3A_542 : vector<16xf32>
        %mul3A_544 = arith.constant 16 : i32
        %mul3A_545 = arith.muli %mul3A_544, %scan3A_484 : i32
        %add3A_546 = arith.addi %mul3A_545, %scan3A_500 : i32
        %swap3A_547 = arith.index_cast %add3A_546 : i32 to index
        %swap3A_548 = arith.constant 32 : index
        %swap3A_549 = tpu.vector_load %arg21[%swap3A_547, %swap3A_548] {strides = array<i32>} : memref<128x128xf32, #tpu.memory_space<vmem>>, vector<16xf32>,
        tpu.vector_store %arg21[%swap3A_547, %swap3A_548], %mul3A_543 {strides = array<i32>} : memref<128x128xf32, #tpu.memory_space<vmem>>, vector<16xf32>,
        %mul3A_550 = arith.constant 16 : i32
        %mul3A_551 = arith.muli %mul3A_550, %scan3A_484 : i32
        %add3A_552 = arith.addi %mul3A_551, %scan3A_500 : i32
        %get3A_553 = arith.index_cast %add3A_552 : i32 to index
        %get3A_554 = arith.constant 48 : index
        %get3A_555 = tpu.vector_load %arg21[%get3A_553, %get3A_554] {strides = array<i32>} : memref<128x128xf32, #tpu.memory_space<vmem>>, vector<16xf32>,
        %mul3A_556 = vector.broadcast %reduce_sum3A_507 : f32 to vector<16xf32>
        %mul3A_557 = arith.mulf %get3A_555, %mul3A_556 : vector<16xf32>
        %mul3A_558 = arith.constant 16 : i32
        %mul3A_559 = arith.muli %mul3A_558, %scan3A_484 : i32
        %add3A_560 = arith.addi %mul3A_559, %scan3A_500 : i32
        %swap3A_561 = arith.index_cast %add3A_560 : i32 to index
        %swap3A_562 = arith.constant 48 : index
        %swap3A_563 = tpu.vector_load %arg21[%swap3A_561, %swap3A_562] {strides = array<i32>} : memref<128x128xf32, #tpu.memory_space<vmem>>, vector<16xf32>,
        tpu.vector_store %arg21[%swap3A_561, %swap3A_562], %mul3A_557 {strides = array<i32>} : memref<128x128xf32, #tpu.memory_space<vmem>>, vector<16xf32>,
        %mul3A_564 = arith.constant 16 : i32
        %mul3A_565 = arith.muli %mul3A_564, %scan3A_484 : i32
        %add3A_566 = arith.addi %mul3A_565, %scan3A_500 : i32
        %get3A_567 = arith.index_cast %add3A_566 : i32 to index
        %get3A_568 = arith.constant 64 : index
        %get3A_569 = tpu.vector_load %arg21[%get3A_567, %get3A_568] {strides = array<i32>} : memref<128x128xf32, #tpu.memory_space<vmem>>, vector<16xf32>,
        %mul3A_570 = vector.broadcast %reduce_sum3A_507 : f32 to vector<16xf32>
        %mul3A_571 = arith.mulf %get3A_569, %mul3A_570 : vector<16xf32>
        %mul3A_572 = arith.constant 16 : i32
        %mul3A_573 = arith.muli %mul3A_572, %scan3A_484 : i32
        %add3A_574 = arith.addi %mul3A_573, %scan3A_500 : i32
        %swap3A_575 = arith.index_cast %add3A_574 : i32 to index
        %swap3A_576 = arith.constant 64 : index
        %swap3A_577 = tpu.vector_load %arg21[%swap3A_575, %swap3A_576] {strides = array<i32>} : memref<128x128xf32, #tpu.memory_space<vmem>>, vector<16xf32>,
        tpu.vector_store %arg21[%swap3A_575, %swap3A_576], %mul3A_571 {strides = array<i32>} : memref<128x128xf32, #tpu.memory_space<vmem>>, vector<16xf32>,
        %mul3A_578 = arith.constant 16 : i32
        %mul3A_579 = arith.muli %mul3A_578, %scan3A_484 : i32
        %add3A_580 = arith.addi %mul3A_579, %scan3A_500 : i32
        %get3A_581 = arith.index_cast %add3A_580 : i32 to index
        %get3A_582 = arith.constant 80 : index
        %get3A_583 = tpu.vector_load %arg21[%get3A_581, %get3A_582] {strides = array<i32>} : memref<128x128xf32, #tpu.memory_space<vmem>>, vector<16xf32>,
        %mul3A_584 = vector.broadcast %reduce_sum3A_507 : f32 to vector<16xf32>
        %mul3A_585 = arith.mulf %get3A_583, %mul3A_584 : vector<16xf32>
        %mul3A_586 = arith.constant 16 : i32
        %mul3A_587 = arith.muli %mul3A_586, %scan3A_484 : i32
        %add3A_588 = arith.addi %mul3A_587, %scan3A_500 : i32
        %swap3A_589 = arith.index_cast %add3A_588 : i32 to index
        %swap3A_590 = arith.constant 80 : index
        %swap3A_591 = tpu.vector_load %arg21[%swap3A_589, %swap3A_590] {strides = array<i32>} : memref<128x128xf32, #tpu.memory_space<vmem>>, vector<16xf32>,
        tpu.vector_store %arg21[%swap3A_589, %swap3A_590], %mul3A_585 {strides = array<i32>} : memref<128x128xf32, #tpu.memory_space<vmem>>, vector<16xf32>,
        %mul3A_592 = arith.constant 16 : i32
        %mul3A_593 = arith.muli %mul3A_592, %scan3A_484 : i32
        %add3A_594 = arith.addi %mul3A_593, %scan3A_500 : i32
        %get3A_595 = arith.index_cast %add3A_594 : i32 to index
        %get3A_596 = arith.constant 96 : index
        %get3A_597 = tpu.vector_load %arg21[%get3A_595, %get3A_596] {strides = array<i32>} : memref<128x128xf32, #tpu.memory_space<vmem>>, vector<16xf32>,
        %mul3A_598 = vector.broadcast %reduce_sum3A_507 : f32 to vector<16xf32>
        %mul3A_599 = arith.mulf %get3A_597, %mul3A_598 : vector<16xf32>
        %mul3A_600 = arith.constant 16 : i32
        %mul3A_601 = arith.muli %mul3A_600, %scan3A_484 : i32
        %add3A_602 = arith.addi %mul3A_601, %scan3A_500 : i32
        %swap3A_603 = arith.index_cast %add3A_602 : i32 to index
        %swap3A_604 = arith.constant 96 : index
        %swap3A_605 = tpu.vector_load %arg21[%swap3A_603, %swap3A_604] {strides = array<i32>} : memref<128x128xf32, #tpu.memory_space<vmem>>, vector<16xf32>,
        tpu.vector_store %arg21[%swap3A_603, %swap3A_604], %mul3A_599 {strides = array<i32>} : memref<128x128xf32, #tpu.memory_space<vmem>>, vector<16xf32>,
        %mul3A_606 = arith.constant 16 : i32
        %mul3A_607 = arith.muli %mul3A_606, %scan3A_484 : i32
        %add3A_608 = arith.addi %mul3A_607, %scan3A_500 : i32
        %get3A_609 = arith.index_cast %add3A_608 : i32 to index
        %get3A_610 = arith.constant 112 : index
        %get3A_611 = tpu.vector_load %arg21[%get3A_609, %get3A_610] {strides = array<i32>} : memref<128x128xf32, #tpu.memory_space<vmem>>, vector<16xf32>,
        %mul3A_612 = vector.broadcast %reduce_sum3A_507 : f32 to vector<16xf32>
        %mul3A_613 = arith.mulf %get3A_611, %mul3A_612 : vector<16xf32>
        %mul3A_614 = arith.constant 16 : i32
        %mul3A_615 = arith.muli %mul3A_614, %scan3A_484 : i32
        %add3A_616 = arith.addi %mul3A_615, %scan3A_500 : i32
        %swap3A_617 = arith.index_cast %add3A_616 : i32 to index
        %swap3A_618 = arith.constant 112 : index
        %swap3A_619 = tpu.vector_load %arg21[%swap3A_617, %swap3A_618] {strides = array<i32>} : memref<128x128xf32, #tpu.memory_space<vmem>>, vector<16xf32>,
        tpu.vector_store %arg21[%swap3A_617, %swap3A_618], %mul3A_613 {strides = array<i32>} : memref<128x128xf32, #tpu.memory_space<vmem>>, vector<16xf32>,
        %scan3A_620 = arith.constant 0 : i32
        scf.yield %scan3A_620 : i32
      }
      %scan3A_498 = arith.constant 16 : i32
      %scan3A_499 = arith.constant 0 : i32
      scf.yield %scan3A_499 : i32
    }
    %scan3A_104 = arith.constant 8 : i32
    %mul3A_105 = arith.constant 10000 : i32
    %mul3A_106 = arith.muli %arg0, %mul3A_105 : i32
    %add3A_107 = arith.addi %mul3A_106, %mul3A_0 : i32
    %add3A_108 = arith.constant 128 : i32
    %add3A_109 = arith.addi %add3A_107, %add3A_108 : i32
    %dma_start3A_110 = arith.constant 0 : i32
    %dma_start3A_111 = arith.constant 0 : i32
    %dma_start3A_112 = tpu.memref_slice %arg21[%dma_start3A_110, %dma_start3A_111] : memref<128x128xf32, #tpu.memory_space<vmem>> -> memref<128x128xf32, #tpu.memory_space<vmem>>
    %dma_start3A_113 = arith.constant 0 : i32
    %dma_start3A_114 = tpu.memref_slice %arg6[%add3A_109, %dma_start3A_113] : memref<20000x128xf32, #tpu.memory_space<hbm>> -> memref<128x128xf32, #tpu.memory_space<hbm>>
    %dma_start3A_115 = arith.constant 0 : i32
    %dma_start3A_116 = tpu.memref_slice %arg6[%add3A_109, %dma_start3A_115] : memref<20000x128xf32, #tpu.memory_space<hbm>> -> memref<128x128xf32, #tpu.memory_space<hbm>>
    %dma_start3A_117 = arith.constant 0 : i32
    %dma_start3A_118 = arith.constant 0 : i32
    %dma_start3A_119 = tpu.memref_slice %arg21[%dma_start3A_117, %dma_start3A_118] : memref<128x128xf32, #tpu.memory_space<vmem>> -> memref<128x128xf32, #tpu.memory_space<vmem>>
    tpu.enqueue_dma source(%dma_start3A_119 : memref<128x128xf32, #tpu.memory_space<vmem>>) target(%dma_start3A_116 : memref<128x128xf32, #tpu.memory_space<hbm>>) target_semaphore(%arg24 : memref<!tpu.dma_semaphore, #tpu.memory_space<semaphore_mem>>)
    %mul3A_120 = arith.constant 10000 : i32
    %mul3A_121 = arith.muli %arg0, %mul3A_120 : i32
    %add3A_122 = arith.addi %mul3A_121, %mul3A_0 : i32
    %add3A_123 = arith.constant 0 : i32
    %add3A_124 = arith.addi %add3A_122, %add3A_123 : i32
    %dma_wait3A_125 = arith.constant 0 : i32
    %dma_wait3A_126 = arith.constant 0 : i32
    %dma_wait3A_127 = tpu.memref_slice %arg20[%dma_wait3A_125, %dma_wait3A_126] : memref<128x128xf32, #tpu.memory_space<vmem>> -> memref<128x128xf32, #tpu.memory_space<vmem>>
    %dma_wait3A_128 = arith.constant 0 : i32
    %dma_wait3A_129 = tpu.memref_slice %arg6[%add3A_124, %dma_wait3A_128] : memref<20000x128xf32, #tpu.memory_space<hbm>> -> memref<128x128xf32, #tpu.memory_space<hbm>>
    %dma_wait3A_130 = arith.constant 0 : i32
    %dma_wait3A_131 = tpu.memref_slice %arg6[%add3A_124, %dma_wait3A_130] : memref<20000x128xf32, #tpu.memory_space<hbm>> -> memref<128x128xf32, #tpu.memory_space<hbm>>
    %dma_wait3A_132 = arith.constant 0 : i32
    %dma_wait3A_133 = arith.constant 0 : i32
    %dma_wait3A_134 = tpu.memref_slice %arg20[%dma_wait3A_132, %dma_wait3A_133] : memref<128x128xf32, #tpu.memory_space<vmem>> -> memref<128x128xf32, #tpu.memory_space<vmem>>
    tpu.wait_dma2 semaphore(%arg23 : memref<!tpu.dma_semaphore, #tpu.memory_space<semaphore_mem>>) src(%dma_wait3A_134 : memref<128x128xf32, #tpu.memory_space<vmem>>) dst(%dma_wait3A_131 : memref<128x128xf32, #tpu.memory_space<hbm>>)
    %mul3A_135 = arith.constant 10000 : i32
    %mul3A_136 = arith.muli %arg0, %mul3A_135 : i32
    %add3A_137 = arith.addi %mul3A_136, %mul3A_0 : i32
    %add3A_138 = arith.constant 256 : i32
    %add3A_139 = arith.addi %add3A_137, %add3A_138 : i32
    "tpu.region"() ({
      %run_scoped3A = tpu.sem_alloc : memref<!tpu.dma_semaphore, #tpu.memory_space<semaphore_mem>>
      %dma_start3A_484 = arith.constant 0 : i32
      %dma_start3A_485 = arith.constant 0 : i32
      %dma_start3A_486 = tpu.memref_slice %arg20[%dma_start3A_484, %dma_start3A_485] : memref<128x128xf32, #tpu.memory_space<vmem>> -> memref<128x128xf32, #tpu.memory_space<vmem>>
      %dma_start3A_487 = arith.constant 0 : i32
      %dma_start3A_488 = tpu.memref_slice %arg2[%add3A_139, %dma_start3A_487] : memref<20000x128xf32, #tpu.memory_space<hbm>> -> memref<128x128xf32, #tpu.memory_space<hbm>>
      %dma_start3A_489 = arith.constant 0 : i32
      %dma_start3A_490 = arith.constant 0 : i32
      %dma_start3A_491 = tpu.memref_slice %arg20[%dma_start3A_489, %dma_start3A_490] : memref<128x128xf32, #tpu.memory_space<vmem>> -> memref<128x128xf32, #tpu.memory_space<vmem>>
      %dma_start3A_492 = arith.constant 0 : i32
      %dma_start3A_493 = tpu.memref_slice %arg2[%add3A_139, %dma_start3A_492] : memref<20000x128xf32, #tpu.memory_space<hbm>> -> memref<128x128xf32, #tpu.memory_space<hbm>>
      tpu.enqueue_dma source(%dma_start3A_493 : memref<128x128xf32, #tpu.memory_space<hbm>>) target(%dma_start3A_491 : memref<128x128xf32, #tpu.memory_space<vmem>>) target_semaphore(%run_scoped3A : memref<!tpu.dma_semaphore, #tpu.memory_space<semaphore_mem>>)
      %dma_wait3A_494 = arith.constant 0 : i32
      %dma_wait3A_495 = arith.constant 0 : i32
      %dma_wait3A_496 = tpu.memref_slice %arg20[%dma_wait3A_494, %dma_wait3A_495] : memref<128x128xf32, #tpu.memory_space<vmem>> -> memref<128x128xf32, #tpu.memory_space<vmem>>
      %dma_wait3A_497 = arith.constant 0 : i32
      %dma_wait3A_498 = tpu.memref_slice %arg2[%add3A_139, %dma_wait3A_497] : memref<20000x128xf32, #tpu.memory_space<hbm>> -> memref<128x128xf32, #tpu.memory_space<hbm>>
      %dma_wait3A_499 = arith.constant 0 : i32
      %dma_wait3A_500 = arith.constant 0 : i32
      %dma_wait3A_501 = tpu.memref_slice %arg20[%dma_wait3A_499, %dma_wait3A_500] : memref<128x128xf32, #tpu.memory_space<vmem>> -> memref<128x128xf32, #tpu.memory_space<vmem>>
      %dma_wait3A_502 = arith.constant 0 : i32
      %dma_wait3A_503 = tpu.memref_slice %arg2[%add3A_139, %dma_wait3A_502] : memref<20000x128xf32, #tpu.memory_space<hbm>> -> memref<128x128xf32, #tpu.memory_space<hbm>>
      tpu.wait_dma2 semaphore(%run_scoped3A : memref<!tpu.dma_semaphore, #tpu.memory_space<semaphore_mem>>) src(%dma_wait3A_503 : memref<128x128xf32, #tpu.memory_space<hbm>>) dst(%dma_wait3A_501 : memref<128x128xf32, #tpu.memory_space<vmem>>)
      tpu.yield
    }) : () -> ()
    %scan3A_140 = arith.constant 0 : i32
    %scan3A_141 = arith.constant 0 : i32
    %scan3A_142 = arith.constant 8 : i32
    %scan3A_143 = arith.addi %scan3A_141, %scan3A_142 : i32
    %scan3A_144 = arith.constant 1 : i32
    %scan3A_145 = scf.for %scan3A_484 = %scan3A_141 to %scan3A_143 step %scan3A_144 iter_args(%scan3A_485 = %scan3A_140) -> (i32)  : i32 {
      %mul3A_486 = arith.constant 16 : i32
      %mul3A_487 = arith.muli %mul3A_486, %scan3A_484 : i32
      %add3A_488 = arith.constant 256 : i32
      %add3A_489 = arith.addi %add3A_488, %mul3A_487 : i32
      %get3A_490 = arith.index_cast %add3A_489 : i32 to index
      %get3A_491 = tpu.vector_load %arg22[%get3A_490] {strides = array<i32>} : memref<640xf32, #tpu.memory_space<vmem>>, vector<16xf32>,
      %scan3A_492 = arith.constant 0 : i32
      %scan3A_493 = arith.constant 0 : i32
      %scan3A_494 = arith.constant 16 : i32
      %scan3A_495 = arith.addi %scan3A_493, %scan3A_494 : i32
      %scan3A_496 = arith.constant 1 : i32
      %scan3A_497 = scf.for %scan3A_500 = %scan3A_493 to %scan3A_495 step %scan3A_496 iter_args(%scan3A_501 = %scan3A_492) -> (i32)  : i32 {
        %eq3A_502 = vector.broadcast %scan3A_500 : i32 to vector<16xi32>
        %eq3A_503 = arith.cmpi eq, %iota3A, %eq3A_502 : vector<16xi32>
        %jit3A = arith.constant 0.000000e+00 : f32
        %broadcast_in_dim3A_504 = vector.broadcast %jit3A : f32 to vector<16xf32>
        %select_n3A = arith.select %eq3A_503, %get3A_491, %broadcast_in_dim3A_504 : vector<16xi1>, vector<16xf32>
        %reduce_sum3A = arith.constant true
        %reduce_sum3A_505 = vector.broadcast %reduce_sum3A : i1 to vector<16xi1>
        %reduce_sum3A_506 = tpu.scan <sum>, %select_n3A masked %reduce_sum3A_505 : vector<16xf32>, vector<16xi1> -> vector<16xf32>
        %reduce_sum3A_507 = vector.extract %reduce_sum3A_506[15] : f32 from vector<16xf32>
        %mul3A_508 = arith.constant 16 : i32
        %mul3A_509 = arith.muli %mul3A_508, %scan3A_484 : i32
        %add3A_510 = arith.addi %mul3A_509, %scan3A_500 : i32
        %get3A_511 = arith.index_cast %add3A_510 : i32 to index
        %get3A_512 = arith.constant 0 : index
        %get3A_513 = tpu.vector_load %arg20[%get3A_511, %get3A_512] {strides = array<i32>} : memref<128x128xf32, #tpu.memory_space<vmem>>, vector<16xf32>,
        %mul3A_514 = vector.broadcast %reduce_sum3A_507 : f32 to vector<16xf32>
        %mul3A_515 = arith.mulf %get3A_513, %mul3A_514 : vector<16xf32>
        %mul3A_516 = arith.constant 16 : i32
        %mul3A_517 = arith.muli %mul3A_516, %scan3A_484 : i32
        %add3A_518 = arith.addi %mul3A_517, %scan3A_500 : i32
        %swap3A_519 = arith.index_cast %add3A_518 : i32 to index
        %swap3A_520 = arith.constant 0 : index
        %swap3A_521 = tpu.vector_load %arg20[%swap3A_519, %swap3A_520] {strides = array<i32>} : memref<128x128xf32, #tpu.memory_space<vmem>>, vector<16xf32>,
        tpu.vector_store %arg20[%swap3A_519, %swap3A_520], %mul3A_515 {strides = array<i32>} : memref<128x128xf32, #tpu.memory_space<vmem>>, vector<16xf32>,
        %mul3A_522 = arith.constant 16 : i32
        %mul3A_523 = arith.muli %mul3A_522, %scan3A_484 : i32
        %add3A_524 = arith.addi %mul3A_523, %scan3A_500 : i32
        %get3A_525 = arith.index_cast %add3A_524 : i32 to index
        %get3A_526 = arith.constant 16 : index
        %get3A_527 = tpu.vector_load %arg20[%get3A_525, %get3A_526] {strides = array<i32>} : memref<128x128xf32, #tpu.memory_space<vmem>>, vector<16xf32>,
        %mul3A_528 = vector.broadcast %reduce_sum3A_507 : f32 to vector<16xf32>
        %mul3A_529 = arith.mulf %get3A_527, %mul3A_528 : vector<16xf32>
        %mul3A_530 = arith.constant 16 : i32
        %mul3A_531 = arith.muli %mul3A_530, %scan3A_484 : i32
        %add3A_532 = arith.addi %mul3A_531, %scan3A_500 : i32
        %swap3A_533 = arith.index_cast %add3A_532 : i32 to index
        %swap3A_534 = arith.constant 16 : index
        %swap3A_535 = tpu.vector_load %arg20[%swap3A_533, %swap3A_534] {strides = array<i32>} : memref<128x128xf32, #tpu.memory_space<vmem>>, vector<16xf32>,
        tpu.vector_store %arg20[%swap3A_533, %swap3A_534], %mul3A_529 {strides = array<i32>} : memref<128x128xf32, #tpu.memory_space<vmem>>, vector<16xf32>,
        %mul3A_536 = arith.constant 16 : i32
        %mul3A_537 = arith.muli %mul3A_536, %scan3A_484 : i32
        %add3A_538 = arith.addi %mul3A_537, %scan3A_500 : i32
        %get3A_539 = arith.index_cast %add3A_538 : i32 to index
        %get3A_540 = arith.constant 32 : index
        %get3A_541 = tpu.vector_load %arg20[%get3A_539, %get3A_540] {strides = array<i32>} : memref<128x128xf32, #tpu.memory_space<vmem>>, vector<16xf32>,
        %mul3A_542 = vector.broadcast %reduce_sum3A_507 : f32 to vector<16xf32>
        %mul3A_543 = arith.mulf %get3A_541, %mul3A_542 : vector<16xf32>
        %mul3A_544 = arith.constant 16 : i32
        %mul3A_545 = arith.muli %mul3A_544, %scan3A_484 : i32
        %add3A_546 = arith.addi %mul3A_545, %scan3A_500 : i32
        %swap3A_547 = arith.index_cast %add3A_546 : i32 to index
        %swap3A_548 = arith.constant 32 : index
        %swap3A_549 = tpu.vector_load %arg20[%swap3A_547, %swap3A_548] {strides = array<i32>} : memref<128x128xf32, #tpu.memory_space<vmem>>, vector<16xf32>,
        tpu.vector_store %arg20[%swap3A_547, %swap3A_548], %mul3A_543 {strides = array<i32>} : memref<128x128xf32, #tpu.memory_space<vmem>>, vector<16xf32>,
        %mul3A_550 = arith.constant 16 : i32
        %mul3A_551 = arith.muli %mul3A_550, %scan3A_484 : i32
        %add3A_552 = arith.addi %mul3A_551, %scan3A_500 : i32
        %get3A_553 = arith.index_cast %add3A_552 : i32 to index
        %get3A_554 = arith.constant 48 : index
        %get3A_555 = tpu.vector_load %arg20[%get3A_553, %get3A_554] {strides = array<i32>} : memref<128x128xf32, #tpu.memory_space<vmem>>, vector<16xf32>,
        %mul3A_556 = vector.broadcast %reduce_sum3A_507 : f32 to vector<16xf32>
        %mul3A_557 = arith.mulf %get3A_555, %mul3A_556 : vector<16xf32>
        %mul3A_558 = arith.constant 16 : i32
        %mul3A_559 = arith.muli %mul3A_558, %scan3A_484 : i32
        %add3A_560 = arith.addi %mul3A_559, %scan3A_500 : i32
        %swap3A_561 = arith.index_cast %add3A_560 : i32 to index
        %swap3A_562 = arith.constant 48 : index
        %swap3A_563 = tpu.vector_load %arg20[%swap3A_561, %swap3A_562] {strides = array<i32>} : memref<128x128xf32, #tpu.memory_space<vmem>>, vector<16xf32>,
        tpu.vector_store %arg20[%swap3A_561, %swap3A_562], %mul3A_557 {strides = array<i32>} : memref<128x128xf32, #tpu.memory_space<vmem>>, vector<16xf32>,
        %mul3A_564 = arith.constant 16 : i32
        %mul3A_565 = arith.muli %mul3A_564, %scan3A_484 : i32
        %add3A_566 = arith.addi %mul3A_565, %scan3A_500 : i32
        %get3A_567 = arith.index_cast %add3A_566 : i32 to index
        %get3A_568 = arith.constant 64 : index
        %get3A_569 = tpu.vector_load %arg20[%get3A_567, %get3A_568] {strides = array<i32>} : memref<128x128xf32, #tpu.memory_space<vmem>>, vector<16xf32>,
        %mul3A_570 = vector.broadcast %reduce_sum3A_507 : f32 to vector<16xf32>
        %mul3A_571 = arith.mulf %get3A_569, %mul3A_570 : vector<16xf32>
        %mul3A_572 = arith.constant 16 : i32
        %mul3A_573 = arith.muli %mul3A_572, %scan3A_484 : i32
        %add3A_574 = arith.addi %mul3A_573, %scan3A_500 : i32
        %swap3A_575 = arith.index_cast %add3A_574 : i32 to index
        %swap3A_576 = arith.constant 64 : index
        %swap3A_577 = tpu.vector_load %arg20[%swap3A_575, %swap3A_576] {strides = array<i32>} : memref<128x128xf32, #tpu.memory_space<vmem>>, vector<16xf32>,
        tpu.vector_store %arg20[%swap3A_575, %swap3A_576], %mul3A_571 {strides = array<i32>} : memref<128x128xf32, #tpu.memory_space<vmem>>, vector<16xf32>,
        %mul3A_578 = arith.constant 16 : i32
        %mul3A_579 = arith.muli %mul3A_578, %scan3A_484 : i32
        %add3A_580 = arith.addi %mul3A_579, %scan3A_500 : i32
        %get3A_581 = arith.index_cast %add3A_580 : i32 to index
        %get3A_582 = arith.constant 80 : index
        %get3A_583 = tpu.vector_load %arg20[%get3A_581, %get3A_582] {strides = array<i32>} : memref<128x128xf32, #tpu.memory_space<vmem>>, vector<16xf32>,
        %mul3A_584 = vector.broadcast %reduce_sum3A_507 : f32 to vector<16xf32>
        %mul3A_585 = arith.mulf %get3A_583, %mul3A_584 : vector<16xf32>
        %mul3A_586 = arith.constant 16 : i32
        %mul3A_587 = arith.muli %mul3A_586, %scan3A_484 : i32
        %add3A_588 = arith.addi %mul3A_587, %scan3A_500 : i32
        %swap3A_589 = arith.index_cast %add3A_588 : i32 to index
        %swap3A_590 = arith.constant 80 : index
        %swap3A_591 = tpu.vector_load %arg20[%swap3A_589, %swap3A_590] {strides = array<i32>} : memref<128x128xf32, #tpu.memory_space<vmem>>, vector<16xf32>,
        tpu.vector_store %arg20[%swap3A_589, %swap3A_590], %mul3A_585 {strides = array<i32>} : memref<128x128xf32, #tpu.memory_space<vmem>>, vector<16xf32>,
        %mul3A_592 = arith.constant 16 : i32
        %mul3A_593 = arith.muli %mul3A_592, %scan3A_484 : i32
        %add3A_594 = arith.addi %mul3A_593, %scan3A_500 : i32
        %get3A_595 = arith.index_cast %add3A_594 : i32 to index
        %get3A_596 = arith.constant 96 : index
        %get3A_597 = tpu.vector_load %arg20[%get3A_595, %get3A_596] {strides = array<i32>} : memref<128x128xf32, #tpu.memory_space<vmem>>, vector<16xf32>,
        %mul3A_598 = vector.broadcast %reduce_sum3A_507 : f32 to vector<16xf32>
        %mul3A_599 = arith.mulf %get3A_597, %mul3A_598 : vector<16xf32>
        %mul3A_600 = arith.constant 16 : i32
        %mul3A_601 = arith.muli %mul3A_600, %scan3A_484 : i32
        %add3A_602 = arith.addi %mul3A_601, %scan3A_500 : i32
        %swap3A_603 = arith.index_cast %add3A_602 : i32 to index
        %swap3A_604 = arith.constant 96 : index
        %swap3A_605 = tpu.vector_load %arg20[%swap3A_603, %swap3A_604] {strides = array<i32>} : memref<128x128xf32, #tpu.memory_space<vmem>>, vector<16xf32>,
        tpu.vector_store %arg20[%swap3A_603, %swap3A_604], %mul3A_599 {strides = array<i32>} : memref<128x128xf32, #tpu.memory_space<vmem>>, vector<16xf32>,
        %mul3A_606 = arith.constant 16 : i32
        %mul3A_607 = arith.muli %mul3A_606, %scan3A_484 : i32
        %add3A_608 = arith.addi %mul3A_607, %scan3A_500 : i32
        %get3A_609 = arith.index_cast %add3A_608 : i32 to index
        %get3A_610 = arith.constant 112 : index
        %get3A_611 = tpu.vector_load %arg20[%get3A_609, %get3A_610] {strides = array<i32>} : memref<128x128xf32, #tpu.memory_space<vmem>>, vector<16xf32>,
        %mul3A_612 = vector.broadcast %reduce_sum3A_507 : f32 to vector<16xf32>
        %mul3A_613 = arith.mulf %get3A_611, %mul3A_612 : vector<16xf32>
        %mul3A_614 = arith.constant 16 : i32
        %mul3A_615 = arith.muli %mul3A_614, %scan3A_484 : i32
        %add3A_616 = arith.addi %mul3A_615, %scan3A_500 : i32
        %swap3A_617 = arith.index_cast %add3A_616 : i32 to index
        %swap3A_618 = arith.constant 112 : index
        %swap3A_619 = tpu.vector_load %arg20[%swap3A_617, %swap3A_618] {strides = array<i32>} : memref<128x128xf32, #tpu.memory_space<vmem>>, vector<16xf32>,
        tpu.vector_store %arg20[%swap3A_617, %swap3A_618], %mul3A_613 {strides = array<i32>} : memref<128x128xf32, #tpu.memory_space<vmem>>, vector<16xf32>,
        %scan3A_620 = arith.constant 0 : i32
        scf.yield %scan3A_620 : i32
      }
      %scan3A_498 = arith.constant 16 : i32
      %scan3A_499 = arith.constant 0 : i32
      scf.yield %scan3A_499 : i32
    }
    %scan3A_146 = arith.constant 8 : i32
    %mul3A_147 = arith.constant 10000 : i32
    %mul3A_148 = arith.muli %arg0, %mul3A_147 : i32
    %add3A_149 = arith.addi %mul3A_148, %mul3A_0 : i32
    %add3A_150 = arith.constant 256 : i32
    %add3A_151 = arith.addi %add3A_149, %add3A_150 : i32
    %dma_start3A_152 = arith.constant 0 : i32
    %dma_start3A_153 = arith.constant 0 : i32
    %dma_start3A_154 = tpu.memref_slice %arg20[%dma_start3A_152, %dma_start3A_153] : memref<128x128xf32, #tpu.memory_space<vmem>> -> memref<128x128xf32, #tpu.memory_space<vmem>>
    %dma_start3A_155 = arith.constant 0 : i32
    %dma_start3A_156 = tpu.memref_slice %arg6[%add3A_151, %dma_start3A_155] : memref<20000x128xf32, #tpu.memory_space<hbm>> -> memref<128x128xf32, #tpu.memory_space<hbm>>
    %dma_start3A_157 = arith.constant 0 : i32
    %dma_start3A_158 = tpu.memref_slice %arg6[%add3A_151, %dma_start3A_157] : memref<20000x128xf32, #tpu.memory_space<hbm>> -> memref<128x128xf32, #tpu.memory_space<hbm>>
    %dma_start3A_159 = arith.constant 0 : i32
    %dma_start3A_160 = arith.constant 0 : i32
    %dma_start3A_161 = tpu.memref_slice %arg20[%dma_start3A_159, %dma_start3A_160] : memref<128x128xf32, #tpu.memory_space<vmem>> -> memref<128x128xf32, #tpu.memory_space<vmem>>
    tpu.enqueue_dma source(%dma_start3A_161 : memref<128x128xf32, #tpu.memory_space<vmem>>) target(%dma_start3A_158 : memref<128x128xf32, #tpu.memory_space<hbm>>) target_semaphore(%arg23 : memref<!tpu.dma_semaphore, #tpu.memory_space<semaphore_mem>>)
    %mul3A_162 = arith.constant 10000 : i32
    %mul3A_163 = arith.muli %arg0, %mul3A_162 : i32
    %add3A_164 = arith.addi %mul3A_163, %mul3A_0 : i32
    %add3A_165 = arith.constant 128 : i32
    %add3A_166 = arith.addi %add3A_164, %add3A_165 : i32
    %dma_wait3A_167 = arith.constant 0 : i32
    %dma_wait3A_168 = arith.constant 0 : i32
    %dma_wait3A_169 = tpu.memref_slice %arg21[%dma_wait3A_167, %dma_wait3A_168] : memref<128x128xf32, #tpu.memory_space<vmem>> -> memref<128x128xf32, #tpu.memory_space<vmem>>
    %dma_wait3A_170 = arith.constant 0 : i32
    %dma_wait3A_171 = tpu.memref_slice %arg6[%add3A_166, %dma_wait3A_170] : memref<20000x128xf32, #tpu.memory_space<hbm>> -> memref<128x128xf32, #tpu.memory_space<hbm>>
    %dma_wait3A_172 = arith.constant 0 : i32
    %dma_wait3A_173 = tpu.memref_slice %arg6[%add3A_166, %dma_wait3A_172] : memref<20000x128xf32, #tpu.memory_space<hbm>> -> memref<128x128xf32, #tpu.memory_space<hbm>>
    %dma_wait3A_174 = arith.constant 0 : i32
    %dma_wait3A_175 = arith.constant 0 : i32
    %dma_wait3A_176 = tpu.memref_slice %arg21[%dma_wait3A_174, %dma_wait3A_175] : memref<128x128xf32, #tpu.memory_space<vmem>> -> memref<128x128xf32, #tpu.memory_space<vmem>>
    tpu.wait_dma2 semaphore(%arg24 : memref<!tpu.dma_semaphore, #tpu.memory_space<semaphore_mem>>) src(%dma_wait3A_176 : memref<128x128xf32, #tpu.memory_space<vmem>>) dst(%dma_wait3A_173 : memref<128x128xf32, #tpu.memory_space<hbm>>)
    %mul3A_177 = arith.constant 10000 : i32
    %mul3A_178 = arith.muli %arg0, %mul3A_177 : i32
    %add3A_179 = arith.addi %mul3A_178, %mul3A_0 : i32
    %add3A_180 = arith.constant 384 : i32
    %add3A_181 = arith.addi %add3A_179, %add3A_180 : i32
    "tpu.region"() ({
      %run_scoped3A = tpu.sem_alloc : memref<!tpu.dma_semaphore, #tpu.memory_space<semaphore_mem>>
      %dma_start3A_484 = arith.constant 0 : i32
      %dma_start3A_485 = arith.constant 0 : i32
      %dma_start3A_486 = tpu.memref_slice %arg21[%dma_start3A_484, %dma_start3A_485] : memref<128x128xf32, #tpu.memory_space<vmem>> -> memref<128x128xf32, #tpu.memory_space<vmem>>
      %dma_start3A_487 = arith.constant 0 : i32
      %dma_start3A_488 = tpu.memref_slice %arg2[%add3A_181, %dma_start3A_487] : memref<20000x128xf32, #tpu.memory_space<hbm>> -> memref<128x128xf32, #tpu.memory_space<hbm>>
      %dma_start3A_489 = arith.constant 0 : i32
      %dma_start3A_490 = arith.constant 0 : i32
      %dma_start3A_491 = tpu.memref_slice %arg21[%dma_start3A_489, %dma_start3A_490] : memref<128x128xf32, #tpu.memory_space<vmem>> -> memref<128x128xf32, #tpu.memory_space<vmem>>
      %dma_start3A_492 = arith.constant 0 : i32
      %dma_start3A_493 = tpu.memref_slice %arg2[%add3A_181, %dma_start3A_492] : memref<20000x128xf32, #tpu.memory_space<hbm>> -> memref<128x128xf32, #tpu.memory_space<hbm>>
      tpu.enqueue_dma source(%dma_start3A_493 : memref<128x128xf32, #tpu.memory_space<hbm>>) target(%dma_start3A_491 : memref<128x128xf32, #tpu.memory_space<vmem>>) target_semaphore(%run_scoped3A : memref<!tpu.dma_semaphore, #tpu.memory_space<semaphore_mem>>)
      %dma_wait3A_494 = arith.constant 0 : i32
      %dma_wait3A_495 = arith.constant 0 : i32
      %dma_wait3A_496 = tpu.memref_slice %arg21[%dma_wait3A_494, %dma_wait3A_495] : memref<128x128xf32, #tpu.memory_space<vmem>> -> memref<128x128xf32, #tpu.memory_space<vmem>>
      %dma_wait3A_497 = arith.constant 0 : i32
      %dma_wait3A_498 = tpu.memref_slice %arg2[%add3A_181, %dma_wait3A_497] : memref<20000x128xf32, #tpu.memory_space<hbm>> -> memref<128x128xf32, #tpu.memory_space<hbm>>
      %dma_wait3A_499 = arith.constant 0 : i32
      %dma_wait3A_500 = arith.constant 0 : i32
      %dma_wait3A_501 = tpu.memref_slice %arg21[%dma_wait3A_499, %dma_wait3A_500] : memref<128x128xf32, #tpu.memory_space<vmem>> -> memref<128x128xf32, #tpu.memory_space<vmem>>
      %dma_wait3A_502 = arith.constant 0 : i32
      %dma_wait3A_503 = tpu.memref_slice %arg2[%add3A_181, %dma_wait3A_502] : memref<20000x128xf32, #tpu.memory_space<hbm>> -> memref<128x128xf32, #tpu.memory_space<hbm>>
      tpu.wait_dma2 semaphore(%run_scoped3A : memref<!tpu.dma_semaphore, #tpu.memory_space<semaphore_mem>>) src(%dma_wait3A_503 : memref<128x128xf32, #tpu.memory_space<hbm>>) dst(%dma_wait3A_501 : memref<128x128xf32, #tpu.memory_space<vmem>>)
      tpu.yield
    }) : () -> ()
    %scan3A_182 = arith.constant 0 : i32
    %scan3A_183 = arith.constant 0 : i32
    %scan3A_184 = arith.constant 8 : i32
    %scan3A_185 = arith.addi %scan3A_183, %scan3A_184 : i32
    %scan3A_186 = arith.constant 1 : i32
    %scan3A_187 = scf.for %scan3A_484 = %scan3A_183 to %scan3A_185 step %scan3A_186 iter_args(%scan3A_485 = %scan3A_182) -> (i32)  : i32 {
      %mul3A_486 = arith.constant 16 : i32
      %mul3A_487 = arith.muli %mul3A_486, %scan3A_484 : i32
      %add3A_488 = arith.constant 384 : i32
      %add3A_489 = arith.addi %add3A_488, %mul3A_487 : i32
      %get3A_490 = arith.index_cast %add3A_489 : i32 to index
      %get3A_491 = tpu.vector_load %arg22[%get3A_490] {strides = array<i32>} : memref<640xf32, #tpu.memory_space<vmem>>, vector<16xf32>,
      %scan3A_492 = arith.constant 0 : i32
      %scan3A_493 = arith.constant 0 : i32
      %scan3A_494 = arith.constant 16 : i32
      %scan3A_495 = arith.addi %scan3A_493, %scan3A_494 : i32
      %scan3A_496 = arith.constant 1 : i32
      %scan3A_497 = scf.for %scan3A_500 = %scan3A_493 to %scan3A_495 step %scan3A_496 iter_args(%scan3A_501 = %scan3A_492) -> (i32)  : i32 {
        %eq3A_502 = vector.broadcast %scan3A_500 : i32 to vector<16xi32>
        %eq3A_503 = arith.cmpi eq, %iota3A, %eq3A_502 : vector<16xi32>
        %jit3A = arith.constant 0.000000e+00 : f32
        %broadcast_in_dim3A_504 = vector.broadcast %jit3A : f32 to vector<16xf32>
        %select_n3A = arith.select %eq3A_503, %get3A_491, %broadcast_in_dim3A_504 : vector<16xi1>, vector<16xf32>
        %reduce_sum3A = arith.constant true
        %reduce_sum3A_505 = vector.broadcast %reduce_sum3A : i1 to vector<16xi1>
        %reduce_sum3A_506 = tpu.scan <sum>, %select_n3A masked %reduce_sum3A_505 : vector<16xf32>, vector<16xi1> -> vector<16xf32>
        %reduce_sum3A_507 = vector.extract %reduce_sum3A_506[15] : f32 from vector<16xf32>
        %mul3A_508 = arith.constant 16 : i32
        %mul3A_509 = arith.muli %mul3A_508, %scan3A_484 : i32
        %add3A_510 = arith.addi %mul3A_509, %scan3A_500 : i32
        %get3A_511 = arith.index_cast %add3A_510 : i32 to index
        %get3A_512 = arith.constant 0 : index
        %get3A_513 = tpu.vector_load %arg21[%get3A_511, %get3A_512] {strides = array<i32>} : memref<128x128xf32, #tpu.memory_space<vmem>>, vector<16xf32>,
        %mul3A_514 = vector.broadcast %reduce_sum3A_507 : f32 to vector<16xf32>
        %mul3A_515 = arith.mulf %get3A_513, %mul3A_514 : vector<16xf32>
        %mul3A_516 = arith.constant 16 : i32
        %mul3A_517 = arith.muli %mul3A_516, %scan3A_484 : i32
        %add3A_518 = arith.addi %mul3A_517, %scan3A_500 : i32
        %swap3A_519 = arith.index_cast %add3A_518 : i32 to index
        %swap3A_520 = arith.constant 0 : index
        %swap3A_521 = tpu.vector_load %arg21[%swap3A_519, %swap3A_520] {strides = array<i32>} : memref<128x128xf32, #tpu.memory_space<vmem>>, vector<16xf32>,
        tpu.vector_store %arg21[%swap3A_519, %swap3A_520], %mul3A_515 {strides = array<i32>} : memref<128x128xf32, #tpu.memory_space<vmem>>, vector<16xf32>,
        %mul3A_522 = arith.constant 16 : i32
        %mul3A_523 = arith.muli %mul3A_522, %scan3A_484 : i32
        %add3A_524 = arith.addi %mul3A_523, %scan3A_500 : i32
        %get3A_525 = arith.index_cast %add3A_524 : i32 to index
        %get3A_526 = arith.constant 16 : index
        %get3A_527 = tpu.vector_load %arg21[%get3A_525, %get3A_526] {strides = array<i32>} : memref<128x128xf32, #tpu.memory_space<vmem>>, vector<16xf32>,
        %mul3A_528 = vector.broadcast %reduce_sum3A_507 : f32 to vector<16xf32>
        %mul3A_529 = arith.mulf %get3A_527, %mul3A_528 : vector<16xf32>
        %mul3A_530 = arith.constant 16 : i32
        %mul3A_531 = arith.muli %mul3A_530, %scan3A_484 : i32
        %add3A_532 = arith.addi %mul3A_531, %scan3A_500 : i32
        %swap3A_533 = arith.index_cast %add3A_532 : i32 to index
        %swap3A_534 = arith.constant 16 : index
        %swap3A_535 = tpu.vector_load %arg21[%swap3A_533, %swap3A_534] {strides = array<i32>} : memref<128x128xf32, #tpu.memory_space<vmem>>, vector<16xf32>,
        tpu.vector_store %arg21[%swap3A_533, %swap3A_534], %mul3A_529 {strides = array<i32>} : memref<128x128xf32, #tpu.memory_space<vmem>>, vector<16xf32>,
        %mul3A_536 = arith.constant 16 : i32
        %mul3A_537 = arith.muli %mul3A_536, %scan3A_484 : i32
        %add3A_538 = arith.addi %mul3A_537, %scan3A_500 : i32
        %get3A_539 = arith.index_cast %add3A_538 : i32 to index
        %get3A_540 = arith.constant 32 : index
        %get3A_541 = tpu.vector_load %arg21[%get3A_539, %get3A_540] {strides = array<i32>} : memref<128x128xf32, #tpu.memory_space<vmem>>, vector<16xf32>,
        %mul3A_542 = vector.broadcast %reduce_sum3A_507 : f32 to vector<16xf32>
        %mul3A_543 = arith.mulf %get3A_541, %mul3A_542 : vector<16xf32>
        %mul3A_544 = arith.constant 16 : i32
        %mul3A_545 = arith.muli %mul3A_544, %scan3A_484 : i32
        %add3A_546 = arith.addi %mul3A_545, %scan3A_500 : i32
        %swap3A_547 = arith.index_cast %add3A_546 : i32 to index
        %swap3A_548 = arith.constant 32 : index
        %swap3A_549 = tpu.vector_load %arg21[%swap3A_547, %swap3A_548] {strides = array<i32>} : memref<128x128xf32, #tpu.memory_space<vmem>>, vector<16xf32>,
        tpu.vector_store %arg21[%swap3A_547, %swap3A_548], %mul3A_543 {strides = array<i32>} : memref<128x128xf32, #tpu.memory_space<vmem>>, vector<16xf32>,
        %mul3A_550 = arith.constant 16 : i32
        %mul3A_551 = arith.muli %mul3A_550, %scan3A_484 : i32
        %add3A_552 = arith.addi %mul3A_551, %scan3A_500 : i32
        %get3A_553 = arith.index_cast %add3A_552 : i32 to index
        %get3A_554 = arith.constant 48 : index
        %get3A_555 = tpu.vector_load %arg21[%get3A_553, %get3A_554] {strides = array<i32>} : memref<128x128xf32, #tpu.memory_space<vmem>>, vector<16xf32>,
        %mul3A_556 = vector.broadcast %reduce_sum3A_507 : f32 to vector<16xf32>
        %mul3A_557 = arith.mulf %get3A_555, %mul3A_556 : vector<16xf32>
        %mul3A_558 = arith.constant 16 : i32
        %mul3A_559 = arith.muli %mul3A_558, %scan3A_484 : i32
        %add3A_560 = arith.addi %mul3A_559, %scan3A_500 : i32
        %swap3A_561 = arith.index_cast %add3A_560 : i32 to index
        %swap3A_562 = arith.constant 48 : index
        %swap3A_563 = tpu.vector_load %arg21[%swap3A_561, %swap3A_562] {strides = array<i32>} : memref<128x128xf32, #tpu.memory_space<vmem>>, vector<16xf32>,
        tpu.vector_store %arg21[%swap3A_561, %swap3A_562], %mul3A_557 {strides = array<i32>} : memref<128x128xf32, #tpu.memory_space<vmem>>, vector<16xf32>,
        %mul3A_564 = arith.constant 16 : i32
        %mul3A_565 = arith.muli %mul3A_564, %scan3A_484 : i32
        %add3A_566 = arith.addi %mul3A_565, %scan3A_500 : i32
        %get3A_567 = arith.index_cast %add3A_566 : i32 to index
        %get3A_568 = arith.constant 64 : index
        %get3A_569 = tpu.vector_load %arg21[%get3A_567, %get3A_568] {strides = array<i32>} : memref<128x128xf32, #tpu.memory_space<vmem>>, vector<16xf32>,
        %mul3A_570 = vector.broadcast %reduce_sum3A_507 : f32 to vector<16xf32>
        %mul3A_571 = arith.mulf %get3A_569, %mul3A_570 : vector<16xf32>
        %mul3A_572 = arith.constant 16 : i32
        %mul3A_573 = arith.muli %mul3A_572, %scan3A_484 : i32
        %add3A_574 = arith.addi %mul3A_573, %scan3A_500 : i32
        %swap3A_575 = arith.index_cast %add3A_574 : i32 to index
        %swap3A_576 = arith.constant 64 : index
        %swap3A_577 = tpu.vector_load %arg21[%swap3A_575, %swap3A_576] {strides = array<i32>} : memref<128x128xf32, #tpu.memory_space<vmem>>, vector<16xf32>,
        tpu.vector_store %arg21[%swap3A_575, %swap3A_576], %mul3A_571 {strides = array<i32>} : memref<128x128xf32, #tpu.memory_space<vmem>>, vector<16xf32>,
        %mul3A_578 = arith.constant 16 : i32
        %mul3A_579 = arith.muli %mul3A_578, %scan3A_484 : i32
        %add3A_580 = arith.addi %mul3A_579, %scan3A_500 : i32
        %get3A_581 = arith.index_cast %add3A_580 : i32 to index
        %get3A_582 = arith.constant 80 : index
        %get3A_583 = tpu.vector_load %arg21[%get3A_581, %get3A_582] {strides = array<i32>} : memref<128x128xf32, #tpu.memory_space<vmem>>, vector<16xf32>,
        %mul3A_584 = vector.broadcast %reduce_sum3A_507 : f32 to vector<16xf32>
        %mul3A_585 = arith.mulf %get3A_583, %mul3A_584 : vector<16xf32>
        %mul3A_586 = arith.constant 16 : i32
        %mul3A_587 = arith.muli %mul3A_586, %scan3A_484 : i32
        %add3A_588 = arith.addi %mul3A_587, %scan3A_500 : i32
        %swap3A_589 = arith.index_cast %add3A_588 : i32 to index
        %swap3A_590 = arith.constant 80 : index
        %swap3A_591 = tpu.vector_load %arg21[%swap3A_589, %swap3A_590] {strides = array<i32>} : memref<128x128xf32, #tpu.memory_space<vmem>>, vector<16xf32>,
        tpu.vector_store %arg21[%swap3A_589, %swap3A_590], %mul3A_585 {strides = array<i32>} : memref<128x128xf32, #tpu.memory_space<vmem>>, vector<16xf32>,
        %mul3A_592 = arith.constant 16 : i32
        %mul3A_593 = arith.muli %mul3A_592, %scan3A_484 : i32
        %add3A_594 = arith.addi %mul3A_593, %scan3A_500 : i32
        %get3A_595 = arith.index_cast %add3A_594 : i32 to index
        %get3A_596 = arith.constant 96 : index
        %get3A_597 = tpu.vector_load %arg21[%get3A_595, %get3A_596] {strides = array<i32>} : memref<128x128xf32, #tpu.memory_space<vmem>>, vector<16xf32>,
        %mul3A_598 = vector.broadcast %reduce_sum3A_507 : f32 to vector<16xf32>
        %mul3A_599 = arith.mulf %get3A_597, %mul3A_598 : vector<16xf32>
        %mul3A_600 = arith.constant 16 : i32
        %mul3A_601 = arith.muli %mul3A_600, %scan3A_484 : i32
        %add3A_602 = arith.addi %mul3A_601, %scan3A_500 : i32
        %swap3A_603 = arith.index_cast %add3A_602 : i32 to index
        %swap3A_604 = arith.constant 96 : index
        %swap3A_605 = tpu.vector_load %arg21[%swap3A_603, %swap3A_604] {strides = array<i32>} : memref<128x128xf32, #tpu.memory_space<vmem>>, vector<16xf32>,
        tpu.vector_store %arg21[%swap3A_603, %swap3A_604], %mul3A_599 {strides = array<i32>} : memref<128x128xf32, #tpu.memory_space<vmem>>, vector<16xf32>,
        %mul3A_606 = arith.constant 16 : i32
        %mul3A_607 = arith.muli %mul3A_606, %scan3A_484 : i32
        %add3A_608 = arith.addi %mul3A_607, %scan3A_500 : i32
        %get3A_609 = arith.index_cast %add3A_608 : i32 to index
        %get3A_610 = arith.constant 112 : index
        %get3A_611 = tpu.vector_load %arg21[%get3A_609, %get3A_610] {strides = array<i32>} : memref<128x128xf32, #tpu.memory_space<vmem>>, vector<16xf32>,
        %mul3A_612 = vector.broadcast %reduce_sum3A_507 : f32 to vector<16xf32>
        %mul3A_613 = arith.mulf %get3A_611, %mul3A_612 : vector<16xf32>
        %mul3A_614 = arith.constant 16 : i32
        %mul3A_615 = arith.muli %mul3A_614, %scan3A_484 : i32
        %add3A_616 = arith.addi %mul3A_615, %scan3A_500 : i32
        %swap3A_617 = arith.index_cast %add3A_616 : i32 to index
        %swap3A_618 = arith.constant 112 : index
        %swap3A_619 = tpu.vector_load %arg21[%swap3A_617, %swap3A_618] {strides = array<i32>} : memref<128x128xf32, #tpu.memory_space<vmem>>, vector<16xf32>,
        tpu.vector_store %arg21[%swap3A_617, %swap3A_618], %mul3A_613 {strides = array<i32>} : memref<128x128xf32, #tpu.memory_space<vmem>>, vector<16xf32>,
        %scan3A_620 = arith.constant 0 : i32
        scf.yield %scan3A_620 : i32
      }
      %scan3A_498 = arith.constant 16 : i32
      %scan3A_499 = arith.constant 0 : i32
      scf.yield %scan3A_499 : i32
    }
    %scan3A_188 = arith.constant 8 : i32
    %mul3A_189 = arith.constant 10000 : i32
    %mul3A_190 = arith.muli %arg0, %mul3A_189 : i32
    %add3A_191 = arith.addi %mul3A_190, %mul3A_0 : i32
    %add3A_192 = arith.constant 384 : i32
    %add3A_193 = arith.addi %add3A_191, %add3A_192 : i32
    %dma_start3A_194 = arith.constant 0 : i32
    %dma_start3A_195 = arith.constant 0 : i32
    %dma_start3A_196 = tpu.memref_slice %arg21[%dma_start3A_194, %dma_start3A_195] : memref<128x128xf32, #tpu.memory_space<vmem>> -> memref<128x128xf32, #tpu.memory_space<vmem>>
    %dma_start3A_197 = arith.constant 0 : i32
    %dma_start3A_198 = tpu.memref_slice %arg6[%add3A_193, %dma_start3A_197] : memref<20000x128xf32, #tpu.memory_space<hbm>> -> memref<128x128xf32, #tpu.memory_space<hbm>>
    %dma_start3A_199 = arith.constant 0 : i32
    %dma_start3A_200 = tpu.memref_slice %arg6[%add3A_193, %dma_start3A_199] : memref<20000x128xf32, #tpu.memory_space<hbm>> -> memref<128x128xf32, #tpu.memory_space<hbm>>
    %dma_start3A_201 = arith.constant 0 : i32
    %dma_start3A_202 = arith.constant 0 : i32
    %dma_start3A_203 = tpu.memref_slice %arg21[%dma_start3A_201, %dma_start3A_202] : memref<128x128xf32, #tpu.memory_space<vmem>> -> memref<128x128xf32, #tpu.memory_space<vmem>>
    tpu.enqueue_dma source(%dma_start3A_203 : memref<128x128xf32, #tpu.memory_space<vmem>>) target(%dma_start3A_200 : memref<128x128xf32, #tpu.memory_space<hbm>>) target_semaphore(%arg24 : memref<!tpu.dma_semaphore, #tpu.memory_space<semaphore_mem>>)
    %mul3A_204 = arith.constant 10000 : i32
    %mul3A_205 = arith.muli %arg0, %mul3A_204 : i32
    %add3A_206 = arith.addi %mul3A_205, %mul3A_0 : i32
    %add3A_207 = arith.constant 256 : i32
    %add3A_208 = arith.addi %add3A_206, %add3A_207 : i32
    %dma_wait3A_209 = arith.constant 0 : i32
    %dma_wait3A_210 = arith.constant 0 : i32
    %dma_wait3A_211 = tpu.memref_slice %arg20[%dma_wait3A_209, %dma_wait3A_210] : memref<128x128xf32, #tpu.memory_space<vmem>> -> memref<128x128xf32, #tpu.memory_space<vmem>>
    %dma_wait3A_212 = arith.constant 0 : i32
    %dma_wait3A_213 = tpu.memref_slice %arg6[%add3A_208, %dma_wait3A_212] : memref<20000x128xf32, #tpu.memory_space<hbm>> -> memref<128x128xf32, #tpu.memory_space<hbm>>
    %dma_wait3A_214 = arith.constant 0 : i32
    %dma_wait3A_215 = tpu.memref_slice %arg6[%add3A_208, %dma_wait3A_214] : memref<20000x128xf32, #tpu.memory_space<hbm>> -> memref<128x128xf32, #tpu.memory_space<hbm>>
    %dma_wait3A_216 = arith.constant 0 : i32
    %dma_wait3A_217 = arith.constant 0 : i32
    %dma_wait3A_218 = tpu.memref_slice %arg20[%dma_wait3A_216, %dma_wait3A_217] : memref<128x128xf32, #tpu.memory_space<vmem>> -> memref<128x128xf32, #tpu.memory_space<vmem>>
    tpu.wait_dma2 semaphore(%arg23 : memref<!tpu.dma_semaphore, #tpu.memory_space<semaphore_mem>>) src(%dma_wait3A_218 : memref<128x128xf32, #tpu.memory_space<vmem>>) dst(%dma_wait3A_215 : memref<128x128xf32, #tpu.memory_space<hbm>>)
    %not3A_219 = arith.constant true
    %not3A_220 = arith.xori %eq3A_1, %not3A_219 : i1
    %convert_element_type3A_221 = arith.extui %not3A_220 : i1 to i32
    %cond3A_222 = arith.constant 0 : i32
    %cond3A_223 = arith.cmpi ne, %convert_element_type3A_221, %cond3A_222 : i32
    scf.if %cond3A_223 {
      %mul3A_484 = arith.constant 10000 : i32
      %mul3A_485 = arith.muli %arg0, %mul3A_484 : i32
      %add3A_486 = arith.addi %mul3A_485, %mul3A_0 : i32
      %add3A_487 = arith.constant 512 : i32
      %add3A_488 = arith.addi %add3A_486, %add3A_487 : i32
      "tpu.region"() ({
        %run_scoped3A = tpu.sem_alloc : memref<!tpu.dma_semaphore, #tpu.memory_space<semaphore_mem>>
        %dma_start3A_526 = arith.constant 0 : i32
        %dma_start3A_527 = arith.constant 0 : i32
        %dma_start3A_528 = tpu.memref_slice %arg20[%dma_start3A_526, %dma_start3A_527] : memref<128x128xf32, #tpu.memory_space<vmem>> -> memref<112x128xf32, #tpu.memory_space<vmem>>
        %dma_start3A_529 = arith.constant 0 : i32
        %dma_start3A_530 = tpu.memref_slice %arg2[%add3A_488, %dma_start3A_529] : memref<20000x128xf32, #tpu.memory_space<hbm>> -> memref<112x128xf32, #tpu.memory_space<hbm>>
        %dma_start3A_531 = arith.constant 0 : i32
        %dma_start3A_532 = arith.constant 0 : i32
        %dma_start3A_533 = tpu.memref_slice %arg20[%dma_start3A_531, %dma_start3A_532] : memref<128x128xf32, #tpu.memory_space<vmem>> -> memref<112x128xf32, #tpu.memory_space<vmem>>
        %dma_start3A_534 = arith.constant 0 : i32
        %dma_start3A_535 = tpu.memref_slice %arg2[%add3A_488, %dma_start3A_534] : memref<20000x128xf32, #tpu.memory_space<hbm>> -> memref<112x128xf32, #tpu.memory_space<hbm>>
        tpu.enqueue_dma source(%dma_start3A_535 : memref<112x128xf32, #tpu.memory_space<hbm>>) target(%dma_start3A_533 : memref<112x128xf32, #tpu.memory_space<vmem>>) target_semaphore(%run_scoped3A : memref<!tpu.dma_semaphore, #tpu.memory_space<semaphore_mem>>)
        %dma_wait3A_536 = arith.constant 0 : i32
        %dma_wait3A_537 = arith.constant 0 : i32
        %dma_wait3A_538 = tpu.memref_slice %arg20[%dma_wait3A_536, %dma_wait3A_537] : memref<128x128xf32, #tpu.memory_space<vmem>> -> memref<112x128xf32, #tpu.memory_space<vmem>>
        %dma_wait3A_539 = arith.constant 0 : i32
        %dma_wait3A_540 = tpu.memref_slice %arg2[%add3A_488, %dma_wait3A_539] : memref<20000x128xf32, #tpu.memory_space<hbm>> -> memref<112x128xf32, #tpu.memory_space<hbm>>
        %dma_wait3A_541 = arith.constant 0 : i32
        %dma_wait3A_542 = arith.constant 0 : i32
        %dma_wait3A_543 = tpu.memref_slice %arg20[%dma_wait3A_541, %dma_wait3A_542] : memref<128x128xf32, #tpu.memory_space<vmem>> -> memref<112x128xf32, #tpu.memory_space<vmem>>
        %dma_wait3A_544 = arith.constant 0 : i32
        %dma_wait3A_545 = tpu.memref_slice %arg2[%add3A_488, %dma_wait3A_544] : memref<20000x128xf32, #tpu.memory_space<hbm>> -> memref<112x128xf32, #tpu.memory_space<hbm>>
        tpu.wait_dma2 semaphore(%run_scoped3A : memref<!tpu.dma_semaphore, #tpu.memory_space<semaphore_mem>>) src(%dma_wait3A_545 : memref<112x128xf32, #tpu.memory_space<hbm>>) dst(%dma_wait3A_543 : memref<112x128xf32, #tpu.memory_space<vmem>>)
        tpu.yield
      }) : () -> ()
      %scan3A_489 = arith.constant 0 : i32
      %scan3A_490 = arith.constant 0 : i32
      %scan3A_491 = arith.constant 7 : i32
      %scan3A_492 = arith.addi %scan3A_490, %scan3A_491 : i32
      %scan3A_493 = arith.constant 1 : i32
      %scan3A_494 = scf.for %scan3A_526 = %scan3A_490 to %scan3A_492 step %scan3A_493 iter_args(%scan3A_527 = %scan3A_489) -> (i32)  : i32 {
        %mul3A_528 = arith.constant 16 : i32
        %mul3A_529 = arith.muli %mul3A_528, %scan3A_526 : i32
        %add3A_530 = arith.constant 512 : i32
        %add3A_531 = arith.addi %add3A_530, %mul3A_529 : i32
        %get3A_532 = arith.index_cast %add3A_531 : i32 to index
        %get3A_533 = tpu.vector_load %arg22[%get3A_532] {strides = array<i32>} : memref<640xf32, #tpu.memory_space<vmem>>, vector<16xf32>,
        %scan3A_534 = arith.constant 0 : i32
        %scan3A_535 = arith.constant 0 : i32
        %scan3A_536 = arith.constant 16 : i32
        %scan3A_537 = arith.addi %scan3A_535, %scan3A_536 : i32
        %scan3A_538 = arith.constant 1 : i32
        %scan3A_539 = scf.for %scan3A_542 = %scan3A_535 to %scan3A_537 step %scan3A_538 iter_args(%scan3A_543 = %scan3A_534) -> (i32)  : i32 {
          %eq3A_544 = vector.broadcast %scan3A_542 : i32 to vector<16xi32>
          %eq3A_545 = arith.cmpi eq, %iota3A, %eq3A_544 : vector<16xi32>
          %jit3A = arith.constant 0.000000e+00 : f32
          %broadcast_in_dim3A_546 = vector.broadcast %jit3A : f32 to vector<16xf32>
          %select_n3A = arith.select %eq3A_545, %get3A_533, %broadcast_in_dim3A_546 : vector<16xi1>, vector<16xf32>
          %reduce_sum3A = arith.constant true
          %reduce_sum3A_547 = vector.broadcast %reduce_sum3A : i1 to vector<16xi1>
          %reduce_sum3A_548 = tpu.scan <sum>, %select_n3A masked %reduce_sum3A_547 : vector<16xf32>, vector<16xi1> -> vector<16xf32>
          %reduce_sum3A_549 = vector.extract %reduce_sum3A_548[15] : f32 from vector<16xf32>
          %mul3A_550 = arith.constant 16 : i32
          %mul3A_551 = arith.muli %mul3A_550, %scan3A_526 : i32
          %add3A_552 = arith.addi %mul3A_551, %scan3A_542 : i32
          %get3A_553 = arith.index_cast %add3A_552 : i32 to index
          %get3A_554 = arith.constant 0 : index
          %get3A_555 = tpu.vector_load %arg20[%get3A_553, %get3A_554] {strides = array<i32>} : memref<128x128xf32, #tpu.memory_space<vmem>>, vector<16xf32>,
          %mul3A_556 = vector.broadcast %reduce_sum3A_549 : f32 to vector<16xf32>
          %mul3A_557 = arith.mulf %get3A_555, %mul3A_556 : vector<16xf32>
          %mul3A_558 = arith.constant 16 : i32
          %mul3A_559 = arith.muli %mul3A_558, %scan3A_526 : i32
          %add3A_560 = arith.addi %mul3A_559, %scan3A_542 : i32
          %swap3A_561 = arith.index_cast %add3A_560 : i32 to index
          %swap3A_562 = arith.constant 0 : index
          %swap3A_563 = tpu.vector_load %arg20[%swap3A_561, %swap3A_562] {strides = array<i32>} : memref<128x128xf32, #tpu.memory_space<vmem>>, vector<16xf32>,
          tpu.vector_store %arg20[%swap3A_561, %swap3A_562], %mul3A_557 {strides = array<i32>} : memref<128x128xf32, #tpu.memory_space<vmem>>, vector<16xf32>,
          %mul3A_564 = arith.constant 16 : i32
          %mul3A_565 = arith.muli %mul3A_564, %scan3A_526 : i32
          %add3A_566 = arith.addi %mul3A_565, %scan3A_542 : i32
          %get3A_567 = arith.index_cast %add3A_566 : i32 to index
          %get3A_568 = arith.constant 16 : index
          %get3A_569 = tpu.vector_load %arg20[%get3A_567, %get3A_568] {strides = array<i32>} : memref<128x128xf32, #tpu.memory_space<vmem>>, vector<16xf32>,
          %mul3A_570 = vector.broadcast %reduce_sum3A_549 : f32 to vector<16xf32>
          %mul3A_571 = arith.mulf %get3A_569, %mul3A_570 : vector<16xf32>
          %mul3A_572 = arith.constant 16 : i32
          %mul3A_573 = arith.muli %mul3A_572, %scan3A_526 : i32
          %add3A_574 = arith.addi %mul3A_573, %scan3A_542 : i32
          %swap3A_575 = arith.index_cast %add3A_574 : i32 to index
          %swap3A_576 = arith.constant 16 : index
          %swap3A_577 = tpu.vector_load %arg20[%swap3A_575, %swap3A_576] {strides = array<i32>} : memref<128x128xf32, #tpu.memory_space<vmem>>, vector<16xf32>,
          tpu.vector_store %arg20[%swap3A_575, %swap3A_576], %mul3A_571 {strides = array<i32>} : memref<128x128xf32, #tpu.memory_space<vmem>>, vector<16xf32>,
          %mul3A_578 = arith.constant 16 : i32
          %mul3A_579 = arith.muli %mul3A_578, %scan3A_526 : i32
          %add3A_580 = arith.addi %mul3A_579, %scan3A_542 : i32
          %get3A_581 = arith.index_cast %add3A_580 : i32 to index
          %get3A_582 = arith.constant 32 : index
          %get3A_583 = tpu.vector_load %arg20[%get3A_581, %get3A_582] {strides = array<i32>} : memref<128x128xf32, #tpu.memory_space<vmem>>, vector<16xf32>,
          %mul3A_584 = vector.broadcast %reduce_sum3A_549 : f32 to vector<16xf32>
          %mul3A_585 = arith.mulf %get3A_583, %mul3A_584 : vector<16xf32>
          %mul3A_586 = arith.constant 16 : i32
          %mul3A_587 = arith.muli %mul3A_586, %scan3A_526 : i32
          %add3A_588 = arith.addi %mul3A_587, %scan3A_542 : i32
          %swap3A_589 = arith.index_cast %add3A_588 : i32 to index
          %swap3A_590 = arith.constant 32 : index
          %swap3A_591 = tpu.vector_load %arg20[%swap3A_589, %swap3A_590] {strides = array<i32>} : memref<128x128xf32, #tpu.memory_space<vmem>>, vector<16xf32>,
          tpu.vector_store %arg20[%swap3A_589, %swap3A_590], %mul3A_585 {strides = array<i32>} : memref<128x128xf32, #tpu.memory_space<vmem>>, vector<16xf32>,
          %mul3A_592 = arith.constant 16 : i32
          %mul3A_593 = arith.muli %mul3A_592, %scan3A_526 : i32
          %add3A_594 = arith.addi %mul3A_593, %scan3A_542 : i32
          %get3A_595 = arith.index_cast %add3A_594 : i32 to index
          %get3A_596 = arith.constant 48 : index
          %get3A_597 = tpu.vector_load %arg20[%get3A_595, %get3A_596] {strides = array<i32>} : memref<128x128xf32, #tpu.memory_space<vmem>>, vector<16xf32>,
          %mul3A_598 = vector.broadcast %reduce_sum3A_549 : f32 to vector<16xf32>
          %mul3A_599 = arith.mulf %get3A_597, %mul3A_598 : vector<16xf32>
          %mul3A_600 = arith.constant 16 : i32
          %mul3A_601 = arith.muli %mul3A_600, %scan3A_526 : i32
          %add3A_602 = arith.addi %mul3A_601, %scan3A_542 : i32
          %swap3A_603 = arith.index_cast %add3A_602 : i32 to index
          %swap3A_604 = arith.constant 48 : index
          %swap3A_605 = tpu.vector_load %arg20[%swap3A_603, %swap3A_604] {strides = array<i32>} : memref<128x128xf32, #tpu.memory_space<vmem>>, vector<16xf32>,
          tpu.vector_store %arg20[%swap3A_603, %swap3A_604], %mul3A_599 {strides = array<i32>} : memref<128x128xf32, #tpu.memory_space<vmem>>, vector<16xf32>,
          %mul3A_606 = arith.constant 16 : i32
          %mul3A_607 = arith.muli %mul3A_606, %scan3A_526 : i32
          %add3A_608 = arith.addi %mul3A_607, %scan3A_542 : i32
          %get3A_609 = arith.index_cast %add3A_608 : i32 to index
          %get3A_610 = arith.constant 64 : index
          %get3A_611 = tpu.vector_load %arg20[%get3A_609, %get3A_610] {strides = array<i32>} : memref<128x128xf32, #tpu.memory_space<vmem>>, vector<16xf32>,
          %mul3A_612 = vector.broadcast %reduce_sum3A_549 : f32 to vector<16xf32>
          %mul3A_613 = arith.mulf %get3A_611, %mul3A_612 : vector<16xf32>
          %mul3A_614 = arith.constant 16 : i32
          %mul3A_615 = arith.muli %mul3A_614, %scan3A_526 : i32
          %add3A_616 = arith.addi %mul3A_615, %scan3A_542 : i32
          %swap3A_617 = arith.index_cast %add3A_616 : i32 to index
          %swap3A_618 = arith.constant 64 : index
          %swap3A_619 = tpu.vector_load %arg20[%swap3A_617, %swap3A_618] {strides = array<i32>} : memref<128x128xf32, #tpu.memory_space<vmem>>, vector<16xf32>,
          tpu.vector_store %arg20[%swap3A_617, %swap3A_618], %mul3A_613 {strides = array<i32>} : memref<128x128xf32, #tpu.memory_space<vmem>>, vector<16xf32>,
          %mul3A_620 = arith.constant 16 : i32
          %mul3A_621 = arith.muli %mul3A_620, %scan3A_526 : i32
          %add3A_622 = arith.addi %mul3A_621, %scan3A_542 : i32
          %get3A_623 = arith.index_cast %add3A_622 : i32 to index
          %get3A_624 = arith.constant 80 : index
          %get3A_625 = tpu.vector_load %arg20[%get3A_623, %get3A_624] {strides = array<i32>} : memref<128x128xf32, #tpu.memory_space<vmem>>, vector<16xf32>,
          %mul3A_626 = vector.broadcast %reduce_sum3A_549 : f32 to vector<16xf32>
          %mul3A_627 = arith.mulf %get3A_625, %mul3A_626 : vector<16xf32>
          %mul3A_628 = arith.constant 16 : i32
          %mul3A_629 = arith.muli %mul3A_628, %scan3A_526 : i32
          %add3A_630 = arith.addi %mul3A_629, %scan3A_542 : i32
          %swap3A_631 = arith.index_cast %add3A_630 : i32 to index
          %swap3A_632 = arith.constant 80 : index
          %swap3A_633 = tpu.vector_load %arg20[%swap3A_631, %swap3A_632] {strides = array<i32>} : memref<128x128xf32, #tpu.memory_space<vmem>>, vector<16xf32>,
          tpu.vector_store %arg20[%swap3A_631, %swap3A_632], %mul3A_627 {strides = array<i32>} : memref<128x128xf32, #tpu.memory_space<vmem>>, vector<16xf32>,
          %mul3A_634 = arith.constant 16 : i32
          %mul3A_635 = arith.muli %mul3A_634, %scan3A_526 : i32
          %add3A_636 = arith.addi %mul3A_635, %scan3A_542 : i32
          %get3A_637 = arith.index_cast %add3A_636 : i32 to index
          %get3A_638 = arith.constant 96 : index
          %get3A_639 = tpu.vector_load %arg20[%get3A_637, %get3A_638] {strides = array<i32>} : memref<128x128xf32, #tpu.memory_space<vmem>>, vector<16xf32>,
          %mul3A_640 = vector.broadcast %reduce_sum3A_549 : f32 to vector<16xf32>
          %mul3A_641 = arith.mulf %get3A_639, %mul3A_640 : vector<16xf32>
          %mul3A_642 = arith.constant 16 : i32
          %mul3A_643 = arith.muli %mul3A_642, %scan3A_526 : i32
          %add3A_644 = arith.addi %mul3A_643, %scan3A_542 : i32
          %swap3A_645 = arith.index_cast %add3A_644 : i32 to index
          %swap3A_646 = arith.constant 96 : index
          %swap3A_647 = tpu.vector_load %arg20[%swap3A_645, %swap3A_646] {strides = array<i32>} : memref<128x128xf32, #tpu.memory_space<vmem>>, vector<16xf32>,
          tpu.vector_store %arg20[%swap3A_645, %swap3A_646], %mul3A_641 {strides = array<i32>} : memref<128x128xf32, #tpu.memory_space<vmem>>, vector<16xf32>,
          %mul3A_648 = arith.constant 16 : i32
          %mul3A_649 = arith.muli %mul3A_648, %scan3A_526 : i32
          %add3A_650 = arith.addi %mul3A_649, %scan3A_542 : i32
          %get3A_651 = arith.index_cast %add3A_650 : i32 to index
          %get3A_652 = arith.constant 112 : index
          %get3A_653 = tpu.vector_load %arg20[%get3A_651, %get3A_652] {strides = array<i32>} : memref<128x128xf32, #tpu.memory_space<vmem>>, vector<16xf32>,
          %mul3A_654 = vector.broadcast %reduce_sum3A_549 : f32 to vector<16xf32>
          %mul3A_655 = arith.mulf %get3A_653, %mul3A_654 : vector<16xf32>
          %mul3A_656 = arith.constant 16 : i32
          %mul3A_657 = arith.muli %mul3A_656, %scan3A_526 : i32
          %add3A_658 = arith.addi %mul3A_657, %scan3A_542 : i32
          %swap3A_659 = arith.index_cast %add3A_658 : i32 to index
          %swap3A_660 = arith.constant 112 : index
          %swap3A_661 = tpu.vector_load %arg20[%swap3A_659, %swap3A_660] {strides = array<i32>} : memref<128x128xf32, #tpu.memory_space<vmem>>, vector<16xf32>,
          tpu.vector_store %arg20[%swap3A_659, %swap3A_660], %mul3A_655 {strides = array<i32>} : memref<128x128xf32, #tpu.memory_space<vmem>>, vector<16xf32>,
          %scan3A_662 = arith.constant 0 : i32
          scf.yield %scan3A_662 : i32
        }
        %scan3A_540 = arith.constant 16 : i32
        %scan3A_541 = arith.constant 0 : i32
        scf.yield %scan3A_541 : i32
      }
      %scan3A_495 = arith.constant 7 : i32
      %mul3A_496 = arith.constant 10000 : i32
      %mul3A_497 = arith.muli %arg0, %mul3A_496 : i32
      %add3A_498 = arith.addi %mul3A_497, %mul3A_0 : i32
      %add3A_499 = arith.constant 512 : i32
      %add3A_500 = arith.addi %add3A_498, %add3A_499 : i32
      %dma_start3A_501 = arith.constant 0 : i32
      %dma_start3A_502 = arith.constant 0 : i32
      %dma_start3A_503 = tpu.memref_slice %arg20[%dma_start3A_501, %dma_start3A_502] : memref<128x128xf32, #tpu.memory_space<vmem>> -> memref<112x128xf32, #tpu.memory_space<vmem>>
      %dma_start3A_504 = arith.constant 0 : i32
      %dma_start3A_505 = tpu.memref_slice %arg6[%add3A_500, %dma_start3A_504] : memref<20000x128xf32, #tpu.memory_space<hbm>> -> memref<112x128xf32, #tpu.memory_space<hbm>>
      %dma_start3A_506 = arith.constant 0 : i32
      %dma_start3A_507 = tpu.memref_slice %arg6[%add3A_500, %dma_start3A_506] : memref<20000x128xf32, #tpu.memory_space<hbm>> -> memref<112x128xf32, #tpu.memory_space<hbm>>
      %dma_start3A_508 = arith.constant 0 : i32
      %dma_start3A_509 = arith.constant 0 : i32
      %dma_start3A_510 = tpu.memref_slice %arg20[%dma_start3A_508, %dma_start3A_509] : memref<128x128xf32, #tpu.memory_space<vmem>> -> memref<112x128xf32, #tpu.memory_space<vmem>>
      tpu.enqueue_dma source(%dma_start3A_510 : memref<112x128xf32, #tpu.memory_space<vmem>>) target(%dma_start3A_507 : memref<112x128xf32, #tpu.memory_space<hbm>>) target_semaphore(%arg23 : memref<!tpu.dma_semaphore, #tpu.memory_space<semaphore_mem>>)
      %mul3A_511 = arith.constant 10000 : i32
      %mul3A_512 = arith.muli %arg0, %mul3A_511 : i32
      %add3A_513 = arith.addi %mul3A_512, %mul3A_0 : i32
      %add3A_514 = arith.constant 512 : i32
      %add3A_515 = arith.addi %add3A_513, %add3A_514 : i32
      %dma_wait3A_516 = arith.constant 0 : i32
      %dma_wait3A_517 = arith.constant 0 : i32
      %dma_wait3A_518 = tpu.memref_slice %arg20[%dma_wait3A_516, %dma_wait3A_517] : memref<128x128xf32, #tpu.memory_space<vmem>> -> memref<112x128xf32, #tpu.memory_space<vmem>>
      %dma_wait3A_519 = arith.constant 0 : i32
      %dma_wait3A_520 = tpu.memref_slice %arg6[%add3A_515, %dma_wait3A_519] : memref<20000x128xf32, #tpu.memory_space<hbm>> -> memref<112x128xf32, #tpu.memory_space<hbm>>
      %dma_wait3A_521 = arith.constant 0 : i32
      %dma_wait3A_522 = tpu.memref_slice %arg6[%add3A_515, %dma_wait3A_521] : memref<20000x128xf32, #tpu.memory_space<hbm>> -> memref<112x128xf32, #tpu.memory_space<hbm>>
      %dma_wait3A_523 = arith.constant 0 : i32
      %dma_wait3A_524 = arith.constant 0 : i32
      %dma_wait3A_525 = tpu.memref_slice %arg20[%dma_wait3A_523, %dma_wait3A_524] : memref<128x128xf32, #tpu.memory_space<vmem>> -> memref<112x128xf32, #tpu.memory_space<vmem>>
      tpu.wait_dma2 semaphore(%arg23 : memref<!tpu.dma_semaphore, #tpu.memory_space<semaphore_mem>>) src(%dma_wait3A_525 : memref<112x128xf32, #tpu.memory_space<vmem>>) dst(%dma_wait3A_522 : memref<112x128xf32, #tpu.memory_space<hbm>>)
    } else {
    }
    %convert_element_type3A_224 = arith.extui %eq3A_1 : i1 to i32
    %cond3A_225 = arith.constant 0 : i32
    %cond3A_226 = arith.cmpi ne, %convert_element_type3A_224, %cond3A_225 : i32
    scf.if %cond3A_226 {
      %mul3A_484 = arith.constant 10000 : i32
      %mul3A_485 = arith.muli %arg0, %mul3A_484 : i32
      %add3A_486 = arith.addi %mul3A_485, %mul3A_0 : i32
      %add3A_487 = arith.constant 512 : i32
      %add3A_488 = arith.addi %add3A_486, %add3A_487 : i32
      "tpu.region"() ({
        %run_scoped3A = tpu.sem_alloc : memref<!tpu.dma_semaphore, #tpu.memory_space<semaphore_mem>>
        %dma_start3A_526 = arith.constant 0 : i32
        %dma_start3A_527 = arith.constant 0 : i32
        %dma_start3A_528 = tpu.memref_slice %arg20[%dma_start3A_526, %dma_start3A_527] : memref<128x128xf32, #tpu.memory_space<vmem>> -> memref<128x128xf32, #tpu.memory_space<vmem>>
        %dma_start3A_529 = arith.constant 0 : i32
        %dma_start3A_530 = tpu.memref_slice %arg2[%add3A_488, %dma_start3A_529] : memref<20000x128xf32, #tpu.memory_space<hbm>> -> memref<128x128xf32, #tpu.memory_space<hbm>>
        %dma_start3A_531 = arith.constant 0 : i32
        %dma_start3A_532 = arith.constant 0 : i32
        %dma_start3A_533 = tpu.memref_slice %arg20[%dma_start3A_531, %dma_start3A_532] : memref<128x128xf32, #tpu.memory_space<vmem>> -> memref<128x128xf32, #tpu.memory_space<vmem>>
        %dma_start3A_534 = arith.constant 0 : i32
        %dma_start3A_535 = tpu.memref_slice %arg2[%add3A_488, %dma_start3A_534] : memref<20000x128xf32, #tpu.memory_space<hbm>> -> memref<128x128xf32, #tpu.memory_space<hbm>>
        tpu.enqueue_dma source(%dma_start3A_535 : memref<128x128xf32, #tpu.memory_space<hbm>>) target(%dma_start3A_533 : memref<128x128xf32, #tpu.memory_space<vmem>>) target_semaphore(%run_scoped3A : memref<!tpu.dma_semaphore, #tpu.memory_space<semaphore_mem>>)
        %dma_wait3A_536 = arith.constant 0 : i32
        %dma_wait3A_537 = arith.constant 0 : i32
        %dma_wait3A_538 = tpu.memref_slice %arg20[%dma_wait3A_536, %dma_wait3A_537] : memref<128x128xf32, #tpu.memory_space<vmem>> -> memref<128x128xf32, #tpu.memory_space<vmem>>
        %dma_wait3A_539 = arith.constant 0 : i32
        %dma_wait3A_540 = tpu.memref_slice %arg2[%add3A_488, %dma_wait3A_539] : memref<20000x128xf32, #tpu.memory_space<hbm>> -> memref<128x128xf32, #tpu.memory_space<hbm>>
        %dma_wait3A_541 = arith.constant 0 : i32
        %dma_wait3A_542 = arith.constant 0 : i32
        %dma_wait3A_543 = tpu.memref_slice %arg20[%dma_wait3A_541, %dma_wait3A_542] : memref<128x128xf32, #tpu.memory_space<vmem>> -> memref<128x128xf32, #tpu.memory_space<vmem>>
        %dma_wait3A_544 = arith.constant 0 : i32
        %dma_wait3A_545 = tpu.memref_slice %arg2[%add3A_488, %dma_wait3A_544] : memref<20000x128xf32, #tpu.memory_space<hbm>> -> memref<128x128xf32, #tpu.memory_space<hbm>>
        tpu.wait_dma2 semaphore(%run_scoped3A : memref<!tpu.dma_semaphore, #tpu.memory_space<semaphore_mem>>) src(%dma_wait3A_545 : memref<128x128xf32, #tpu.memory_space<hbm>>) dst(%dma_wait3A_543 : memref<128x128xf32, #tpu.memory_space<vmem>>)
        tpu.yield
      }) : () -> ()
      %scan3A_489 = arith.constant 0 : i32
      %scan3A_490 = arith.constant 0 : i32
      %scan3A_491 = arith.constant 8 : i32
      %scan3A_492 = arith.addi %scan3A_490, %scan3A_491 : i32
      %scan3A_493 = arith.constant 1 : i32
      %scan3A_494 = scf.for %scan3A_526 = %scan3A_490 to %scan3A_492 step %scan3A_493 iter_args(%scan3A_527 = %scan3A_489) -> (i32)  : i32 {
        %mul3A_528 = arith.constant 16 : i32
        %mul3A_529 = arith.muli %mul3A_528, %scan3A_526 : i32
        %add3A_530 = arith.constant 512 : i32
        %add3A_531 = arith.addi %add3A_530, %mul3A_529 : i32
        %get3A_532 = arith.index_cast %add3A_531 : i32 to index
        %get3A_533 = tpu.vector_load %arg22[%get3A_532] {strides = array<i32>} : memref<640xf32, #tpu.memory_space<vmem>>, vector<16xf32>,
        %scan3A_534 = arith.constant 0 : i32
        %scan3A_535 = arith.constant 0 : i32
        %scan3A_536 = arith.constant 16 : i32
        %scan3A_537 = arith.addi %scan3A_535, %scan3A_536 : i32
        %scan3A_538 = arith.constant 1 : i32
        %scan3A_539 = scf.for %scan3A_542 = %scan3A_535 to %scan3A_537 step %scan3A_538 iter_args(%scan3A_543 = %scan3A_534) -> (i32)  : i32 {
          %eq3A_544 = vector.broadcast %scan3A_542 : i32 to vector<16xi32>
          %eq3A_545 = arith.cmpi eq, %iota3A, %eq3A_544 : vector<16xi32>
          %jit3A = arith.constant 0.000000e+00 : f32
          %broadcast_in_dim3A_546 = vector.broadcast %jit3A : f32 to vector<16xf32>
          %select_n3A = arith.select %eq3A_545, %get3A_533, %broadcast_in_dim3A_546 : vector<16xi1>, vector<16xf32>
          %reduce_sum3A = arith.constant true
          %reduce_sum3A_547 = vector.broadcast %reduce_sum3A : i1 to vector<16xi1>
          %reduce_sum3A_548 = tpu.scan <sum>, %select_n3A masked %reduce_sum3A_547 : vector<16xf32>, vector<16xi1> -> vector<16xf32>
          %reduce_sum3A_549 = vector.extract %reduce_sum3A_548[15] : f32 from vector<16xf32>
          %mul3A_550 = arith.constant 16 : i32
          %mul3A_551 = arith.muli %mul3A_550, %scan3A_526 : i32
          %add3A_552 = arith.addi %mul3A_551, %scan3A_542 : i32
          %get3A_553 = arith.index_cast %add3A_552 : i32 to index
          %get3A_554 = arith.constant 0 : index
          %get3A_555 = tpu.vector_load %arg20[%get3A_553, %get3A_554] {strides = array<i32>} : memref<128x128xf32, #tpu.memory_space<vmem>>, vector<16xf32>,
          %mul3A_556 = vector.broadcast %reduce_sum3A_549 : f32 to vector<16xf32>
          %mul3A_557 = arith.mulf %get3A_555, %mul3A_556 : vector<16xf32>
          %mul3A_558 = arith.constant 16 : i32
          %mul3A_559 = arith.muli %mul3A_558, %scan3A_526 : i32
          %add3A_560 = arith.addi %mul3A_559, %scan3A_542 : i32
          %swap3A_561 = arith.index_cast %add3A_560 : i32 to index
          %swap3A_562 = arith.constant 0 : index
          %swap3A_563 = tpu.vector_load %arg20[%swap3A_561, %swap3A_562] {strides = array<i32>} : memref<128x128xf32, #tpu.memory_space<vmem>>, vector<16xf32>,
          tpu.vector_store %arg20[%swap3A_561, %swap3A_562], %mul3A_557 {strides = array<i32>} : memref<128x128xf32, #tpu.memory_space<vmem>>, vector<16xf32>,
          %mul3A_564 = arith.constant 16 : i32
          %mul3A_565 = arith.muli %mul3A_564, %scan3A_526 : i32
          %add3A_566 = arith.addi %mul3A_565, %scan3A_542 : i32
          %get3A_567 = arith.index_cast %add3A_566 : i32 to index
          %get3A_568 = arith.constant 16 : index
          %get3A_569 = tpu.vector_load %arg20[%get3A_567, %get3A_568] {strides = array<i32>} : memref<128x128xf32, #tpu.memory_space<vmem>>, vector<16xf32>,
          %mul3A_570 = vector.broadcast %reduce_sum3A_549 : f32 to vector<16xf32>
          %mul3A_571 = arith.mulf %get3A_569, %mul3A_570 : vector<16xf32>
          %mul3A_572 = arith.constant 16 : i32
          %mul3A_573 = arith.muli %mul3A_572, %scan3A_526 : i32
          %add3A_574 = arith.addi %mul3A_573, %scan3A_542 : i32
          %swap3A_575 = arith.index_cast %add3A_574 : i32 to index
          %swap3A_576 = arith.constant 16 : index
          %swap3A_577 = tpu.vector_load %arg20[%swap3A_575, %swap3A_576] {strides = array<i32>} : memref<128x128xf32, #tpu.memory_space<vmem>>, vector<16xf32>,
          tpu.vector_store %arg20[%swap3A_575, %swap3A_576], %mul3A_571 {strides = array<i32>} : memref<128x128xf32, #tpu.memory_space<vmem>>, vector<16xf32>,
          %mul3A_578 = arith.constant 16 : i32
          %mul3A_579 = arith.muli %mul3A_578, %scan3A_526 : i32
          %add3A_580 = arith.addi %mul3A_579, %scan3A_542 : i32
          %get3A_581 = arith.index_cast %add3A_580 : i32 to index
          %get3A_582 = arith.constant 32 : index
          %get3A_583 = tpu.vector_load %arg20[%get3A_581, %get3A_582] {strides = array<i32>} : memref<128x128xf32, #tpu.memory_space<vmem>>, vector<16xf32>,
          %mul3A_584 = vector.broadcast %reduce_sum3A_549 : f32 to vector<16xf32>
          %mul3A_585 = arith.mulf %get3A_583, %mul3A_584 : vector<16xf32>
          %mul3A_586 = arith.constant 16 : i32
          %mul3A_587 = arith.muli %mul3A_586, %scan3A_526 : i32
          %add3A_588 = arith.addi %mul3A_587, %scan3A_542 : i32
          %swap3A_589 = arith.index_cast %add3A_588 : i32 to index
          %swap3A_590 = arith.constant 32 : index
          %swap3A_591 = tpu.vector_load %arg20[%swap3A_589, %swap3A_590] {strides = array<i32>} : memref<128x128xf32, #tpu.memory_space<vmem>>, vector<16xf32>,
          tpu.vector_store %arg20[%swap3A_589, %swap3A_590], %mul3A_585 {strides = array<i32>} : memref<128x128xf32, #tpu.memory_space<vmem>>, vector<16xf32>,
          %mul3A_592 = arith.constant 16 : i32
          %mul3A_593 = arith.muli %mul3A_592, %scan3A_526 : i32
          %add3A_594 = arith.addi %mul3A_593, %scan3A_542 : i32
          %get3A_595 = arith.index_cast %add3A_594 : i32 to index
          %get3A_596 = arith.constant 48 : index
          %get3A_597 = tpu.vector_load %arg20[%get3A_595, %get3A_596] {strides = array<i32>} : memref<128x128xf32, #tpu.memory_space<vmem>>, vector<16xf32>,
          %mul3A_598 = vector.broadcast %reduce_sum3A_549 : f32 to vector<16xf32>
          %mul3A_599 = arith.mulf %get3A_597, %mul3A_598 : vector<16xf32>
          %mul3A_600 = arith.constant 16 : i32
          %mul3A_601 = arith.muli %mul3A_600, %scan3A_526 : i32
          %add3A_602 = arith.addi %mul3A_601, %scan3A_542 : i32
          %swap3A_603 = arith.index_cast %add3A_602 : i32 to index
          %swap3A_604 = arith.constant 48 : index
          %swap3A_605 = tpu.vector_load %arg20[%swap3A_603, %swap3A_604] {strides = array<i32>} : memref<128x128xf32, #tpu.memory_space<vmem>>, vector<16xf32>,
          tpu.vector_store %arg20[%swap3A_603, %swap3A_604], %mul3A_599 {strides = array<i32>} : memref<128x128xf32, #tpu.memory_space<vmem>>, vector<16xf32>,
          %mul3A_606 = arith.constant 16 : i32
          %mul3A_607 = arith.muli %mul3A_606, %scan3A_526 : i32
          %add3A_608 = arith.addi %mul3A_607, %scan3A_542 : i32
          %get3A_609 = arith.index_cast %add3A_608 : i32 to index
          %get3A_610 = arith.constant 64 : index
          %get3A_611 = tpu.vector_load %arg20[%get3A_609, %get3A_610] {strides = array<i32>} : memref<128x128xf32, #tpu.memory_space<vmem>>, vector<16xf32>,
          %mul3A_612 = vector.broadcast %reduce_sum3A_549 : f32 to vector<16xf32>
          %mul3A_613 = arith.mulf %get3A_611, %mul3A_612 : vector<16xf32>
          %mul3A_614 = arith.constant 16 : i32
          %mul3A_615 = arith.muli %mul3A_614, %scan3A_526 : i32
          %add3A_616 = arith.addi %mul3A_615, %scan3A_542 : i32
          %swap3A_617 = arith.index_cast %add3A_616 : i32 to index
          %swap3A_618 = arith.constant 64 : index
          %swap3A_619 = tpu.vector_load %arg20[%swap3A_617, %swap3A_618] {strides = array<i32>} : memref<128x128xf32, #tpu.memory_space<vmem>>, vector<16xf32>,
          tpu.vector_store %arg20[%swap3A_617, %swap3A_618], %mul3A_613 {strides = array<i32>} : memref<128x128xf32, #tpu.memory_space<vmem>>, vector<16xf32>,
          %mul3A_620 = arith.constant 16 : i32
          %mul3A_621 = arith.muli %mul3A_620, %scan3A_526 : i32
          %add3A_622 = arith.addi %mul3A_621, %scan3A_542 : i32
          %get3A_623 = arith.index_cast %add3A_622 : i32 to index
          %get3A_624 = arith.constant 80 : index
          %get3A_625 = tpu.vector_load %arg20[%get3A_623, %get3A_624] {strides = array<i32>} : memref<128x128xf32, #tpu.memory_space<vmem>>, vector<16xf32>,
          %mul3A_626 = vector.broadcast %reduce_sum3A_549 : f32 to vector<16xf32>
          %mul3A_627 = arith.mulf %get3A_625, %mul3A_626 : vector<16xf32>
          %mul3A_628 = arith.constant 16 : i32
          %mul3A_629 = arith.muli %mul3A_628, %scan3A_526 : i32
          %add3A_630 = arith.addi %mul3A_629, %scan3A_542 : i32
          %swap3A_631 = arith.index_cast %add3A_630 : i32 to index
          %swap3A_632 = arith.constant 80 : index
          %swap3A_633 = tpu.vector_load %arg20[%swap3A_631, %swap3A_632] {strides = array<i32>} : memref<128x128xf32, #tpu.memory_space<vmem>>, vector<16xf32>,
          tpu.vector_store %arg20[%swap3A_631, %swap3A_632], %mul3A_627 {strides = array<i32>} : memref<128x128xf32, #tpu.memory_space<vmem>>, vector<16xf32>,
          %mul3A_634 = arith.constant 16 : i32
          %mul3A_635 = arith.muli %mul3A_634, %scan3A_526 : i32
          %add3A_636 = arith.addi %mul3A_635, %scan3A_542 : i32
          %get3A_637 = arith.index_cast %add3A_636 : i32 to index
          %get3A_638 = arith.constant 96 : index
          %get3A_639 = tpu.vector_load %arg20[%get3A_637, %get3A_638] {strides = array<i32>} : memref<128x128xf32, #tpu.memory_space<vmem>>, vector<16xf32>,
          %mul3A_640 = vector.broadcast %reduce_sum3A_549 : f32 to vector<16xf32>
          %mul3A_641 = arith.mulf %get3A_639, %mul3A_640 : vector<16xf32>
          %mul3A_642 = arith.constant 16 : i32
          %mul3A_643 = arith.muli %mul3A_642, %scan3A_526 : i32
          %add3A_644 = arith.addi %mul3A_643, %scan3A_542 : i32
          %swap3A_645 = arith.index_cast %add3A_644 : i32 to index
          %swap3A_646 = arith.constant 96 : index
          %swap3A_647 = tpu.vector_load %arg20[%swap3A_645, %swap3A_646] {strides = array<i32>} : memref<128x128xf32, #tpu.memory_space<vmem>>, vector<16xf32>,
          tpu.vector_store %arg20[%swap3A_645, %swap3A_646], %mul3A_641 {strides = array<i32>} : memref<128x128xf32, #tpu.memory_space<vmem>>, vector<16xf32>,
          %mul3A_648 = arith.constant 16 : i32
          %mul3A_649 = arith.muli %mul3A_648, %scan3A_526 : i32
          %add3A_650 = arith.addi %mul3A_649, %scan3A_542 : i32
          %get3A_651 = arith.index_cast %add3A_650 : i32 to index
          %get3A_652 = arith.constant 112 : index
          %get3A_653 = tpu.vector_load %arg20[%get3A_651, %get3A_652] {strides = array<i32>} : memref<128x128xf32, #tpu.memory_space<vmem>>, vector<16xf32>,
          %mul3A_654 = vector.broadcast %reduce_sum3A_549 : f32 to vector<16xf32>
          %mul3A_655 = arith.mulf %get3A_653, %mul3A_654 : vector<16xf32>
          %mul3A_656 = arith.constant 16 : i32
          %mul3A_657 = arith.muli %mul3A_656, %scan3A_526 : i32
          %add3A_658 = arith.addi %mul3A_657, %scan3A_542 : i32
          %swap3A_659 = arith.index_cast %add3A_658 : i32 to index
          %swap3A_660 = arith.constant 112 : index
          %swap3A_661 = tpu.vector_load %arg20[%swap3A_659, %swap3A_660] {strides = array<i32>} : memref<128x128xf32, #tpu.memory_space<vmem>>, vector<16xf32>,
          tpu.vector_store %arg20[%swap3A_659, %swap3A_660], %mul3A_655 {strides = array<i32>} : memref<128x128xf32, #tpu.memory_space<vmem>>, vector<16xf32>,
          %scan3A_662 = arith.constant 0 : i32
          scf.yield %scan3A_662 : i32
        }
        %scan3A_540 = arith.constant 16 : i32
        %scan3A_541 = arith.constant 0 : i32
        scf.yield %scan3A_541 : i32
      }
      %scan3A_495 = arith.constant 8 : i32
      %mul3A_496 = arith.constant 10000 : i32
      %mul3A_497 = arith.muli %arg0, %mul3A_496 : i32
      %add3A_498 = arith.addi %mul3A_497, %mul3A_0 : i32
      %add3A_499 = arith.constant 512 : i32
      %add3A_500 = arith.addi %add3A_498, %add3A_499 : i32
      %dma_start3A_501 = arith.constant 0 : i32
      %dma_start3A_502 = arith.constant 0 : i32
      %dma_start3A_503 = tpu.memref_slice %arg20[%dma_start3A_501, %dma_start3A_502] : memref<128x128xf32, #tpu.memory_space<vmem>> -> memref<128x128xf32, #tpu.memory_space<vmem>>
      %dma_start3A_504 = arith.constant 0 : i32
      %dma_start3A_505 = tpu.memref_slice %arg6[%add3A_500, %dma_start3A_504] : memref<20000x128xf32, #tpu.memory_space<hbm>> -> memref<128x128xf32, #tpu.memory_space<hbm>>
      %dma_start3A_506 = arith.constant 0 : i32
      %dma_start3A_507 = tpu.memref_slice %arg6[%add3A_500, %dma_start3A_506] : memref<20000x128xf32, #tpu.memory_space<hbm>> -> memref<128x128xf32, #tpu.memory_space<hbm>>
      %dma_start3A_508 = arith.constant 0 : i32
      %dma_start3A_509 = arith.constant 0 : i32
      %dma_start3A_510 = tpu.memref_slice %arg20[%dma_start3A_508, %dma_start3A_509] : memref<128x128xf32, #tpu.memory_space<vmem>> -> memref<128x128xf32, #tpu.memory_space<vmem>>
      tpu.enqueue_dma source(%dma_start3A_510 : memref<128x128xf32, #tpu.memory_space<vmem>>) target(%dma_start3A_507 : memref<128x128xf32, #tpu.memory_space<hbm>>) target_semaphore(%arg23 : memref<!tpu.dma_semaphore, #tpu.memory_space<semaphore_mem>>)
      %mul3A_511 = arith.constant 10000 : i32
      %mul3A_512 = arith.muli %arg0, %mul3A_511 : i32
      %add3A_513 = arith.addi %mul3A_512, %mul3A_0 : i32
      %add3A_514 = arith.constant 512 : i32
      %add3A_515 = arith.addi %add3A_513, %add3A_514 : i32
      %dma_wait3A_516 = arith.constant 0 : i32
      %dma_wait3A_517 = arith.constant 0 : i32
      %dma_wait3A_518 = tpu.memref_slice %arg20[%dma_wait3A_516, %dma_wait3A_517] : memref<128x128xf32, #tpu.memory_space<vmem>> -> memref<128x128xf32, #tpu.memory_space<vmem>>
      %dma_wait3A_519 = arith.constant 0 : i32
      %dma_wait3A_520 = tpu.memref_slice %arg6[%add3A_515, %dma_wait3A_519] : memref<20000x128xf32, #tpu.memory_space<hbm>> -> memref<128x128xf32, #tpu.memory_space<hbm>>
      %dma_wait3A_521 = arith.constant 0 : i32
      %dma_wait3A_522 = tpu.memref_slice %arg6[%add3A_515, %dma_wait3A_521] : memref<20000x128xf32, #tpu.memory_space<hbm>> -> memref<128x128xf32, #tpu.memory_space<hbm>>
      %dma_wait3A_523 = arith.constant 0 : i32
      %dma_wait3A_524 = arith.constant 0 : i32
      %dma_wait3A_525 = tpu.memref_slice %arg20[%dma_wait3A_523, %dma_wait3A_524] : memref<128x128xf32, #tpu.memory_space<vmem>> -> memref<128x128xf32, #tpu.memory_space<vmem>>
      tpu.wait_dma2 semaphore(%arg23 : memref<!tpu.dma_semaphore, #tpu.memory_space<semaphore_mem>>) src(%dma_wait3A_525 : memref<128x128xf32, #tpu.memory_space<vmem>>) dst(%dma_wait3A_522 : memref<128x128xf32, #tpu.memory_space<hbm>>)
    } else {
    }
    %mul3A_227 = arith.constant 10000 : i32
    %mul3A_228 = arith.muli %arg0, %mul3A_227 : i32
    %add3A_229 = arith.addi %mul3A_228, %mul3A_0 : i32
    %add3A_230 = arith.constant 384 : i32
    %add3A_231 = arith.addi %add3A_229, %add3A_230 : i32
    %dma_wait3A_232 = arith.constant 0 : i32
    %dma_wait3A_233 = arith.constant 0 : i32
    %dma_wait3A_234 = tpu.memref_slice %arg21[%dma_wait3A_232, %dma_wait3A_233] : memref<128x128xf32, #tpu.memory_space<vmem>> -> memref<128x128xf32, #tpu.memory_space<vmem>>
    %dma_wait3A_235 = arith.constant 0 : i32
    %dma_wait3A_236 = tpu.memref_slice %arg6[%add3A_231, %dma_wait3A_235] : memref<20000x128xf32, #tpu.memory_space<hbm>> -> memref<128x128xf32, #tpu.memory_space<hbm>>
    %dma_wait3A_237 = arith.constant 0 : i32
    %dma_wait3A_238 = tpu.memref_slice %arg6[%add3A_231, %dma_wait3A_237] : memref<20000x128xf32, #tpu.memory_space<hbm>> -> memref<128x128xf32, #tpu.memory_space<hbm>>
    %dma_wait3A_239 = arith.constant 0 : i32
    %dma_wait3A_240 = arith.constant 0 : i32
    %dma_wait3A_241 = tpu.memref_slice %arg21[%dma_wait3A_239, %dma_wait3A_240] : memref<128x128xf32, #tpu.memory_space<vmem>> -> memref<128x128xf32, #tpu.memory_space<vmem>>
    tpu.wait_dma2 semaphore(%arg24 : memref<!tpu.dma_semaphore, #tpu.memory_space<semaphore_mem>>) src(%dma_wait3A_241 : memref<128x128xf32, #tpu.memory_space<vmem>>) dst(%dma_wait3A_238 : memref<128x128xf32, #tpu.memory_space<hbm>>)
    %barrier3A_242 = arith.constant 0 : index
    tpu.barrier barrier_id(%barrier3A_242)
    %mul3A_243 = arith.constant 10000 : i32
    %mul3A_244 = arith.muli %arg1, %mul3A_243 : i32
    %mul3A_245 = arith.constant 10000 : i32
    %mul3A_246 = arith.muli %arg0, %mul3A_245 : i32
    %add3A_247 = arith.constant 0 : i32
    %add3A_248 = arith.addi %mul3A_244, %add3A_247 : i32
    %dma_start3A_249 = tpu.memref_slice %arg3[%add3A_248] : memref<160000xi32, #tpu.memory_space<hbm>> -> memref<128xi32, #tpu.memory_space<hbm>>
    %dma_start3A_250 = tpu.memref_slice %arg3[%add3A_248] : memref<160000xi32, #tpu.memory_space<hbm>> -> memref<128xi32, #tpu.memory_space<hbm>>
    tpu.enqueue_dma source(%dma_start3A_250 : memref<128xi32, #tpu.memory_space<hbm>>) target(%arg8 : memref<128xi32, #tpu.memory_space<vmem>>) target_semaphore(%arg25 : memref<!tpu.dma_semaphore, #tpu.memory_space<semaphore_mem>>)
    %add3A_251 = arith.constant 0 : i32
    %add3A_252 = arith.addi %mul3A_244, %add3A_251 : i32
    %dma_wait3A_253 = tpu.memref_slice %arg3[%add3A_252] : memref<160000xi32, #tpu.memory_space<hbm>> -> memref<128xi32, #tpu.memory_space<hbm>>
    %dma_wait3A_254 = tpu.memref_slice %arg3[%add3A_252] : memref<160000xi32, #tpu.memory_space<hbm>> -> memref<128xi32, #tpu.memory_space<hbm>>
    tpu.wait_dma2 semaphore(%arg25 : memref<!tpu.dma_semaphore, #tpu.memory_space<semaphore_mem>>) src(%dma_wait3A_254 : memref<128xi32, #tpu.memory_space<hbm>>) dst(%arg8 : memref<128xi32, #tpu.memory_space<vmem>>)
    %get3A = arith.constant 0 : index
    %get3A_255 = tpu.vector_load %arg8[%get3A] {strides = array<i32>} : memref<128xi32, #tpu.memory_space<vmem>>, vector<16xi32>,
    %add3A_256 = vector.broadcast %mul3A_246 : i32 to vector<16xi32>
    %add3A_257 = arith.addi %get3A_255, %add3A_256 : vector<16xi32>
    %swap3A_258 = arith.constant 0 : index
    %swap3A_259 = tpu.vector_load %arg8[%swap3A_258] {strides = array<i32>} : memref<128xi32, #tpu.memory_space<vmem>>, vector<16xi32>,
    tpu.vector_store %arg8[%swap3A_258], %add3A_257 {strides = array<i32>} : memref<128xi32, #tpu.memory_space<vmem>>, vector<16xi32>,
    %get3A_260 = arith.constant 16 : index
    %get3A_261 = tpu.vector_load %arg8[%get3A_260] {strides = array<i32>} : memref<128xi32, #tpu.memory_space<vmem>>, vector<16xi32>,
    %add3A_262 = vector.broadcast %mul3A_246 : i32 to vector<16xi32>
    %add3A_263 = arith.addi %get3A_261, %add3A_262 : vector<16xi32>
    %swap3A_264 = arith.constant 16 : index
    %swap3A_265 = tpu.vector_load %arg8[%swap3A_264] {strides = array<i32>} : memref<128xi32, #tpu.memory_space<vmem>>, vector<16xi32>,
    tpu.vector_store %arg8[%swap3A_264], %add3A_263 {strides = array<i32>} : memref<128xi32, #tpu.memory_space<vmem>>, vector<16xi32>,
    %get3A_266 = arith.constant 32 : index
    %get3A_267 = tpu.vector_load %arg8[%get3A_266] {strides = array<i32>} : memref<128xi32, #tpu.memory_space<vmem>>, vector<16xi32>,
    %add3A_268 = vector.broadcast %mul3A_246 : i32 to vector<16xi32>
    %add3A_269 = arith.addi %get3A_267, %add3A_268 : vector<16xi32>
    %swap3A_270 = arith.constant 32 : index
    %swap3A_271 = tpu.vector_load %arg8[%swap3A_270] {strides = array<i32>} : memref<128xi32, #tpu.memory_space<vmem>>, vector<16xi32>,
    tpu.vector_store %arg8[%swap3A_270], %add3A_269 {strides = array<i32>} : memref<128xi32, #tpu.memory_space<vmem>>, vector<16xi32>,
    %get3A_272 = arith.constant 48 : index
    %get3A_273 = tpu.vector_load %arg8[%get3A_272] {strides = array<i32>} : memref<128xi32, #tpu.memory_space<vmem>>, vector<16xi32>,
    %add3A_274 = vector.broadcast %mul3A_246 : i32 to vector<16xi32>
    %add3A_275 = arith.addi %get3A_273, %add3A_274 : vector<16xi32>
    %swap3A_276 = arith.constant 48 : index
    %swap3A_277 = tpu.vector_load %arg8[%swap3A_276] {strides = array<i32>} : memref<128xi32, #tpu.memory_space<vmem>>, vector<16xi32>,
    tpu.vector_store %arg8[%swap3A_276], %add3A_275 {strides = array<i32>} : memref<128xi32, #tpu.memory_space<vmem>>, vector<16xi32>,
    %get3A_278 = arith.constant 64 : index
    %get3A_279 = tpu.vector_load %arg8[%get3A_278] {strides = array<i32>} : memref<128xi32, #tpu.memory_space<vmem>>, vector<16xi32>,
    %add3A_280 = vector.broadcast %mul3A_246 : i32 to vector<16xi32>
    %add3A_281 = arith.addi %get3A_279, %add3A_280 : vector<16xi32>
    %swap3A_282 = arith.constant 64 : index
    %swap3A_283 = tpu.vector_load %arg8[%swap3A_282] {strides = array<i32>} : memref<128xi32, #tpu.memory_space<vmem>>, vector<16xi32>,
    tpu.vector_store %arg8[%swap3A_282], %add3A_281 {strides = array<i32>} : memref<128xi32, #tpu.memory_space<vmem>>, vector<16xi32>,
    %get3A_284 = arith.constant 80 : index
    %get3A_285 = tpu.vector_load %arg8[%get3A_284] {strides = array<i32>} : memref<128xi32, #tpu.memory_space<vmem>>, vector<16xi32>,
    %add3A_286 = vector.broadcast %mul3A_246 : i32 to vector<16xi32>
    %add3A_287 = arith.addi %get3A_285, %add3A_286 : vector<16xi32>
    %swap3A_288 = arith.constant 80 : index
    %swap3A_289 = tpu.vector_load %arg8[%swap3A_288] {strides = array<i32>} : memref<128xi32, #tpu.memory_space<vmem>>, vector<16xi32>,
    tpu.vector_store %arg8[%swap3A_288], %add3A_287 {strides = array<i32>} : memref<128xi32, #tpu.memory_space<vmem>>, vector<16xi32>,
    %get3A_290 = arith.constant 96 : index
    %get3A_291 = tpu.vector_load %arg8[%get3A_290] {strides = array<i32>} : memref<128xi32, #tpu.memory_space<vmem>>, vector<16xi32>,
    %add3A_292 = vector.broadcast %mul3A_246 : i32 to vector<16xi32>
    %add3A_293 = arith.addi %get3A_291, %add3A_292 : vector<16xi32>
    %swap3A_294 = arith.constant 96 : index
    %swap3A_295 = tpu.vector_load %arg8[%swap3A_294] {strides = array<i32>} : memref<128xi32, #tpu.memory_space<vmem>>, vector<16xi32>,
    tpu.vector_store %arg8[%swap3A_294], %add3A_293 {strides = array<i32>} : memref<128xi32, #tpu.memory_space<vmem>>, vector<16xi32>,
    %get3A_296 = arith.constant 112 : index
    %get3A_297 = tpu.vector_load %arg8[%get3A_296] {strides = array<i32>} : memref<128xi32, #tpu.memory_space<vmem>>, vector<16xi32>,
    %add3A_298 = vector.broadcast %mul3A_246 : i32 to vector<16xi32>
    %add3A_299 = arith.addi %get3A_297, %add3A_298 : vector<16xi32>
    %swap3A_300 = arith.constant 112 : index
    %swap3A_301 = tpu.vector_load %arg8[%swap3A_300] {strides = array<i32>} : memref<128xi32, #tpu.memory_space<vmem>>, vector<16xi32>,
    tpu.vector_store %arg8[%swap3A_300], %add3A_299 {strides = array<i32>} : memref<128xi32, #tpu.memory_space<vmem>>, vector<16xi32>,
    %dma_start3A_302 = arith.constant 0 : i32
    %dma_start3A_303 = arith.constant 0 : i32
    %dma_start3A_304 = tpu.memref_slice %arg6[%dma_start3A_302, %dma_start3A_303] : memref<20000x128xf32, #tpu.memory_space<hbm>> -> memref<20000x128xf32, #tpu.memory_space<hbm>>
    tpu.enqueue_indirect_dma source(%dma_start3A_304 : memref<20000x128xf32, #tpu.memory_space<hbm>>) target(%arg20 : memref<128x128xf32, #tpu.memory_space<vmem>>) offsets(%arg8 : memref<128xi32, #tpu.memory_space<vmem>>) semaphore(%arg23 : memref<!tpu.dma_semaphore, #tpu.memory_space<semaphore_mem>>)
    %add3A_305 = arith.constant 128 : i32
    %add3A_306 = arith.addi %mul3A_244, %add3A_305 : i32
    %dma_start3A_307 = tpu.memref_slice %arg3[%add3A_306] : memref<160000xi32, #tpu.memory_space<hbm>> -> memref<128xi32, #tpu.memory_space<hbm>>
    %dma_start3A_308 = tpu.memref_slice %arg3[%add3A_306] : memref<160000xi32, #tpu.memory_space<hbm>> -> memref<128xi32, #tpu.memory_space<hbm>>
    tpu.enqueue_dma source(%dma_start3A_308 : memref<128xi32, #tpu.memory_space<hbm>>) target(%arg9 : memref<128xi32, #tpu.memory_space<vmem>>) target_semaphore(%arg26 : memref<!tpu.dma_semaphore, #tpu.memory_space<semaphore_mem>>)
    %scan3A_309 = arith.constant 0 : i32
    %scan3A_310 = arith.constant 0 : i32
    %scan3A_311 = arith.constant 39 : i32
    %scan3A_312 = arith.addi %scan3A_310, %scan3A_311 : i32
    %scan3A_313 = arith.constant 1 : i32
    %scan3A_314 = scf.for %scan3A_484 = %scan3A_310 to %scan3A_312 step %scan3A_313 iter_args(%scan3A_485 = %scan3A_309) -> (i32)  : i32 {
      %mul3A_486 = arith.constant 2 : i32
      %mul3A_487 = arith.muli %mul3A_486, %scan3A_484 : i32
      %gt3A = arith.constant 0 : i32
      %gt3A_488 = arith.cmpi sgt, %scan3A_484, %gt3A : i32
      %convert_element_type3A_489 = arith.extui %gt3A_488 : i1 to i32
      %cond3A_490 = arith.constant 0 : i32
      %cond3A_491 = arith.cmpi ne, %convert_element_type3A_489, %cond3A_490 : i32
      scf.if %cond3A_491 {
        %dma_wait3A_688 = arith.constant 0 : i32
        %dma_wait3A_689 = arith.constant 0 : i32
        %dma_wait3A_690 = tpu.memref_slice %arg31[%dma_wait3A_688, %dma_wait3A_689] : memref<10000x128xf32, #tpu.memory_space<vmem_shared>> -> memref<10000x128xf32, #tpu.memory_space<vmem_shared>>
        tpu.wait_indirect_dma semaphore(%arg28 : memref<!tpu.dma_semaphore, #tpu.memory_space<semaphore_mem>>) src(%arg21 : memref<128x128xf32, #tpu.memory_space<vmem>>) dst(%dma_wait3A_690 : memref<10000x128xf32, #tpu.memory_space<vmem_shared>>)
      } else {
      }
      %add3A_492 = arith.constant 1 : i32
      %add3A_493 = arith.addi %mul3A_487, %add3A_492 : i32
      %mul3A_494 = arith.constant 128 : i32
      %mul3A_495 = arith.muli %mul3A_494, %add3A_493 : i32
      %add3A_496 = arith.addi %mul3A_244, %mul3A_495 : i32
      %dma_wait3A_497 = tpu.memref_slice %arg3[%add3A_496] : memref<160000xi32, #tpu.memory_space<hbm>> -> memref<128xi32, #tpu.memory_space<hbm>>
      %dma_wait3A_498 = tpu.memref_slice %arg3[%add3A_496] : memref<160000xi32, #tpu.memory_space<hbm>> -> memref<128xi32, #tpu.memory_space<hbm>>
      tpu.wait_dma2 semaphore(%arg26 : memref<!tpu.dma_semaphore, #tpu.memory_space<semaphore_mem>>) src(%dma_wait3A_498 : memref<128xi32, #tpu.memory_space<hbm>>) dst(%arg9 : memref<128xi32, #tpu.memory_space<vmem>>)
      %get3A_499 = arith.constant 0 : index
      %get3A_500 = tpu.vector_load %arg9[%get3A_499] {strides = array<i32>} : memref<128xi32, #tpu.memory_space<vmem>>, vector<16xi32>,
      %add3A_501 = vector.broadcast %mul3A_246 : i32 to vector<16xi32>
      %add3A_502 = arith.addi %get3A_500, %add3A_501 : vector<16xi32>
      %swap3A_503 = arith.constant 0 : index
      %swap3A_504 = tpu.vector_load %arg9[%swap3A_503] {strides = array<i32>} : memref<128xi32, #tpu.memory_space<vmem>>, vector<16xi32>,
      tpu.vector_store %arg9[%swap3A_503], %add3A_502 {strides = array<i32>} : memref<128xi32, #tpu.memory_space<vmem>>, vector<16xi32>,
      %get3A_505 = arith.constant 16 : index
      %get3A_506 = tpu.vector_load %arg9[%get3A_505] {strides = array<i32>} : memref<128xi32, #tpu.memory_space<vmem>>, vector<16xi32>,
      %add3A_507 = vector.broadcast %mul3A_246 : i32 to vector<16xi32>
      %add3A_508 = arith.addi %get3A_506, %add3A_507 : vector<16xi32>
      %swap3A_509 = arith.constant 16 : index
      %swap3A_510 = tpu.vector_load %arg9[%swap3A_509] {strides = array<i32>} : memref<128xi32, #tpu.memory_space<vmem>>, vector<16xi32>,
      tpu.vector_store %arg9[%swap3A_509], %add3A_508 {strides = array<i32>} : memref<128xi32, #tpu.memory_space<vmem>>, vector<16xi32>,
      %get3A_511 = arith.constant 32 : index
      %get3A_512 = tpu.vector_load %arg9[%get3A_511] {strides = array<i32>} : memref<128xi32, #tpu.memory_space<vmem>>, vector<16xi32>,
      %add3A_513 = vector.broadcast %mul3A_246 : i32 to vector<16xi32>
      %add3A_514 = arith.addi %get3A_512, %add3A_513 : vector<16xi32>
      %swap3A_515 = arith.constant 32 : index
      %swap3A_516 = tpu.vector_load %arg9[%swap3A_515] {strides = array<i32>} : memref<128xi32, #tpu.memory_space<vmem>>, vector<16xi32>,
      tpu.vector_store %arg9[%swap3A_515], %add3A_514 {strides = array<i32>} : memref<128xi32, #tpu.memory_space<vmem>>, vector<16xi32>,
      %get3A_517 = arith.constant 48 : index
      %get3A_518 = tpu.vector_load %arg9[%get3A_517] {strides = array<i32>} : memref<128xi32, #tpu.memory_space<vmem>>, vector<16xi32>,
      %add3A_519 = vector.broadcast %mul3A_246 : i32 to vector<16xi32>
      %add3A_520 = arith.addi %get3A_518, %add3A_519 : vector<16xi32>
      %swap3A_521 = arith.constant 48 : index
      %swap3A_522 = tpu.vector_load %arg9[%swap3A_521] {strides = array<i32>} : memref<128xi32, #tpu.memory_space<vmem>>, vector<16xi32>,
      tpu.vector_store %arg9[%swap3A_521], %add3A_520 {strides = array<i32>} : memref<128xi32, #tpu.memory_space<vmem>>, vector<16xi32>,
      %get3A_523 = arith.constant 64 : index
      %get3A_524 = tpu.vector_load %arg9[%get3A_523] {strides = array<i32>} : memref<128xi32, #tpu.memory_space<vmem>>, vector<16xi32>,
      %add3A_525 = vector.broadcast %mul3A_246 : i32 to vector<16xi32>
      %add3A_526 = arith.addi %get3A_524, %add3A_525 : vector<16xi32>
      %swap3A_527 = arith.constant 64 : index
      %swap3A_528 = tpu.vector_load %arg9[%swap3A_527] {strides = array<i32>} : memref<128xi32, #tpu.memory_space<vmem>>, vector<16xi32>,
      tpu.vector_store %arg9[%swap3A_527], %add3A_526 {strides = array<i32>} : memref<128xi32, #tpu.memory_space<vmem>>, vector<16xi32>,
      %get3A_529 = arith.constant 80 : index
      %get3A_530 = tpu.vector_load %arg9[%get3A_529] {strides = array<i32>} : memref<128xi32, #tpu.memory_space<vmem>>, vector<16xi32>,
      %add3A_531 = vector.broadcast %mul3A_246 : i32 to vector<16xi32>
      %add3A_532 = arith.addi %get3A_530, %add3A_531 : vector<16xi32>
      %swap3A_533 = arith.constant 80 : index
      %swap3A_534 = tpu.vector_load %arg9[%swap3A_533] {strides = array<i32>} : memref<128xi32, #tpu.memory_space<vmem>>, vector<16xi32>,
      tpu.vector_store %arg9[%swap3A_533], %add3A_532 {strides = array<i32>} : memref<128xi32, #tpu.memory_space<vmem>>, vector<16xi32>,
      %get3A_535 = arith.constant 96 : index
      %get3A_536 = tpu.vector_load %arg9[%get3A_535] {strides = array<i32>} : memref<128xi32, #tpu.memory_space<vmem>>, vector<16xi32>,
      %add3A_537 = vector.broadcast %mul3A_246 : i32 to vector<16xi32>
      %add3A_538 = arith.addi %get3A_536, %add3A_537 : vector<16xi32>
      %swap3A_539 = arith.constant 96 : index
      %swap3A_540 = tpu.vector_load %arg9[%swap3A_539] {strides = array<i32>} : memref<128xi32, #tpu.memory_space<vmem>>, vector<16xi32>,
      tpu.vector_store %arg9[%swap3A_539], %add3A_538 {strides = array<i32>} : memref<128xi32, #tpu.memory_space<vmem>>, vector<16xi32>,
      %get3A_541 = arith.constant 112 : index
      %get3A_542 = tpu.vector_load %arg9[%get3A_541] {strides = array<i32>} : memref<128xi32, #tpu.memory_space<vmem>>, vector<16xi32>,
      %add3A_543 = vector.broadcast %mul3A_246 : i32 to vector<16xi32>
      %add3A_544 = arith.addi %get3A_542, %add3A_543 : vector<16xi32>
      %swap3A_545 = arith.constant 112 : index
      %swap3A_546 = tpu.vector_load %arg9[%swap3A_545] {strides = array<i32>} : memref<128xi32, #tpu.memory_space<vmem>>, vector<16xi32>,
      tpu.vector_store %arg9[%swap3A_545], %add3A_544 {strides = array<i32>} : memref<128xi32, #tpu.memory_space<vmem>>, vector<16xi32>,
      %dma_start3A_547 = arith.constant 0 : i32
      %dma_start3A_548 = arith.constant 0 : i32
      %dma_start3A_549 = tpu.memref_slice %arg6[%dma_start3A_547, %dma_start3A_548] : memref<20000x128xf32, #tpu.memory_space<hbm>> -> memref<20000x128xf32, #tpu.memory_space<hbm>>
      tpu.enqueue_indirect_dma source(%dma_start3A_549 : memref<20000x128xf32, #tpu.memory_space<hbm>>) target(%arg21 : memref<128x128xf32, #tpu.memory_space<vmem>>) offsets(%arg9 : memref<128xi32, #tpu.memory_space<vmem>>) semaphore(%arg24 : memref<!tpu.dma_semaphore, #tpu.memory_space<semaphore_mem>>)
      %dma_wait3A_550 = arith.constant 0 : i32
      %dma_wait3A_551 = arith.constant 0 : i32
      %dma_wait3A_552 = tpu.memref_slice %arg6[%dma_wait3A_550, %dma_wait3A_551] : memref<20000x128xf32, #tpu.memory_space<hbm>> -> memref<20000x128xf32, #tpu.memory_space<hbm>>
      tpu.wait_indirect_dma semaphore(%arg23 : memref<!tpu.dma_semaphore, #tpu.memory_space<semaphore_mem>>) src(%dma_wait3A_552 : memref<20000x128xf32, #tpu.memory_space<hbm>>) dst(%arg20 : memref<128x128xf32, #tpu.memory_space<vmem>>)
      %mul3A_553 = arith.constant 128 : i32
      %mul3A_554 = arith.muli %mul3A_553, %mul3A_487 : i32
      %add3A_555 = arith.constant 0 : i32
      %add3A_556 = arith.addi %mul3A_554, %add3A_555 : i32
      %get3A_557 = arith.index_cast %add3A_556 : i32 to index
      %get3A_558 = tpu.vector_load %arg7[%get3A_557] {strides = array<i32>} : memref<10000xi32, #tpu.memory_space<vmem>>, vector<16xi32>,
      %swap3A_559 = arith.constant 0 : index
      %swap3A_560 = tpu.vector_load %arg10[%swap3A_559] {strides = array<i32>} : memref<128xi32, #tpu.memory_space<vmem>>, vector<16xi32>,
      tpu.vector_store %arg10[%swap3A_559], %get3A_558 {strides = array<i32>} : memref<128xi32, #tpu.memory_space<vmem>>, vector<16xi32>,
      %add3A_561 = arith.constant 16 : i32
      %add3A_562 = arith.addi %mul3A_554, %add3A_561 : i32
      %get3A_563 = arith.index_cast %add3A_562 : i32 to index
      %get3A_564 = tpu.vector_load %arg7[%get3A_563] {strides = array<i32>} : memref<10000xi32, #tpu.memory_space<vmem>>, vector<16xi32>,
      %swap3A_565 = arith.constant 16 : index
      %swap3A_566 = tpu.vector_load %arg10[%swap3A_565] {strides = array<i32>} : memref<128xi32, #tpu.memory_space<vmem>>, vector<16xi32>,
      tpu.vector_store %arg10[%swap3A_565], %get3A_564 {strides = array<i32>} : memref<128xi32, #tpu.memory_space<vmem>>, vector<16xi32>,
      %add3A_567 = arith.constant 32 : i32
      %add3A_568 = arith.addi %mul3A_554, %add3A_567 : i32
      %get3A_569 = arith.index_cast %add3A_568 : i32 to index
      %get3A_570 = tpu.vector_load %arg7[%get3A_569] {strides = array<i32>} : memref<10000xi32, #tpu.memory_space<vmem>>, vector<16xi32>,
      %swap3A_571 = arith.constant 32 : index
      %swap3A_572 = tpu.vector_load %arg10[%swap3A_571] {strides = array<i32>} : memref<128xi32, #tpu.memory_space<vmem>>, vector<16xi32>,
      tpu.vector_store %arg10[%swap3A_571], %get3A_570 {strides = array<i32>} : memref<128xi32, #tpu.memory_space<vmem>>, vector<16xi32>,
      %add3A_573 = arith.constant 48 : i32
      %add3A_574 = arith.addi %mul3A_554, %add3A_573 : i32
      %get3A_575 = arith.index_cast %add3A_574 : i32 to index
      %get3A_576 = tpu.vector_load %arg7[%get3A_575] {strides = array<i32>} : memref<10000xi32, #tpu.memory_space<vmem>>, vector<16xi32>,
      %swap3A_577 = arith.constant 48 : index
      %swap3A_578 = tpu.vector_load %arg10[%swap3A_577] {strides = array<i32>} : memref<128xi32, #tpu.memory_space<vmem>>, vector<16xi32>,
      tpu.vector_store %arg10[%swap3A_577], %get3A_576 {strides = array<i32>} : memref<128xi32, #tpu.memory_space<vmem>>, vector<16xi32>,
      %add3A_579 = arith.constant 64 : i32
      %add3A_580 = arith.addi %mul3A_554, %add3A_579 : i32
      %get3A_581 = arith.index_cast %add3A_580 : i32 to index
      %get3A_582 = tpu.vector_load %arg7[%get3A_581] {strides = array<i32>} : memref<10000xi32, #tpu.memory_space<vmem>>, vector<16xi32>,
      %swap3A_583 = arith.constant 64 : index
      %swap3A_584 = tpu.vector_load %arg10[%swap3A_583] {strides = array<i32>} : memref<128xi32, #tpu.memory_space<vmem>>, vector<16xi32>,
      tpu.vector_store %arg10[%swap3A_583], %get3A_582 {strides = array<i32>} : memref<128xi32, #tpu.memory_space<vmem>>, vector<16xi32>,
      %add3A_585 = arith.constant 80 : i32
      %add3A_586 = arith.addi %mul3A_554, %add3A_585 : i32
      %get3A_587 = arith.index_cast %add3A_586 : i32 to index
      %get3A_588 = tpu.vector_load %arg7[%get3A_587] {strides = array<i32>} : memref<10000xi32, #tpu.memory_space<vmem>>, vector<16xi32>,
      %swap3A_589 = arith.constant 80 : index
      %swap3A_590 = tpu.vector_load %arg10[%swap3A_589] {strides = array<i32>} : memref<128xi32, #tpu.memory_space<vmem>>, vector<16xi32>,
      tpu.vector_store %arg10[%swap3A_589], %get3A_588 {strides = array<i32>} : memref<128xi32, #tpu.memory_space<vmem>>, vector<16xi32>,
      %add3A_591 = arith.constant 96 : i32
      %add3A_592 = arith.addi %mul3A_554, %add3A_591 : i32
      %get3A_593 = arith.index_cast %add3A_592 : i32 to index
      %get3A_594 = tpu.vector_load %arg7[%get3A_593] {strides = array<i32>} : memref<10000xi32, #tpu.memory_space<vmem>>, vector<16xi32>,
      %swap3A_595 = arith.constant 96 : index
      %swap3A_596 = tpu.vector_load %arg10[%swap3A_595] {strides = array<i32>} : memref<128xi32, #tpu.memory_space<vmem>>, vector<16xi32>,
      tpu.vector_store %arg10[%swap3A_595], %get3A_594 {strides = array<i32>} : memref<128xi32, #tpu.memory_space<vmem>>, vector<16xi32>,
      %add3A_597 = arith.constant 112 : i32
      %add3A_598 = arith.addi %mul3A_554, %add3A_597 : i32
      %get3A_599 = arith.index_cast %add3A_598 : i32 to index
      %get3A_600 = tpu.vector_load %arg7[%get3A_599] {strides = array<i32>} : memref<10000xi32, #tpu.memory_space<vmem>>, vector<16xi32>,
      %swap3A_601 = arith.constant 112 : index
      %swap3A_602 = tpu.vector_load %arg10[%swap3A_601] {strides = array<i32>} : memref<128xi32, #tpu.memory_space<vmem>>, vector<16xi32>,
      tpu.vector_store %arg10[%swap3A_601], %get3A_600 {strides = array<i32>} : memref<128xi32, #tpu.memory_space<vmem>>, vector<16xi32>,
      %dma_start3A_603 = arith.constant 0 : i32
      %dma_start3A_604 = arith.constant 0 : i32
      %dma_start3A_605 = tpu.memref_slice %arg31[%dma_start3A_603, %dma_start3A_604] : memref<10000x128xf32, #tpu.memory_space<vmem_shared>> -> memref<10000x128xf32, #tpu.memory_space<vmem_shared>>
      tpu.enqueue_indirect_dma source(%arg20 : memref<128x128xf32, #tpu.memory_space<vmem>>) target(%dma_start3A_605 : memref<10000x128xf32, #tpu.memory_space<vmem_shared>>) offsets(%arg10 : memref<128xi32, #tpu.memory_space<vmem>>) semaphore(%arg27 : memref<!tpu.dma_semaphore, #tpu.memory_space<semaphore_mem>>) {add = true}
      %add3A_606 = arith.constant 2 : i32
      %add3A_607 = arith.addi %mul3A_487, %add3A_606 : i32
      %lt3A = arith.constant 78 : i32
      %lt3A_608 = arith.cmpi slt, %add3A_607, %lt3A : i32
      %convert_element_type3A_609 = arith.extui %lt3A_608 : i1 to i32
      %cond3A_610 = arith.constant 0 : i32
      %cond3A_611 = arith.cmpi ne, %convert_element_type3A_609, %cond3A_610 : i32
      scf.if %cond3A_611 {
        %add3A_688 = arith.constant 2 : i32
        %add3A_689 = arith.addi %mul3A_487, %add3A_688 : i32
        %mul3A_690 = arith.constant 128 : i32
        %mul3A_691 = arith.muli %mul3A_690, %add3A_689 : i32
        %add3A_692 = arith.addi %mul3A_244, %mul3A_691 : i32
        %dma_start3A_693 = tpu.memref_slice %arg3[%add3A_692] : memref<160000xi32, #tpu.memory_space<hbm>> -> memref<128xi32, #tpu.memory_space<hbm>>
        %dma_start3A_694 = tpu.memref_slice %arg3[%add3A_692] : memref<160000xi32, #tpu.memory_space<hbm>> -> memref<128xi32, #tpu.memory_space<hbm>>
        tpu.enqueue_dma source(%dma_start3A_694 : memref<128xi32, #tpu.memory_space<hbm>>) target(%arg8 : memref<128xi32, #tpu.memory_space<vmem>>) target_semaphore(%arg25 : memref<!tpu.dma_semaphore, #tpu.memory_space<semaphore_mem>>)
      } else {
      }
      %dma_wait3A_612 = arith.constant 0 : i32
      %dma_wait3A_613 = arith.constant 0 : i32
      %dma_wait3A_614 = tpu.memref_slice %arg31[%dma_wait3A_612, %dma_wait3A_613] : memref<10000x128xf32, #tpu.memory_space<vmem_shared>> -> memref<10000x128xf32, #tpu.memory_space<vmem_shared>>
      tpu.wait_indirect_dma semaphore(%arg27 : memref<!tpu.dma_semaphore, #tpu.memory_space<semaphore_mem>>) src(%arg20 : memref<128x128xf32, #tpu.memory_space<vmem>>) dst(%dma_wait3A_614 : memref<10000x128xf32, #tpu.memory_space<vmem_shared>>)
      %add3A_615 = arith.constant 2 : i32
      %add3A_616 = arith.addi %mul3A_487, %add3A_615 : i32
      %lt3A_617 = arith.constant 78 : i32
      %lt3A_618 = arith.cmpi slt, %add3A_616, %lt3A_617 : i32
      %convert_element_type3A_619 = arith.extui %lt3A_618 : i1 to i32
      %cond3A_620 = arith.constant 0 : i32
      %cond3A_621 = arith.cmpi ne, %convert_element_type3A_619, %cond3A_620 : i32
      scf.if %cond3A_621 {
        %add3A_688 = arith.constant 2 : i32
        %add3A_689 = arith.addi %mul3A_487, %add3A_688 : i32
        %mul3A_690 = arith.constant 128 : i32
        %mul3A_691 = arith.muli %mul3A_690, %add3A_689 : i32
        %add3A_692 = arith.addi %mul3A_244, %mul3A_691 : i32
        %dma_wait3A_693 = tpu.memref_slice %arg3[%add3A_692] : memref<160000xi32, #tpu.memory_space<hbm>> -> memref<128xi32, #tpu.memory_space<hbm>>
        %dma_wait3A_694 = tpu.memref_slice %arg3[%add3A_692] : memref<160000xi32, #tpu.memory_space<hbm>> -> memref<128xi32, #tpu.memory_space<hbm>>
        tpu.wait_dma2 semaphore(%arg25 : memref<!tpu.dma_semaphore, #tpu.memory_space<semaphore_mem>>) src(%dma_wait3A_694 : memref<128xi32, #tpu.memory_space<hbm>>) dst(%arg8 : memref<128xi32, #tpu.memory_space<vmem>>)
        %get3A_695 = arith.constant 0 : index
        %get3A_696 = tpu.vector_load %arg8[%get3A_695] {strides = array<i32>} : memref<128xi32, #tpu.memory_space<vmem>>, vector<16xi32>,
        %add3A_697 = vector.broadcast %mul3A_246 : i32 to vector<16xi32>
        %add3A_698 = arith.addi %get3A_696, %add3A_697 : vector<16xi32>
        %swap3A_699 = arith.constant 0 : index
        %swap3A_700 = tpu.vector_load %arg8[%swap3A_699] {strides = array<i32>} : memref<128xi32, #tpu.memory_space<vmem>>, vector<16xi32>,
        tpu.vector_store %arg8[%swap3A_699], %add3A_698 {strides = array<i32>} : memref<128xi32, #tpu.memory_space<vmem>>, vector<16xi32>,
        %get3A_701 = arith.constant 16 : index
        %get3A_702 = tpu.vector_load %arg8[%get3A_701] {strides = array<i32>} : memref<128xi32, #tpu.memory_space<vmem>>, vector<16xi32>,
        %add3A_703 = vector.broadcast %mul3A_246 : i32 to vector<16xi32>
        %add3A_704 = arith.addi %get3A_702, %add3A_703 : vector<16xi32>
        %swap3A_705 = arith.constant 16 : index
        %swap3A_706 = tpu.vector_load %arg8[%swap3A_705] {strides = array<i32>} : memref<128xi32, #tpu.memory_space<vmem>>, vector<16xi32>,
        tpu.vector_store %arg8[%swap3A_705], %add3A_704 {strides = array<i32>} : memref<128xi32, #tpu.memory_space<vmem>>, vector<16xi32>,
        %get3A_707 = arith.constant 32 : index
        %get3A_708 = tpu.vector_load %arg8[%get3A_707] {strides = array<i32>} : memref<128xi32, #tpu.memory_space<vmem>>, vector<16xi32>,
        %add3A_709 = vector.broadcast %mul3A_246 : i32 to vector<16xi32>
        %add3A_710 = arith.addi %get3A_708, %add3A_709 : vector<16xi32>
        %swap3A_711 = arith.constant 32 : index
        %swap3A_712 = tpu.vector_load %arg8[%swap3A_711] {strides = array<i32>} : memref<128xi32, #tpu.memory_space<vmem>>, vector<16xi32>,
        tpu.vector_store %arg8[%swap3A_711], %add3A_710 {strides = array<i32>} : memref<128xi32, #tpu.memory_space<vmem>>, vector<16xi32>,
        %get3A_713 = arith.constant 48 : index
        %get3A_714 = tpu.vector_load %arg8[%get3A_713] {strides = array<i32>} : memref<128xi32, #tpu.memory_space<vmem>>, vector<16xi32>,
        %add3A_715 = vector.broadcast %mul3A_246 : i32 to vector<16xi32>
        %add3A_716 = arith.addi %get3A_714, %add3A_715 : vector<16xi32>
        %swap3A_717 = arith.constant 48 : index
        %swap3A_718 = tpu.vector_load %arg8[%swap3A_717] {strides = array<i32>} : memref<128xi32, #tpu.memory_space<vmem>>, vector<16xi32>,
        tpu.vector_store %arg8[%swap3A_717], %add3A_716 {strides = array<i32>} : memref<128xi32, #tpu.memory_space<vmem>>, vector<16xi32>,
        %get3A_719 = arith.constant 64 : index
        %get3A_720 = tpu.vector_load %arg8[%get3A_719] {strides = array<i32>} : memref<128xi32, #tpu.memory_space<vmem>>, vector<16xi32>,
        %add3A_721 = vector.broadcast %mul3A_246 : i32 to vector<16xi32>
        %add3A_722 = arith.addi %get3A_720, %add3A_721 : vector<16xi32>
        %swap3A_723 = arith.constant 64 : index
        %swap3A_724 = tpu.vector_load %arg8[%swap3A_723] {strides = array<i32>} : memref<128xi32, #tpu.memory_space<vmem>>, vector<16xi32>,
        tpu.vector_store %arg8[%swap3A_723], %add3A_722 {strides = array<i32>} : memref<128xi32, #tpu.memory_space<vmem>>, vector<16xi32>,
        %get3A_725 = arith.constant 80 : index
        %get3A_726 = tpu.vector_load %arg8[%get3A_725] {strides = array<i32>} : memref<128xi32, #tpu.memory_space<vmem>>, vector<16xi32>,
        %add3A_727 = vector.broadcast %mul3A_246 : i32 to vector<16xi32>
        %add3A_728 = arith.addi %get3A_726, %add3A_727 : vector<16xi32>
        %swap3A_729 = arith.constant 80 : index
        %swap3A_730 = tpu.vector_load %arg8[%swap3A_729] {strides = array<i32>} : memref<128xi32, #tpu.memory_space<vmem>>, vector<16xi32>,
        tpu.vector_store %arg8[%swap3A_729], %add3A_728 {strides = array<i32>} : memref<128xi32, #tpu.memory_space<vmem>>, vector<16xi32>,
        %get3A_731 = arith.constant 96 : index
        %get3A_732 = tpu.vector_load %arg8[%get3A_731] {strides = array<i32>} : memref<128xi32, #tpu.memory_space<vmem>>, vector<16xi32>,
        %add3A_733 = vector.broadcast %mul3A_246 : i32 to vector<16xi32>
        %add3A_734 = arith.addi %get3A_732, %add3A_733 : vector<16xi32>
        %swap3A_735 = arith.constant 96 : index
        %swap3A_736 = tpu.vector_load %arg8[%swap3A_735] {strides = array<i32>} : memref<128xi32, #tpu.memory_space<vmem>>, vector<16xi32>,
        tpu.vector_store %arg8[%swap3A_735], %add3A_734 {strides = array<i32>} : memref<128xi32, #tpu.memory_space<vmem>>, vector<16xi32>,
        %get3A_737 = arith.constant 112 : index
        %get3A_738 = tpu.vector_load %arg8[%get3A_737] {strides = array<i32>} : memref<128xi32, #tpu.memory_space<vmem>>, vector<16xi32>,
        %add3A_739 = vector.broadcast %mul3A_246 : i32 to vector<16xi32>
        %add3A_740 = arith.addi %get3A_738, %add3A_739 : vector<16xi32>
        %swap3A_741 = arith.constant 112 : index
        %swap3A_742 = tpu.vector_load %arg8[%swap3A_741] {strides = array<i32>} : memref<128xi32, #tpu.memory_space<vmem>>, vector<16xi32>,
        tpu.vector_store %arg8[%swap3A_741], %add3A_740 {strides = array<i32>} : memref<128xi32, #tpu.memory_space<vmem>>, vector<16xi32>,
        %dma_start3A_743 = arith.constant 0 : i32
        %dma_start3A_744 = arith.constant 0 : i32
        %dma_start3A_745 = tpu.memref_slice %arg6[%dma_start3A_743, %dma_start3A_744] : memref<20000x128xf32, #tpu.memory_space<hbm>> -> memref<20000x128xf32, #tpu.memory_space<hbm>>
        tpu.enqueue_indirect_dma source(%dma_start3A_745 : memref<20000x128xf32, #tpu.memory_space<hbm>>) target(%arg20 : memref<128x128xf32, #tpu.memory_space<vmem>>) offsets(%arg8 : memref<128xi32, #tpu.memory_space<vmem>>) semaphore(%arg23 : memref<!tpu.dma_semaphore, #tpu.memory_space<semaphore_mem>>)
      } else {
      }
      %dma_wait3A_622 = arith.constant 0 : i32
      %dma_wait3A_623 = arith.constant 0 : i32
      %dma_wait3A_624 = tpu.memref_slice %arg6[%dma_wait3A_622, %dma_wait3A_623] : memref<20000x128xf32, #tpu.memory_space<hbm>> -> memref<20000x128xf32, #tpu.memory_space<hbm>>
      tpu.wait_indirect_dma semaphore(%arg24 : memref<!tpu.dma_semaphore, #tpu.memory_space<semaphore_mem>>) src(%dma_wait3A_624 : memref<20000x128xf32, #tpu.memory_space<hbm>>) dst(%arg21 : memref<128x128xf32, #tpu.memory_space<vmem>>)
      %add3A_625 = arith.constant 1 : i32
      %add3A_626 = arith.addi %mul3A_487, %add3A_625 : i32
      %mul3A_627 = arith.constant 128 : i32
      %mul3A_628 = arith.muli %mul3A_627, %add3A_626 : i32
      %add3A_629 = arith.constant 0 : i32
      %add3A_630 = arith.addi %mul3A_628, %add3A_629 : i32
      %get3A_631 = arith.index_cast %add3A_630 : i32 to index
      %get3A_632 = tpu.vector_load %arg7[%get3A_631] {strides = array<i32>} : memref<10000xi32, #tpu.memory_space<vmem>>, vector<16xi32>,
      %swap3A_633 = arith.constant 0 : index
      %swap3A_634 = tpu.vector_load %arg11[%swap3A_633] {strides = array<i32>} : memref<128xi32, #tpu.memory_space<vmem>>, vector<16xi32>,
      tpu.vector_store %arg11[%swap3A_633], %get3A_632 {strides = array<i32>} : memref<128xi32, #tpu.memory_space<vmem>>, vector<16xi32>,
      %add3A_635 = arith.constant 16 : i32
      %add3A_636 = arith.addi %mul3A_628, %add3A_635 : i32
      %get3A_637 = arith.index_cast %add3A_636 : i32 to index
      %get3A_638 = tpu.vector_load %arg7[%get3A_637] {strides = array<i32>} : memref<10000xi32, #tpu.memory_space<vmem>>, vector<16xi32>,
      %swap3A_639 = arith.constant 16 : index
      %swap3A_640 = tpu.vector_load %arg11[%swap3A_639] {strides = array<i32>} : memref<128xi32, #tpu.memory_space<vmem>>, vector<16xi32>,
      tpu.vector_store %arg11[%swap3A_639], %get3A_638 {strides = array<i32>} : memref<128xi32, #tpu.memory_space<vmem>>, vector<16xi32>,
      %add3A_641 = arith.constant 32 : i32
      %add3A_642 = arith.addi %mul3A_628, %add3A_641 : i32
      %get3A_643 = arith.index_cast %add3A_642 : i32 to index
      %get3A_644 = tpu.vector_load %arg7[%get3A_643] {strides = array<i32>} : memref<10000xi32, #tpu.memory_space<vmem>>, vector<16xi32>,
      %swap3A_645 = arith.constant 32 : index
      %swap3A_646 = tpu.vector_load %arg11[%swap3A_645] {strides = array<i32>} : memref<128xi32, #tpu.memory_space<vmem>>, vector<16xi32>,
      tpu.vector_store %arg11[%swap3A_645], %get3A_644 {strides = array<i32>} : memref<128xi32, #tpu.memory_space<vmem>>, vector<16xi32>,
      %add3A_647 = arith.constant 48 : i32
      %add3A_648 = arith.addi %mul3A_628, %add3A_647 : i32
      %get3A_649 = arith.index_cast %add3A_648 : i32 to index
      %get3A_650 = tpu.vector_load %arg7[%get3A_649] {strides = array<i32>} : memref<10000xi32, #tpu.memory_space<vmem>>, vector<16xi32>,
      %swap3A_651 = arith.constant 48 : index
      %swap3A_652 = tpu.vector_load %arg11[%swap3A_651] {strides = array<i32>} : memref<128xi32, #tpu.memory_space<vmem>>, vector<16xi32>,
      tpu.vector_store %arg11[%swap3A_651], %get3A_650 {strides = array<i32>} : memref<128xi32, #tpu.memory_space<vmem>>, vector<16xi32>,
      %add3A_653 = arith.constant 64 : i32
      %add3A_654 = arith.addi %mul3A_628, %add3A_653 : i32
      %get3A_655 = arith.index_cast %add3A_654 : i32 to index
      %get3A_656 = tpu.vector_load %arg7[%get3A_655] {strides = array<i32>} : memref<10000xi32, #tpu.memory_space<vmem>>, vector<16xi32>,
      %swap3A_657 = arith.constant 64 : index
      %swap3A_658 = tpu.vector_load %arg11[%swap3A_657] {strides = array<i32>} : memref<128xi32, #tpu.memory_space<vmem>>, vector<16xi32>,
      tpu.vector_store %arg11[%swap3A_657], %get3A_656 {strides = array<i32>} : memref<128xi32, #tpu.memory_space<vmem>>, vector<16xi32>,
      %add3A_659 = arith.constant 80 : i32
      %add3A_660 = arith.addi %mul3A_628, %add3A_659 : i32
      %get3A_661 = arith.index_cast %add3A_660 : i32 to index
      %get3A_662 = tpu.vector_load %arg7[%get3A_661] {strides = array<i32>} : memref<10000xi32, #tpu.memory_space<vmem>>, vector<16xi32>,
      %swap3A_663 = arith.constant 80 : index
      %swap3A_664 = tpu.vector_load %arg11[%swap3A_663] {strides = array<i32>} : memref<128xi32, #tpu.memory_space<vmem>>, vector<16xi32>,
      tpu.vector_store %arg11[%swap3A_663], %get3A_662 {strides = array<i32>} : memref<128xi32, #tpu.memory_space<vmem>>, vector<16xi32>,
      %add3A_665 = arith.constant 96 : i32
      %add3A_666 = arith.addi %mul3A_628, %add3A_665 : i32
      %get3A_667 = arith.index_cast %add3A_666 : i32 to index
      %get3A_668 = tpu.vector_load %arg7[%get3A_667] {strides = array<i32>} : memref<10000xi32, #tpu.memory_space<vmem>>, vector<16xi32>,
      %swap3A_669 = arith.constant 96 : index
      %swap3A_670 = tpu.vector_load %arg11[%swap3A_669] {strides = array<i32>} : memref<128xi32, #tpu.memory_space<vmem>>, vector<16xi32>,
      tpu.vector_store %arg11[%swap3A_669], %get3A_668 {strides = array<i32>} : memref<128xi32, #tpu.memory_space<vmem>>, vector<16xi32>,
      %add3A_671 = arith.constant 112 : i32
      %add3A_672 = arith.addi %mul3A_628, %add3A_671 : i32
      %get3A_673 = arith.index_cast %add3A_672 : i32 to index
      %get3A_674 = tpu.vector_load %arg7[%get3A_673] {strides = array<i32>} : memref<10000xi32, #tpu.memory_space<vmem>>, vector<16xi32>,
      %swap3A_675 = arith.constant 112 : index
      %swap3A_676 = tpu.vector_load %arg11[%swap3A_675] {strides = array<i32>} : memref<128xi32, #tpu.memory_space<vmem>>, vector<16xi32>,
      tpu.vector_store %arg11[%swap3A_675], %get3A_674 {strides = array<i32>} : memref<128xi32, #tpu.memory_space<vmem>>, vector<16xi32>,
      %dma_start3A_677 = arith.constant 0 : i32
      %dma_start3A_678 = arith.constant 0 : i32
      %dma_start3A_679 = tpu.memref_slice %arg31[%dma_start3A_677, %dma_start3A_678] : memref<10000x128xf32, #tpu.memory_space<vmem_shared>> -> memref<10000x128xf32, #tpu.memory_space<vmem_shared>>
      tpu.enqueue_indirect_dma source(%arg21 : memref<128x128xf32, #tpu.memory_space<vmem>>) target(%dma_start3A_679 : memref<10000x128xf32, #tpu.memory_space<vmem_shared>>) offsets(%arg11 : memref<128xi32, #tpu.memory_space<vmem>>) semaphore(%arg28 : memref<!tpu.dma_semaphore, #tpu.memory_space<semaphore_mem>>) {add = true}
      %add3A_680 = arith.constant 3 : i32
      %add3A_681 = arith.addi %mul3A_487, %add3A_680 : i32
      %lt3A_682 = arith.constant 78 : i32
      %lt3A_683 = arith.cmpi slt, %add3A_681, %lt3A_682 : i32
      %convert_element_type3A_684 = arith.extui %lt3A_683 : i1 to i32
      %cond3A_685 = arith.constant 0 : i32
      %cond3A_686 = arith.cmpi ne, %convert_element_type3A_684, %cond3A_685 : i32
      scf.if %cond3A_686 {
        %add3A_688 = arith.constant 3 : i32
        %add3A_689 = arith.addi %mul3A_487, %add3A_688 : i32
        %mul3A_690 = arith.constant 128 : i32
        %mul3A_691 = arith.muli %mul3A_690, %add3A_689 : i32
        %add3A_692 = arith.addi %mul3A_244, %mul3A_691 : i32
        %dma_start3A_693 = tpu.memref_slice %arg3[%add3A_692] : memref<160000xi32, #tpu.memory_space<hbm>> -> memref<128xi32, #tpu.memory_space<hbm>>
        %dma_start3A_694 = tpu.memref_slice %arg3[%add3A_692] : memref<160000xi32, #tpu.memory_space<hbm>> -> memref<128xi32, #tpu.memory_space<hbm>>
        tpu.enqueue_dma source(%dma_start3A_694 : memref<128xi32, #tpu.memory_space<hbm>>) target(%arg9 : memref<128xi32, #tpu.memory_space<vmem>>) target_semaphore(%arg26 : memref<!tpu.dma_semaphore, #tpu.memory_space<semaphore_mem>>)
      } else {
      }
      %scan3A_687 = arith.constant 0 : i32
      scf.yield %scan3A_687 : i32
    }
    %scan3A_315 = arith.constant 39 : i32
    %dma_wait3A_316 = arith.constant 0 : i32
    %dma_wait3A_317 = arith.constant 0 : i32
    %dma_wait3A_318 = tpu.memref_slice %arg31[%dma_wait3A_316, %dma_wait3A_317] : memref<10000x128xf32, #tpu.memory_space<vmem_shared>> -> memref<10000x128xf32, #tpu.memory_space<vmem_shared>>
    tpu.wait_indirect_dma semaphore(%arg28 : memref<!tpu.dma_semaphore, #tpu.memory_space<semaphore_mem>>) src(%arg21 : memref<128x128xf32, #tpu.memory_space<vmem>>) dst(%dma_wait3A_318 : memref<10000x128xf32, #tpu.memory_space<vmem_shared>>)
    %add3A_319 = arith.constant 9984 : i32
    %add3A_320 = arith.addi %mul3A_244, %add3A_319 : i32
    "tpu.region"() ({
      %run_scoped3A = tpu.sem_alloc : memref<!tpu.dma_semaphore, #tpu.memory_space<semaphore_mem>>
      %dma_start3A_484 = tpu.memref_slice %arg3[%add3A_320] : memref<160000xi32, #tpu.memory_space<hbm>> -> memref<16xi32, #tpu.memory_space<hbm>>
      %dma_start3A_485 = tpu.memref_slice %arg3[%add3A_320] : memref<160000xi32, #tpu.memory_space<hbm>> -> memref<16xi32, #tpu.memory_space<hbm>>
      tpu.enqueue_dma source(%dma_start3A_485 : memref<16xi32, #tpu.memory_space<hbm>>) target(%arg12 : memref<16xi32, #tpu.memory_space<vmem>>) target_semaphore(%run_scoped3A : memref<!tpu.dma_semaphore, #tpu.memory_space<semaphore_mem>>)
      %dma_wait3A_486 = tpu.memref_slice %arg3[%add3A_320] : memref<160000xi32, #tpu.memory_space<hbm>> -> memref<16xi32, #tpu.memory_space<hbm>>
      %dma_wait3A_487 = tpu.memref_slice %arg3[%add3A_320] : memref<160000xi32, #tpu.memory_space<hbm>> -> memref<16xi32, #tpu.memory_space<hbm>>
      tpu.wait_dma2 semaphore(%run_scoped3A : memref<!tpu.dma_semaphore, #tpu.memory_space<semaphore_mem>>) src(%dma_wait3A_487 : memref<16xi32, #tpu.memory_space<hbm>>) dst(%arg12 : memref<16xi32, #tpu.memory_space<vmem>>)
      tpu.yield
    }) : () -> ()
    %get3A_321 = arith.constant 0 : index
    %get3A_322 = tpu.vector_load %arg12[%get3A_321] {strides = array<i32>} : memref<16xi32, #tpu.memory_space<vmem>>, vector<16xi32>,
    %add3A_323 = vector.broadcast %mul3A_246 : i32 to vector<16xi32>
    %add3A_324 = arith.addi %get3A_322, %add3A_323 : vector<16xi32>
    %swap3A_325 = arith.constant 0 : index
    %swap3A_326 = tpu.vector_load %arg12[%swap3A_325] {strides = array<i32>} : memref<16xi32, #tpu.memory_space<vmem>>, vector<16xi32>,
    tpu.vector_store %arg12[%swap3A_325], %add3A_324 {strides = array<i32>} : memref<16xi32, #tpu.memory_space<vmem>>, vector<16xi32>,
    %dma_start3A_327 = arith.constant 0 : i32
    %dma_start3A_328 = arith.constant 0 : i32
    %dma_start3A_329 = tpu.memref_slice %arg20[%dma_start3A_327, %dma_start3A_328] : memref<128x128xf32, #tpu.memory_space<vmem>> -> memref<16x128xf32, #tpu.memory_space<vmem>>
    %dma_start3A_330 = arith.constant 0 : i32
    %dma_start3A_331 = arith.constant 0 : i32
    %dma_start3A_332 = tpu.memref_slice %arg6[%dma_start3A_330, %dma_start3A_331] : memref<20000x128xf32, #tpu.memory_space<hbm>> -> memref<20000x128xf32, #tpu.memory_space<hbm>>
    tpu.enqueue_indirect_dma source(%dma_start3A_332 : memref<20000x128xf32, #tpu.memory_space<hbm>>) target(%dma_start3A_329 : memref<16x128xf32, #tpu.memory_space<vmem>>) offsets(%arg12 : memref<16xi32, #tpu.memory_space<vmem>>) semaphore(%arg23 : memref<!tpu.dma_semaphore, #tpu.memory_space<semaphore_mem>>)
    %get3A_333 = arith.constant 9984 : index
    %get3A_334 = tpu.vector_load %arg7[%get3A_333] {strides = array<i32>} : memref<10000xi32, #tpu.memory_space<vmem>>, vector<16xi32>,
    %swap3A_335 = arith.constant 0 : index
    %swap3A_336 = tpu.vector_load %arg13[%swap3A_335] {strides = array<i32>} : memref<16xi32, #tpu.memory_space<vmem>>, vector<16xi32>,
    tpu.vector_store %arg13[%swap3A_335], %get3A_334 {strides = array<i32>} : memref<16xi32, #tpu.memory_space<vmem>>, vector<16xi32>,
    %dma_wait3A_337 = arith.constant 0 : i32
    %dma_wait3A_338 = arith.constant 0 : i32
    %dma_wait3A_339 = tpu.memref_slice %arg20[%dma_wait3A_337, %dma_wait3A_338] : memref<128x128xf32, #tpu.memory_space<vmem>> -> memref<16x128xf32, #tpu.memory_space<vmem>>
    %dma_wait3A_340 = arith.constant 0 : i32
    %dma_wait3A_341 = arith.constant 0 : i32
    %dma_wait3A_342 = tpu.memref_slice %arg6[%dma_wait3A_340, %dma_wait3A_341] : memref<20000x128xf32, #tpu.memory_space<hbm>> -> memref<20000x128xf32, #tpu.memory_space<hbm>>
    tpu.wait_indirect_dma semaphore(%arg23 : memref<!tpu.dma_semaphore, #tpu.memory_space<semaphore_mem>>) src(%dma_wait3A_342 : memref<20000x128xf32, #tpu.memory_space<hbm>>) dst(%dma_wait3A_339 : memref<16x128xf32, #tpu.memory_space<vmem>>)
    "tpu.region"() ({
      %run_scoped3A = tpu.sem_alloc : memref<!tpu.dma_semaphore, #tpu.memory_space<semaphore_mem>>
      %dma_start3A_484 = arith.constant 0 : i32
      %dma_start3A_485 = arith.constant 0 : i32
      %dma_start3A_486 = tpu.memref_slice %arg20[%dma_start3A_484, %dma_start3A_485] : memref<128x128xf32, #tpu.memory_space<vmem>> -> memref<16x128xf32, #tpu.memory_space<vmem>>
      %dma_start3A_487 = arith.constant 0 : i32
      %dma_start3A_488 = arith.constant 0 : i32
      %dma_start3A_489 = tpu.memref_slice %arg31[%dma_start3A_487, %dma_start3A_488] : memref<10000x128xf32, #tpu.memory_space<vmem_shared>> -> memref<10000x128xf32, #tpu.memory_space<vmem_shared>>
      tpu.enqueue_indirect_dma source(%dma_start3A_486 : memref<16x128xf32, #tpu.memory_space<vmem>>) target(%dma_start3A_489 : memref<10000x128xf32, #tpu.memory_space<vmem_shared>>) offsets(%arg13 : memref<16xi32, #tpu.memory_space<vmem>>) semaphore(%run_scoped3A : memref<!tpu.dma_semaphore, #tpu.memory_space<semaphore_mem>>) {add = true}
      %dma_wait3A_490 = arith.constant 0 : i32
      %dma_wait3A_491 = arith.constant 0 : i32
      %dma_wait3A_492 = tpu.memref_slice %arg20[%dma_wait3A_490, %dma_wait3A_491] : memref<128x128xf32, #tpu.memory_space<vmem>> -> memref<16x128xf32, #tpu.memory_space<vmem>>
      %dma_wait3A_493 = arith.constant 0 : i32
      %dma_wait3A_494 = arith.constant 0 : i32
      %dma_wait3A_495 = tpu.memref_slice %arg31[%dma_wait3A_493, %dma_wait3A_494] : memref<10000x128xf32, #tpu.memory_space<vmem_shared>> -> memref<10000x128xf32, #tpu.memory_space<vmem_shared>>
      tpu.wait_indirect_dma semaphore(%run_scoped3A : memref<!tpu.dma_semaphore, #tpu.memory_space<semaphore_mem>>) src(%dma_wait3A_492 : memref<16x128xf32, #tpu.memory_space<vmem>>) dst(%dma_wait3A_495 : memref<10000x128xf32, #tpu.memory_space<vmem_shared>>)
      tpu.yield
    }) : () -> ()
    %barrier3A_343 = arith.constant 0 : index
    tpu.barrier barrier_id(%barrier3A_343)
    %add3A_344 = arith.constant 0 : i32
    %add3A_345 = arith.addi %mul3A_0, %add3A_344 : i32
    "tpu.region"() ({
      %run_scoped3A = tpu.sem_alloc : memref<!tpu.dma_semaphore, #tpu.memory_space<semaphore_mem>>
      %dma_start3A_484 = arith.constant 0 : i32
      %dma_start3A_485 = arith.constant 0 : i32
      %dma_start3A_486 = tpu.memref_slice %arg20[%dma_start3A_484, %dma_start3A_485] : memref<128x128xf32, #tpu.memory_space<vmem>> -> memref<128x128xf32, #tpu.memory_space<vmem>>
      %dma_start3A_487 = arith.constant 0 : i32
      %dma_start3A_488 = tpu.memref_slice %arg31[%add3A_345, %dma_start3A_487] : memref<10000x128xf32, #tpu.memory_space<vmem_shared>> -> memref<128x128xf32, #tpu.memory_space<vmem_shared>>
      %dma_start3A_489 = arith.constant 0 : i32
      %dma_start3A_490 = arith.constant 0 : i32
      %dma_start3A_491 = tpu.memref_slice %arg20[%dma_start3A_489, %dma_start3A_490] : memref<128x128xf32, #tpu.memory_space<vmem>> -> memref<128x128xf32, #tpu.memory_space<vmem>>
      %dma_start3A_492 = arith.constant 0 : i32
      %dma_start3A_493 = tpu.memref_slice %arg31[%add3A_345, %dma_start3A_492] : memref<10000x128xf32, #tpu.memory_space<vmem_shared>> -> memref<128x128xf32, #tpu.memory_space<vmem_shared>>
      tpu.enqueue_dma source(%dma_start3A_493 : memref<128x128xf32, #tpu.memory_space<vmem_shared>>) target(%dma_start3A_491 : memref<128x128xf32, #tpu.memory_space<vmem>>) target_semaphore(%run_scoped3A : memref<!tpu.dma_semaphore, #tpu.memory_space<semaphore_mem>>)
      %dma_wait3A_494 = arith.constant 0 : i32
      %dma_wait3A_495 = arith.constant 0 : i32
      %dma_wait3A_496 = tpu.memref_slice %arg20[%dma_wait3A_494, %dma_wait3A_495] : memref<128x128xf32, #tpu.memory_space<vmem>> -> memref<128x128xf32, #tpu.memory_space<vmem>>
      %dma_wait3A_497 = arith.constant 0 : i32
      %dma_wait3A_498 = tpu.memref_slice %arg31[%add3A_345, %dma_wait3A_497] : memref<10000x128xf32, #tpu.memory_space<vmem_shared>> -> memref<128x128xf32, #tpu.memory_space<vmem_shared>>
      %dma_wait3A_499 = arith.constant 0 : i32
      %dma_wait3A_500 = arith.constant 0 : i32
      %dma_wait3A_501 = tpu.memref_slice %arg20[%dma_wait3A_499, %dma_wait3A_500] : memref<128x128xf32, #tpu.memory_space<vmem>> -> memref<128x128xf32, #tpu.memory_space<vmem>>
      %dma_wait3A_502 = arith.constant 0 : i32
      %dma_wait3A_503 = tpu.memref_slice %arg31[%add3A_345, %dma_wait3A_502] : memref<10000x128xf32, #tpu.memory_space<vmem_shared>> -> memref<128x128xf32, #tpu.memory_space<vmem_shared>>
      tpu.wait_dma2 semaphore(%run_scoped3A : memref<!tpu.dma_semaphore, #tpu.memory_space<semaphore_mem>>) src(%dma_wait3A_503 : memref<128x128xf32, #tpu.memory_space<vmem_shared>>) dst(%dma_wait3A_501 : memref<128x128xf32, #tpu.memory_space<vmem>>)
      tpu.yield
    }) : () -> ()
    %scan3A_346 = arith.constant 0 : i32
    %scan3A_347 = arith.constant 0 : i32
    %scan3A_348 = arith.constant 8 : i32
    %scan3A_349 = arith.addi %scan3A_347, %scan3A_348 : i32
    %scan3A_350 = arith.constant 1 : i32
    %scan3A_351 = scf.for %scan3A_484 = %scan3A_347 to %scan3A_349 step %scan3A_350 iter_args(%scan3A_485 = %scan3A_346) -> (i32)  : i32 {
      %mul3A_486 = arith.constant 16 : i32
      %mul3A_487 = arith.muli %mul3A_486, %scan3A_484 : i32
      %add3A_488 = arith.constant 0 : i32
      %add3A_489 = arith.addi %add3A_488, %mul3A_487 : i32
      %get3A_490 = arith.index_cast %add3A_489 : i32 to index
      %get3A_491 = tpu.vector_load %arg22[%get3A_490] {strides = array<i32>} : memref<640xf32, #tpu.memory_space<vmem>>, vector<16xf32>,
      %scan3A_492 = arith.constant 0 : i32
      %scan3A_493 = arith.constant 0 : i32
      %scan3A_494 = arith.constant 16 : i32
      %scan3A_495 = arith.addi %scan3A_493, %scan3A_494 : i32
      %scan3A_496 = arith.constant 1 : i32
      %scan3A_497 = scf.for %scan3A_500 = %scan3A_493 to %scan3A_495 step %scan3A_496 iter_args(%scan3A_501 = %scan3A_492) -> (i32)  : i32 {
        %eq3A_502 = vector.broadcast %scan3A_500 : i32 to vector<16xi32>
        %eq3A_503 = arith.cmpi eq, %iota3A, %eq3A_502 : vector<16xi32>
        %jit3A = arith.constant 0.000000e+00 : f32
        %broadcast_in_dim3A_504 = vector.broadcast %jit3A : f32 to vector<16xf32>
        %select_n3A = arith.select %eq3A_503, %get3A_491, %broadcast_in_dim3A_504 : vector<16xi1>, vector<16xf32>
        %reduce_sum3A = arith.constant true
        %reduce_sum3A_505 = vector.broadcast %reduce_sum3A : i1 to vector<16xi1>
        %reduce_sum3A_506 = tpu.scan <sum>, %select_n3A masked %reduce_sum3A_505 : vector<16xf32>, vector<16xi1> -> vector<16xf32>
        %reduce_sum3A_507 = vector.extract %reduce_sum3A_506[15] : f32 from vector<16xf32>
        %mul3A_508 = arith.constant 16 : i32
        %mul3A_509 = arith.muli %mul3A_508, %scan3A_484 : i32
        %add3A_510 = arith.addi %mul3A_509, %scan3A_500 : i32
        %get3A_511 = arith.index_cast %add3A_510 : i32 to index
        %get3A_512 = arith.constant 0 : index
        %get3A_513 = tpu.vector_load %arg20[%get3A_511, %get3A_512] {strides = array<i32>} : memref<128x128xf32, #tpu.memory_space<vmem>>, vector<16xf32>,
        %mul3A_514 = vector.broadcast %reduce_sum3A_507 : f32 to vector<16xf32>
        %mul3A_515 = arith.mulf %get3A_513, %mul3A_514 : vector<16xf32>
        %mul3A_516 = arith.constant 16 : i32
        %mul3A_517 = arith.muli %mul3A_516, %scan3A_484 : i32
        %add3A_518 = arith.addi %mul3A_517, %scan3A_500 : i32
        %swap3A_519 = arith.index_cast %add3A_518 : i32 to index
        %swap3A_520 = arith.constant 0 : index
        %swap3A_521 = tpu.vector_load %arg20[%swap3A_519, %swap3A_520] {strides = array<i32>} : memref<128x128xf32, #tpu.memory_space<vmem>>, vector<16xf32>,
        tpu.vector_store %arg20[%swap3A_519, %swap3A_520], %mul3A_515 {strides = array<i32>} : memref<128x128xf32, #tpu.memory_space<vmem>>, vector<16xf32>,
        %mul3A_522 = arith.constant 16 : i32
        %mul3A_523 = arith.muli %mul3A_522, %scan3A_484 : i32
        %add3A_524 = arith.addi %mul3A_523, %scan3A_500 : i32
        %get3A_525 = arith.index_cast %add3A_524 : i32 to index
        %get3A_526 = arith.constant 16 : index
        %get3A_527 = tpu.vector_load %arg20[%get3A_525, %get3A_526] {strides = array<i32>} : memref<128x128xf32, #tpu.memory_space<vmem>>, vector<16xf32>,
        %mul3A_528 = vector.broadcast %reduce_sum3A_507 : f32 to vector<16xf32>
        %mul3A_529 = arith.mulf %get3A_527, %mul3A_528 : vector<16xf32>
        %mul3A_530 = arith.constant 16 : i32
        %mul3A_531 = arith.muli %mul3A_530, %scan3A_484 : i32
        %add3A_532 = arith.addi %mul3A_531, %scan3A_500 : i32
        %swap3A_533 = arith.index_cast %add3A_532 : i32 to index
        %swap3A_534 = arith.constant 16 : index
        %swap3A_535 = tpu.vector_load %arg20[%swap3A_533, %swap3A_534] {strides = array<i32>} : memref<128x128xf32, #tpu.memory_space<vmem>>, vector<16xf32>,
        tpu.vector_store %arg20[%swap3A_533, %swap3A_534], %mul3A_529 {strides = array<i32>} : memref<128x128xf32, #tpu.memory_space<vmem>>, vector<16xf32>,
        %mul3A_536 = arith.constant 16 : i32
        %mul3A_537 = arith.muli %mul3A_536, %scan3A_484 : i32
        %add3A_538 = arith.addi %mul3A_537, %scan3A_500 : i32
        %get3A_539 = arith.index_cast %add3A_538 : i32 to index
        %get3A_540 = arith.constant 32 : index
        %get3A_541 = tpu.vector_load %arg20[%get3A_539, %get3A_540] {strides = array<i32>} : memref<128x128xf32, #tpu.memory_space<vmem>>, vector<16xf32>,
        %mul3A_542 = vector.broadcast %reduce_sum3A_507 : f32 to vector<16xf32>
        %mul3A_543 = arith.mulf %get3A_541, %mul3A_542 : vector<16xf32>
        %mul3A_544 = arith.constant 16 : i32
        %mul3A_545 = arith.muli %mul3A_544, %scan3A_484 : i32
        %add3A_546 = arith.addi %mul3A_545, %scan3A_500 : i32
        %swap3A_547 = arith.index_cast %add3A_546 : i32 to index
        %swap3A_548 = arith.constant 32 : index
        %swap3A_549 = tpu.vector_load %arg20[%swap3A_547, %swap3A_548] {strides = array<i32>} : memref<128x128xf32, #tpu.memory_space<vmem>>, vector<16xf32>,
        tpu.vector_store %arg20[%swap3A_547, %swap3A_548], %mul3A_543 {strides = array<i32>} : memref<128x128xf32, #tpu.memory_space<vmem>>, vector<16xf32>,
        %mul3A_550 = arith.constant 16 : i32
        %mul3A_551 = arith.muli %mul3A_550, %scan3A_484 : i32
        %add3A_552 = arith.addi %mul3A_551, %scan3A_500 : i32
        %get3A_553 = arith.index_cast %add3A_552 : i32 to index
        %get3A_554 = arith.constant 48 : index
        %get3A_555 = tpu.vector_load %arg20[%get3A_553, %get3A_554] {strides = array<i32>} : memref<128x128xf32, #tpu.memory_space<vmem>>, vector<16xf32>,
        %mul3A_556 = vector.broadcast %reduce_sum3A_507 : f32 to vector<16xf32>
        %mul3A_557 = arith.mulf %get3A_555, %mul3A_556 : vector<16xf32>
        %mul3A_558 = arith.constant 16 : i32
        %mul3A_559 = arith.muli %mul3A_558, %scan3A_484 : i32
        %add3A_560 = arith.addi %mul3A_559, %scan3A_500 : i32
        %swap3A_561 = arith.index_cast %add3A_560 : i32 to index
        %swap3A_562 = arith.constant 48 : index
        %swap3A_563 = tpu.vector_load %arg20[%swap3A_561, %swap3A_562] {strides = array<i32>} : memref<128x128xf32, #tpu.memory_space<vmem>>, vector<16xf32>,
        tpu.vector_store %arg20[%swap3A_561, %swap3A_562], %mul3A_557 {strides = array<i32>} : memref<128x128xf32, #tpu.memory_space<vmem>>, vector<16xf32>,
        %mul3A_564 = arith.constant 16 : i32
        %mul3A_565 = arith.muli %mul3A_564, %scan3A_484 : i32
        %add3A_566 = arith.addi %mul3A_565, %scan3A_500 : i32
        %get3A_567 = arith.index_cast %add3A_566 : i32 to index
        %get3A_568 = arith.constant 64 : index
        %get3A_569 = tpu.vector_load %arg20[%get3A_567, %get3A_568] {strides = array<i32>} : memref<128x128xf32, #tpu.memory_space<vmem>>, vector<16xf32>,
        %mul3A_570 = vector.broadcast %reduce_sum3A_507 : f32 to vector<16xf32>
        %mul3A_571 = arith.mulf %get3A_569, %mul3A_570 : vector<16xf32>
        %mul3A_572 = arith.constant 16 : i32
        %mul3A_573 = arith.muli %mul3A_572, %scan3A_484 : i32
        %add3A_574 = arith.addi %mul3A_573, %scan3A_500 : i32
        %swap3A_575 = arith.index_cast %add3A_574 : i32 to index
        %swap3A_576 = arith.constant 64 : index
        %swap3A_577 = tpu.vector_load %arg20[%swap3A_575, %swap3A_576] {strides = array<i32>} : memref<128x128xf32, #tpu.memory_space<vmem>>, vector<16xf32>,
        tpu.vector_store %arg20[%swap3A_575, %swap3A_576], %mul3A_571 {strides = array<i32>} : memref<128x128xf32, #tpu.memory_space<vmem>>, vector<16xf32>,
        %mul3A_578 = arith.constant 16 : i32
        %mul3A_579 = arith.muli %mul3A_578, %scan3A_484 : i32
        %add3A_580 = arith.addi %mul3A_579, %scan3A_500 : i32
        %get3A_581 = arith.index_cast %add3A_580 : i32 to index
        %get3A_582 = arith.constant 80 : index
        %get3A_583 = tpu.vector_load %arg20[%get3A_581, %get3A_582] {strides = array<i32>} : memref<128x128xf32, #tpu.memory_space<vmem>>, vector<16xf32>,
        %mul3A_584 = vector.broadcast %reduce_sum3A_507 : f32 to vector<16xf32>
        %mul3A_585 = arith.mulf %get3A_583, %mul3A_584 : vector<16xf32>
        %mul3A_586 = arith.constant 16 : i32
        %mul3A_587 = arith.muli %mul3A_586, %scan3A_484 : i32
        %add3A_588 = arith.addi %mul3A_587, %scan3A_500 : i32
        %swap3A_589 = arith.index_cast %add3A_588 : i32 to index
        %swap3A_590 = arith.constant 80 : index
        %swap3A_591 = tpu.vector_load %arg20[%swap3A_589, %swap3A_590] {strides = array<i32>} : memref<128x128xf32, #tpu.memory_space<vmem>>, vector<16xf32>,
        tpu.vector_store %arg20[%swap3A_589, %swap3A_590], %mul3A_585 {strides = array<i32>} : memref<128x128xf32, #tpu.memory_space<vmem>>, vector<16xf32>,
        %mul3A_592 = arith.constant 16 : i32
        %mul3A_593 = arith.muli %mul3A_592, %scan3A_484 : i32
        %add3A_594 = arith.addi %mul3A_593, %scan3A_500 : i32
        %get3A_595 = arith.index_cast %add3A_594 : i32 to index
        %get3A_596 = arith.constant 96 : index
        %get3A_597 = tpu.vector_load %arg20[%get3A_595, %get3A_596] {strides = array<i32>} : memref<128x128xf32, #tpu.memory_space<vmem>>, vector<16xf32>,
        %mul3A_598 = vector.broadcast %reduce_sum3A_507 : f32 to vector<16xf32>
        %mul3A_599 = arith.mulf %get3A_597, %mul3A_598 : vector<16xf32>
        %mul3A_600 = arith.constant 16 : i32
        %mul3A_601 = arith.muli %mul3A_600, %scan3A_484 : i32
        %add3A_602 = arith.addi %mul3A_601, %scan3A_500 : i32
        %swap3A_603 = arith.index_cast %add3A_602 : i32 to index
        %swap3A_604 = arith.constant 96 : index
        %swap3A_605 = tpu.vector_load %arg20[%swap3A_603, %swap3A_604] {strides = array<i32>} : memref<128x128xf32, #tpu.memory_space<vmem>>, vector<16xf32>,
        tpu.vector_store %arg20[%swap3A_603, %swap3A_604], %mul3A_599 {strides = array<i32>} : memref<128x128xf32, #tpu.memory_space<vmem>>, vector<16xf32>,
        %mul3A_606 = arith.constant 16 : i32
        %mul3A_607 = arith.muli %mul3A_606, %scan3A_484 : i32
        %add3A_608 = arith.addi %mul3A_607, %scan3A_500 : i32
        %get3A_609 = arith.index_cast %add3A_608 : i32 to index
        %get3A_610 = arith.constant 112 : index
        %get3A_611 = tpu.vector_load %arg20[%get3A_609, %get3A_610] {strides = array<i32>} : memref<128x128xf32, #tpu.memory_space<vmem>>, vector<16xf32>,
        %mul3A_612 = vector.broadcast %reduce_sum3A_507 : f32 to vector<16xf32>
        %mul3A_613 = arith.mulf %get3A_611, %mul3A_612 : vector<16xf32>
        %mul3A_614 = arith.constant 16 : i32
        %mul3A_615 = arith.muli %mul3A_614, %scan3A_484 : i32
        %add3A_616 = arith.addi %mul3A_615, %scan3A_500 : i32
        %swap3A_617 = arith.index_cast %add3A_616 : i32 to index
        %swap3A_618 = arith.constant 112 : index
        %swap3A_619 = tpu.vector_load %arg20[%swap3A_617, %swap3A_618] {strides = array<i32>} : memref<128x128xf32, #tpu.memory_space<vmem>>, vector<16xf32>,
        tpu.vector_store %arg20[%swap3A_617, %swap3A_618], %mul3A_613 {strides = array<i32>} : memref<128x128xf32, #tpu.memory_space<vmem>>, vector<16xf32>,
        %scan3A_620 = arith.constant 0 : i32
        scf.yield %scan3A_620 : i32
      }
      %scan3A_498 = arith.constant 16 : i32
      %scan3A_499 = arith.constant 0 : i32
      scf.yield %scan3A_499 : i32
    }
    %scan3A_352 = arith.constant 8 : i32
    %add3A_353 = arith.constant 0 : i32
    %add3A_354 = arith.addi %mul3A_0, %add3A_353 : i32
    %mul3A_355 = arith.constant 128 : i32
    %mul3A_356 = arith.muli %arg0, %mul3A_355 : i32
    %dma_start3A_357 = arith.constant 0 : i32
    %dma_start3A_358 = arith.constant 0 : i32
    %dma_start3A_359 = tpu.memref_slice %arg20[%dma_start3A_357, %dma_start3A_358] : memref<128x128xf32, #tpu.memory_space<vmem>> -> memref<128x128xf32, #tpu.memory_space<vmem>>
    %dma_start3A_360 = tpu.memref_slice %arg5[%add3A_354, %mul3A_356] : memref<10000x256xf32, #tpu.memory_space<hbm>> -> memref<128x128xf32, #tpu.memory_space<hbm>>
    %dma_start3A_361 = tpu.memref_slice %arg5[%add3A_354, %mul3A_356] : memref<10000x256xf32, #tpu.memory_space<hbm>> -> memref<128x128xf32, #tpu.memory_space<hbm>>
    %dma_start3A_362 = arith.constant 0 : i32
    %dma_start3A_363 = arith.constant 0 : i32
    %dma_start3A_364 = tpu.memref_slice %arg20[%dma_start3A_362, %dma_start3A_363] : memref<128x128xf32, #tpu.memory_space<vmem>> -> memref<128x128xf32, #tpu.memory_space<vmem>>
    tpu.enqueue_dma source(%dma_start3A_364 : memref<128x128xf32, #tpu.memory_space<vmem>>) target(%dma_start3A_361 : memref<128x128xf32, #tpu.memory_space<hbm>>) target_semaphore(%arg23 : memref<!tpu.dma_semaphore, #tpu.memory_space<semaphore_mem>>)
    %add3A_365 = arith.constant 128 : i32
    %add3A_366 = arith.addi %mul3A_0, %add3A_365 : i32
    "tpu.region"() ({
      %run_scoped3A = tpu.sem_alloc : memref<!tpu.dma_semaphore, #tpu.memory_space<semaphore_mem>>
      %dma_start3A_484 = arith.constant 0 : i32
      %dma_start3A_485 = arith.constant 0 : i32
      %dma_start3A_486 = tpu.memref_slice %arg21[%dma_start3A_484, %dma_start3A_485] : memref<128x128xf32, #tpu.memory_space<vmem>> -> memref<128x128xf32, #tpu.memory_space<vmem>>
      %dma_start3A_487 = arith.constant 0 : i32
      %dma_start3A_488 = tpu.memref_slice %arg31[%add3A_366, %dma_start3A_487] : memref<10000x128xf32, #tpu.memory_space<vmem_shared>> -> memref<128x128xf32, #tpu.memory_space<vmem_shared>>
      %dma_start3A_489 = arith.constant 0 : i32
      %dma_start3A_490 = arith.constant 0 : i32
      %dma_start3A_491 = tpu.memref_slice %arg21[%dma_start3A_489, %dma_start3A_490] : memref<128x128xf32, #tpu.memory_space<vmem>> -> memref<128x128xf32, #tpu.memory_space<vmem>>
      %dma_start3A_492 = arith.constant 0 : i32
      %dma_start3A_493 = tpu.memref_slice %arg31[%add3A_366, %dma_start3A_492] : memref<10000x128xf32, #tpu.memory_space<vmem_shared>> -> memref<128x128xf32, #tpu.memory_space<vmem_shared>>
      tpu.enqueue_dma source(%dma_start3A_493 : memref<128x128xf32, #tpu.memory_space<vmem_shared>>) target(%dma_start3A_491 : memref<128x128xf32, #tpu.memory_space<vmem>>) target_semaphore(%run_scoped3A : memref<!tpu.dma_semaphore, #tpu.memory_space<semaphore_mem>>)
      %dma_wait3A_494 = arith.constant 0 : i32
      %dma_wait3A_495 = arith.constant 0 : i32
      %dma_wait3A_496 = tpu.memref_slice %arg21[%dma_wait3A_494, %dma_wait3A_495] : memref<128x128xf32, #tpu.memory_space<vmem>> -> memref<128x128xf32, #tpu.memory_space<vmem>>
      %dma_wait3A_497 = arith.constant 0 : i32
      %dma_wait3A_498 = tpu.memref_slice %arg31[%add3A_366, %dma_wait3A_497] : memref<10000x128xf32, #tpu.memory_space<vmem_shared>> -> memref<128x128xf32, #tpu.memory_space<vmem_shared>>
      %dma_wait3A_499 = arith.constant 0 : i32
      %dma_wait3A_500 = arith.constant 0 : i32
      %dma_wait3A_501 = tpu.memref_slice %arg21[%dma_wait3A_499, %dma_wait3A_500] : memref<128x128xf32, #tpu.memory_space<vmem>> -> memref<128x128xf32, #tpu.memory_space<vmem>>
      %dma_wait3A_502 = arith.constant 0 : i32
      %dma_wait3A_503 = tpu.memref_slice %arg31[%add3A_366, %dma_wait3A_502] : memref<10000x128xf32, #tpu.memory_space<vmem_shared>> -> memref<128x128xf32, #tpu.memory_space<vmem_shared>>
      tpu.wait_dma2 semaphore(%run_scoped3A : memref<!tpu.dma_semaphore, #tpu.memory_space<semaphore_mem>>) src(%dma_wait3A_503 : memref<128x128xf32, #tpu.memory_space<vmem_shared>>) dst(%dma_wait3A_501 : memref<128x128xf32, #tpu.memory_space<vmem>>)
      tpu.yield
    }) : () -> ()
    %scan3A_367 = arith.constant 0 : i32
    %scan3A_368 = arith.constant 0 : i32
    %scan3A_369 = arith.constant 8 : i32
    %scan3A_370 = arith.addi %scan3A_368, %scan3A_369 : i32
    %scan3A_371 = arith.constant 1 : i32
    %scan3A_372 = scf.for %scan3A_484 = %scan3A_368 to %scan3A_370 step %scan3A_371 iter_args(%scan3A_485 = %scan3A_367) -> (i32)  : i32 {
      %mul3A_486 = arith.constant 16 : i32
      %mul3A_487 = arith.muli %mul3A_486, %scan3A_484 : i32
      %add3A_488 = arith.constant 128 : i32
      %add3A_489 = arith.addi %add3A_488, %mul3A_487 : i32
      %get3A_490 = arith.index_cast %add3A_489 : i32 to index
      %get3A_491 = tpu.vector_load %arg22[%get3A_490] {strides = array<i32>} : memref<640xf32, #tpu.memory_space<vmem>>, vector<16xf32>,
      %scan3A_492 = arith.constant 0 : i32
      %scan3A_493 = arith.constant 0 : i32
      %scan3A_494 = arith.constant 16 : i32
      %scan3A_495 = arith.addi %scan3A_493, %scan3A_494 : i32
      %scan3A_496 = arith.constant 1 : i32
      %scan3A_497 = scf.for %scan3A_500 = %scan3A_493 to %scan3A_495 step %scan3A_496 iter_args(%scan3A_501 = %scan3A_492) -> (i32)  : i32 {
        %eq3A_502 = vector.broadcast %scan3A_500 : i32 to vector<16xi32>
        %eq3A_503 = arith.cmpi eq, %iota3A, %eq3A_502 : vector<16xi32>
        %jit3A = arith.constant 0.000000e+00 : f32
        %broadcast_in_dim3A_504 = vector.broadcast %jit3A : f32 to vector<16xf32>
        %select_n3A = arith.select %eq3A_503, %get3A_491, %broadcast_in_dim3A_504 : vector<16xi1>, vector<16xf32>
        %reduce_sum3A = arith.constant true
        %reduce_sum3A_505 = vector.broadcast %reduce_sum3A : i1 to vector<16xi1>
        %reduce_sum3A_506 = tpu.scan <sum>, %select_n3A masked %reduce_sum3A_505 : vector<16xf32>, vector<16xi1> -> vector<16xf32>
        %reduce_sum3A_507 = vector.extract %reduce_sum3A_506[15] : f32 from vector<16xf32>
        %mul3A_508 = arith.constant 16 : i32
        %mul3A_509 = arith.muli %mul3A_508, %scan3A_484 : i32
        %add3A_510 = arith.addi %mul3A_509, %scan3A_500 : i32
        %get3A_511 = arith.index_cast %add3A_510 : i32 to index
        %get3A_512 = arith.constant 0 : index
        %get3A_513 = tpu.vector_load %arg21[%get3A_511, %get3A_512] {strides = array<i32>} : memref<128x128xf32, #tpu.memory_space<vmem>>, vector<16xf32>,
        %mul3A_514 = vector.broadcast %reduce_sum3A_507 : f32 to vector<16xf32>
        %mul3A_515 = arith.mulf %get3A_513, %mul3A_514 : vector<16xf32>
        %mul3A_516 = arith.constant 16 : i32
        %mul3A_517 = arith.muli %mul3A_516, %scan3A_484 : i32
        %add3A_518 = arith.addi %mul3A_517, %scan3A_500 : i32
        %swap3A_519 = arith.index_cast %add3A_518 : i32 to index
        %swap3A_520 = arith.constant 0 : index
        %swap3A_521 = tpu.vector_load %arg21[%swap3A_519, %swap3A_520] {strides = array<i32>} : memref<128x128xf32, #tpu.memory_space<vmem>>, vector<16xf32>,
        tpu.vector_store %arg21[%swap3A_519, %swap3A_520], %mul3A_515 {strides = array<i32>} : memref<128x128xf32, #tpu.memory_space<vmem>>, vector<16xf32>,
        %mul3A_522 = arith.constant 16 : i32
        %mul3A_523 = arith.muli %mul3A_522, %scan3A_484 : i32
        %add3A_524 = arith.addi %mul3A_523, %scan3A_500 : i32
        %get3A_525 = arith.index_cast %add3A_524 : i32 to index
        %get3A_526 = arith.constant 16 : index
        %get3A_527 = tpu.vector_load %arg21[%get3A_525, %get3A_526] {strides = array<i32>} : memref<128x128xf32, #tpu.memory_space<vmem>>, vector<16xf32>,
        %mul3A_528 = vector.broadcast %reduce_sum3A_507 : f32 to vector<16xf32>
        %mul3A_529 = arith.mulf %get3A_527, %mul3A_528 : vector<16xf32>
        %mul3A_530 = arith.constant 16 : i32
        %mul3A_531 = arith.muli %mul3A_530, %scan3A_484 : i32
        %add3A_532 = arith.addi %mul3A_531, %scan3A_500 : i32
        %swap3A_533 = arith.index_cast %add3A_532 : i32 to index
        %swap3A_534 = arith.constant 16 : index
        %swap3A_535 = tpu.vector_load %arg21[%swap3A_533, %swap3A_534] {strides = array<i32>} : memref<128x128xf32, #tpu.memory_space<vmem>>, vector<16xf32>,
        tpu.vector_store %arg21[%swap3A_533, %swap3A_534], %mul3A_529 {strides = array<i32>} : memref<128x128xf32, #tpu.memory_space<vmem>>, vector<16xf32>,
        %mul3A_536 = arith.constant 16 : i32
        %mul3A_537 = arith.muli %mul3A_536, %scan3A_484 : i32
        %add3A_538 = arith.addi %mul3A_537, %scan3A_500 : i32
        %get3A_539 = arith.index_cast %add3A_538 : i32 to index
        %get3A_540 = arith.constant 32 : index
        %get3A_541 = tpu.vector_load %arg21[%get3A_539, %get3A_540] {strides = array<i32>} : memref<128x128xf32, #tpu.memory_space<vmem>>, vector<16xf32>,
        %mul3A_542 = vector.broadcast %reduce_sum3A_507 : f32 to vector<16xf32>
        %mul3A_543 = arith.mulf %get3A_541, %mul3A_542 : vector<16xf32>
        %mul3A_544 = arith.constant 16 : i32
        %mul3A_545 = arith.muli %mul3A_544, %scan3A_484 : i32
        %add3A_546 = arith.addi %mul3A_545, %scan3A_500 : i32
        %swap3A_547 = arith.index_cast %add3A_546 : i32 to index
        %swap3A_548 = arith.constant 32 : index
        %swap3A_549 = tpu.vector_load %arg21[%swap3A_547, %swap3A_548] {strides = array<i32>} : memref<128x128xf32, #tpu.memory_space<vmem>>, vector<16xf32>,
        tpu.vector_store %arg21[%swap3A_547, %swap3A_548], %mul3A_543 {strides = array<i32>} : memref<128x128xf32, #tpu.memory_space<vmem>>, vector<16xf32>,
        %mul3A_550 = arith.constant 16 : i32
        %mul3A_551 = arith.muli %mul3A_550, %scan3A_484 : i32
        %add3A_552 = arith.addi %mul3A_551, %scan3A_500 : i32
        %get3A_553 = arith.index_cast %add3A_552 : i32 to index
        %get3A_554 = arith.constant 48 : index
        %get3A_555 = tpu.vector_load %arg21[%get3A_553, %get3A_554] {strides = array<i32>} : memref<128x128xf32, #tpu.memory_space<vmem>>, vector<16xf32>,
        %mul3A_556 = vector.broadcast %reduce_sum3A_507 : f32 to vector<16xf32>
        %mul3A_557 = arith.mulf %get3A_555, %mul3A_556 : vector<16xf32>
        %mul3A_558 = arith.constant 16 : i32
        %mul3A_559 = arith.muli %mul3A_558, %scan3A_484 : i32
        %add3A_560 = arith.addi %mul3A_559, %scan3A_500 : i32
        %swap3A_561 = arith.index_cast %add3A_560 : i32 to index
        %swap3A_562 = arith.constant 48 : index
        %swap3A_563 = tpu.vector_load %arg21[%swap3A_561, %swap3A_562] {strides = array<i32>} : memref<128x128xf32, #tpu.memory_space<vmem>>, vector<16xf32>,
        tpu.vector_store %arg21[%swap3A_561, %swap3A_562], %mul3A_557 {strides = array<i32>} : memref<128x128xf32, #tpu.memory_space<vmem>>, vector<16xf32>,
        %mul3A_564 = arith.constant 16 : i32
        %mul3A_565 = arith.muli %mul3A_564, %scan3A_484 : i32
        %add3A_566 = arith.addi %mul3A_565, %scan3A_500 : i32
        %get3A_567 = arith.index_cast %add3A_566 : i32 to index
        %get3A_568 = arith.constant 64 : index
        %get3A_569 = tpu.vector_load %arg21[%get3A_567, %get3A_568] {strides = array<i32>} : memref<128x128xf32, #tpu.memory_space<vmem>>, vector<16xf32>,
        %mul3A_570 = vector.broadcast %reduce_sum3A_507 : f32 to vector<16xf32>
        %mul3A_571 = arith.mulf %get3A_569, %mul3A_570 : vector<16xf32>
        %mul3A_572 = arith.constant 16 : i32
        %mul3A_573 = arith.muli %mul3A_572, %scan3A_484 : i32
        %add3A_574 = arith.addi %mul3A_573, %scan3A_500 : i32
        %swap3A_575 = arith.index_cast %add3A_574 : i32 to index
        %swap3A_576 = arith.constant 64 : index
        %swap3A_577 = tpu.vector_load %arg21[%swap3A_575, %swap3A_576] {strides = array<i32>} : memref<128x128xf32, #tpu.memory_space<vmem>>, vector<16xf32>,
        tpu.vector_store %arg21[%swap3A_575, %swap3A_576], %mul3A_571 {strides = array<i32>} : memref<128x128xf32, #tpu.memory_space<vmem>>, vector<16xf32>,
        %mul3A_578 = arith.constant 16 : i32
        %mul3A_579 = arith.muli %mul3A_578, %scan3A_484 : i32
        %add3A_580 = arith.addi %mul3A_579, %scan3A_500 : i32
        %get3A_581 = arith.index_cast %add3A_580 : i32 to index
        %get3A_582 = arith.constant 80 : index
        %get3A_583 = tpu.vector_load %arg21[%get3A_581, %get3A_582] {strides = array<i32>} : memref<128x128xf32, #tpu.memory_space<vmem>>, vector<16xf32>,
        %mul3A_584 = vector.broadcast %reduce_sum3A_507 : f32 to vector<16xf32>
        %mul3A_585 = arith.mulf %get3A_583, %mul3A_584 : vector<16xf32>
        %mul3A_586 = arith.constant 16 : i32
        %mul3A_587 = arith.muli %mul3A_586, %scan3A_484 : i32
        %add3A_588 = arith.addi %mul3A_587, %scan3A_500 : i32
        %swap3A_589 = arith.index_cast %add3A_588 : i32 to index
        %swap3A_590 = arith.constant 80 : index
        %swap3A_591 = tpu.vector_load %arg21[%swap3A_589, %swap3A_590] {strides = array<i32>} : memref<128x128xf32, #tpu.memory_space<vmem>>, vector<16xf32>,
        tpu.vector_store %arg21[%swap3A_589, %swap3A_590], %mul3A_585 {strides = array<i32>} : memref<128x128xf32, #tpu.memory_space<vmem>>, vector<16xf32>,
        %mul3A_592 = arith.constant 16 : i32
        %mul3A_593 = arith.muli %mul3A_592, %scan3A_484 : i32
        %add3A_594 = arith.addi %mul3A_593, %scan3A_500 : i32
        %get3A_595 = arith.index_cast %add3A_594 : i32 to index
        %get3A_596 = arith.constant 96 : index
        %get3A_597 = tpu.vector_load %arg21[%get3A_595, %get3A_596] {strides = array<i32>} : memref<128x128xf32, #tpu.memory_space<vmem>>, vector<16xf32>,
        %mul3A_598 = vector.broadcast %reduce_sum3A_507 : f32 to vector<16xf32>
        %mul3A_599 = arith.mulf %get3A_597, %mul3A_598 : vector<16xf32>
        %mul3A_600 = arith.constant 16 : i32
        %mul3A_601 = arith.muli %mul3A_600, %scan3A_484 : i32
        %add3A_602 = arith.addi %mul3A_601, %scan3A_500 : i32
        %swap3A_603 = arith.index_cast %add3A_602 : i32 to index
        %swap3A_604 = arith.constant 96 : index
        %swap3A_605 = tpu.vector_load %arg21[%swap3A_603, %swap3A_604] {strides = array<i32>} : memref<128x128xf32, #tpu.memory_space<vmem>>, vector<16xf32>,
        tpu.vector_store %arg21[%swap3A_603, %swap3A_604], %mul3A_599 {strides = array<i32>} : memref<128x128xf32, #tpu.memory_space<vmem>>, vector<16xf32>,
        %mul3A_606 = arith.constant 16 : i32
        %mul3A_607 = arith.muli %mul3A_606, %scan3A_484 : i32
        %add3A_608 = arith.addi %mul3A_607, %scan3A_500 : i32
        %get3A_609 = arith.index_cast %add3A_608 : i32 to index
        %get3A_610 = arith.constant 112 : index
        %get3A_611 = tpu.vector_load %arg21[%get3A_609, %get3A_610] {strides = array<i32>} : memref<128x128xf32, #tpu.memory_space<vmem>>, vector<16xf32>,
        %mul3A_612 = vector.broadcast %reduce_sum3A_507 : f32 to vector<16xf32>
        %mul3A_613 = arith.mulf %get3A_611, %mul3A_612 : vector<16xf32>
        %mul3A_614 = arith.constant 16 : i32
        %mul3A_615 = arith.muli %mul3A_614, %scan3A_484 : i32
        %add3A_616 = arith.addi %mul3A_615, %scan3A_500 : i32
        %swap3A_617 = arith.index_cast %add3A_616 : i32 to index
        %swap3A_618 = arith.constant 112 : index
        %swap3A_619 = tpu.vector_load %arg21[%swap3A_617, %swap3A_618] {strides = array<i32>} : memref<128x128xf32, #tpu.memory_space<vmem>>, vector<16xf32>,
        tpu.vector_store %arg21[%swap3A_617, %swap3A_618], %mul3A_613 {strides = array<i32>} : memref<128x128xf32, #tpu.memory_space<vmem>>, vector<16xf32>,
        %scan3A_620 = arith.constant 0 : i32
        scf.yield %scan3A_620 : i32
      }
      %scan3A_498 = arith.constant 16 : i32
      %scan3A_499 = arith.constant 0 : i32
      scf.yield %scan3A_499 : i32
    }
    %scan3A_373 = arith.constant 8 : i32
    %add3A_374 = arith.constant 128 : i32
    %add3A_375 = arith.addi %mul3A_0, %add3A_374 : i32
    %mul3A_376 = arith.constant 128 : i32
    %mul3A_377 = arith.muli %arg0, %mul3A_376 : i32
    %dma_start3A_378 = arith.constant 0 : i32
    %dma_start3A_379 = arith.constant 0 : i32
    %dma_start3A_380 = tpu.memref_slice %arg21[%dma_start3A_378, %dma_start3A_379] : memref<128x128xf32, #tpu.memory_space<vmem>> -> memref<128x128xf32, #tpu.memory_space<vmem>>
    %dma_start3A_381 = tpu.memref_slice %arg5[%add3A_375, %mul3A_377] : memref<10000x256xf32, #tpu.memory_space<hbm>> -> memref<128x128xf32, #tpu.memory_space<hbm>>
    %dma_start3A_382 = tpu.memref_slice %arg5[%add3A_375, %mul3A_377] : memref<10000x256xf32, #tpu.memory_space<hbm>> -> memref<128x128xf32, #tpu.memory_space<hbm>>
    %dma_start3A_383 = arith.constant 0 : i32
    %dma_start3A_384 = arith.constant 0 : i32
    %dma_start3A_385 = tpu.memref_slice %arg21[%dma_start3A_383, %dma_start3A_384] : memref<128x128xf32, #tpu.memory_space<vmem>> -> memref<128x128xf32, #tpu.memory_space<vmem>>
    tpu.enqueue_dma source(%dma_start3A_385 : memref<128x128xf32, #tpu.memory_space<vmem>>) target(%dma_start3A_382 : memref<128x128xf32, #tpu.memory_space<hbm>>) target_semaphore(%arg24 : memref<!tpu.dma_semaphore, #tpu.memory_space<semaphore_mem>>)
    %add3A_386 = arith.constant 0 : i32
    %add3A_387 = arith.addi %mul3A_0, %add3A_386 : i32
    %mul3A_388 = arith.constant 128 : i32
    %mul3A_389 = arith.muli %arg0, %mul3A_388 : i32
    %dma_wait3A_390 = arith.constant 0 : i32
    %dma_wait3A_391 = arith.constant 0 : i32
    %dma_wait3A_392 = tpu.memref_slice %arg20[%dma_wait3A_390, %dma_wait3A_391] : memref<128x128xf32, #tpu.memory_space<vmem>> -> memref<128x128xf32, #tpu.memory_space<vmem>>
    %dma_wait3A_393 = tpu.memref_slice %arg5[%add3A_387, %mul3A_389] : memref<10000x256xf32, #tpu.memory_space<hbm>> -> memref<128x128xf32, #tpu.memory_space<hbm>>
    %dma_wait3A_394 = tpu.memref_slice %arg5[%add3A_387, %mul3A_389] : memref<10000x256xf32, #tpu.memory_space<hbm>> -> memref<128x128xf32, #tpu.memory_space<hbm>>
    %dma_wait3A_395 = arith.constant 0 : i32
    %dma_wait3A_396 = arith.constant 0 : i32
    %dma_wait3A_397 = tpu.memref_slice %arg20[%dma_wait3A_395, %dma_wait3A_396] : memref<128x128xf32, #tpu.memory_space<vmem>> -> memref<128x128xf32, #tpu.memory_space<vmem>>
    tpu.wait_dma2 semaphore(%arg23 : memref<!tpu.dma_semaphore, #tpu.memory_space<semaphore_mem>>) src(%dma_wait3A_397 : memref<128x128xf32, #tpu.memory_space<vmem>>) dst(%dma_wait3A_394 : memref<128x128xf32, #tpu.memory_space<hbm>>)
    %add3A_398 = arith.constant 256 : i32
    %add3A_399 = arith.addi %mul3A_0, %add3A_398 : i32
    "tpu.region"() ({
      %run_scoped3A = tpu.sem_alloc : memref<!tpu.dma_semaphore, #tpu.memory_space<semaphore_mem>>
      %dma_start3A_484 = arith.constant 0 : i32
      %dma_start3A_485 = arith.constant 0 : i32
      %dma_start3A_486 = tpu.memref_slice %arg20[%dma_start3A_484, %dma_start3A_485] : memref<128x128xf32, #tpu.memory_space<vmem>> -> memref<128x128xf32, #tpu.memory_space<vmem>>
      %dma_start3A_487 = arith.constant 0 : i32
      %dma_start3A_488 = tpu.memref_slice %arg31[%add3A_399, %dma_start3A_487] : memref<10000x128xf32, #tpu.memory_space<vmem_shared>> -> memref<128x128xf32, #tpu.memory_space<vmem_shared>>
      %dma_start3A_489 = arith.constant 0 : i32
      %dma_start3A_490 = arith.constant 0 : i32
      %dma_start3A_491 = tpu.memref_slice %arg20[%dma_start3A_489, %dma_start3A_490] : memref<128x128xf32, #tpu.memory_space<vmem>> -> memref<128x128xf32, #tpu.memory_space<vmem>>
      %dma_start3A_492 = arith.constant 0 : i32
      %dma_start3A_493 = tpu.memref_slice %arg31[%add3A_399, %dma_start3A_492] : memref<10000x128xf32, #tpu.memory_space<vmem_shared>> -> memref<128x128xf32, #tpu.memory_space<vmem_shared>>
      tpu.enqueue_dma source(%dma_start3A_493 : memref<128x128xf32, #tpu.memory_space<vmem_shared>>) target(%dma_start3A_491 : memref<128x128xf32, #tpu.memory_space<vmem>>) target_semaphore(%run_scoped3A : memref<!tpu.dma_semaphore, #tpu.memory_space<semaphore_mem>>)
      %dma_wait3A_494 = arith.constant 0 : i32
      %dma_wait3A_495 = arith.constant 0 : i32
      %dma_wait3A_496 = tpu.memref_slice %arg20[%dma_wait3A_494, %dma_wait3A_495] : memref<128x128xf32, #tpu.memory_space<vmem>> -> memref<128x128xf32, #tpu.memory_space<vmem>>
      %dma_wait3A_497 = arith.constant 0 : i32
      %dma_wait3A_498 = tpu.memref_slice %arg31[%add3A_399, %dma_wait3A_497] : memref<10000x128xf32, #tpu.memory_space<vmem_shared>> -> memref<128x128xf32, #tpu.memory_space<vmem_shared>>
      %dma_wait3A_499 = arith.constant 0 : i32
      %dma_wait3A_500 = arith.constant 0 : i32
      %dma_wait3A_501 = tpu.memref_slice %arg20[%dma_wait3A_499, %dma_wait3A_500] : memref<128x128xf32, #tpu.memory_space<vmem>> -> memref<128x128xf32, #tpu.memory_space<vmem>>
      %dma_wait3A_502 = arith.constant 0 : i32
      %dma_wait3A_503 = tpu.memref_slice %arg31[%add3A_399, %dma_wait3A_502] : memref<10000x128xf32, #tpu.memory_space<vmem_shared>> -> memref<128x128xf32, #tpu.memory_space<vmem_shared>>
      tpu.wait_dma2 semaphore(%run_scoped3A : memref<!tpu.dma_semaphore, #tpu.memory_space<semaphore_mem>>) src(%dma_wait3A_503 : memref<128x128xf32, #tpu.memory_space<vmem_shared>>) dst(%dma_wait3A_501 : memref<128x128xf32, #tpu.memory_space<vmem>>)
      tpu.yield
    }) : () -> ()
    %scan3A_400 = arith.constant 0 : i32
    %scan3A_401 = arith.constant 0 : i32
    %scan3A_402 = arith.constant 8 : i32
    %scan3A_403 = arith.addi %scan3A_401, %scan3A_402 : i32
    %scan3A_404 = arith.constant 1 : i32
    %scan3A_405 = scf.for %scan3A_484 = %scan3A_401 to %scan3A_403 step %scan3A_404 iter_args(%scan3A_485 = %scan3A_400) -> (i32)  : i32 {
      %mul3A_486 = arith.constant 16 : i32
      %mul3A_487 = arith.muli %mul3A_486, %scan3A_484 : i32
      %add3A_488 = arith.constant 256 : i32
      %add3A_489 = arith.addi %add3A_488, %mul3A_487 : i32
      %get3A_490 = arith.index_cast %add3A_489 : i32 to index
      %get3A_491 = tpu.vector_load %arg22[%get3A_490] {strides = array<i32>} : memref<640xf32, #tpu.memory_space<vmem>>, vector<16xf32>,
      %scan3A_492 = arith.constant 0 : i32
      %scan3A_493 = arith.constant 0 : i32
      %scan3A_494 = arith.constant 16 : i32
      %scan3A_495 = arith.addi %scan3A_493, %scan3A_494 : i32
      %scan3A_496 = arith.constant 1 : i32
      %scan3A_497 = scf.for %scan3A_500 = %scan3A_493 to %scan3A_495 step %scan3A_496 iter_args(%scan3A_501 = %scan3A_492) -> (i32)  : i32 {
        %eq3A_502 = vector.broadcast %scan3A_500 : i32 to vector<16xi32>
        %eq3A_503 = arith.cmpi eq, %iota3A, %eq3A_502 : vector<16xi32>
        %jit3A = arith.constant 0.000000e+00 : f32
        %broadcast_in_dim3A_504 = vector.broadcast %jit3A : f32 to vector<16xf32>
        %select_n3A = arith.select %eq3A_503, %get3A_491, %broadcast_in_dim3A_504 : vector<16xi1>, vector<16xf32>
        %reduce_sum3A = arith.constant true
        %reduce_sum3A_505 = vector.broadcast %reduce_sum3A : i1 to vector<16xi1>
        %reduce_sum3A_506 = tpu.scan <sum>, %select_n3A masked %reduce_sum3A_505 : vector<16xf32>, vector<16xi1> -> vector<16xf32>
        %reduce_sum3A_507 = vector.extract %reduce_sum3A_506[15] : f32 from vector<16xf32>
        %mul3A_508 = arith.constant 16 : i32
        %mul3A_509 = arith.muli %mul3A_508, %scan3A_484 : i32
        %add3A_510 = arith.addi %mul3A_509, %scan3A_500 : i32
        %get3A_511 = arith.index_cast %add3A_510 : i32 to index
        %get3A_512 = arith.constant 0 : index
        %get3A_513 = tpu.vector_load %arg20[%get3A_511, %get3A_512] {strides = array<i32>} : memref<128x128xf32, #tpu.memory_space<vmem>>, vector<16xf32>,
        %mul3A_514 = vector.broadcast %reduce_sum3A_507 : f32 to vector<16xf32>
        %mul3A_515 = arith.mulf %get3A_513, %mul3A_514 : vector<16xf32>
        %mul3A_516 = arith.constant 16 : i32
        %mul3A_517 = arith.muli %mul3A_516, %scan3A_484 : i32
        %add3A_518 = arith.addi %mul3A_517, %scan3A_500 : i32
        %swap3A_519 = arith.index_cast %add3A_518 : i32 to index
        %swap3A_520 = arith.constant 0 : index
        %swap3A_521 = tpu.vector_load %arg20[%swap3A_519, %swap3A_520] {strides = array<i32>} : memref<128x128xf32, #tpu.memory_space<vmem>>, vector<16xf32>,
        tpu.vector_store %arg20[%swap3A_519, %swap3A_520], %mul3A_515 {strides = array<i32>} : memref<128x128xf32, #tpu.memory_space<vmem>>, vector<16xf32>,
        %mul3A_522 = arith.constant 16 : i32
        %mul3A_523 = arith.muli %mul3A_522, %scan3A_484 : i32
        %add3A_524 = arith.addi %mul3A_523, %scan3A_500 : i32
        %get3A_525 = arith.index_cast %add3A_524 : i32 to index
        %get3A_526 = arith.constant 16 : index
        %get3A_527 = tpu.vector_load %arg20[%get3A_525, %get3A_526] {strides = array<i32>} : memref<128x128xf32, #tpu.memory_space<vmem>>, vector<16xf32>,
        %mul3A_528 = vector.broadcast %reduce_sum3A_507 : f32 to vector<16xf32>
        %mul3A_529 = arith.mulf %get3A_527, %mul3A_528 : vector<16xf32>
        %mul3A_530 = arith.constant 16 : i32
        %mul3A_531 = arith.muli %mul3A_530, %scan3A_484 : i32
        %add3A_532 = arith.addi %mul3A_531, %scan3A_500 : i32
        %swap3A_533 = arith.index_cast %add3A_532 : i32 to index
        %swap3A_534 = arith.constant 16 : index
        %swap3A_535 = tpu.vector_load %arg20[%swap3A_533, %swap3A_534] {strides = array<i32>} : memref<128x128xf32, #tpu.memory_space<vmem>>, vector<16xf32>,
        tpu.vector_store %arg20[%swap3A_533, %swap3A_534], %mul3A_529 {strides = array<i32>} : memref<128x128xf32, #tpu.memory_space<vmem>>, vector<16xf32>,
        %mul3A_536 = arith.constant 16 : i32
        %mul3A_537 = arith.muli %mul3A_536, %scan3A_484 : i32
        %add3A_538 = arith.addi %mul3A_537, %scan3A_500 : i32
        %get3A_539 = arith.index_cast %add3A_538 : i32 to index
        %get3A_540 = arith.constant 32 : index
        %get3A_541 = tpu.vector_load %arg20[%get3A_539, %get3A_540] {strides = array<i32>} : memref<128x128xf32, #tpu.memory_space<vmem>>, vector<16xf32>,
        %mul3A_542 = vector.broadcast %reduce_sum3A_507 : f32 to vector<16xf32>
        %mul3A_543 = arith.mulf %get3A_541, %mul3A_542 : vector<16xf32>
        %mul3A_544 = arith.constant 16 : i32
        %mul3A_545 = arith.muli %mul3A_544, %scan3A_484 : i32
        %add3A_546 = arith.addi %mul3A_545, %scan3A_500 : i32
        %swap3A_547 = arith.index_cast %add3A_546 : i32 to index
        %swap3A_548 = arith.constant 32 : index
        %swap3A_549 = tpu.vector_load %arg20[%swap3A_547, %swap3A_548] {strides = array<i32>} : memref<128x128xf32, #tpu.memory_space<vmem>>, vector<16xf32>,
        tpu.vector_store %arg20[%swap3A_547, %swap3A_548], %mul3A_543 {strides = array<i32>} : memref<128x128xf32, #tpu.memory_space<vmem>>, vector<16xf32>,
        %mul3A_550 = arith.constant 16 : i32
        %mul3A_551 = arith.muli %mul3A_550, %scan3A_484 : i32
        %add3A_552 = arith.addi %mul3A_551, %scan3A_500 : i32
        %get3A_553 = arith.index_cast %add3A_552 : i32 to index
        %get3A_554 = arith.constant 48 : index
        %get3A_555 = tpu.vector_load %arg20[%get3A_553, %get3A_554] {strides = array<i32>} : memref<128x128xf32, #tpu.memory_space<vmem>>, vector<16xf32>,
        %mul3A_556 = vector.broadcast %reduce_sum3A_507 : f32 to vector<16xf32>
        %mul3A_557 = arith.mulf %get3A_555, %mul3A_556 : vector<16xf32>
        %mul3A_558 = arith.constant 16 : i32
        %mul3A_559 = arith.muli %mul3A_558, %scan3A_484 : i32
        %add3A_560 = arith.addi %mul3A_559, %scan3A_500 : i32
        %swap3A_561 = arith.index_cast %add3A_560 : i32 to index
        %swap3A_562 = arith.constant 48 : index
        %swap3A_563 = tpu.vector_load %arg20[%swap3A_561, %swap3A_562] {strides = array<i32>} : memref<128x128xf32, #tpu.memory_space<vmem>>, vector<16xf32>,
        tpu.vector_store %arg20[%swap3A_561, %swap3A_562], %mul3A_557 {strides = array<i32>} : memref<128x128xf32, #tpu.memory_space<vmem>>, vector<16xf32>,
        %mul3A_564 = arith.constant 16 : i32
        %mul3A_565 = arith.muli %mul3A_564, %scan3A_484 : i32
        %add3A_566 = arith.addi %mul3A_565, %scan3A_500 : i32
        %get3A_567 = arith.index_cast %add3A_566 : i32 to index
        %get3A_568 = arith.constant 64 : index
        %get3A_569 = tpu.vector_load %arg20[%get3A_567, %get3A_568] {strides = array<i32>} : memref<128x128xf32, #tpu.memory_space<vmem>>, vector<16xf32>,
        %mul3A_570 = vector.broadcast %reduce_sum3A_507 : f32 to vector<16xf32>
        %mul3A_571 = arith.mulf %get3A_569, %mul3A_570 : vector<16xf32>
        %mul3A_572 = arith.constant 16 : i32
        %mul3A_573 = arith.muli %mul3A_572, %scan3A_484 : i32
        %add3A_574 = arith.addi %mul3A_573, %scan3A_500 : i32
        %swap3A_575 = arith.index_cast %add3A_574 : i32 to index
        %swap3A_576 = arith.constant 64 : index
        %swap3A_577 = tpu.vector_load %arg20[%swap3A_575, %swap3A_576] {strides = array<i32>} : memref<128x128xf32, #tpu.memory_space<vmem>>, vector<16xf32>,
        tpu.vector_store %arg20[%swap3A_575, %swap3A_576], %mul3A_571 {strides = array<i32>} : memref<128x128xf32, #tpu.memory_space<vmem>>, vector<16xf32>,
        %mul3A_578 = arith.constant 16 : i32
        %mul3A_579 = arith.muli %mul3A_578, %scan3A_484 : i32
        %add3A_580 = arith.addi %mul3A_579, %scan3A_500 : i32
        %get3A_581 = arith.index_cast %add3A_580 : i32 to index
        %get3A_582 = arith.constant 80 : index
        %get3A_583 = tpu.vector_load %arg20[%get3A_581, %get3A_582] {strides = array<i32>} : memref<128x128xf32, #tpu.memory_space<vmem>>, vector<16xf32>,
        %mul3A_584 = vector.broadcast %reduce_sum3A_507 : f32 to vector<16xf32>
        %mul3A_585 = arith.mulf %get3A_583, %mul3A_584 : vector<16xf32>
        %mul3A_586 = arith.constant 16 : i32
        %mul3A_587 = arith.muli %mul3A_586, %scan3A_484 : i32
        %add3A_588 = arith.addi %mul3A_587, %scan3A_500 : i32
        %swap3A_589 = arith.index_cast %add3A_588 : i32 to index
        %swap3A_590 = arith.constant 80 : index
        %swap3A_591 = tpu.vector_load %arg20[%swap3A_589, %swap3A_590] {strides = array<i32>} : memref<128x128xf32, #tpu.memory_space<vmem>>, vector<16xf32>,
        tpu.vector_store %arg20[%swap3A_589, %swap3A_590], %mul3A_585 {strides = array<i32>} : memref<128x128xf32, #tpu.memory_space<vmem>>, vector<16xf32>,
        %mul3A_592 = arith.constant 16 : i32
        %mul3A_593 = arith.muli %mul3A_592, %scan3A_484 : i32
        %add3A_594 = arith.addi %mul3A_593, %scan3A_500 : i32
        %get3A_595 = arith.index_cast %add3A_594 : i32 to index
        %get3A_596 = arith.constant 96 : index
        %get3A_597 = tpu.vector_load %arg20[%get3A_595, %get3A_596] {strides = array<i32>} : memref<128x128xf32, #tpu.memory_space<vmem>>, vector<16xf32>,
        %mul3A_598 = vector.broadcast %reduce_sum3A_507 : f32 to vector<16xf32>
        %mul3A_599 = arith.mulf %get3A_597, %mul3A_598 : vector<16xf32>
        %mul3A_600 = arith.constant 16 : i32
        %mul3A_601 = arith.muli %mul3A_600, %scan3A_484 : i32
        %add3A_602 = arith.addi %mul3A_601, %scan3A_500 : i32
        %swap3A_603 = arith.index_cast %add3A_602 : i32 to index
        %swap3A_604 = arith.constant 96 : index
        %swap3A_605 = tpu.vector_load %arg20[%swap3A_603, %swap3A_604] {strides = array<i32>} : memref<128x128xf32, #tpu.memory_space<vmem>>, vector<16xf32>,
        tpu.vector_store %arg20[%swap3A_603, %swap3A_604], %mul3A_599 {strides = array<i32>} : memref<128x128xf32, #tpu.memory_space<vmem>>, vector<16xf32>,
        %mul3A_606 = arith.constant 16 : i32
        %mul3A_607 = arith.muli %mul3A_606, %scan3A_484 : i32
        %add3A_608 = arith.addi %mul3A_607, %scan3A_500 : i32
        %get3A_609 = arith.index_cast %add3A_608 : i32 to index
        %get3A_610 = arith.constant 112 : index
        %get3A_611 = tpu.vector_load %arg20[%get3A_609, %get3A_610] {strides = array<i32>} : memref<128x128xf32, #tpu.memory_space<vmem>>, vector<16xf32>,
        %mul3A_612 = vector.broadcast %reduce_sum3A_507 : f32 to vector<16xf32>
        %mul3A_613 = arith.mulf %get3A_611, %mul3A_612 : vector<16xf32>
        %mul3A_614 = arith.constant 16 : i32
        %mul3A_615 = arith.muli %mul3A_614, %scan3A_484 : i32
        %add3A_616 = arith.addi %mul3A_615, %scan3A_500 : i32
        %swap3A_617 = arith.index_cast %add3A_616 : i32 to index
        %swap3A_618 = arith.constant 112 : index
        %swap3A_619 = tpu.vector_load %arg20[%swap3A_617, %swap3A_618] {strides = array<i32>} : memref<128x128xf32, #tpu.memory_space<vmem>>, vector<16xf32>,
        tpu.vector_store %arg20[%swap3A_617, %swap3A_618], %mul3A_613 {strides = array<i32>} : memref<128x128xf32, #tpu.memory_space<vmem>>, vector<16xf32>,
        %scan3A_620 = arith.constant 0 : i32
        scf.yield %scan3A_620 : i32
      }
      %scan3A_498 = arith.constant 16 : i32
      %scan3A_499 = arith.constant 0 : i32
      scf.yield %scan3A_499 : i32
    }
    %scan3A_406 = arith.constant 8 : i32
    %add3A_407 = arith.constant 256 : i32
    %add3A_408 = arith.addi %mul3A_0, %add3A_407 : i32
    %mul3A_409 = arith.constant 128 : i32
    %mul3A_410 = arith.muli %arg0, %mul3A_409 : i32
    %dma_start3A_411 = arith.constant 0 : i32
    %dma_start3A_412 = arith.constant 0 : i32
    %dma_start3A_413 = tpu.memref_slice %arg20[%dma_start3A_411, %dma_start3A_412] : memref<128x128xf32, #tpu.memory_space<vmem>> -> memref<128x128xf32, #tpu.memory_space<vmem>>
    %dma_start3A_414 = tpu.memref_slice %arg5[%add3A_408, %mul3A_410] : memref<10000x256xf32, #tpu.memory_space<hbm>> -> memref<128x128xf32, #tpu.memory_space<hbm>>
    %dma_start3A_415 = tpu.memref_slice %arg5[%add3A_408, %mul3A_410] : memref<10000x256xf32, #tpu.memory_space<hbm>> -> memref<128x128xf32, #tpu.memory_space<hbm>>
    %dma_start3A_416 = arith.constant 0 : i32
    %dma_start3A_417 = arith.constant 0 : i32
    %dma_start3A_418 = tpu.memref_slice %arg20[%dma_start3A_416, %dma_start3A_417] : memref<128x128xf32, #tpu.memory_space<vmem>> -> memref<128x128xf32, #tpu.memory_space<vmem>>
    tpu.enqueue_dma source(%dma_start3A_418 : memref<128x128xf32, #tpu.memory_space<vmem>>) target(%dma_start3A_415 : memref<128x128xf32, #tpu.memory_space<hbm>>) target_semaphore(%arg23 : memref<!tpu.dma_semaphore, #tpu.memory_space<semaphore_mem>>)
    %add3A_419 = arith.constant 128 : i32
    %add3A_420 = arith.addi %mul3A_0, %add3A_419 : i32
    %mul3A_421 = arith.constant 128 : i32
    %mul3A_422 = arith.muli %arg0, %mul3A_421 : i32
    %dma_wait3A_423 = arith.constant 0 : i32
    %dma_wait3A_424 = arith.constant 0 : i32
    %dma_wait3A_425 = tpu.memref_slice %arg21[%dma_wait3A_423, %dma_wait3A_424] : memref<128x128xf32, #tpu.memory_space<vmem>> -> memref<128x128xf32, #tpu.memory_space<vmem>>
    %dma_wait3A_426 = tpu.memref_slice %arg5[%add3A_420, %mul3A_422] : memref<10000x256xf32, #tpu.memory_space<hbm>> -> memref<128x128xf32, #tpu.memory_space<hbm>>
    %dma_wait3A_427 = tpu.memref_slice %arg5[%add3A_420, %mul3A_422] : memref<10000x256xf32, #tpu.memory_space<hbm>> -> memref<128x128xf32, #tpu.memory_space<hbm>>
    %dma_wait3A_428 = arith.constant 0 : i32
    %dma_wait3A_429 = arith.constant 0 : i32
    %dma_wait3A_430 = tpu.memref_slice %arg21[%dma_wait3A_428, %dma_wait3A_429] : memref<128x128xf32, #tpu.memory_space<vmem>> -> memref<128x128xf32, #tpu.memory_space<vmem>>
    tpu.wait_dma2 semaphore(%arg24 : memref<!tpu.dma_semaphore, #tpu.memory_space<semaphore_mem>>) src(%dma_wait3A_430 : memref<128x128xf32, #tpu.memory_space<vmem>>) dst(%dma_wait3A_427 : memref<128x128xf32, #tpu.memory_space<hbm>>)
    %add3A_431 = arith.constant 384 : i32
    %add3A_432 = arith.addi %mul3A_0, %add3A_431 : i32
    "tpu.region"() ({
      %run_scoped3A = tpu.sem_alloc : memref<!tpu.dma_semaphore, #tpu.memory_space<semaphore_mem>>
      %dma_start3A_484 = arith.constant 0 : i32
      %dma_start3A_485 = arith.constant 0 : i32
      %dma_start3A_486 = tpu.memref_slice %arg21[%dma_start3A_484, %dma_start3A_485] : memref<128x128xf32, #tpu.memory_space<vmem>> -> memref<128x128xf32, #tpu.memory_space<vmem>>
      %dma_start3A_487 = arith.constant 0 : i32
      %dma_start3A_488 = tpu.memref_slice %arg31[%add3A_432, %dma_start3A_487] : memref<10000x128xf32, #tpu.memory_space<vmem_shared>> -> memref<128x128xf32, #tpu.memory_space<vmem_shared>>
      %dma_start3A_489 = arith.constant 0 : i32
      %dma_start3A_490 = arith.constant 0 : i32
      %dma_start3A_491 = tpu.memref_slice %arg21[%dma_start3A_489, %dma_start3A_490] : memref<128x128xf32, #tpu.memory_space<vmem>> -> memref<128x128xf32, #tpu.memory_space<vmem>>
      %dma_start3A_492 = arith.constant 0 : i32
      %dma_start3A_493 = tpu.memref_slice %arg31[%add3A_432, %dma_start3A_492] : memref<10000x128xf32, #tpu.memory_space<vmem_shared>> -> memref<128x128xf32, #tpu.memory_space<vmem_shared>>
      tpu.enqueue_dma source(%dma_start3A_493 : memref<128x128xf32, #tpu.memory_space<vmem_shared>>) target(%dma_start3A_491 : memref<128x128xf32, #tpu.memory_space<vmem>>) target_semaphore(%run_scoped3A : memref<!tpu.dma_semaphore, #tpu.memory_space<semaphore_mem>>)
      %dma_wait3A_494 = arith.constant 0 : i32
      %dma_wait3A_495 = arith.constant 0 : i32
      %dma_wait3A_496 = tpu.memref_slice %arg21[%dma_wait3A_494, %dma_wait3A_495] : memref<128x128xf32, #tpu.memory_space<vmem>> -> memref<128x128xf32, #tpu.memory_space<vmem>>
      %dma_wait3A_497 = arith.constant 0 : i32
      %dma_wait3A_498 = tpu.memref_slice %arg31[%add3A_432, %dma_wait3A_497] : memref<10000x128xf32, #tpu.memory_space<vmem_shared>> -> memref<128x128xf32, #tpu.memory_space<vmem_shared>>
      %dma_wait3A_499 = arith.constant 0 : i32
      %dma_wait3A_500 = arith.constant 0 : i32
      %dma_wait3A_501 = tpu.memref_slice %arg21[%dma_wait3A_499, %dma_wait3A_500] : memref<128x128xf32, #tpu.memory_space<vmem>> -> memref<128x128xf32, #tpu.memory_space<vmem>>
      %dma_wait3A_502 = arith.constant 0 : i32
      %dma_wait3A_503 = tpu.memref_slice %arg31[%add3A_432, %dma_wait3A_502] : memref<10000x128xf32, #tpu.memory_space<vmem_shared>> -> memref<128x128xf32, #tpu.memory_space<vmem_shared>>
      tpu.wait_dma2 semaphore(%run_scoped3A : memref<!tpu.dma_semaphore, #tpu.memory_space<semaphore_mem>>) src(%dma_wait3A_503 : memref<128x128xf32, #tpu.memory_space<vmem_shared>>) dst(%dma_wait3A_501 : memref<128x128xf32, #tpu.memory_space<vmem>>)
      tpu.yield
    }) : () -> ()
    %scan3A_433 = arith.constant 0 : i32
    %scan3A_434 = arith.constant 0 : i32
    %scan3A_435 = arith.constant 8 : i32
    %scan3A_436 = arith.addi %scan3A_434, %scan3A_435 : i32
    %scan3A_437 = arith.constant 1 : i32
    %scan3A_438 = scf.for %scan3A_484 = %scan3A_434 to %scan3A_436 step %scan3A_437 iter_args(%scan3A_485 = %scan3A_433) -> (i32)  : i32 {
      %mul3A_486 = arith.constant 16 : i32
      %mul3A_487 = arith.muli %mul3A_486, %scan3A_484 : i32
      %add3A_488 = arith.constant 384 : i32
      %add3A_489 = arith.addi %add3A_488, %mul3A_487 : i32
      %get3A_490 = arith.index_cast %add3A_489 : i32 to index
      %get3A_491 = tpu.vector_load %arg22[%get3A_490] {strides = array<i32>} : memref<640xf32, #tpu.memory_space<vmem>>, vector<16xf32>,
      %scan3A_492 = arith.constant 0 : i32
      %scan3A_493 = arith.constant 0 : i32
      %scan3A_494 = arith.constant 16 : i32
      %scan3A_495 = arith.addi %scan3A_493, %scan3A_494 : i32
      %scan3A_496 = arith.constant 1 : i32
      %scan3A_497 = scf.for %scan3A_500 = %scan3A_493 to %scan3A_495 step %scan3A_496 iter_args(%scan3A_501 = %scan3A_492) -> (i32)  : i32 {
        %eq3A_502 = vector.broadcast %scan3A_500 : i32 to vector<16xi32>
        %eq3A_503 = arith.cmpi eq, %iota3A, %eq3A_502 : vector<16xi32>
        %jit3A = arith.constant 0.000000e+00 : f32
        %broadcast_in_dim3A_504 = vector.broadcast %jit3A : f32 to vector<16xf32>
        %select_n3A = arith.select %eq3A_503, %get3A_491, %broadcast_in_dim3A_504 : vector<16xi1>, vector<16xf32>
        %reduce_sum3A = arith.constant true
        %reduce_sum3A_505 = vector.broadcast %reduce_sum3A : i1 to vector<16xi1>
        %reduce_sum3A_506 = tpu.scan <sum>, %select_n3A masked %reduce_sum3A_505 : vector<16xf32>, vector<16xi1> -> vector<16xf32>
        %reduce_sum3A_507 = vector.extract %reduce_sum3A_506[15] : f32 from vector<16xf32>
        %mul3A_508 = arith.constant 16 : i32
        %mul3A_509 = arith.muli %mul3A_508, %scan3A_484 : i32
        %add3A_510 = arith.addi %mul3A_509, %scan3A_500 : i32
        %get3A_511 = arith.index_cast %add3A_510 : i32 to index
        %get3A_512 = arith.constant 0 : index
        %get3A_513 = tpu.vector_load %arg21[%get3A_511, %get3A_512] {strides = array<i32>} : memref<128x128xf32, #tpu.memory_space<vmem>>, vector<16xf32>,
        %mul3A_514 = vector.broadcast %reduce_sum3A_507 : f32 to vector<16xf32>
        %mul3A_515 = arith.mulf %get3A_513, %mul3A_514 : vector<16xf32>
        %mul3A_516 = arith.constant 16 : i32
        %mul3A_517 = arith.muli %mul3A_516, %scan3A_484 : i32
        %add3A_518 = arith.addi %mul3A_517, %scan3A_500 : i32
        %swap3A_519 = arith.index_cast %add3A_518 : i32 to index
        %swap3A_520 = arith.constant 0 : index
        %swap3A_521 = tpu.vector_load %arg21[%swap3A_519, %swap3A_520] {strides = array<i32>} : memref<128x128xf32, #tpu.memory_space<vmem>>, vector<16xf32>,
        tpu.vector_store %arg21[%swap3A_519, %swap3A_520], %mul3A_515 {strides = array<i32>} : memref<128x128xf32, #tpu.memory_space<vmem>>, vector<16xf32>,
        %mul3A_522 = arith.constant 16 : i32
        %mul3A_523 = arith.muli %mul3A_522, %scan3A_484 : i32
        %add3A_524 = arith.addi %mul3A_523, %scan3A_500 : i32
        %get3A_525 = arith.index_cast %add3A_524 : i32 to index
        %get3A_526 = arith.constant 16 : index
        %get3A_527 = tpu.vector_load %arg21[%get3A_525, %get3A_526] {strides = array<i32>} : memref<128x128xf32, #tpu.memory_space<vmem>>, vector<16xf32>,
        %mul3A_528 = vector.broadcast %reduce_sum3A_507 : f32 to vector<16xf32>
        %mul3A_529 = arith.mulf %get3A_527, %mul3A_528 : vector<16xf32>
        %mul3A_530 = arith.constant 16 : i32
        %mul3A_531 = arith.muli %mul3A_530, %scan3A_484 : i32
        %add3A_532 = arith.addi %mul3A_531, %scan3A_500 : i32
        %swap3A_533 = arith.index_cast %add3A_532 : i32 to index
        %swap3A_534 = arith.constant 16 : index
        %swap3A_535 = tpu.vector_load %arg21[%swap3A_533, %swap3A_534] {strides = array<i32>} : memref<128x128xf32, #tpu.memory_space<vmem>>, vector<16xf32>,
        tpu.vector_store %arg21[%swap3A_533, %swap3A_534], %mul3A_529 {strides = array<i32>} : memref<128x128xf32, #tpu.memory_space<vmem>>, vector<16xf32>,
        %mul3A_536 = arith.constant 16 : i32
        %mul3A_537 = arith.muli %mul3A_536, %scan3A_484 : i32
        %add3A_538 = arith.addi %mul3A_537, %scan3A_500 : i32
        %get3A_539 = arith.index_cast %add3A_538 : i32 to index
        %get3A_540 = arith.constant 32 : index
        %get3A_541 = tpu.vector_load %arg21[%get3A_539, %get3A_540] {strides = array<i32>} : memref<128x128xf32, #tpu.memory_space<vmem>>, vector<16xf32>,
        %mul3A_542 = vector.broadcast %reduce_sum3A_507 : f32 to vector<16xf32>
        %mul3A_543 = arith.mulf %get3A_541, %mul3A_542 : vector<16xf32>
        %mul3A_544 = arith.constant 16 : i32
        %mul3A_545 = arith.muli %mul3A_544, %scan3A_484 : i32
        %add3A_546 = arith.addi %mul3A_545, %scan3A_500 : i32
        %swap3A_547 = arith.index_cast %add3A_546 : i32 to index
        %swap3A_548 = arith.constant 32 : index
        %swap3A_549 = tpu.vector_load %arg21[%swap3A_547, %swap3A_548] {strides = array<i32>} : memref<128x128xf32, #tpu.memory_space<vmem>>, vector<16xf32>,
        tpu.vector_store %arg21[%swap3A_547, %swap3A_548], %mul3A_543 {strides = array<i32>} : memref<128x128xf32, #tpu.memory_space<vmem>>, vector<16xf32>,
        %mul3A_550 = arith.constant 16 : i32
        %mul3A_551 = arith.muli %mul3A_550, %scan3A_484 : i32
        %add3A_552 = arith.addi %mul3A_551, %scan3A_500 : i32
        %get3A_553 = arith.index_cast %add3A_552 : i32 to index
        %get3A_554 = arith.constant 48 : index
        %get3A_555 = tpu.vector_load %arg21[%get3A_553, %get3A_554] {strides = array<i32>} : memref<128x128xf32, #tpu.memory_space<vmem>>, vector<16xf32>,
        %mul3A_556 = vector.broadcast %reduce_sum3A_507 : f32 to vector<16xf32>
        %mul3A_557 = arith.mulf %get3A_555, %mul3A_556 : vector<16xf32>
        %mul3A_558 = arith.constant 16 : i32
        %mul3A_559 = arith.muli %mul3A_558, %scan3A_484 : i32
        %add3A_560 = arith.addi %mul3A_559, %scan3A_500 : i32
        %swap3A_561 = arith.index_cast %add3A_560 : i32 to index
        %swap3A_562 = arith.constant 48 : index
        %swap3A_563 = tpu.vector_load %arg21[%swap3A_561, %swap3A_562] {strides = array<i32>} : memref<128x128xf32, #tpu.memory_space<vmem>>, vector<16xf32>,
        tpu.vector_store %arg21[%swap3A_561, %swap3A_562], %mul3A_557 {strides = array<i32>} : memref<128x128xf32, #tpu.memory_space<vmem>>, vector<16xf32>,
        %mul3A_564 = arith.constant 16 : i32
        %mul3A_565 = arith.muli %mul3A_564, %scan3A_484 : i32
        %add3A_566 = arith.addi %mul3A_565, %scan3A_500 : i32
        %get3A_567 = arith.index_cast %add3A_566 : i32 to index
        %get3A_568 = arith.constant 64 : index
        %get3A_569 = tpu.vector_load %arg21[%get3A_567, %get3A_568] {strides = array<i32>} : memref<128x128xf32, #tpu.memory_space<vmem>>, vector<16xf32>,
        %mul3A_570 = vector.broadcast %reduce_sum3A_507 : f32 to vector<16xf32>
        %mul3A_571 = arith.mulf %get3A_569, %mul3A_570 : vector<16xf32>
        %mul3A_572 = arith.constant 16 : i32
        %mul3A_573 = arith.muli %mul3A_572, %scan3A_484 : i32
        %add3A_574 = arith.addi %mul3A_573, %scan3A_500 : i32
        %swap3A_575 = arith.index_cast %add3A_574 : i32 to index
        %swap3A_576 = arith.constant 64 : index
        %swap3A_577 = tpu.vector_load %arg21[%swap3A_575, %swap3A_576] {strides = array<i32>} : memref<128x128xf32, #tpu.memory_space<vmem>>, vector<16xf32>,
        tpu.vector_store %arg21[%swap3A_575, %swap3A_576], %mul3A_571 {strides = array<i32>} : memref<128x128xf32, #tpu.memory_space<vmem>>, vector<16xf32>,
        %mul3A_578 = arith.constant 16 : i32
        %mul3A_579 = arith.muli %mul3A_578, %scan3A_484 : i32
        %add3A_580 = arith.addi %mul3A_579, %scan3A_500 : i32
        %get3A_581 = arith.index_cast %add3A_580 : i32 to index
        %get3A_582 = arith.constant 80 : index
        %get3A_583 = tpu.vector_load %arg21[%get3A_581, %get3A_582] {strides = array<i32>} : memref<128x128xf32, #tpu.memory_space<vmem>>, vector<16xf32>,
        %mul3A_584 = vector.broadcast %reduce_sum3A_507 : f32 to vector<16xf32>
        %mul3A_585 = arith.mulf %get3A_583, %mul3A_584 : vector<16xf32>
        %mul3A_586 = arith.constant 16 : i32
        %mul3A_587 = arith.muli %mul3A_586, %scan3A_484 : i32
        %add3A_588 = arith.addi %mul3A_587, %scan3A_500 : i32
        %swap3A_589 = arith.index_cast %add3A_588 : i32 to index
        %swap3A_590 = arith.constant 80 : index
        %swap3A_591 = tpu.vector_load %arg21[%swap3A_589, %swap3A_590] {strides = array<i32>} : memref<128x128xf32, #tpu.memory_space<vmem>>, vector<16xf32>,
        tpu.vector_store %arg21[%swap3A_589, %swap3A_590], %mul3A_585 {strides = array<i32>} : memref<128x128xf32, #tpu.memory_space<vmem>>, vector<16xf32>,
        %mul3A_592 = arith.constant 16 : i32
        %mul3A_593 = arith.muli %mul3A_592, %scan3A_484 : i32
        %add3A_594 = arith.addi %mul3A_593, %scan3A_500 : i32
        %get3A_595 = arith.index_cast %add3A_594 : i32 to index
        %get3A_596 = arith.constant 96 : index
        %get3A_597 = tpu.vector_load %arg21[%get3A_595, %get3A_596] {strides = array<i32>} : memref<128x128xf32, #tpu.memory_space<vmem>>, vector<16xf32>,
        %mul3A_598 = vector.broadcast %reduce_sum3A_507 : f32 to vector<16xf32>
        %mul3A_599 = arith.mulf %get3A_597, %mul3A_598 : vector<16xf32>
        %mul3A_600 = arith.constant 16 : i32
        %mul3A_601 = arith.muli %mul3A_600, %scan3A_484 : i32
        %add3A_602 = arith.addi %mul3A_601, %scan3A_500 : i32
        %swap3A_603 = arith.index_cast %add3A_602 : i32 to index
        %swap3A_604 = arith.constant 96 : index
        %swap3A_605 = tpu.vector_load %arg21[%swap3A_603, %swap3A_604] {strides = array<i32>} : memref<128x128xf32, #tpu.memory_space<vmem>>, vector<16xf32>,
        tpu.vector_store %arg21[%swap3A_603, %swap3A_604], %mul3A_599 {strides = array<i32>} : memref<128x128xf32, #tpu.memory_space<vmem>>, vector<16xf32>,
        %mul3A_606 = arith.constant 16 : i32
        %mul3A_607 = arith.muli %mul3A_606, %scan3A_484 : i32
        %add3A_608 = arith.addi %mul3A_607, %scan3A_500 : i32
        %get3A_609 = arith.index_cast %add3A_608 : i32 to index
        %get3A_610 = arith.constant 112 : index
        %get3A_611 = tpu.vector_load %arg21[%get3A_609, %get3A_610] {strides = array<i32>} : memref<128x128xf32, #tpu.memory_space<vmem>>, vector<16xf32>,
        %mul3A_612 = vector.broadcast %reduce_sum3A_507 : f32 to vector<16xf32>
        %mul3A_613 = arith.mulf %get3A_611, %mul3A_612 : vector<16xf32>
        %mul3A_614 = arith.constant 16 : i32
        %mul3A_615 = arith.muli %mul3A_614, %scan3A_484 : i32
        %add3A_616 = arith.addi %mul3A_615, %scan3A_500 : i32
        %swap3A_617 = arith.index_cast %add3A_616 : i32 to index
        %swap3A_618 = arith.constant 112 : index
        %swap3A_619 = tpu.vector_load %arg21[%swap3A_617, %swap3A_618] {strides = array<i32>} : memref<128x128xf32, #tpu.memory_space<vmem>>, vector<16xf32>,
        tpu.vector_store %arg21[%swap3A_617, %swap3A_618], %mul3A_613 {strides = array<i32>} : memref<128x128xf32, #tpu.memory_space<vmem>>, vector<16xf32>,
        %scan3A_620 = arith.constant 0 : i32
        scf.yield %scan3A_620 : i32
      }
      %scan3A_498 = arith.constant 16 : i32
      %scan3A_499 = arith.constant 0 : i32
      scf.yield %scan3A_499 : i32
    }
    %scan3A_439 = arith.constant 8 : i32
    %add3A_440 = arith.constant 384 : i32
    %add3A_441 = arith.addi %mul3A_0, %add3A_440 : i32
    %mul3A_442 = arith.constant 128 : i32
    %mul3A_443 = arith.muli %arg0, %mul3A_442 : i32
    %dma_start3A_444 = arith.constant 0 : i32
    %dma_start3A_445 = arith.constant 0 : i32
    %dma_start3A_446 = tpu.memref_slice %arg21[%dma_start3A_444, %dma_start3A_445] : memref<128x128xf32, #tpu.memory_space<vmem>> -> memref<128x128xf32, #tpu.memory_space<vmem>>
    %dma_start3A_447 = tpu.memref_slice %arg5[%add3A_441, %mul3A_443] : memref<10000x256xf32, #tpu.memory_space<hbm>> -> memref<128x128xf32, #tpu.memory_space<hbm>>
    %dma_start3A_448 = tpu.memref_slice %arg5[%add3A_441, %mul3A_443] : memref<10000x256xf32, #tpu.memory_space<hbm>> -> memref<128x128xf32, #tpu.memory_space<hbm>>
    %dma_start3A_449 = arith.constant 0 : i32
    %dma_start3A_450 = arith.constant 0 : i32
    %dma_start3A_451 = tpu.memref_slice %arg21[%dma_start3A_449, %dma_start3A_450] : memref<128x128xf32, #tpu.memory_space<vmem>> -> memref<128x128xf32, #tpu.memory_space<vmem>>
    tpu.enqueue_dma source(%dma_start3A_451 : memref<128x128xf32, #tpu.memory_space<vmem>>) target(%dma_start3A_448 : memref<128x128xf32, #tpu.memory_space<hbm>>) target_semaphore(%arg24 : memref<!tpu.dma_semaphore, #tpu.memory_space<semaphore_mem>>)
    %add3A_452 = arith.constant 256 : i32
    %add3A_453 = arith.addi %mul3A_0, %add3A_452 : i32
    %mul3A_454 = arith.constant 128 : i32
    %mul3A_455 = arith.muli %arg0, %mul3A_454 : i32
    %dma_wait3A_456 = arith.constant 0 : i32
    %dma_wait3A_457 = arith.constant 0 : i32
    %dma_wait3A_458 = tpu.memref_slice %arg20[%dma_wait3A_456, %dma_wait3A_457] : memref<128x128xf32, #tpu.memory_space<vmem>> -> memref<128x128xf32, #tpu.memory_space<vmem>>
    %dma_wait3A_459 = tpu.memref_slice %arg5[%add3A_453, %mul3A_455] : memref<10000x256xf32, #tpu.memory_space<hbm>> -> memref<128x128xf32, #tpu.memory_space<hbm>>
    %dma_wait3A_460 = tpu.memref_slice %arg5[%add3A_453, %mul3A_455] : memref<10000x256xf32, #tpu.memory_space<hbm>> -> memref<128x128xf32, #tpu.memory_space<hbm>>
    %dma_wait3A_461 = arith.constant 0 : i32
    %dma_wait3A_462 = arith.constant 0 : i32
    %dma_wait3A_463 = tpu.memref_slice %arg20[%dma_wait3A_461, %dma_wait3A_462] : memref<128x128xf32, #tpu.memory_space<vmem>> -> memref<128x128xf32, #tpu.memory_space<vmem>>
    tpu.wait_dma2 semaphore(%arg23 : memref<!tpu.dma_semaphore, #tpu.memory_space<semaphore_mem>>) src(%dma_wait3A_463 : memref<128x128xf32, #tpu.memory_space<vmem>>) dst(%dma_wait3A_460 : memref<128x128xf32, #tpu.memory_space<hbm>>)
    %not3A_464 = arith.constant true
    %not3A_465 = arith.xori %eq3A_1, %not3A_464 : i1
    %convert_element_type3A_466 = arith.extui %not3A_465 : i1 to i32
    %cond3A_467 = arith.constant 0 : i32
    %cond3A_468 = arith.cmpi ne, %convert_element_type3A_466, %cond3A_467 : i32
    scf.if %cond3A_468 {
      %add3A_484 = arith.constant 512 : i32
      %add3A_485 = arith.addi %mul3A_0, %add3A_484 : i32
      "tpu.region"() ({
        %run_scoped3A = tpu.sem_alloc : memref<!tpu.dma_semaphore, #tpu.memory_space<semaphore_mem>>
        %dma_start3A_517 = arith.constant 0 : i32
        %dma_start3A_518 = arith.constant 0 : i32
        %dma_start3A_519 = tpu.memref_slice %arg20[%dma_start3A_517, %dma_start3A_518] : memref<128x128xf32, #tpu.memory_space<vmem>> -> memref<112x128xf32, #tpu.memory_space<vmem>>
        %dma_start3A_520 = arith.constant 0 : i32
        %dma_start3A_521 = tpu.memref_slice %arg31[%add3A_485, %dma_start3A_520] : memref<10000x128xf32, #tpu.memory_space<vmem_shared>> -> memref<112x128xf32, #tpu.memory_space<vmem_shared>>
        %dma_start3A_522 = arith.constant 0 : i32
        %dma_start3A_523 = arith.constant 0 : i32
        %dma_start3A_524 = tpu.memref_slice %arg20[%dma_start3A_522, %dma_start3A_523] : memref<128x128xf32, #tpu.memory_space<vmem>> -> memref<112x128xf32, #tpu.memory_space<vmem>>
        %dma_start3A_525 = arith.constant 0 : i32
        %dma_start3A_526 = tpu.memref_slice %arg31[%add3A_485, %dma_start3A_525] : memref<10000x128xf32, #tpu.memory_space<vmem_shared>> -> memref<112x128xf32, #tpu.memory_space<vmem_shared>>
        tpu.enqueue_dma source(%dma_start3A_526 : memref<112x128xf32, #tpu.memory_space<vmem_shared>>) target(%dma_start3A_524 : memref<112x128xf32, #tpu.memory_space<vmem>>) target_semaphore(%run_scoped3A : memref<!tpu.dma_semaphore, #tpu.memory_space<semaphore_mem>>)
        %dma_wait3A_527 = arith.constant 0 : i32
        %dma_wait3A_528 = arith.constant 0 : i32
        %dma_wait3A_529 = tpu.memref_slice %arg20[%dma_wait3A_527, %dma_wait3A_528] : memref<128x128xf32, #tpu.memory_space<vmem>> -> memref<112x128xf32, #tpu.memory_space<vmem>>
        %dma_wait3A_530 = arith.constant 0 : i32
        %dma_wait3A_531 = tpu.memref_slice %arg31[%add3A_485, %dma_wait3A_530] : memref<10000x128xf32, #tpu.memory_space<vmem_shared>> -> memref<112x128xf32, #tpu.memory_space<vmem_shared>>
        %dma_wait3A_532 = arith.constant 0 : i32
        %dma_wait3A_533 = arith.constant 0 : i32
        %dma_wait3A_534 = tpu.memref_slice %arg20[%dma_wait3A_532, %dma_wait3A_533] : memref<128x128xf32, #tpu.memory_space<vmem>> -> memref<112x128xf32, #tpu.memory_space<vmem>>
        %dma_wait3A_535 = arith.constant 0 : i32
        %dma_wait3A_536 = tpu.memref_slice %arg31[%add3A_485, %dma_wait3A_535] : memref<10000x128xf32, #tpu.memory_space<vmem_shared>> -> memref<112x128xf32, #tpu.memory_space<vmem_shared>>
        tpu.wait_dma2 semaphore(%run_scoped3A : memref<!tpu.dma_semaphore, #tpu.memory_space<semaphore_mem>>) src(%dma_wait3A_536 : memref<112x128xf32, #tpu.memory_space<vmem_shared>>) dst(%dma_wait3A_534 : memref<112x128xf32, #tpu.memory_space<vmem>>)
        tpu.yield
      }) : () -> ()
      %scan3A_486 = arith.constant 0 : i32
      %scan3A_487 = arith.constant 0 : i32
      %scan3A_488 = arith.constant 7 : i32
      %scan3A_489 = arith.addi %scan3A_487, %scan3A_488 : i32
      %scan3A_490 = arith.constant 1 : i32
      %scan3A_491 = scf.for %scan3A_517 = %scan3A_487 to %scan3A_489 step %scan3A_490 iter_args(%scan3A_518 = %scan3A_486) -> (i32)  : i32 {
        %mul3A_519 = arith.constant 16 : i32
        %mul3A_520 = arith.muli %mul3A_519, %scan3A_517 : i32
        %add3A_521 = arith.constant 512 : i32
        %add3A_522 = arith.addi %add3A_521, %mul3A_520 : i32
        %get3A_523 = arith.index_cast %add3A_522 : i32 to index
        %get3A_524 = tpu.vector_load %arg22[%get3A_523] {strides = array<i32>} : memref<640xf32, #tpu.memory_space<vmem>>, vector<16xf32>,
        %scan3A_525 = arith.constant 0 : i32
        %scan3A_526 = arith.constant 0 : i32
        %scan3A_527 = arith.constant 16 : i32
        %scan3A_528 = arith.addi %scan3A_526, %scan3A_527 : i32
        %scan3A_529 = arith.constant 1 : i32
        %scan3A_530 = scf.for %scan3A_533 = %scan3A_526 to %scan3A_528 step %scan3A_529 iter_args(%scan3A_534 = %scan3A_525) -> (i32)  : i32 {
          %eq3A_535 = vector.broadcast %scan3A_533 : i32 to vector<16xi32>
          %eq3A_536 = arith.cmpi eq, %iota3A, %eq3A_535 : vector<16xi32>
          %jit3A = arith.constant 0.000000e+00 : f32
          %broadcast_in_dim3A_537 = vector.broadcast %jit3A : f32 to vector<16xf32>
          %select_n3A = arith.select %eq3A_536, %get3A_524, %broadcast_in_dim3A_537 : vector<16xi1>, vector<16xf32>
          %reduce_sum3A = arith.constant true
          %reduce_sum3A_538 = vector.broadcast %reduce_sum3A : i1 to vector<16xi1>
          %reduce_sum3A_539 = tpu.scan <sum>, %select_n3A masked %reduce_sum3A_538 : vector<16xf32>, vector<16xi1> -> vector<16xf32>
          %reduce_sum3A_540 = vector.extract %reduce_sum3A_539[15] : f32 from vector<16xf32>
          %mul3A_541 = arith.constant 16 : i32
          %mul3A_542 = arith.muli %mul3A_541, %scan3A_517 : i32
          %add3A_543 = arith.addi %mul3A_542, %scan3A_533 : i32
          %get3A_544 = arith.index_cast %add3A_543 : i32 to index
          %get3A_545 = arith.constant 0 : index
          %get3A_546 = tpu.vector_load %arg20[%get3A_544, %get3A_545] {strides = array<i32>} : memref<128x128xf32, #tpu.memory_space<vmem>>, vector<16xf32>,
          %mul3A_547 = vector.broadcast %reduce_sum3A_540 : f32 to vector<16xf32>
          %mul3A_548 = arith.mulf %get3A_546, %mul3A_547 : vector<16xf32>
          %mul3A_549 = arith.constant 16 : i32
          %mul3A_550 = arith.muli %mul3A_549, %scan3A_517 : i32
          %add3A_551 = arith.addi %mul3A_550, %scan3A_533 : i32
          %swap3A_552 = arith.index_cast %add3A_551 : i32 to index
          %swap3A_553 = arith.constant 0 : index
          %swap3A_554 = tpu.vector_load %arg20[%swap3A_552, %swap3A_553] {strides = array<i32>} : memref<128x128xf32, #tpu.memory_space<vmem>>, vector<16xf32>,
          tpu.vector_store %arg20[%swap3A_552, %swap3A_553], %mul3A_548 {strides = array<i32>} : memref<128x128xf32, #tpu.memory_space<vmem>>, vector<16xf32>,
          %mul3A_555 = arith.constant 16 : i32
          %mul3A_556 = arith.muli %mul3A_555, %scan3A_517 : i32
          %add3A_557 = arith.addi %mul3A_556, %scan3A_533 : i32
          %get3A_558 = arith.index_cast %add3A_557 : i32 to index
          %get3A_559 = arith.constant 16 : index
          %get3A_560 = tpu.vector_load %arg20[%get3A_558, %get3A_559] {strides = array<i32>} : memref<128x128xf32, #tpu.memory_space<vmem>>, vector<16xf32>,
          %mul3A_561 = vector.broadcast %reduce_sum3A_540 : f32 to vector<16xf32>
          %mul3A_562 = arith.mulf %get3A_560, %mul3A_561 : vector<16xf32>
          %mul3A_563 = arith.constant 16 : i32
          %mul3A_564 = arith.muli %mul3A_563, %scan3A_517 : i32
          %add3A_565 = arith.addi %mul3A_564, %scan3A_533 : i32
          %swap3A_566 = arith.index_cast %add3A_565 : i32 to index
          %swap3A_567 = arith.constant 16 : index
          %swap3A_568 = tpu.vector_load %arg20[%swap3A_566, %swap3A_567] {strides = array<i32>} : memref<128x128xf32, #tpu.memory_space<vmem>>, vector<16xf32>,
          tpu.vector_store %arg20[%swap3A_566, %swap3A_567], %mul3A_562 {strides = array<i32>} : memref<128x128xf32, #tpu.memory_space<vmem>>, vector<16xf32>,
          %mul3A_569 = arith.constant 16 : i32
          %mul3A_570 = arith.muli %mul3A_569, %scan3A_517 : i32
          %add3A_571 = arith.addi %mul3A_570, %scan3A_533 : i32
          %get3A_572 = arith.index_cast %add3A_571 : i32 to index
          %get3A_573 = arith.constant 32 : index
          %get3A_574 = tpu.vector_load %arg20[%get3A_572, %get3A_573] {strides = array<i32>} : memref<128x128xf32, #tpu.memory_space<vmem>>, vector<16xf32>,
          %mul3A_575 = vector.broadcast %reduce_sum3A_540 : f32 to vector<16xf32>
          %mul3A_576 = arith.mulf %get3A_574, %mul3A_575 : vector<16xf32>
          %mul3A_577 = arith.constant 16 : i32
          %mul3A_578 = arith.muli %mul3A_577, %scan3A_517 : i32
          %add3A_579 = arith.addi %mul3A_578, %scan3A_533 : i32
          %swap3A_580 = arith.index_cast %add3A_579 : i32 to index
          %swap3A_581 = arith.constant 32 : index
          %swap3A_582 = tpu.vector_load %arg20[%swap3A_580, %swap3A_581] {strides = array<i32>} : memref<128x128xf32, #tpu.memory_space<vmem>>, vector<16xf32>,
          tpu.vector_store %arg20[%swap3A_580, %swap3A_581], %mul3A_576 {strides = array<i32>} : memref<128x128xf32, #tpu.memory_space<vmem>>, vector<16xf32>,
          %mul3A_583 = arith.constant 16 : i32
          %mul3A_584 = arith.muli %mul3A_583, %scan3A_517 : i32
          %add3A_585 = arith.addi %mul3A_584, %scan3A_533 : i32
          %get3A_586 = arith.index_cast %add3A_585 : i32 to index
          %get3A_587 = arith.constant 48 : index
          %get3A_588 = tpu.vector_load %arg20[%get3A_586, %get3A_587] {strides = array<i32>} : memref<128x128xf32, #tpu.memory_space<vmem>>, vector<16xf32>,
          %mul3A_589 = vector.broadcast %reduce_sum3A_540 : f32 to vector<16xf32>
          %mul3A_590 = arith.mulf %get3A_588, %mul3A_589 : vector<16xf32>
          %mul3A_591 = arith.constant 16 : i32
          %mul3A_592 = arith.muli %mul3A_591, %scan3A_517 : i32
          %add3A_593 = arith.addi %mul3A_592, %scan3A_533 : i32
          %swap3A_594 = arith.index_cast %add3A_593 : i32 to index
          %swap3A_595 = arith.constant 48 : index
          %swap3A_596 = tpu.vector_load %arg20[%swap3A_594, %swap3A_595] {strides = array<i32>} : memref<128x128xf32, #tpu.memory_space<vmem>>, vector<16xf32>,
          tpu.vector_store %arg20[%swap3A_594, %swap3A_595], %mul3A_590 {strides = array<i32>} : memref<128x128xf32, #tpu.memory_space<vmem>>, vector<16xf32>,
          %mul3A_597 = arith.constant 16 : i32
          %mul3A_598 = arith.muli %mul3A_597, %scan3A_517 : i32
          %add3A_599 = arith.addi %mul3A_598, %scan3A_533 : i32
          %get3A_600 = arith.index_cast %add3A_599 : i32 to index
          %get3A_601 = arith.constant 64 : index
          %get3A_602 = tpu.vector_load %arg20[%get3A_600, %get3A_601] {strides = array<i32>} : memref<128x128xf32, #tpu.memory_space<vmem>>, vector<16xf32>,
          %mul3A_603 = vector.broadcast %reduce_sum3A_540 : f32 to vector<16xf32>
          %mul3A_604 = arith.mulf %get3A_602, %mul3A_603 : vector<16xf32>
          %mul3A_605 = arith.constant 16 : i32
          %mul3A_606 = arith.muli %mul3A_605, %scan3A_517 : i32
          %add3A_607 = arith.addi %mul3A_606, %scan3A_533 : i32
          %swap3A_608 = arith.index_cast %add3A_607 : i32 to index
          %swap3A_609 = arith.constant 64 : index
          %swap3A_610 = tpu.vector_load %arg20[%swap3A_608, %swap3A_609] {strides = array<i32>} : memref<128x128xf32, #tpu.memory_space<vmem>>, vector<16xf32>,
          tpu.vector_store %arg20[%swap3A_608, %swap3A_609], %mul3A_604 {strides = array<i32>} : memref<128x128xf32, #tpu.memory_space<vmem>>, vector<16xf32>,
          %mul3A_611 = arith.constant 16 : i32
          %mul3A_612 = arith.muli %mul3A_611, %scan3A_517 : i32
          %add3A_613 = arith.addi %mul3A_612, %scan3A_533 : i32
          %get3A_614 = arith.index_cast %add3A_613 : i32 to index
          %get3A_615 = arith.constant 80 : index
          %get3A_616 = tpu.vector_load %arg20[%get3A_614, %get3A_615] {strides = array<i32>} : memref<128x128xf32, #tpu.memory_space<vmem>>, vector<16xf32>,
          %mul3A_617 = vector.broadcast %reduce_sum3A_540 : f32 to vector<16xf32>
          %mul3A_618 = arith.mulf %get3A_616, %mul3A_617 : vector<16xf32>
          %mul3A_619 = arith.constant 16 : i32
          %mul3A_620 = arith.muli %mul3A_619, %scan3A_517 : i32
          %add3A_621 = arith.addi %mul3A_620, %scan3A_533 : i32
          %swap3A_622 = arith.index_cast %add3A_621 : i32 to index
          %swap3A_623 = arith.constant 80 : index
          %swap3A_624 = tpu.vector_load %arg20[%swap3A_622, %swap3A_623] {strides = array<i32>} : memref<128x128xf32, #tpu.memory_space<vmem>>, vector<16xf32>,
          tpu.vector_store %arg20[%swap3A_622, %swap3A_623], %mul3A_618 {strides = array<i32>} : memref<128x128xf32, #tpu.memory_space<vmem>>, vector<16xf32>,
          %mul3A_625 = arith.constant 16 : i32
          %mul3A_626 = arith.muli %mul3A_625, %scan3A_517 : i32
          %add3A_627 = arith.addi %mul3A_626, %scan3A_533 : i32
          %get3A_628 = arith.index_cast %add3A_627 : i32 to index
          %get3A_629 = arith.constant 96 : index
          %get3A_630 = tpu.vector_load %arg20[%get3A_628, %get3A_629] {strides = array<i32>} : memref<128x128xf32, #tpu.memory_space<vmem>>, vector<16xf32>,
          %mul3A_631 = vector.broadcast %reduce_sum3A_540 : f32 to vector<16xf32>
          %mul3A_632 = arith.mulf %get3A_630, %mul3A_631 : vector<16xf32>
          %mul3A_633 = arith.constant 16 : i32
          %mul3A_634 = arith.muli %mul3A_633, %scan3A_517 : i32
          %add3A_635 = arith.addi %mul3A_634, %scan3A_533 : i32
          %swap3A_636 = arith.index_cast %add3A_635 : i32 to index
          %swap3A_637 = arith.constant 96 : index
          %swap3A_638 = tpu.vector_load %arg20[%swap3A_636, %swap3A_637] {strides = array<i32>} : memref<128x128xf32, #tpu.memory_space<vmem>>, vector<16xf32>,
          tpu.vector_store %arg20[%swap3A_636, %swap3A_637], %mul3A_632 {strides = array<i32>} : memref<128x128xf32, #tpu.memory_space<vmem>>, vector<16xf32>,
          %mul3A_639 = arith.constant 16 : i32
          %mul3A_640 = arith.muli %mul3A_639, %scan3A_517 : i32
          %add3A_641 = arith.addi %mul3A_640, %scan3A_533 : i32
          %get3A_642 = arith.index_cast %add3A_641 : i32 to index
          %get3A_643 = arith.constant 112 : index
          %get3A_644 = tpu.vector_load %arg20[%get3A_642, %get3A_643] {strides = array<i32>} : memref<128x128xf32, #tpu.memory_space<vmem>>, vector<16xf32>,
          %mul3A_645 = vector.broadcast %reduce_sum3A_540 : f32 to vector<16xf32>
          %mul3A_646 = arith.mulf %get3A_644, %mul3A_645 : vector<16xf32>
          %mul3A_647 = arith.constant 16 : i32
          %mul3A_648 = arith.muli %mul3A_647, %scan3A_517 : i32
          %add3A_649 = arith.addi %mul3A_648, %scan3A_533 : i32
          %swap3A_650 = arith.index_cast %add3A_649 : i32 to index
          %swap3A_651 = arith.constant 112 : index
          %swap3A_652 = tpu.vector_load %arg20[%swap3A_650, %swap3A_651] {strides = array<i32>} : memref<128x128xf32, #tpu.memory_space<vmem>>, vector<16xf32>,
          tpu.vector_store %arg20[%swap3A_650, %swap3A_651], %mul3A_646 {strides = array<i32>} : memref<128x128xf32, #tpu.memory_space<vmem>>, vector<16xf32>,
          %scan3A_653 = arith.constant 0 : i32
          scf.yield %scan3A_653 : i32
        }
        %scan3A_531 = arith.constant 16 : i32
        %scan3A_532 = arith.constant 0 : i32
        scf.yield %scan3A_532 : i32
      }
      %scan3A_492 = arith.constant 7 : i32
      %add3A_493 = arith.constant 512 : i32
      %add3A_494 = arith.addi %mul3A_0, %add3A_493 : i32
      %mul3A_495 = arith.constant 128 : i32
      %mul3A_496 = arith.muli %arg0, %mul3A_495 : i32
      %dma_start3A_497 = arith.constant 0 : i32
      %dma_start3A_498 = arith.constant 0 : i32
      %dma_start3A_499 = tpu.memref_slice %arg20[%dma_start3A_497, %dma_start3A_498] : memref<128x128xf32, #tpu.memory_space<vmem>> -> memref<112x128xf32, #tpu.memory_space<vmem>>
      %dma_start3A_500 = tpu.memref_slice %arg5[%add3A_494, %mul3A_496] : memref<10000x256xf32, #tpu.memory_space<hbm>> -> memref<112x128xf32, #tpu.memory_space<hbm>>
      %dma_start3A_501 = tpu.memref_slice %arg5[%add3A_494, %mul3A_496] : memref<10000x256xf32, #tpu.memory_space<hbm>> -> memref<112x128xf32, #tpu.memory_space<hbm>>
      %dma_start3A_502 = arith.constant 0 : i32
      %dma_start3A_503 = arith.constant 0 : i32
      %dma_start3A_504 = tpu.memref_slice %arg20[%dma_start3A_502, %dma_start3A_503] : memref<128x128xf32, #tpu.memory_space<vmem>> -> memref<112x128xf32, #tpu.memory_space<vmem>>
      tpu.enqueue_dma source(%dma_start3A_504 : memref<112x128xf32, #tpu.memory_space<vmem>>) target(%dma_start3A_501 : memref<112x128xf32, #tpu.memory_space<hbm>>) target_semaphore(%arg23 : memref<!tpu.dma_semaphore, #tpu.memory_space<semaphore_mem>>)
      %add3A_505 = arith.constant 512 : i32
      %add3A_506 = arith.addi %mul3A_0, %add3A_505 : i32
      %mul3A_507 = arith.constant 128 : i32
      %mul3A_508 = arith.muli %arg0, %mul3A_507 : i32
      %dma_wait3A_509 = arith.constant 0 : i32
      %dma_wait3A_510 = arith.constant 0 : i32
      %dma_wait3A_511 = tpu.memref_slice %arg20[%dma_wait3A_509, %dma_wait3A_510] : memref<128x128xf32, #tpu.memory_space<vmem>> -> memref<112x128xf32, #tpu.memory_space<vmem>>
      %dma_wait3A_512 = tpu.memref_slice %arg5[%add3A_506, %mul3A_508] : memref<10000x256xf32, #tpu.memory_space<hbm>> -> memref<112x128xf32, #tpu.memory_space<hbm>>
      %dma_wait3A_513 = tpu.memref_slice %arg5[%add3A_506, %mul3A_508] : memref<10000x256xf32, #tpu.memory_space<hbm>> -> memref<112x128xf32, #tpu.memory_space<hbm>>
      %dma_wait3A_514 = arith.constant 0 : i32
      %dma_wait3A_515 = arith.constant 0 : i32
      %dma_wait3A_516 = tpu.memref_slice %arg20[%dma_wait3A_514, %dma_wait3A_515] : memref<128x128xf32, #tpu.memory_space<vmem>> -> memref<112x128xf32, #tpu.memory_space<vmem>>
      tpu.wait_dma2 semaphore(%arg23 : memref<!tpu.dma_semaphore, #tpu.memory_space<semaphore_mem>>) src(%dma_wait3A_516 : memref<112x128xf32, #tpu.memory_space<vmem>>) dst(%dma_wait3A_513 : memref<112x128xf32, #tpu.memory_space<hbm>>)
    } else {
    }
    %convert_element_type3A_469 = arith.extui %eq3A_1 : i1 to i32
    %cond3A_470 = arith.constant 0 : i32
    %cond3A_471 = arith.cmpi ne, %convert_element_type3A_469, %cond3A_470 : i32
    scf.if %cond3A_471 {
      %add3A_484 = arith.constant 512 : i32
      %add3A_485 = arith.addi %mul3A_0, %add3A_484 : i32
      "tpu.region"() ({
        %run_scoped3A = tpu.sem_alloc : memref<!tpu.dma_semaphore, #tpu.memory_space<semaphore_mem>>
        %dma_start3A_517 = arith.constant 0 : i32
        %dma_start3A_518 = arith.constant 0 : i32
        %dma_start3A_519 = tpu.memref_slice %arg20[%dma_start3A_517, %dma_start3A_518] : memref<128x128xf32, #tpu.memory_space<vmem>> -> memref<128x128xf32, #tpu.memory_space<vmem>>
        %dma_start3A_520 = arith.constant 0 : i32
        %dma_start3A_521 = tpu.memref_slice %arg31[%add3A_485, %dma_start3A_520] : memref<10000x128xf32, #tpu.memory_space<vmem_shared>> -> memref<128x128xf32, #tpu.memory_space<vmem_shared>>
        %dma_start3A_522 = arith.constant 0 : i32
        %dma_start3A_523 = arith.constant 0 : i32
        %dma_start3A_524 = tpu.memref_slice %arg20[%dma_start3A_522, %dma_start3A_523] : memref<128x128xf32, #tpu.memory_space<vmem>> -> memref<128x128xf32, #tpu.memory_space<vmem>>
        %dma_start3A_525 = arith.constant 0 : i32
        %dma_start3A_526 = tpu.memref_slice %arg31[%add3A_485, %dma_start3A_525] : memref<10000x128xf32, #tpu.memory_space<vmem_shared>> -> memref<128x128xf32, #tpu.memory_space<vmem_shared>>
        tpu.enqueue_dma source(%dma_start3A_526 : memref<128x128xf32, #tpu.memory_space<vmem_shared>>) target(%dma_start3A_524 : memref<128x128xf32, #tpu.memory_space<vmem>>) target_semaphore(%run_scoped3A : memref<!tpu.dma_semaphore, #tpu.memory_space<semaphore_mem>>)
        %dma_wait3A_527 = arith.constant 0 : i32
        %dma_wait3A_528 = arith.constant 0 : i32
        %dma_wait3A_529 = tpu.memref_slice %arg20[%dma_wait3A_527, %dma_wait3A_528] : memref<128x128xf32, #tpu.memory_space<vmem>> -> memref<128x128xf32, #tpu.memory_space<vmem>>
        %dma_wait3A_530 = arith.constant 0 : i32
        %dma_wait3A_531 = tpu.memref_slice %arg31[%add3A_485, %dma_wait3A_530] : memref<10000x128xf32, #tpu.memory_space<vmem_shared>> -> memref<128x128xf32, #tpu.memory_space<vmem_shared>>
        %dma_wait3A_532 = arith.constant 0 : i32
        %dma_wait3A_533 = arith.constant 0 : i32
        %dma_wait3A_534 = tpu.memref_slice %arg20[%dma_wait3A_532, %dma_wait3A_533] : memref<128x128xf32, #tpu.memory_space<vmem>> -> memref<128x128xf32, #tpu.memory_space<vmem>>
        %dma_wait3A_535 = arith.constant 0 : i32
        %dma_wait3A_536 = tpu.memref_slice %arg31[%add3A_485, %dma_wait3A_535] : memref<10000x128xf32, #tpu.memory_space<vmem_shared>> -> memref<128x128xf32, #tpu.memory_space<vmem_shared>>
        tpu.wait_dma2 semaphore(%run_scoped3A : memref<!tpu.dma_semaphore, #tpu.memory_space<semaphore_mem>>) src(%dma_wait3A_536 : memref<128x128xf32, #tpu.memory_space<vmem_shared>>) dst(%dma_wait3A_534 : memref<128x128xf32, #tpu.memory_space<vmem>>)
        tpu.yield
      }) : () -> ()
      %scan3A_486 = arith.constant 0 : i32
      %scan3A_487 = arith.constant 0 : i32
      %scan3A_488 = arith.constant 8 : i32
      %scan3A_489 = arith.addi %scan3A_487, %scan3A_488 : i32
      %scan3A_490 = arith.constant 1 : i32
      %scan3A_491 = scf.for %scan3A_517 = %scan3A_487 to %scan3A_489 step %scan3A_490 iter_args(%scan3A_518 = %scan3A_486) -> (i32)  : i32 {
        %mul3A_519 = arith.constant 16 : i32
        %mul3A_520 = arith.muli %mul3A_519, %scan3A_517 : i32
        %add3A_521 = arith.constant 512 : i32
        %add3A_522 = arith.addi %add3A_521, %mul3A_520 : i32
        %get3A_523 = arith.index_cast %add3A_522 : i32 to index
        %get3A_524 = tpu.vector_load %arg22[%get3A_523] {strides = array<i32>} : memref<640xf32, #tpu.memory_space<vmem>>, vector<16xf32>,
        %scan3A_525 = arith.constant 0 : i32
        %scan3A_526 = arith.constant 0 : i32
        %scan3A_527 = arith.constant 16 : i32
        %scan3A_528 = arith.addi %scan3A_526, %scan3A_527 : i32
        %scan3A_529 = arith.constant 1 : i32
        %scan3A_530 = scf.for %scan3A_533 = %scan3A_526 to %scan3A_528 step %scan3A_529 iter_args(%scan3A_534 = %scan3A_525) -> (i32)  : i32 {
          %eq3A_535 = vector.broadcast %scan3A_533 : i32 to vector<16xi32>
          %eq3A_536 = arith.cmpi eq, %iota3A, %eq3A_535 : vector<16xi32>
          %jit3A = arith.constant 0.000000e+00 : f32
          %broadcast_in_dim3A_537 = vector.broadcast %jit3A : f32 to vector<16xf32>
          %select_n3A = arith.select %eq3A_536, %get3A_524, %broadcast_in_dim3A_537 : vector<16xi1>, vector<16xf32>
          %reduce_sum3A = arith.constant true
          %reduce_sum3A_538 = vector.broadcast %reduce_sum3A : i1 to vector<16xi1>
          %reduce_sum3A_539 = tpu.scan <sum>, %select_n3A masked %reduce_sum3A_538 : vector<16xf32>, vector<16xi1> -> vector<16xf32>
          %reduce_sum3A_540 = vector.extract %reduce_sum3A_539[15] : f32 from vector<16xf32>
          %mul3A_541 = arith.constant 16 : i32
          %mul3A_542 = arith.muli %mul3A_541, %scan3A_517 : i32
          %add3A_543 = arith.addi %mul3A_542, %scan3A_533 : i32
          %get3A_544 = arith.index_cast %add3A_543 : i32 to index
          %get3A_545 = arith.constant 0 : index
          %get3A_546 = tpu.vector_load %arg20[%get3A_544, %get3A_545] {strides = array<i32>} : memref<128x128xf32, #tpu.memory_space<vmem>>, vector<16xf32>,
          %mul3A_547 = vector.broadcast %reduce_sum3A_540 : f32 to vector<16xf32>
          %mul3A_548 = arith.mulf %get3A_546, %mul3A_547 : vector<16xf32>
          %mul3A_549 = arith.constant 16 : i32
          %mul3A_550 = arith.muli %mul3A_549, %scan3A_517 : i32
          %add3A_551 = arith.addi %mul3A_550, %scan3A_533 : i32
          %swap3A_552 = arith.index_cast %add3A_551 : i32 to index
          %swap3A_553 = arith.constant 0 : index
          %swap3A_554 = tpu.vector_load %arg20[%swap3A_552, %swap3A_553] {strides = array<i32>} : memref<128x128xf32, #tpu.memory_space<vmem>>, vector<16xf32>,
          tpu.vector_store %arg20[%swap3A_552, %swap3A_553], %mul3A_548 {strides = array<i32>} : memref<128x128xf32, #tpu.memory_space<vmem>>, vector<16xf32>,
          %mul3A_555 = arith.constant 16 : i32
          %mul3A_556 = arith.muli %mul3A_555, %scan3A_517 : i32
          %add3A_557 = arith.addi %mul3A_556, %scan3A_533 : i32
          %get3A_558 = arith.index_cast %add3A_557 : i32 to index
          %get3A_559 = arith.constant 16 : index
          %get3A_560 = tpu.vector_load %arg20[%get3A_558, %get3A_559] {strides = array<i32>} : memref<128x128xf32, #tpu.memory_space<vmem>>, vector<16xf32>,
          %mul3A_561 = vector.broadcast %reduce_sum3A_540 : f32 to vector<16xf32>
          %mul3A_562 = arith.mulf %get3A_560, %mul3A_561 : vector<16xf32>
          %mul3A_563 = arith.constant 16 : i32
          %mul3A_564 = arith.muli %mul3A_563, %scan3A_517 : i32
          %add3A_565 = arith.addi %mul3A_564, %scan3A_533 : i32
          %swap3A_566 = arith.index_cast %add3A_565 : i32 to index
          %swap3A_567 = arith.constant 16 : index
          %swap3A_568 = tpu.vector_load %arg20[%swap3A_566, %swap3A_567] {strides = array<i32>} : memref<128x128xf32, #tpu.memory_space<vmem>>, vector<16xf32>,
          tpu.vector_store %arg20[%swap3A_566, %swap3A_567], %mul3A_562 {strides = array<i32>} : memref<128x128xf32, #tpu.memory_space<vmem>>, vector<16xf32>,
          %mul3A_569 = arith.constant 16 : i32
          %mul3A_570 = arith.muli %mul3A_569, %scan3A_517 : i32
          %add3A_571 = arith.addi %mul3A_570, %scan3A_533 : i32
          %get3A_572 = arith.index_cast %add3A_571 : i32 to index
          %get3A_573 = arith.constant 32 : index
          %get3A_574 = tpu.vector_load %arg20[%get3A_572, %get3A_573] {strides = array<i32>} : memref<128x128xf32, #tpu.memory_space<vmem>>, vector<16xf32>,
          %mul3A_575 = vector.broadcast %reduce_sum3A_540 : f32 to vector<16xf32>
          %mul3A_576 = arith.mulf %get3A_574, %mul3A_575 : vector<16xf32>
          %mul3A_577 = arith.constant 16 : i32
          %mul3A_578 = arith.muli %mul3A_577, %scan3A_517 : i32
          %add3A_579 = arith.addi %mul3A_578, %scan3A_533 : i32
          %swap3A_580 = arith.index_cast %add3A_579 : i32 to index
          %swap3A_581 = arith.constant 32 : index
          %swap3A_582 = tpu.vector_load %arg20[%swap3A_580, %swap3A_581] {strides = array<i32>} : memref<128x128xf32, #tpu.memory_space<vmem>>, vector<16xf32>,
          tpu.vector_store %arg20[%swap3A_580, %swap3A_581], %mul3A_576 {strides = array<i32>} : memref<128x128xf32, #tpu.memory_space<vmem>>, vector<16xf32>,
          %mul3A_583 = arith.constant 16 : i32
          %mul3A_584 = arith.muli %mul3A_583, %scan3A_517 : i32
          %add3A_585 = arith.addi %mul3A_584, %scan3A_533 : i32
          %get3A_586 = arith.index_cast %add3A_585 : i32 to index
          %get3A_587 = arith.constant 48 : index
          %get3A_588 = tpu.vector_load %arg20[%get3A_586, %get3A_587] {strides = array<i32>} : memref<128x128xf32, #tpu.memory_space<vmem>>, vector<16xf32>,
          %mul3A_589 = vector.broadcast %reduce_sum3A_540 : f32 to vector<16xf32>
          %mul3A_590 = arith.mulf %get3A_588, %mul3A_589 : vector<16xf32>
          %mul3A_591 = arith.constant 16 : i32
          %mul3A_592 = arith.muli %mul3A_591, %scan3A_517 : i32
          %add3A_593 = arith.addi %mul3A_592, %scan3A_533 : i32
          %swap3A_594 = arith.index_cast %add3A_593 : i32 to index
          %swap3A_595 = arith.constant 48 : index
          %swap3A_596 = tpu.vector_load %arg20[%swap3A_594, %swap3A_595] {strides = array<i32>} : memref<128x128xf32, #tpu.memory_space<vmem>>, vector<16xf32>,
          tpu.vector_store %arg20[%swap3A_594, %swap3A_595], %mul3A_590 {strides = array<i32>} : memref<128x128xf32, #tpu.memory_space<vmem>>, vector<16xf32>,
          %mul3A_597 = arith.constant 16 : i32
          %mul3A_598 = arith.muli %mul3A_597, %scan3A_517 : i32
          %add3A_599 = arith.addi %mul3A_598, %scan3A_533 : i32
          %get3A_600 = arith.index_cast %add3A_599 : i32 to index
          %get3A_601 = arith.constant 64 : index
          %get3A_602 = tpu.vector_load %arg20[%get3A_600, %get3A_601] {strides = array<i32>} : memref<128x128xf32, #tpu.memory_space<vmem>>, vector<16xf32>,
          %mul3A_603 = vector.broadcast %reduce_sum3A_540 : f32 to vector<16xf32>
          %mul3A_604 = arith.mulf %get3A_602, %mul3A_603 : vector<16xf32>
          %mul3A_605 = arith.constant 16 : i32
          %mul3A_606 = arith.muli %mul3A_605, %scan3A_517 : i32
          %add3A_607 = arith.addi %mul3A_606, %scan3A_533 : i32
          %swap3A_608 = arith.index_cast %add3A_607 : i32 to index
          %swap3A_609 = arith.constant 64 : index
          %swap3A_610 = tpu.vector_load %arg20[%swap3A_608, %swap3A_609] {strides = array<i32>} : memref<128x128xf32, #tpu.memory_space<vmem>>, vector<16xf32>,
          tpu.vector_store %arg20[%swap3A_608, %swap3A_609], %mul3A_604 {strides = array<i32>} : memref<128x128xf32, #tpu.memory_space<vmem>>, vector<16xf32>,
          %mul3A_611 = arith.constant 16 : i32
          %mul3A_612 = arith.muli %mul3A_611, %scan3A_517 : i32
          %add3A_613 = arith.addi %mul3A_612, %scan3A_533 : i32
          %get3A_614 = arith.index_cast %add3A_613 : i32 to index
          %get3A_615 = arith.constant 80 : index
          %get3A_616 = tpu.vector_load %arg20[%get3A_614, %get3A_615] {strides = array<i32>} : memref<128x128xf32, #tpu.memory_space<vmem>>, vector<16xf32>,
          %mul3A_617 = vector.broadcast %reduce_sum3A_540 : f32 to vector<16xf32>
          %mul3A_618 = arith.mulf %get3A_616, %mul3A_617 : vector<16xf32>
          %mul3A_619 = arith.constant 16 : i32
          %mul3A_620 = arith.muli %mul3A_619, %scan3A_517 : i32
          %add3A_621 = arith.addi %mul3A_620, %scan3A_533 : i32
          %swap3A_622 = arith.index_cast %add3A_621 : i32 to index
          %swap3A_623 = arith.constant 80 : index
          %swap3A_624 = tpu.vector_load %arg20[%swap3A_622, %swap3A_623] {strides = array<i32>} : memref<128x128xf32, #tpu.memory_space<vmem>>, vector<16xf32>,
          tpu.vector_store %arg20[%swap3A_622, %swap3A_623], %mul3A_618 {strides = array<i32>} : memref<128x128xf32, #tpu.memory_space<vmem>>, vector<16xf32>,
          %mul3A_625 = arith.constant 16 : i32
          %mul3A_626 = arith.muli %mul3A_625, %scan3A_517 : i32
          %add3A_627 = arith.addi %mul3A_626, %scan3A_533 : i32
          %get3A_628 = arith.index_cast %add3A_627 : i32 to index
          %get3A_629 = arith.constant 96 : index
          %get3A_630 = tpu.vector_load %arg20[%get3A_628, %get3A_629] {strides = array<i32>} : memref<128x128xf32, #tpu.memory_space<vmem>>, vector<16xf32>,
          %mul3A_631 = vector.broadcast %reduce_sum3A_540 : f32 to vector<16xf32>
          %mul3A_632 = arith.mulf %get3A_630, %mul3A_631 : vector<16xf32>
          %mul3A_633 = arith.constant 16 : i32
          %mul3A_634 = arith.muli %mul3A_633, %scan3A_517 : i32
          %add3A_635 = arith.addi %mul3A_634, %scan3A_533 : i32
          %swap3A_636 = arith.index_cast %add3A_635 : i32 to index
          %swap3A_637 = arith.constant 96 : index
          %swap3A_638 = tpu.vector_load %arg20[%swap3A_636, %swap3A_637] {strides = array<i32>} : memref<128x128xf32, #tpu.memory_space<vmem>>, vector<16xf32>,
          tpu.vector_store %arg20[%swap3A_636, %swap3A_637], %mul3A_632 {strides = array<i32>} : memref<128x128xf32, #tpu.memory_space<vmem>>, vector<16xf32>,
          %mul3A_639 = arith.constant 16 : i32
          %mul3A_640 = arith.muli %mul3A_639, %scan3A_517 : i32
          %add3A_641 = arith.addi %mul3A_640, %scan3A_533 : i32
          %get3A_642 = arith.index_cast %add3A_641 : i32 to index
          %get3A_643 = arith.constant 112 : index
          %get3A_644 = tpu.vector_load %arg20[%get3A_642, %get3A_643] {strides = array<i32>} : memref<128x128xf32, #tpu.memory_space<vmem>>, vector<16xf32>,
          %mul3A_645 = vector.broadcast %reduce_sum3A_540 : f32 to vector<16xf32>
          %mul3A_646 = arith.mulf %get3A_644, %mul3A_645 : vector<16xf32>
          %mul3A_647 = arith.constant 16 : i32
          %mul3A_648 = arith.muli %mul3A_647, %scan3A_517 : i32
          %add3A_649 = arith.addi %mul3A_648, %scan3A_533 : i32
          %swap3A_650 = arith.index_cast %add3A_649 : i32 to index
          %swap3A_651 = arith.constant 112 : index
          %swap3A_652 = tpu.vector_load %arg20[%swap3A_650, %swap3A_651] {strides = array<i32>} : memref<128x128xf32, #tpu.memory_space<vmem>>, vector<16xf32>,
          tpu.vector_store %arg20[%swap3A_650, %swap3A_651], %mul3A_646 {strides = array<i32>} : memref<128x128xf32, #tpu.memory_space<vmem>>, vector<16xf32>,
          %scan3A_653 = arith.constant 0 : i32
          scf.yield %scan3A_653 : i32
        }
        %scan3A_531 = arith.constant 16 : i32
        %scan3A_532 = arith.constant 0 : i32
        scf.yield %scan3A_532 : i32
      }
      %scan3A_492 = arith.constant 8 : i32
      %add3A_493 = arith.constant 512 : i32
      %add3A_494 = arith.addi %mul3A_0, %add3A_493 : i32
      %mul3A_495 = arith.constant 128 : i32
      %mul3A_496 = arith.muli %arg0, %mul3A_495 : i32
      %dma_start3A_497 = arith.constant 0 : i32
      %dma_start3A_498 = arith.constant 0 : i32
      %dma_start3A_499 = tpu.memref_slice %arg20[%dma_start3A_497, %dma_start3A_498] : memref<128x128xf32, #tpu.memory_space<vmem>> -> memref<128x128xf32, #tpu.memory_space<vmem>>
      %dma_start3A_500 = tpu.memref_slice %arg5[%add3A_494, %mul3A_496] : memref<10000x256xf32, #tpu.memory_space<hbm>> -> memref<128x128xf32, #tpu.memory_space<hbm>>
      %dma_start3A_501 = tpu.memref_slice %arg5[%add3A_494, %mul3A_496] : memref<10000x256xf32, #tpu.memory_space<hbm>> -> memref<128x128xf32, #tpu.memory_space<hbm>>
      %dma_start3A_502 = arith.constant 0 : i32
      %dma_start3A_503 = arith.constant 0 : i32
      %dma_start3A_504 = tpu.memref_slice %arg20[%dma_start3A_502, %dma_start3A_503] : memref<128x128xf32, #tpu.memory_space<vmem>> -> memref<128x128xf32, #tpu.memory_space<vmem>>
      tpu.enqueue_dma source(%dma_start3A_504 : memref<128x128xf32, #tpu.memory_space<vmem>>) target(%dma_start3A_501 : memref<128x128xf32, #tpu.memory_space<hbm>>) target_semaphore(%arg23 : memref<!tpu.dma_semaphore, #tpu.memory_space<semaphore_mem>>)
      %add3A_505 = arith.constant 512 : i32
      %add3A_506 = arith.addi %mul3A_0, %add3A_505 : i32
      %mul3A_507 = arith.constant 128 : i32
      %mul3A_508 = arith.muli %arg0, %mul3A_507 : i32
      %dma_wait3A_509 = arith.constant 0 : i32
      %dma_wait3A_510 = arith.constant 0 : i32
      %dma_wait3A_511 = tpu.memref_slice %arg20[%dma_wait3A_509, %dma_wait3A_510] : memref<128x128xf32, #tpu.memory_space<vmem>> -> memref<128x128xf32, #tpu.memory_space<vmem>>
      %dma_wait3A_512 = tpu.memref_slice %arg5[%add3A_506, %mul3A_508] : memref<10000x256xf32, #tpu.memory_space<hbm>> -> memref<128x128xf32, #tpu.memory_space<hbm>>
      %dma_wait3A_513 = tpu.memref_slice %arg5[%add3A_506, %mul3A_508] : memref<10000x256xf32, #tpu.memory_space<hbm>> -> memref<128x128xf32, #tpu.memory_space<hbm>>
      %dma_wait3A_514 = arith.constant 0 : i32
      %dma_wait3A_515 = arith.constant 0 : i32
      %dma_wait3A_516 = tpu.memref_slice %arg20[%dma_wait3A_514, %dma_wait3A_515] : memref<128x128xf32, #tpu.memory_space<vmem>> -> memref<128x128xf32, #tpu.memory_space<vmem>>
      tpu.wait_dma2 semaphore(%arg23 : memref<!tpu.dma_semaphore, #tpu.memory_space<semaphore_mem>>) src(%dma_wait3A_516 : memref<128x128xf32, #tpu.memory_space<vmem>>) dst(%dma_wait3A_513 : memref<128x128xf32, #tpu.memory_space<hbm>>)
    } else {
    }
    %add3A_472 = arith.constant 384 : i32
    %add3A_473 = arith.addi %mul3A_0, %add3A_472 : i32
    %mul3A_474 = arith.constant 128 : i32
    %mul3A_475 = arith.muli %arg0, %mul3A_474 : i32
    %dma_wait3A_476 = arith.constant 0 : i32
    %dma_wait3A_477 = arith.constant 0 : i32
    %dma_wait3A_478 = tpu.memref_slice %arg21[%dma_wait3A_476, %dma_wait3A_477] : memref<128x128xf32, #tpu.memory_space<vmem>> -> memref<128x128xf32, #tpu.memory_space<vmem>>
    %dma_wait3A_479 = tpu.memref_slice %arg5[%add3A_473, %mul3A_475] : memref<10000x256xf32, #tpu.memory_space<hbm>> -> memref<128x128xf32, #tpu.memory_space<hbm>>
    %dma_wait3A_480 = tpu.memref_slice %arg5[%add3A_473, %mul3A_475] : memref<10000x256xf32, #tpu.memory_space<hbm>> -> memref<128x128xf32, #tpu.memory_space<hbm>>
    %dma_wait3A_481 = arith.constant 0 : i32
    %dma_wait3A_482 = arith.constant 0 : i32
    %dma_wait3A_483 = tpu.memref_slice %arg21[%dma_wait3A_481, %dma_wait3A_482] : memref<128x128xf32, #tpu.memory_space<vmem>> -> memref<128x128xf32, #tpu.memory_space<vmem>>
    tpu.wait_dma2 semaphore(%arg24 : memref<!tpu.dma_semaphore, #tpu.memory_space<semaphore_mem>>) src(%dma_wait3A_483 : memref<128x128xf32, #tpu.memory_space<vmem>>) dst(%dma_wait3A_480 : memref<128x128xf32, #tpu.memory_space<hbm>>)
    return
  }
}

module attributes {stable_mosaic.version = 14 : i64} {
  func.func @_tc_body(%arg0: i32, %arg1: i32, %arg2: memref<2000x256xf32, #tpu.memory_space<vmem>>, %arg3: memref<128x256xf32, #tpu.memory_space<vmem>>, %arg4: memref<2000x128xf32, #tpu.memory_space<vmem>>) attributes {dimension_semantics = [#tpu.dimension_semantics<arbitrary>, #tpu.dimension_semantics<arbitrary>], iteration_bounds = array<i64: 5, 2>, scalar_prefetch = 0 : i64, scratch_operands = 0 : i64, tpu.core_type = #tpu.core_type<tc>, window_params = [{transform_indices = @transform_0, window_bounds = array<i64: 2000, 256>}, {transform_indices = @transform_1, window_bounds = array<i64: 128, 256>}, {transform_indices = @transform_2, window_bounds = array<i64: 2000, 128>}]} {
    %get3A = arith.constant 0 : index
    %get3A_0 = arith.constant 0 : index
    %get3A_1 = vector.load %arg2[%get3A, %get3A_0] : memref<2000x256xf32, #tpu.memory_space<vmem>>, vector<2000x256xf32>
    %get3A_2 = arith.constant 0 : index
    %get3A_3 = arith.constant 0 : index
    %get3A_4 = vector.load %arg3[%get3A_2, %get3A_3] : memref<128x256xf32, #tpu.memory_space<vmem>>, vector<128x256xf32>
    %dot_general3A = arith.constant dense<0.000000e+00> : vector<2000x128xf32>
    %dot_general3A_5 = tpu.matmul %get3A_1, %get3A_4, %dot_general3A {dimension_numbers = #tpu.dot_dimension_numbers<[1], [1], [0], [0], [0, 0, 1, 0], [], []>, transpose_lhs_hint = false} : vector<2000x256xf32>, vector<128x256xf32>, vector<2000x128xf32> -> vector<2000x128xf32>
    %swap3A = arith.constant 0 : index
    %swap3A_6 = arith.constant 0 : index
    %swap3A_7 = vector.load %arg4[%swap3A, %swap3A_6] : memref<2000x128xf32, #tpu.memory_space<vmem>>, vector<2000x128xf32>
    tpu.vector_store %arg4[%swap3A, %swap3A_6], %dot_general3A_5 {strides = array<i32>} : memref<2000x128xf32, #tpu.memory_space<vmem>>, vector<2000x128xf32>,
    return
  }
  func.func @transform_0(%arg0: i32, %arg1: i32) -> (i32, i32) {
    %c0_i32 = arith.constant 0 : i32
    %c0_i32_0 = arith.constant 0 : i32
    return %arg0, %c0_i32 : i32, i32
  }
  func.func @transform_1(%arg0: i32, %arg1: i32) -> (i32, i32) {
    %c0_i32 = arith.constant 0 : i32
    %c0_i32_0 = arith.constant 0 : i32
    return %arg1, %c0_i32 : i32, i32
  }
  func.func @transform_2(%arg0: i32, %arg1: i32) -> (i32, i32) {
    %mul3A = arith.constant 5 : i32
    %mul3A_0 = arith.muli %arg1, %mul3A : i32
    %add3A = arith.addi %mul3A_0, %arg0 : i32
    %c0_i32 = arith.constant 0 : i32
    %c0_i32_1 = arith.constant 0 : i32
    return %add3A, %c0_i32 : i32, i32
  }
}

</mosaic_0001>

<sc_bundles>
// kernel: kernel.4.cloned.1.call-start
scs
__scs_entry_jumppad:
0x0: {  	(pc) =	sbr.rel $0x88, $3  }
0x1: {  	(tag) =	ssettag $0x0;
	lr =	simm.s32 $0x1  }
0x2: {  	[smem:$0x3F9E] =	sst lr;
	_ =	strace $0xD0000000  }
0x3: {  	_ = 	snop  }
0x4: {  	_ = 	snop  }
0x5: {  	_ = 	snop  }
0x6: {  	_ = 	snop  }
0x7: {  	_ = 	snop  }
__scs_overlays_trampoline_lowered:
0x8: {  	[smem:$0x3FAD] =	sst s0  }
0x9: {  	[smem:$0x3FAE] =	sst s1  }
0xa: {  	[smem:$0x3FAF] =	sst s2  }
0xb: {  	[smem:$0x3FB0] =	sst s3  }
0xc: {  	[smem:$0x3FB1] =	sst s4  }
0xd: {  	[smem:$0x3FB2] =	sst s5  }
0xe: {  	[smem:$0x3FB3] =	sst s6  }
0xf: {  	[smem:$0x3FB4] =	sst s7  }
0x10: {  	[smem:$0x3FB5] =	sst s8  }
0x11: {  	[smem:$0x3FB6] =	sst s9;
	s0 =	simm.s32 @!p0 $0x0  }
0x12: {  	s1 =	sld [smem:$0x3F9C];
	s0 =	simm.s32 @p0 $0x1  }
0x13: {  	[smem:$0x3FB7] =	sst s0;
	s0 =	simm.s32 @!p1 $0x0  }
0x14: {  	s2 =	sld [smem:$0x3F9B];
	s0 =	simm.s32 @p1 $0x1  }
0x15: {  	[smem:$0x3FB8] =	sst s0;
	s0 =	simm.s32 @!p2 $0x0  }
0x16: {  	s3 =	sld [smem:$0x3FDB];
	s0 =	simm.s32 @p2 $0x1  }
0x17: {  	s4 =	simm.s32 $0x1BF5;
	[smem:$0x3FBA] =	sst s0  }
0x18: {  	s0 =	sld [smem:$0x3F9D];
	_ =	swait.ge [sflag:s4], $0x0  }
0x19: {  	s7 =	sld [smem:$0x3F9E]  }
0x1a: {  	s8 =	sadd.s32 $0xFFFFE003, lr  }
0x1b: {  	s9 =	sadd.s32 $0xFFFFFEF7, lr;
	s5 =	simm.s32 $0xFFFFFFFF;
	p2 =	slt.u32 s8, $0xFFFFF086  }
0x1c: {  	p1 =	slt.u32 s9, $0xF7A;
	s5 =	simm.s32 @!p2 $0x0  }
0x1d: {  	s5 =	simm.s32 @p1 $0x1;
	p0 =	seq.s32 s7, s2  }
0x1e: {  	s7 =	smul.u32 @!p0 $0xF7A, s2;
	p2 =	seq.s32 @!p0 s5, $0x0  }
0x1f: {  	s9 =	smul.u32 $0xF7A, s1;
	s8 =	simm.s32 @!p0 $0x1BF5;
	p2 =	por !p2, p0  }
0x20: {  	[sflag:s8] =	ssyncset.s32 @!p0 $0xFFFFF086;
	s6 =	sadd.s32 @!p0 s3, s7;
	s7 =	simm.s32 @!p0 $0x108  }
0x21: {  	s3 =	sadd.s32 s3, s9;
	s6 =	sadd.s32 @!p0 $0x88, s6;
	s7 =	simm.s32 @p2 $0x1082  }
0x22: {  	[simem:s7], [sflag:s8] =	dma.local @!p0 [hbm:s6], $0xF7A  }
0x23: {  	s9 =	sor.u32 $0xD0000000, s2;
	s6 =	simm.s32 $0x108;
	_ =	swait.ge @!p0 [sflag:s8], $0x0  }
0x24: {  	s3 =	sadd.s32 $0x88, s3;
	s6 =	simm.s32 @!p1 $0x1082;
	[sflag:s4] =	ssyncset.s32 $0xFFFFF086  }
0x25: {  	[simem:s6], [sflag:s4] =	dma.local [hbm:s3], $0xF7A  }
0x26: {  	[smem:$0x3F9E] =	sst s1;
	(tag) =	ssettag s2;
	_ =	strace s9  }
0x27: {  	s1 =	sld [smem:$0x3FAE]  }
0x28: {  	s2 =	sld [smem:$0x3FAF]  }
0x29: {  	s4 =	sld [smem:$0x3FB1]  }
0x2a: {  	p0 =	seq.s32 s5, $0x0;
	s5 =	sld [smem:$0x3FB2]  }
0x2b: {  	s6 =	sld [smem:$0x3FB3]  }
0x2c: {  	s7 =	sld [smem:$0x3FB4]  }
0x2d: {  	s3 =	simm.s32 $0x108;
	s8 =	sld [smem:$0x3FB5]  }
0x2e: {  	s3 =	simm.s32 @!p0 $0x1082;
	s9 =	sld [smem:$0x3FB6]  }
0x2f: {  	lr =	sadd.s32 s0, s3;
	s0 =	sld [smem:$0x3FAD]  }
0x30: {  	s3 =	sld [smem:$0x3FB0]  }
0x31: {  	[smem:$0x3FB9] =	sst s10  }
0x32: {  	s10 =	sld [smem:$0x3FB7];
	_ =	sdelay $0x3  }
0x33: {  	p0 =	seq.s32 s10, $0x1;
	s10 =	sld [smem:$0x3FB9];
	_ =	sdelay $0x3  }
0x34: {  	[smem:$0x3FB9] =	sst s10  }
0x35: {  	s10 =	sld [smem:$0x3FB8];
	_ =	sdelay $0x3  }
0x36: {  	p1 =	seq.s32 s10, $0x1;
	s10 =	sld [smem:$0x3FB9];
	_ =	sdelay $0x3  }
0x37: {  	[smem:$0x3FB9] =	sst s10  }
0x38: {  	s10 =	sld [smem:$0x3FBA]  }
0x39: {  	_ = 	snop;
	(pc) =	sbr.ind lr, $3  }
0x3a: {  	_ = 	snop  }
0x3b: {  	_ = 	snop  }
0x3c: {  	p2 =	seq.s32 s10, $0x1;
	s10 =	sld [smem:$0x3FB9]  }
0x3d: {  	_ =	shalt  }
0x3e: {  	_ =	shalt  }
0x3f: {  	_ =	shalt  }
0x40: {  	_ =	shalt  }
0x41: {  	_ =	shalt  }
0x42: {  	_ =	shalt  }
0x43: {  	_ =	shalt  }
0x44: {  	_ =	shalt  }
0x45: {  	_ =	shalt  }
0x46: {  	_ =	shalt  }
0x47: {  	_ =	shalt  }
0x48: {  	_ =	shalt  }
0x49: {  	_ =	shalt  }
0x4a: {  	_ =	shalt  }
0x4b: {  	_ =	shalt  }
0x4c: {  	_ =	shalt  }
0x4d: {  	_ =	shalt  }
0x4e: {  	_ =	shalt  }
0x4f: {  	_ =	shalt  }
0x50: {  	_ =	shalt  }
0x51: {  	_ =	shalt  }
0x52: {  	_ =	shalt  }
0x53: {  	_ =	shalt  }
0x54: {  	_ =	shalt  }
0x55: {  	_ =	shalt  }
0x56: {  	_ =	shalt  }
0x57: {  	_ =	shalt  }
0x58: {  	_ =	shalt  }
0x59: {  	_ =	shalt  }
0x5a: {  	_ =	shalt  }
0x5b: {  	_ =	shalt  }
0x5c: {  	_ =	shalt  }
0x5d: {  	_ =	shalt  }
0x5e: {  	_ =	shalt  }
0x5f: {  	_ =	shalt  }
0x60: {  	_ =	shalt  }
0x61: {  	_ =	shalt  }
0x62: {  	_ =	shalt  }
0x63: {  	_ =	shalt  }
0x64: {  	_ =	shalt  }
0x65: {  	_ =	shalt  }
0x66: {  	_ =	shalt  }
0x67: {  	_ =	shalt  }
0x68: {  	_ =	shalt  }
0x69: {  	_ =	shalt  }
0x6a: {  	_ =	shalt  }
0x6b: {  	_ =	shalt  }
0x6c: {  	_ =	shalt  }
0x6d: {  	_ =	shalt  }
0x6e: {  	_ =	shalt  }
0x6f: {  	_ =	shalt  }
0x70: {  	_ =	shalt  }
0x71: {  	_ =	shalt  }
0x72: {  	_ =	shalt  }
0x73: {  	_ =	shalt  }
0x74: {  	_ =	shalt  }
0x75: {  	_ =	shalt  }
0x76: {  	_ =	shalt  }
0x77: {  	_ =	shalt  }
0x78: {  	_ =	shalt  }
0x79: {  	_ =	shalt  }
0x7a: {  	_ =	shalt  }
0x7b: {  	_ =	shalt  }
0x7c: {  	_ =	shalt  }
0x7d: {  	_ =	shalt  }
0x7e: {  	_ =	shalt  }
0x7f: {  	_ =	shalt  }
0x80: {  	_ =	shalt  }
0x81: {  	_ =	shalt  }
0x82: {  	_ =	shalt  }
0x83: {  	_ =	shalt  }
0x84: {  	_ =	shalt  }
0x85: {  	_ =	shalt  }
0x86: {  	_ =	shalt  }
0x87: {  	_ =	shalt  }
.Lfunc_end0:
.L_simem_size_0:
called_computation_lowered:
.L_overlay_start_0:
0x88: {  	s2 =	sld [smem:$0x3FD9]  }
0x89: {  	s3 =	sld [smem:$0x3FFE];
	_ =	sdelay $0x1  }
0x8a: {  	s1 =	srdreg.scid  }
0x8b: {  	s0 =	sand.u32 $0x1, s1  }
0x8c: {  	s17 =	sshll.u32 s0, $0xA;
	s2 =	sadd.s32 s3, s2  }
0x8d: {  	s2 =	sadd.s32 s2, s17  }
0x8e: {  	[smem:$0x3FC5] =	sst s2  }
0x8f: {  	_ = 	snop  }
0x90: {  	s2 =	sld [smem:$0x3FD0];
	(tm) =	ssettm $0x1  }
0x91: {  	s18 =	sld [smem:$0x3FFB];
	_ =	sdelay $0x3  }
0x92: {  	_ =	strace s18  }
0x93: {  	s3 =	sld [smem:$0x3FFC];
	_ =	sdelay $0x3  }
0x94: {  	_ =	strace s3  }
0x95: {  	s3 =	sld [smem:$0x3FFD];
	_ =	sdelay $0x3  }
0x96: {  	_ =	strace s3  }
0x97: {  	_ =	strace $0x8FFFFFFF  }
0x98: {  	s19 =	sld [smem:$0x3FDB];
	_ =	sdelay $0x1  }
0x99: {  	s4 =	simm.s32 $_scs_section_size  }
0x9a: {  	s5 =	simm.s32 $_size__tile_overlayer_lowered;
	s6 =	simm.s32 $_tile_overlayer_lowered  }
0x9b: {  	s22 =	simm.s32 $0x1BFF;
	s21 =	sshll.u32 s6, $0x1;
	s3 =	sadd.s32 s4, s19  }
0x9c: {  	s7 =	simm.s32 $0x0;
	s20 =	sshll.u32 s5, $0x1;
	s5 =	sadd.s32 s21, s3  }
0x9d: {  	[timem:s7], [sflag:s22] =	dma.local [hbm:s5], s20  }
0x9e: {  	_ =	swait.ge [sflag:s22], s20  }
0x9f: {  	s4 =	ssub.s32 $0x0, s20;
	[sflag:s22] =	ssyncset.done $0x0  }
0xa0: {  	[sflag:s22] =	ssyncadd.s32 s4;
	_ =	sdelay $0x1  }
0xa1: {  	s23 =	simm.s32 $0x1B8B  }
0xa2: {  	_ =	swait.ge [sflag:s23], $0x1  }
0xa3: {  	[sflag:s23] =	ssyncset.done $0x0  }
0xa4: {  	s25 =	simm.s32 $0x1B8E;
	s24 =	sld [smem:$0x3FFE];
	[sflag:s23] =	ssyncadd.s32 $0xFFFFFFFF  }
0xa5: {  	s26 =	simm.s32 $execute0_lowered;
	[smem:$0x3FD2] =	sst s25  }
0xa6: {  	s5 =	sshll.u32 s26, $0x1;
	_ =	strace $0x80000046;
	[dreg:$0x1] =	wrdreg $0xFFFFFFFF  }
0xa7: {  	s28 =	simm.s32 $_size_execute0_lowered;
	s3 =	sadd.s32 s3, s5;
	[dreg:$0x0] =	wrdreg $0x0  }
0xa8: {  	s5 =	sshll.u32 s28, $0x1;
	[dreg:$0x2] =	wrdreg s3  }
0xa9: {  	[dreg:$0x3] =	wrdreg s5  }
0xaa: {  	[dreg:$0x4] =	wrdreg $0xC0  }
0xab: {  	_ =	task [dreg:s7], $0x5FFFF  }
0xac: {  	[dreg:$0x1] =	wrdreg $0xFFFFFFFF  }
0xad: {  	[dreg:$0x0] =	wrdreg $0x60  }
0xae: {  	[dreg:$0x2] =	wrdreg s24  }
0xaf: {  	[dreg:$0x3] =	wrdreg s2  }
0xb0: {  	[dreg:$0x4] =	wrdreg $0xB2780  }
0xb1: {  	[dreg:$0x5] =	wrdreg $0xB0000  }
0xb2: {  	[dreg:$0x6] =	wrdreg $0x9  }
0xb3: {  	_ =	task.clear_ibuf [dreg:s7], $0x7FFFF;
	_ =	strace $0x90000046  }
0xb4: {  	s29 =	simm.s32 $0x9;
	_ =	strace $0x80000048  }
0xb5: {  	_ =	swait.ge [sflag:s29], $0x1  }
0xb6: {  	[sflag:s29] =	ssyncadd.s32 $0xFFFFFFFF  }
0xb7: {  	_ =	strace $0x90000048  }
0xb8: {  	_ =	sfence  }
0xb9: {  	s30 =	sld [smem:$0x0];
	_ =	sdelay $0x2  }
0xba: {  	s31 =	sshll.u32 s1, $0xD;
	s1 =	sshrl.u32 s1, $0x2  }
0xbb: {  	s3 =	sand.u32 $0x4000, s31;
	s1 =	sadd.s32 s1, s30  }
0xbc: {  	s0 =	sor.u32 s3, s0;
	s1 =	sshll.u32 s1, $0x11  }
0xbd: {  	s0 =	sor.u32 s1, s0  }
0xbe: {  	s0 =	sadd.s32 $0x8F2B, s0  }
0xbf: {  	[sflag:s0] =	ssyncadd.remote.s32 $0x1  }
0xc0: {  	_ =	sfence.sel $0xFFFF  }
0xc1: {  	[dreg:$0x0] =	wrdreg $0xFFFFFFFF;
	(pc) =	sbr.abs _section_cstart, $3  }
0xc2: {  	[dreg:$0x1] =	wrdreg $0xFFFFFFFF  }
0xc3: {  	_ =	task.clear_ibuf [dreg:s7], $0x2FFFF;
	_ =	strace $0x9FFFFFFF  }
0xc4: {  	(tm) =	ssettm $0x7FFFFFFF  }
0xc5: {  	_ =	shalt  }
tec
execute0_lowered:
.L_overlay_start_1:
0x0: {  	(tag) =	ssettag $0x1  }
0x1: {  	s3 =	rddreg [dreg:$0x0]  }
0x2: {  	s6 =	rddreg [dreg:$0x1]  }
0x3: {  	s1 =	rddreg [dreg:$0x2]  }
0x4: {  	s2 =	rddreg [dreg:$0x3];
	s4 =	simm.s32 $0x0  }
0x5: {  	s23 =	stileid.u32;
	s5 =	srdreg.scid;
	s28 =	simm.s32 $0x2  }
0x6: {  	s31 =	simm.s32 $0x80;
	s30 =	simm.s32 $0x800;
	s7 =	smul.u32 $0x2710, s23  }
0x7: {  	[smem:$0x7FF] =	sst s4;
	s0 =	sadd.s32 $0xA600, s3;
	s11 =	smul.u32 $0x270, s23  }
0x8: {  	s8 =	sand.u32 $0x1, s5;
	s9 =	sadd.s32 $0x5600, s3;
	s13 =	smul.u32 $0x4E000, s23  }
0x9: {  	s5 =	sadd.s32 $0x58800, s3;
	s24 =	smul.u32 $0x27000, s23;
	p0 =	sne.s32 s23, $0xF  }
0xa: {  	p1 =	seq.s32 s23, $0xF;
	_ =	strace $0x80000047;
	s10 =	ssub.s32 $0x2, s8  }
0xb: {  	s17 =	sshll.u32 s8, $0xA;
	s7 =	sshrl.u32 s7, $0x3;
	s12 =	sshrl.u32 s10, $0x1  }
0xc: {  	s29 =	sadd.s32 s11, s2;
	s21 =	sadd.s32 $0x80, s11;
	s22 =	sadd.s32 $0x100, s11  }
0xd: {  	s18 =	sadd.s32 $0x180, s11;
	s14 =	sadd.s32 s7, s3;
	s10 =	ssub.s32 s10, s12  }
0xe: {  	s12 =	sshrl.u32 s13, $0x2;
	s15 =	sshll.u32 s21, $0x7;
	s16 =	sshll.u32 s22, $0x7  }
0xf: {  	s3 =	sshll.u32 s21, $0x8;
	s25 =	sshll.u32 s22, $0x8;
	s13 =	sadd.s32 $0x200, s11  }
0x10: {  	s26 =	sshll.u32 s18, $0x8;
	s18 =	sshll.u32 s18, $0x7;
	[dreg:$0x6] =	wrdreg s29  }
0x11: {  	s20 =	sadd.s32 $0x600, s14;
	s14 =	sor.u32 s17, s24;
	s19 =	sor.u32 s17, s3  }
0x12: {  	s21 =	sshll.u32 s13, $0x8;
	s22 =	sor.u32 s17, s26;
	s3 =	smul.u32 $0x2710, s8  }
0x13: {  	s15 =	sadd.s32 s15, s1;
	s16 =	sadd.s32 s16, s1;
	[dreg:$0x5] =	wrdreg s20  }
0x14: {  	s8 =	sshll.u32 s8, $0x7;
	s20 =	sor.u32 s17, s25;
	[dreg:$0x8] =	wrdreg s15  }
0x15: {  	s17 =	sor.u32 s17, s21;
	s21 =	sadd.s32 s12, s1;
	[dreg:$0x9] =	wrdreg s16  }
0x16: {  	s14 =	sshrl.u32 s14, $0x3;
	s19 =	sshrl.u32 s19, $0x3;
	s12 =	sadd.s32 s18, s1  }
0x17: {  	s26 =	sshrl.u32 s22, $0x3;
	s16 =	smul.u32 $0x4E2, s23;
	[dreg:$0xf] =	wrdreg s12  }
0x18: {  	s11 =	sadd.s32 s11, s3;
	s14 =	sadd.s32 s6, s14;
	[dreg:$0x7] =	wrdreg s21  }
0x19: {  	s24 =	sshrl.u32 s20, $0x3;
	s23 =	sadd.s32 $0x10000, s21;
	[dreg:$0xa] =	wrdreg s14  }
0x1a: {  	s15 =	sshrl.u32 s17, $0x3;
	s12 =	sadd.s32 s9, s7;
	[dreg:$0x1f] =	wrdreg s23  }
0x1b: {  	s21 =	simm.s32 $0x2B00;
	s14 =	sadd.s32 s6, s19;
	[dreg:$0x10] =	wrdreg s12  }
0x1c: {  	s25 =	sadd.s32 s6, s24;
	s11 =	sshll.u32 s11, $0x4;
	[dreg:$0xb] =	wrdreg s14  }
0x1d: {  	s18 =	sadd.s32 s16, s9;
	[dreg:$0xc] =	wrdreg s25;
	s14 =	sadd.s32 s6, s26  }
0x1e: {  	s16 =	sshll.u32 s13, $0x7;
	s25 =	sadd.s32 s0, s11;
	[dreg:$0xd] =	wrdreg s14  }
0x1f: {  	s13 =	simm.s32 $0x7;
	s9 =	sadd.s32 s5, s11;
	[dreg:$0x15] =	wrdreg s25  }
0x20: {  	s17 =	sadd.s32 $0x800, s11;
	s14 =	sadd.s32 s6, s15;
	[dreg:$0x16] =	wrdreg s9  }
0x21: {  	s23 =	simm.s32 $0x2C00;
	s20 =	sadd.s32 s0, s17;
	[dreg:$0xe] =	wrdreg s14  }
0x22: {  	s19 =	sadd.s32 $0x1000, s11;
	s7 =	sadd.s32 s5, s17;
	[dreg:$0x11] =	wrdreg s20  }
0x23: {  	s26 =	sadd.s32 $0x1800, s11;
	s22 =	sadd.s32 s0, s19;
	[dreg:$0x12] =	wrdreg s7  }
0x24: {  	s6 =	sadd.s32 s8, s6;
	s24 =	sadd.s32 s5, s19;
	[dreg:$0x13] =	wrdreg s22  }
0x25: {  	s15 =	sadd.s32 s0, s26;
	s25 =	sadd.s32 $0x10, s12;
	[dreg:$0x14] =	wrdreg s24  }
0x26: {  	s14 =	sadd.s32 $0x2000, s11;
	[dreg:$0x17] =	wrdreg s15;
	s7 =	sadd.s32 s5, s26  }
0x27: {  	s19 =	sadd.s32 $0x4D200, s6;
	s20 =	smax.u32 s10, $0x1;
	[smem:$0x7FC] =	sst s25  }
0x28: {  	s22 =	sadd.s32 $0x2700, s2;
	s24 =	sadd.s32 $0x134800, s1;
	[dreg:$0x18] =	wrdreg s7  }
0x29: {  	s26 =	sadd.s32 $0x4E0, s12;
	s11 =	simm.s32 $0x8;
	[dreg:$0x1c] =	wrdreg s19  }
0x2a: {  	s12 =	simm.s32 $0x2D80;
	s25 =	simm.s32 $0x6D80;
	[dreg:$0x1d] =	wrdreg s20  }
0x2b: {  	s15 =	simm.s32 $0x4;
	s6 =	simm.s32 $0x2880;
	[dreg:$0x1e] =	wrdreg s22  }
0x2c: {  	s0 =	sadd.s32 s0, s14;
	s17 =	sadd.s32 s5, s14;
	[smem:$0x7FB] =	sst s24  }
.Ltmp0:
0x2d: {  	[smem:$0x7FD] =	sst s26;
	s14 =	simm.s32 $0x50;
	(pc) =	sbr.rel .LBB2_1-.Ltmp0, $4  }
0x2e: {  	s19 =	simm.s32 $0x2A80;
	s20 =	simm.s32 $0x2D00;
	s22 =	simm.s32 $0x2B80  }
0x2f: {  	s24 =	simm.s32 $0x2C80;
	s26 =	simm.s32 $0x1;
	[dreg:$0x19] =	wrdreg s0  }
0x30: {  	v1 =	vimm.f32 $1.000000000e+00;
	s7 =	simm.s32 $0x0;
	[dreg:$0x1a] =	wrdreg s17;
	s0 =	sadd.s32 s16, s1  }
0x31: {  	v2 =	vimm.f32 $0.0e+00;
	v3 =	vlaneseq.u32;
	v0 =	vmov s3;
	s17 =	simm.s32 $0x2900;
	[dreg:$0x1b] =	wrdreg s0;
	s0 =	simm.s32 $0x2800  }
.LBB2_64:
0x32: {  	_ =	swait.ge [sflag:s28], $0x4000  }
0x33: {  	s7 =	sadd.s32 $0x1, s7;
	s3 =	rddreg [dreg:$0x1d]  }
0x34: {  	p2 =	sne.s32 s7, s3  }
.Ltmp1:
0x35: {  	_ = 	snop;
	(pc) =	sbr.rel @!p2 .LBB2_65-.Ltmp1, $3  }
0x36: {  	_ =	sdelay $0x1  }
0x37: {  	[sflag:s28] =	ssyncset.done $0x0  }
0x38: {  	s29 =	rddreg [dreg:$0x6];
	[sflag:s28] =	ssyncadd.s32 $0xFFFFC000  }
.LBB2_1:
0x39: {  	s3 =	rddreg [dreg:$0x5]  }
0x3a: {  	[tilespmem:s4], [sflag:$0x7] =	stream.linear.gather [hbm4b:s3+s4], $0x2710, $0x38;
	[tilespmem:$0x1EAF8] =	vst v63  }
0x3b: {  	[tilespmem:$0x2D00] =	vst v1  }
0x3c: {  	[tilespmem:$0x2D10] =	vst v1  }
0x3d: {  	[tilespmem:$0x2D20] =	vst v1  }
0x3e: {  	[tilespmem:$0x2D30] =	vst v1  }
0x3f: {  	[tilespmem:$0x2D40] =	vst v1  }
0x40: {  	[tilespmem:$0xAD80] =	vst v2  }
0x41: {  	[tilespmem:$0xAD90] =	vst v2  }
0x42: {  	[tilespmem:$0xADA0] =	vst v2  }
0x43: {  	[tilespmem:$0xADB0] =	vst v2  }
0x44: {  	[tilespmem:$0xADC0] =	vst v2  }
0x45: {  	[tilespmem:$0xADD0] =	vst v2  }
0x46: {  	[tilespmem:$0xADE0] =	vst v2  }
0x47: {  	[tilespmem:$0xADF0] =	vst v2  }
0x48: {  	[tilespmem:$0xAE00] =	vst v2  }
0x49: {  	[tilespmem:$0xAE10] =	vst v2  }
0x4a: {  	[tilespmem:$0xAE20] =	vst v2  }
0x4b: {  	[tilespmem:$0xAE30] =	vst v2  }
0x4c: {  	[tilespmem:$0xAE40] =	vst v2  }
0x4d: {  	[tilespmem:$0xAE50] =	vst v2  }
0x4e: {  	[tilespmem:$0xAE60] =	vst v2  }
0x4f: {  	[tilespmem:$0xAE70] =	vst v2  }
0x50: {  	[tilespmem:$0xAE80] =	vst v2  }
0x51: {  	[tilespmem:$0xAE90] =	vst v2  }
0x52: {  	[tilespmem:$0xAEA0] =	vst v2  }
0x53: {  	[tilespmem:$0xAEB0] =	vst v2  }
0x54: {  	[tilespmem:$0xAEC0] =	vst v2  }
0x55: {  	[tilespmem:$0xAED0] =	vst v2  }
0x56: {  	[tilespmem:$0xAEE0] =	vst v2  }
0x57: {  	[tilespmem:$0xAEF0] =	vst v2  }
0x58: {  	[tilespmem:$0xAF00] =	vst v2  }
0x59: {  	[tilespmem:$0xAF10] =	vst v2  }
0x5a: {  	[tilespmem:$0xAF20] =	vst v2  }
0x5b: {  	[tilespmem:$0xAF30] =	vst v2  }
0x5c: {  	[tilespmem:$0xAF40] =	vst v2  }
0x5d: {  	[tilespmem:$0xAF50] =	vst v2  }
0x5e: {  	[tilespmem:$0xAF60] =	vst v2  }
0x5f: {  	[tilespmem:$0xAF70] =	vst v2  }
0x60: {  	[tilespmem:$0xAF80] =	vst v2  }
0x61: {  	[tilespmem:$0xAF90] =	vst v2  }
0x62: {  	[tilespmem:$0xAFA0] =	vst v2  }
0x63: {  	[tilespmem:$0xAFB0] =	vst v2  }
0x64: {  	[tilespmem:$0xAFC0] =	vst v2  }
0x65: {  	s16 =	sand.u32 $0xFE00, s4;
	[tilespmem:$0xAFD0] =	vst v2  }
0x66: {  	s8 =	sand.u32 $0x70, s4;
	s9 =	sshrl.u32 s16, $0x2;
	[tilespmem:$0xAFE0] =	vst v2  }
0x67: {  	s3 =	simm.s32 $0x40;
	[tilespmem:$0xAFF0] =	vst v2;
	s9 =	sor.u32 s8, s9;
	s8 =	simm.s32 $0x0  }
.LBB2_2:
0x68: {  	p2 =	sne.s32 s3, $0xFFC0  }
0x69: {  	[tilespmem:s9+$0x2D80] =	vst v2;
	s8 =	sadd.s32 $0x10, s8;
	s9 =	smov.u32 s3;
	s3 =	sadd.s32 $0x40, s3  }
.Ltmp2:
0x6a: {  	(pc) =	sbr.rel @p2 .LBB2_2-.Ltmp2, $4  }
0x6b: {  	_ = 	snop  }
0x6c: {  	s9 =	sand.u32 $0xFE00, s9  }
0x6d: {  	s10 =	sand.u32 $0x70, s8;
	s9 =	sshrl.u32 s9, $0x2  }
0x6e: {  	s9 =	sor.u32 s10, s9  }
0x6f: {  	[tilespmem:s9+$0x2D80] =	vst v2;
	s3 =	simm.s32 $0xAD80  }
0x70: {  	[spmem:s29] =	stream.linear.scatter [tilespmem:s3], [sflag:$0x8], $0x270, $0x38;
	[tilespmem:$0x1EAF8] =	vst v63  }
0x71: {  	_ =	swait.ge [sflag:s11], $0x270  }
0x72: {  	[sflag:s11] =	ssyncset.done $0x0  }
0x73: {  	s3 =	simm.s32 @!p0 $0xAD80;
	s8 =	rddreg [dreg:$0x1e];
	[sflag:s11] =	ssyncadd.s32 $0xFFFFFD90  }
0x74: {  	[spmem:s8] =	stream.linear.scatter @!p0 [tilespmem:s3], [sflag:$0x8], $0x10, $0x38;
	[tilespmem:$0x1EAF8] =	vst v63  }
0x75: {  	s3 =	simm.s32 @!p0 $0x8  }
0x76: {  	_ =	swait.ge @!p0 [sflag:s3], $0x10  }
0x77: {  	[sflag:s3] =	ssyncset.done @!p0 $0x0  }
0x78: {  	s16 =	rddreg [dreg:$0x7];
	[sflag:s3] =	ssyncadd.s32 @!p0 $0xFFFFFFF0  }
0x79: {  	[spmem:s16] =	stream.linear.scatter [tilespmem:s12], [sflag:$0x8], $0x4000, $0x38;
	[tilespmem:$0x1EAF8] =	vst v63  }
0x7a: {  	_ =	swait.ge [sflag:s11], $0x4000  }
0x7b: {  	[sflag:s11] =	ssyncset.done $0x0  }
0x7c: {  	s8 =	rddreg [dreg:$0x8];
	[sflag:s11] =	ssyncadd.s32 $0xFFFFC000  }
0x7d: {  	[spmem:s8] =	stream.linear.scatter [tilespmem:s12], [sflag:$0x8], $0x4000, $0x38;
	[tilespmem:$0x1EAF8] =	vst v63  }
0x7e: {  	_ =	swait.ge [sflag:s11], $0x4000  }
0x7f: {  	[sflag:s11] =	ssyncset.done $0x0  }
0x80: {  	s9 =	rddreg [dreg:$0x9];
	[sflag:s11] =	ssyncadd.s32 $0xFFFFC000  }
0x81: {  	[spmem:s9] =	stream.linear.scatter [tilespmem:s12], [sflag:$0x8], $0x4000, $0x38;
	[tilespmem:$0x1EAF8] =	vst v63  }
0x82: {  	_ =	swait.ge [sflag:s11], $0x4000  }
0x83: {  	[sflag:s11] =	ssyncset.done $0x0  }
0x84: {  	s10 =	rddreg [dreg:$0xf];
	[sflag:s11] =	ssyncadd.s32 $0xFFFFC000  }
0x85: {  	[spmem:s10] =	stream.linear.scatter [tilespmem:s12], [sflag:$0x8], $0x4000, $0x38;
	[tilespmem:$0x1EAF8] =	vst v63  }
0x86: {  	_ =	swait.ge [sflag:s11], $0x4000  }
0x87: {  	s8 =	sld [smem:$0x7FB]  }
0x88: {  	[sflag:s11] =	ssyncset.done $0x0  }
0x89: {  	s3 =	simm.s32 @p1 $0x2D80;
	[sflag:s11] =	ssyncadd.s32 $0xFFFFC000  }
0x8a: {  	[spmem:s8] =	stream.linear.scatter @p1 [tilespmem:s3], [sflag:$0x8], $0x4000, $0x38;
	[tilespmem:$0x1EAF8] =	vst v63  }
0x8b: {  	s3 =	simm.s32 @p1 $0x8  }
0x8c: {  	_ =	swait.ge @p1 [sflag:s3], $0x4000  }
0x8d: {  	[sflag:s3] =	ssyncset.done @p1 $0x0  }
0x8e: {  	s8 =	rddreg [dreg:$0x1f];
	[sflag:s3] =	ssyncadd.s32 @p1 $0xFFFFC000;
	s3 =	simm.s32 @!p1 $0x2D80  }
0x8f: {  	[spmem:s8] =	stream.linear.scatter @!p1 [tilespmem:s3], [sflag:$0x8], $0x3800, $0x38;
	[tilespmem:$0x1EAF8] =	vst v63  }
0x90: {  	s3 =	simm.s32 @!p1 $0x8  }
0x91: {  	_ =	swait.ge @!p1 [sflag:s3], $0x3800  }
0x92: {  	[sflag:s3] =	ssyncset.done @!p1 $0x0  }
0x93: {  	[sflag:s3] =	ssyncadd.s32 @!p1 $0xFFFFC800  }
0x94: {  	_ =	swait.ge [sflag:s13], $0x2710  }
0x95: {  	[sflag:s13] =	ssyncset.done $0x0  }
0x96: {  	[sflag:s13] =	ssyncadd.s32 $0xFFFFD8F0  }
0x97: {  	s9 =	simm.s32 $0xC0;
	[bflag:$0x0] =	sbarrier.arrive $0xFFFF  }
0x98: {  	v4 =	vld [tilespmem:s9+$0xFFFFFF40];
	_ =	sdelay $0x4  }
0x99: {  	[tilespmem:$0x2A80] =	vst v4  }
0x9a: {  	v4 =	vld [tilespmem:s9+$0xFFFFFF50];
	_ =	sdelay $0x4  }
0x9b: {  	[tilespmem:$0x2A90] =	vst v4  }
0x9c: {  	v4 =	vld [tilespmem:s9+$0xFFFFFF60];
	_ =	sdelay $0x4  }
0x9d: {  	[tilespmem:$0x2AA0] =	vst v4  }
0x9e: {  	v4 =	vld [tilespmem:s9+$0xFFFFFF70];
	_ =	sdelay $0x4  }
0x9f: {  	[tilespmem:$0x2AB0] =	vst v4  }
0xa0: {  	v4 =	vld [tilespmem:s9+$0xFFFFFF80];
	_ =	sdelay $0x4  }
0xa1: {  	[tilespmem:$0x2AC0] =	vst v4  }
0xa2: {  	v4 =	vld [tilespmem:s9+$0xFFFFFF90];
	_ =	sdelay $0x4  }
0xa3: {  	[tilespmem:$0x2B00] =	vst v4  }
0xa4: {  	v4 =	vld [tilespmem:s9+$0xFFFFFFA0];
	_ =	sdelay $0x4  }
0xa5: {  	[tilespmem:$0x2B10] =	vst v4  }
0xa6: {  	v4 =	vld [tilespmem:s9+$0xFFFFFFB0];
	_ =	sdelay $0x3  }
0xa7: {  	s16 =	simm.s32 $0x0  }
0xa8: {  	s3 =	sand.u32 $0x3FF0, s16;
	[tilespmem:$0x2B20] =	vst v4  }
0xa9: {  	v4 =	vld [tilespmem:s3+$0x80];
	_ =	sdelay $0x4  }
0xaa: {  	[tilespmem:$0x2B30] =	vst v4  }
0xab: {  	v4 =	vld [tilespmem:s9+$0xFFFFFFD0];
	_ =	sdelay $0x4  }
0xac: {  	[tilespmem:$0x2B40] =	vst v4  }
0xad: {  	v4 =	vld [tilespmem:s9+$0xFFFFFFE0];
	_ =	sdelay $0x4  }
0xae: {  	[tilespmem:$0x2B80] =	vst v4  }
0xaf: {  	v4 =	vld [tilespmem:s9+$0xFFFFFFF0];
	_ =	sdelay $0x4  }
0xb0: {  	[tilespmem:$0x2B90] =	vst v4  }
0xb1: {  	v4 =	vld [tilespmem:s9+$0x0];
	_ =	sdelay $0x4  }
0xb2: {  	[tilespmem:$0x2BA0] =	vst v4  }
0xb3: {  	v4 =	vld [tilespmem:s9+$0x10];
	_ =	sdelay $0x4  }
0xb4: {  	[tilespmem:$0x2BB0] =	vst v4  }
0xb5: {  	v4 =	vld [tilespmem:s9+$0x20];
	_ =	sdelay $0x4  }
0xb6: {  	[tilespmem:$0x2BC0] =	vst v4  }
0xb7: {  	v4 =	vld [tilespmem:s9+$0x30];
	_ =	sdelay $0x4  }
0xb8: {  	[tilespmem:$0x2C00] =	vst v4  }
0xb9: {  	v4 =	vld [tilespmem:s3+$0x100];
	_ =	sdelay $0x4  }
0xba: {  	[tilespmem:$0x2C10] =	vst v4  }
0xbb: {  	v4 =	vld [tilespmem:s9+$0x50];
	_ =	sdelay $0x4  }
0xbc: {  	[tilespmem:$0x2C20] =	vst v4  }
0xbd: {  	v4 =	vld [tilespmem:s9+$0x60];
	_ =	sdelay $0x4  }
0xbe: {  	[tilespmem:$0x2C30] =	vst v4  }
0xbf: {  	v4 =	vld [tilespmem:s9+$0x70];
	_ =	sdelay $0x4  }
0xc0: {  	[tilespmem:$0x2C40] =	vst v4  }
0xc1: {  	v4 =	vld [tilespmem:s9+$0x80];
	_ =	sdelay $0x4  }
0xc2: {  	[tilespmem:$0x2C80] =	vst v4  }
0xc3: {  	v4 =	vld [tilespmem:s9+$0x90];
	_ =	sdelay $0x4  }
0xc4: {  	[tilespmem:$0x2C90] =	vst v4  }
0xc5: {  	v4 =	vld [tilespmem:s9+$0xA0];
	_ =	sdelay $0x4  }
0xc6: {  	[tilespmem:$0x2CA0] =	vst v4  }
0xc7: {  	v4 =	vld [tilespmem:s9+$0xB0];
	_ =	sdelay $0x4  }
0xc8: {  	[tilespmem:$0x2CB0] =	vst v4  }
0xc9: {  	v4 =	vld [tilespmem:s3+$0x180];
	_ =	sdelay $0x4  }
0xca: {  	[tilespmem:$0x2CC0] =	vst v4  }
0xcb: {  	[spmem:s2] =	stream.indirect.scatter.add.f32 [tilespmem:s20], [sflag:$0x7], $0x1, s19, s14, $0xb8;
	[tilespmem:$0x1EAF8] =	vst v63  }
0xcc: {  	_ = 	snop  }
0xcd: {  	[spmem:s2] =	stream.indirect.scatter.add.f32 [tilespmem:s20], [sflag:$0x7], $0x1, s21, s14, $0xb8;
	[tilespmem:$0x1EAF8] =	vst v63  }
0xce: {  	_ = 	snop  }
0xcf: {  	[spmem:s2] =	stream.indirect.scatter.add.f32 [tilespmem:s20], [sflag:$0x7], $0x1, s22, s14, $0xb8;
	[tilespmem:$0x1EAF8] =	vst v63  }
0xd0: {  	_ = 	snop  }
0xd1: {  	[spmem:s2] =	stream.indirect.scatter.add.f32 [tilespmem:s20], [sflag:$0x7], $0x1, s23, s14, $0xb8;
	[tilespmem:$0x1EAF8] =	vst v63  }
0xd2: {  	_ = 	snop  }
0xd3: {  	[spmem:s2] =	stream.indirect.scatter.add.f32 [tilespmem:s20], [sflag:$0x7], $0x1, s24, s14, $0xb8;
	[tilespmem:$0x1EAF8] =	vst v63  }
0xd4: {  	_ =	swait.ge [sflag:s13], $0x50  }
0xd5: {  	[sflag:s13] =	ssyncset.done $0x0  }
0xd6: {  	[sflag:s13] =	ssyncadd.s32 $0xFFFFFFB0  }
0xd7: {  	_ =	swait.ge [sflag:s13], $0x50  }
0xd8: {  	[sflag:s13] =	ssyncset.done $0x0  }
0xd9: {  	[sflag:s13] =	ssyncadd.s32 $0xFFFFFFB0  }
0xda: {  	_ =	swait.ge [sflag:s13], $0x50  }
0xdb: {  	[sflag:s13] =	ssyncset.done $0x0  }
0xdc: {  	[sflag:s13] =	ssyncadd.s32 $0xFFFFFFB0  }
0xdd: {  	_ =	swait.ge [sflag:s13], $0x50  }
0xde: {  	[sflag:s13] =	ssyncset.done $0x0  }
0xdf: {  	[sflag:s13] =	ssyncadd.s32 $0xFFFFFFB0  }
0xe0: {  	_ =	swait.ge [sflag:s13], $0x50  }
0xe1: {  	s10 =	simm.s32 $0x190;
	[sflag:s13] =	ssyncset.done $0x0  }
.LBB2_4:
0xe2: {  	p2 =	sne.s32 s10, $0x2580;
	[sflag:s13] =	ssyncadd.s32 $0xFFFFFFB0;
	s9 =	sadd.s32 $0x190, s9  }
0xe3: {  	s3 =	smov.u32 s10;
	s10 =	sadd.s32 $0x190, s10;
	v4 =	vld [tilespmem:s9+$0xFFFFFF40];
	_ =	sdelay $0x4  }
0xe4: {  	[tilespmem:$0x2A80] =	vst v4  }
0xe5: {  	v4 =	vld [tilespmem:s9+$0xFFFFFF50];
	_ =	sdelay $0x4  }
0xe6: {  	[tilespmem:$0x2A90] =	vst v4  }
0xe7: {  	v4 =	vld [tilespmem:s9+$0xFFFFFF60];
	_ =	sdelay $0x4  }
0xe8: {  	[tilespmem:$0x2AA0] =	vst v4  }
0xe9: {  	v4 =	vld [tilespmem:s9+$0xFFFFFF70];
	_ =	sdelay $0x4  }
0xea: {  	[tilespmem:$0x2AB0] =	vst v4  }
0xeb: {  	v4 =	vld [tilespmem:s9+$0xFFFFFF80];
	_ =	sdelay $0x4  }
0xec: {  	[tilespmem:$0x2AC0] =	vst v4  }
0xed: {  	v4 =	vld [tilespmem:s9+$0xFFFFFF90];
	_ =	sdelay $0x4  }
0xee: {  	[tilespmem:$0x2B00] =	vst v4  }
0xef: {  	v4 =	vld [tilespmem:s9+$0xFFFFFFA0];
	_ =	sdelay $0x4  }
0xf0: {  	[tilespmem:$0x2B10] =	vst v4  }
0xf1: {  	v4 =	vld [tilespmem:s9+$0xFFFFFFB0];
	_ =	sdelay $0x4  }
0xf2: {  	s16 =	sand.u32 $0x3FF0, s3;
	[tilespmem:$0x2B20] =	vst v4  }
0xf3: {  	v4 =	vld [tilespmem:s16+$0x80];
	_ =	sdelay $0x4  }
0xf4: {  	[tilespmem:$0x2B30] =	vst v4  }
0xf5: {  	v4 =	vld [tilespmem:s9+$0xFFFFFFD0];
	_ =	sdelay $0x4  }
0xf6: {  	[tilespmem:$0x2B40] =	vst v4  }
0xf7: {  	v4 =	vld [tilespmem:s9+$0xFFFFFFE0];
	_ =	sdelay $0x4  }
0xf8: {  	[tilespmem:$0x2B80] =	vst v4  }
0xf9: {  	v4 =	vld [tilespmem:s9+$0xFFFFFFF0];
	_ =	sdelay $0x4  }
0xfa: {  	[tilespmem:$0x2B90] =	vst v4  }
0xfb: {  	v4 =	vld [tilespmem:s9+$0x0];
	_ =	sdelay $0x4  }
0xfc: {  	[tilespmem:$0x2BA0] =	vst v4  }
0xfd: {  	v4 =	vld [tilespmem:s9+$0x10];
	_ =	sdelay $0x4  }
0xfe: {  	[tilespmem:$0x2BB0] =	vst v4  }
0xff: {  	v4 =	vld [tilespmem:s9+$0x20];
	_ =	sdelay $0x4  }
0x100: {  	[tilespmem:$0x2BC0] =	vst v4  }
0x101: {  	v4 =	vld [tilespmem:s9+$0x30];
	_ =	sdelay $0x4  }
0x102: {  	[tilespmem:$0x2C00] =	vst v4  }
0x103: {  	v4 =	vld [tilespmem:s16+$0x100];
	_ =	sdelay $0x4  }
0x104: {  	[tilespmem:$0x2C10] =	vst v4  }
0x105: {  	v4 =	vld [tilespmem:s9+$0x50];
	_ =	sdelay $0x4  }
0x106: {  	[tilespmem:$0x2C20] =	vst v4  }
0x107: {  	v4 =	vld [tilespmem:s9+$0x60];
	_ =	sdelay $0x4  }
0x108: {  	[tilespmem:$0x2C30] =	vst v4  }
0x109: {  	v4 =	vld [tilespmem:s9+$0x70];
	_ =	sdelay $0x4  }
0x10a: {  	[tilespmem:$0x2C40] =	vst v4  }
0x10b: {  	v4 =	vld [tilespmem:s9+$0x80];
	_ =	sdelay $0x4  }
0x10c: {  	[tilespmem:$0x2C80] =	vst v4  }
0x10d: {  	v4 =	vld [tilespmem:s9+$0x90];
	_ =	sdelay $0x4  }
0x10e: {  	[tilespmem:$0x2C90] =	vst v4  }
0x10f: {  	v4 =	vld [tilespmem:s9+$0xA0];
	_ =	sdelay $0x4  }
0x110: {  	[tilespmem:$0x2CA0] =	vst v4  }
0x111: {  	v4 =	vld [tilespmem:s9+$0xB0];
	_ =	sdelay $0x4  }
0x112: {  	[tilespmem:$0x2CB0] =	vst v4  }
0x113: {  	v4 =	vld [tilespmem:s16+$0x180];
	_ =	sdelay $0x4  }
0x114: {  	[tilespmem:$0x2CC0] =	vst v4  }
0x115: {  	[spmem:s2] =	stream.indirect.scatter.add.f32 [tilespmem:s20], [sflag:$0x7], $0x1, s19, s14, $0xb8;
	[tilespmem:$0x1EAF8] =	vst v63  }
0x116: {  	_ = 	snop  }
0x117: {  	[spmem:s2] =	stream.indirect.scatter.add.f32 [tilespmem:s20], [sflag:$0x7], $0x1, s21, s14, $0xb8;
	[tilespmem:$0x1EAF8] =	vst v63  }
0x118: {  	_ = 	snop  }
0x119: {  	[spmem:s2] =	stream.indirect.scatter.add.f32 [tilespmem:s20], [sflag:$0x7], $0x1, s22, s14, $0xb8;
	[tilespmem:$0x1EAF8] =	vst v63  }
0x11a: {  	_ = 	snop  }
0x11b: {  	[spmem:s2] =	stream.indirect.scatter.add.f32 [tilespmem:s20], [sflag:$0x7], $0x1, s23, s14, $0xb8;
	[tilespmem:$0x1EAF8] =	vst v63  }
0x11c: {  	_ = 	snop  }
0x11d: {  	[spmem:s2] =	stream.indirect.scatter.add.f32 [tilespmem:s20], [sflag:$0x7], $0x1, s24, s14, $0xb8;
	[tilespmem:$0x1EAF8] =	vst v63  }
0x11e: {  	_ =	swait.ge [sflag:s13], $0x50  }
0x11f: {  	[sflag:s13] =	ssyncset.done $0x0  }
0x120: {  	[sflag:s13] =	ssyncadd.s32 $0xFFFFFFB0  }
0x121: {  	_ =	swait.ge [sflag:s13], $0x50  }
0x122: {  	[sflag:s13] =	ssyncset.done $0x0  }
0x123: {  	[sflag:s13] =	ssyncadd.s32 $0xFFFFFFB0  }
0x124: {  	_ =	swait.ge [sflag:s13], $0x50  }
0x125: {  	[sflag:s13] =	ssyncset.done $0x0  }
0x126: {  	[sflag:s13] =	ssyncadd.s32 $0xFFFFFFB0  }
.Ltmp3:
0x127: {  	_ =	swait.ge [sflag:s13], $0x50;
	(pc) =	sbr.rel @p2 .LBB2_4-.Ltmp3, $4  }
0x128: {  	[sflag:s13] =	ssyncset.done $0x0  }
0x129: {  	[sflag:s13] =	ssyncadd.s32 $0xFFFFFFB0  }
0x12a: {  	_ =	swait.ge [sflag:s13], $0x50  }
0x12b: {  	[sflag:s13] =	ssyncset.done $0x0  }
0x12c: {  	[sflag:s13] =	ssyncadd.s32 $0xFFFFFFB0  }
0x12d: {  	s3 =	simm.s32 $0xAD80;
	[bflag:$0x0] =	sbarrier.arrive $0xFFFF  }
0x12e: {  	[tilespmem:s3], [sflag:$0x8] =	stream.linear.gather [spmem:s29], $0x270, $0x38;
	[tilespmem:$0x1EAF8] =	vst v63  }
0x12f: {  	_ =	swait.ge [sflag:s11], $0x270  }
0x130: {  	[sflag:s11] =	ssyncset.done $0x0  }
0x131: {  	s3 =	simm.s32 @!p0 $0xAFF0;
	s8 =	rddreg [dreg:$0x1e];
	[sflag:s11] =	ssyncadd.s32 $0xFFFFFD90  }
0x132: {  	[tilespmem:s3], [sflag:$0x8] =	stream.linear.gather @!p0 [spmem:s8], $0x10, $0x38;
	[tilespmem:$0x1EAF8] =	vst v63  }
0x133: {  	s3 =	simm.s32 @!p0 $0x8  }
0x134: {  	_ =	swait.ge @!p0 [sflag:s3], $0x10  }
0x135: {  	[sflag:s3] =	ssyncset.done @!p0 $0x0  }
0x136: {  	s8 =	simm.s32 $0x40;
	[sflag:s3] =	ssyncadd.s32 @!p0 $0xFFFFFFF0;
	s3 =	simm.s32 $0x0  }
.LBB2_6:
0x137: {  	p2 =	sne.s32 s8, $0x9C0;
	v4 =	vld [tilespmem:s3+$0xAD80];
	_ =	sdelay $0x4  }
0x138: {  	v4 =	vadd.f32 $9.999999960e-13, v4;
	_ =	sdelay $0x1  }
0x139: {  	v5 =	vshrl.u32 v4, $0x1;
	v4 =	vmul.f32 $5.000000000e-01, v4  }
0x13a: {  	v5 =	vsub.s32 $0x5F3759DF, v5  }
0x13b: {  	v6 =	vmul.f32 v5, v4;
	_ =	sdelay $0x1  }
0x13c: {  	v6 =	vmul.f32 v5, v6;
	_ =	sdelay $0x1  }
0x13d: {  	v6 =	vsub.f32 $1.500000000e+00, v6;
	_ =	sdelay $0x1  }
0x13e: {  	v5 =	vmul.f32 v5, v6;
	_ =	sdelay $0x1  }
0x13f: {  	v6 =	vmul.f32 v5, v4;
	_ =	sdelay $0x1  }
0x140: {  	v6 =	vmul.f32 v6, v5;
	_ =	sdelay $0x1  }
0x141: {  	v6 =	vsub.f32 $1.500000000e+00, v6;
	_ =	sdelay $0x1  }
0x142: {  	v5 =	vmul.f32 v6, v5;
	_ =	sdelay $0x1  }
0x143: {  	v4 =	vmul.f32 v5, v4;
	_ =	sdelay $0x1  }
0x144: {  	v4 =	vmul.f32 v4, v5;
	_ =	sdelay $0x1  }
.Ltmp4:
0x145: {  	v4 =	vsub.f32 $1.500000000e+00, v4;
	(pc) =	sbr.rel @p2 .LBB2_6-.Ltmp4, $3  }
0x146: {  	_ = 	snop  }
0x147: {  	v4 =	vmul.f32 v4, v5;
	_ =	sdelay $0x1  }
0x148: {  	[tilespmem:s3+$0xAD80] =	vst v4;
	s3 =	sshra.s32 s8, $0x2;
	s8 =	sadd.s32 $0x40, s8  }
0x149: {  	v4 =	vld [tilespmem:s3+$0xAD80];
	_ =	sdelay $0x4  }
0x14a: {  	v4 =	vadd.f32 $9.999999960e-13, v4;
	_ =	sdelay $0x1  }
0x14b: {  	v5 =	vshrl.u32 v4, $0x1;
	v4 =	vmul.f32 $5.000000000e-01, v4  }
0x14c: {  	v5 =	vsub.s32 $0x5F3759DF, v5  }
0x14d: {  	v6 =	vmul.f32 v5, v4;
	_ =	sdelay $0x1  }
0x14e: {  	v6 =	vmul.f32 v5, v6;
	_ =	sdelay $0x1  }
0x14f: {  	v6 =	vsub.f32 $1.500000000e+00, v6;
	_ =	sdelay $0x1  }
0x150: {  	v5 =	vmul.f32 v5, v6;
	_ =	sdelay $0x1  }
0x151: {  	v6 =	vmul.f32 v5, v4;
	_ =	sdelay $0x1  }
0x152: {  	v6 =	vmul.f32 v6, v5;
	_ =	sdelay $0x1  }
0x153: {  	v6 =	vsub.f32 $1.500000000e+00, v6;
	_ =	sdelay $0x1  }
0x154: {  	v5 =	vmul.f32 v6, v5;
	_ =	sdelay $0x1  }
0x155: {  	v4 =	vmul.f32 v5, v4;
	_ =	sdelay $0x1  }
0x156: {  	v4 =	vmul.f32 v4, v5;
	_ =	sdelay $0x1  }
0x157: {  	v4 =	vsub.f32 $1.500000000e+00, v4;
	_ =	sdelay $0x1  }
0x158: {  	v4 =	vmul.f32 v4, v5;
	_ =	sdelay $0x1  }
0x159: {  	s9 =	simm.s32 $0x0;
	s29 =	rddreg [dreg:$0x15];
	[tilespmem:s3+$0xAD80] =	vst v4  }
0x15a: {  	[tilespmem:s12], [sflag:$0x8] =	stream.linear.gather [hbm4b:s29+s9], $0x4000, $0x38;
	[tilespmem:$0x1EAF8] =	vst v63  }
0x15b: {  	_ =	swait.ge [sflag:s11], $0x4000  }
0x15c: {  	[sflag:s11] =	ssyncset.done $0x0  }
0x15d: {  	s8 =	simm.s32 $0x2DC0;
	s16 =	simm.s32 $0x0;
	[sflag:s11] =	ssyncadd.s32 $0xFFFFC000  }
.LBB2_8:
0x15e: {  	s3 =	sshll.u32 s16, $0x4  }
0x15f: {  	v4 =	vld [tilespmem:s3+$0xAD80];
	_ =	sdelay $0x2  }
0x160: {  	v5 =	vmov s9  }
0x161: {  	vm0 =	veq.s32 v5, v3  }
0x162: {  	v5 =	vnsel vm0, $0x0, v4  }
0x163: {  	(xrf2) =	vadd.scan.msk.f32 $0xffff, v5;
	_ =	sdelay $0x7  }
0x164: {  	s10 =	simm.s32 $0x1  }
0x165: {  	v6 =	vld [tilespmem:s8+$0xFFFFFFC0];
	v5 =	vmov s10  }
0x166: {  	vm14 =	veq.s32 v5, v3;
	v7, _, _ =	vpop (xrf2)  }
0x167: {  	v8 =	vld [tilespmem:s8+$0xFFFFFFD0];
	v5 =	vbroadcast v7, $0xF;
	v7 =	vnsel vm14, $0x0, v4  }
0x168: {  	v11 =	vld [tilespmem:s8+$0xFFFFFFE0];
	(xrf2) =	vadd.scan.msk.f32 $0xffff, v7;
	_ =	sdelay $0x1  }
0x169: {  	v12 =	vld [tilespmem:s8+$0x0];
	v6 =	vmul.f32 v6, v5  }
0x16a: {  	v13 =	vld [tilespmem:s8+$0x10]  }
0x16b: {  	v14 =	vld [tilespmem:s8+$0x20];
	[tilespmem:s8+$0xFFFFFFC0] =	vst v6;
	v6 =	vmul.f32 v8, v5  }
0x16c: {  	v9 =	vld [tilespmem:s8+$0xFFFFFFF0];
	s3 =	sadd.s32 $0x80, s8;
	v8 =	vmul.f32 v11, v5  }
0x16d: {  	s10 =	simm.s32 $0x2;
	v10 =	vld [tilespmem:s3+$0xFFFFFFC0];
	[tilespmem:s8+$0xFFFFFFD0] =	vst v6  }
0x16e: {  	v11 =	vmul.f32 v12, v5;
	v7 =	vld [tilespmem:s3+$0xFFFFFFD0];
	[tilespmem:s8+$0xFFFFFFE0] =	vst v8;
	v8 =	vmov s10  }
0x16f: {  	v15 =	vld [tilespmem:s8+$0x30];
	vm15 =	veq.s32 v8, v3  }
0x170: {  	v6 =	vld [tilespmem:s3+$0xFFFFFFE0];
	[tilespmem:s8+$0x0] =	vst v11;
	v11 =	vnsel vm15, $0x0, v4  }
0x171: {  	v16, _, _ =	vpop (xrf2);
	(xrf2) =	vadd.scan.msk.f32 $0xffff, v11  }
0x172: {  	v12 =	vmul.f32 v13, v5  }
0x173: {  	v13 =	vmul.f32 v14, v5  }
0x174: {  	s29 =	simm.s32 $0x3;
	s10 =	smov.u32 s8;
	v8 =	vld [tilespmem:s3+$0x0];
	[tilespmem:s8+$0x10] =	vst v12;
	v12 =	vmul.f32 v15, v5;
	v11 =	vbroadcast v16, $0xF  }
.LBB2_9:
0x175: {  	p2 =	sne.s32 s29, $0xF;
	v14 =	vld [tilespmem:s3+$0x10];
	v9 =	vmul.f32 v9, v5;
	[tilespmem:s10+$0x20] =	vst v13  }
0x176: {  	v13 =	vmov s29;
	v10 =	vmul.f32 v10, v11;
	v15 =	vld [tilespmem:s3+$0x20];
	[tilespmem:s10+$0x30] =	vst v12;
	v5 =	vmov v11  }
0x177: {  	vm0 =	veq.s32 v13, v3;
	v7 =	vmul.f32 v7, v5;
	v12 =	vld [tilespmem:s3+$0x30];
	[tilespmem:s10+$0xFFFFFFF0] =	vst v9;
	s10 =	smov.u32 s3  }
.Ltmp5:
0x178: {  	v11 =	vnsel vm0, $0x0, v4;
	s3 =	sadd.s32 $0x80, s3;
	[tilespmem:s10+$0xFFFFFFC0] =	vst v10;
	v6 =	vmul.f32 v6, v5;
	v9 =	vld [tilespmem:s10+$0xFFFFFFF0];
	(pc) =	sbr.rel @p2 .LBB2_9-.Ltmp5, $4  }
0x179: {  	(xrf2) =	vadd.scan.msk.f32 $0xffff, v11;
	v10 =	vld [tilespmem:s3+$0xFFFFFFC0];
	[tilespmem:s10+$0xFFFFFFD0] =	vst v7;
	v8 =	vmul.f32 v8, v5  }
0x17a: {  	v7 =	vld [tilespmem:s3+$0xFFFFFFD0];
	[tilespmem:s10+$0xFFFFFFE0] =	vst v6;
	v14 =	vmul.f32 v14, v5  }
0x17b: {  	v6 =	vld [tilespmem:s3+$0xFFFFFFE0];
	v11, _, _ =	vpop (xrf2);
	[tilespmem:s10+$0x0] =	vst v8;
	v13 =	vmul.f32 v15, v5  }
0x17c: {  	s29 =	sadd.s32 $0x1, s29;
	v11 =	vbroadcast v11, $0xF;
	v8 =	vld [tilespmem:s3+$0x0];
	[tilespmem:s10+$0x10] =	vst v14;
	v12 =	vmul.f32 v12, v5  }
0x17d: {  	v4 =	vld [tilespmem:s3+$0x10];
	_ =	sdelay $0x1  }
0x17e: {  	v5 =	vmul.f32 v9, v5;
	[tilespmem:s10+$0x20] =	vst v13  }
0x17f: {  	v58 =	vmul.f32 v10, v11;
	v59 =	vld [tilespmem:s3+$0x20];
	[tilespmem:s10+$0x30] =	vst v12  }
0x180: {  	[tilespmem:s10+$0xFFFFFFF0] =	vst v5;
	v5 =	vmul.f32 v7, v11;
	v12 =	vld [tilespmem:s3+$0x30]  }
0x181: {  	s29 =	sadd.s32 $0x80, s3;
	[tilespmem:s3+$0xFFFFFFC0] =	vst v58;
	v60 =	vld [tilespmem:s3+$0xFFFFFFF0];
	v6 =	vmul.f32 v6, v11;
	v4 =	vmul.f32 v4, v11  }
0x182: {  	v9 =	vld [tilespmem:s29+$0xFFFFFFC0];
	[tilespmem:s3+$0xFFFFFFD0] =	vst v5;
	v8 =	vmul.f32 v8, v11  }
0x183: {  	v5 =	vld [tilespmem:s29+$0xFFFFFFD0];
	[tilespmem:s3+$0xFFFFFFE0] =	vst v6  }
0x184: {  	v6 =	vld [tilespmem:s29+$0xFFFFFFE0];
	[tilespmem:s3+$0x0] =	vst v8;
	v10 =	vmul.f32 v59, v11  }
0x185: {  	v8 =	vld [tilespmem:s29+$0x0];
	[tilespmem:s3+$0x10] =	vst v4;
	v12 =	vmul.f32 v12, v11;
	v4, _, _ =	vpop (xrf2)  }
0x186: {  	v13 =	vld [tilespmem:s29+$0x10];
	[tilespmem:s3+$0x20] =	vst v10;
	v4 =	vbroadcast v4, $0xF  }
0x187: {  	v7 =	vmul.f32 v60, v11;
	v10 =	vld [tilespmem:s29+$0x20];
	[tilespmem:s3+$0x30] =	vst v12  }
0x188: {  	v61 =	vld [tilespmem:s29+$0x30];
	v9 =	vmul.f32 v9, v4  }
0x189: {  	[tilespmem:s3+$0xFFFFFFF0] =	vst v7;
	v5 =	vmul.f32 v5, v4  }
0x18a: {  	v7 =	vld [tilespmem:s29+$0xFFFFFFF0];
	v6 =	vmul.f32 v6, v4;
	[tilespmem:s29+$0xFFFFFFC0] =	vst v9  }
0x18b: {  	s16 =	sadd.s32 $0x1, s16;
	v62 =	vmul.f32 v13, v4;
	[tilespmem:s29+$0xFFFFFFD0] =	vst v5  }
0x18c: {  	p2 =	sne.s32 s16, $0x8;
	v5 =	vmul.f32 v8, v4;
	[tilespmem:s29+$0xFFFFFFE0] =	vst v6  }
.Ltmp6:
0x18d: {  	[tilespmem:s29+$0x10] =	vst v62;
	v63 =	vmul.f32 v61, v4;
	(pc) =	sbr.rel @p2 .LBB2_8-.Ltmp6, $4  }
0x18e: {  	[tilespmem:s29+$0x0] =	vst v5;
	v5 =	vmul.f32 v10, v4  }
0x18f: {  	v4 =	vmul.f32 v7, v4;
	[tilespmem:s29+$0x30] =	vst v63  }
0x190: {  	[tilespmem:s29+$0x20] =	vst v5  }
0x191: {  	s8 =	sadd.s32 $0x800, s8;
	[tilespmem:s29+$0xFFFFFFF0] =	vst v4  }
0x192: {  	s9 =	simm.s32 $0x0;
	s3 =	rddreg [dreg:$0x16]  }
0x193: {  	[hbm4b:s3+s9] =	stream.linear.scatter [tilespmem:s12], [sflag:$0x1], $0x4000, $0x38;
	[tilespmem:$0x1EAF8] =	vst v63  }
0x194: {  	s29 =	rddreg [dreg:$0x11]  }
0x195: {  	[tilespmem:s25], [sflag:$0x8] =	stream.linear.gather [hbm4b:s29+s9], $0x4000, $0x38;
	[tilespmem:$0x1EAF8] =	vst v63  }
0x196: {  	_ =	swait.ge [sflag:s11], $0x4000  }
0x197: {  	[sflag:s11] =	ssyncset.done $0x0  }
0x198: {  	s10 =	simm.s32 $0x6DC0;
	s16 =	simm.s32 $0x0;
	[sflag:s11] =	ssyncadd.s32 $0xFFFFC000  }
.LBB2_12:
0x199: {  	s3 =	sshll.u32 s16, $0x4  }
0x19a: {  	v4 =	vld [tilespmem:s3+$0xAE00];
	_ =	sdelay $0x2  }
0x19b: {  	v5 =	vmov s9  }
0x19c: {  	vm0 =	veq.s32 v5, v3  }
0x19d: {  	v5 =	vnsel vm0, $0x0, v4  }
0x19e: {  	(xrf2) =	vadd.scan.msk.f32 $0xffff, v5;
	_ =	sdelay $0x7  }
0x19f: {  	s8 =	simm.s32 $0x1  }
0x1a0: {  	v6 =	vld [tilespmem:s10+$0xFFFFFFC0];
	v5 =	vmov s8  }
0x1a1: {  	vm14 =	veq.s32 v5, v3;
	v7, _, _ =	vpop (xrf2)  }
0x1a2: {  	v8 =	vld [tilespmem:s10+$0xFFFFFFD0];
	v5 =	vbroadcast v7, $0xF;
	v7 =	vnsel vm14, $0x0, v4  }
0x1a3: {  	v11 =	vld [tilespmem:s10+$0xFFFFFFE0];
	(xrf2) =	vadd.scan.msk.f32 $0xffff, v7;
	_ =	sdelay $0x1  }
0x1a4: {  	v12 =	vld [tilespmem:s10+$0x0];
	v6 =	vmul.f32 v6, v5  }
0x1a5: {  	v13 =	vld [tilespmem:s10+$0x10]  }
0x1a6: {  	v14 =	vld [tilespmem:s10+$0x20];
	[tilespmem:s10+$0xFFFFFFC0] =	vst v6;
	v6 =	vmul.f32 v8, v5  }
0x1a7: {  	v9 =	vld [tilespmem:s10+$0xFFFFFFF0];
	s3 =	sadd.s32 $0x80, s10;
	v8 =	vmul.f32 v11, v5  }
0x1a8: {  	s8 =	simm.s32 $0x2;
	v10 =	vld [tilespmem:s3+$0xFFFFFFC0];
	[tilespmem:s10+$0xFFFFFFD0] =	vst v6  }
0x1a9: {  	v11 =	vmul.f32 v12, v5;
	v7 =	vld [tilespmem:s3+$0xFFFFFFD0];
	[tilespmem:s10+$0xFFFFFFE0] =	vst v8;
	v8 =	vmov s8  }
0x1aa: {  	v15 =	vld [tilespmem:s10+$0x30];
	vm15 =	veq.s32 v8, v3  }
0x1ab: {  	v6 =	vld [tilespmem:s3+$0xFFFFFFE0];
	[tilespmem:s10+$0x0] =	vst v11;
	v11 =	vnsel vm15, $0x0, v4  }
0x1ac: {  	v16, _, _ =	vpop (xrf2);
	(xrf2) =	vadd.scan.msk.f32 $0xffff, v11  }
0x1ad: {  	v12 =	vmul.f32 v13, v5  }
0x1ae: {  	v13 =	vmul.f32 v14, v5  }
0x1af: {  	s29 =	simm.s32 $0x3;
	s8 =	smov.u32 s10;
	v8 =	vld [tilespmem:s3+$0x0];
	[tilespmem:s10+$0x10] =	vst v12;
	v12 =	vmul.f32 v15, v5;
	v11 =	vbroadcast v16, $0xF  }
.LBB2_13:
0x1b0: {  	p2 =	sne.s32 s29, $0xF;
	v14 =	vld [tilespmem:s3+$0x10];
	v9 =	vmul.f32 v9, v5;
	[tilespmem:s8+$0x20] =	vst v13  }
0x1b1: {  	v13 =	vmov s29;
	v10 =	vmul.f32 v10, v11;
	v15 =	vld [tilespmem:s3+$0x20];
	[tilespmem:s8+$0x30] =	vst v12;
	v5 =	vmov v11  }
0x1b2: {  	vm0 =	veq.s32 v13, v3;
	v7 =	vmul.f32 v7, v5;
	v12 =	vld [tilespmem:s3+$0x30];
	[tilespmem:s8+$0xFFFFFFF0] =	vst v9;
	s8 =	smov.u32 s3  }
.Ltmp7:
0x1b3: {  	v11 =	vnsel vm0, $0x0, v4;
	s3 =	sadd.s32 $0x80, s3;
	[tilespmem:s8+$0xFFFFFFC0] =	vst v10;
	v6 =	vmul.f32 v6, v5;
	v9 =	vld [tilespmem:s8+$0xFFFFFFF0];
	(pc) =	sbr.rel @p2 .LBB2_13-.Ltmp7, $4  }
0x1b4: {  	(xrf2) =	vadd.scan.msk.f32 $0xffff, v11;
	v10 =	vld [tilespmem:s3+$0xFFFFFFC0];
	[tilespmem:s8+$0xFFFFFFD0] =	vst v7;
	v8 =	vmul.f32 v8, v5  }
0x1b5: {  	v7 =	vld [tilespmem:s3+$0xFFFFFFD0];
	[tilespmem:s8+$0xFFFFFFE0] =	vst v6;
	v14 =	vmul.f32 v14, v5  }
0x1b6: {  	v6 =	vld [tilespmem:s3+$0xFFFFFFE0];
	v11, _, _ =	vpop (xrf2);
	[tilespmem:s8+$0x0] =	vst v8;
	v13 =	vmul.f32 v15, v5  }
0x1b7: {  	s29 =	sadd.s32 $0x1, s29;
	v11 =	vbroadcast v11, $0xF;
	v8 =	vld [tilespmem:s3+$0x0];
	[tilespmem:s8+$0x10] =	vst v14;
	v12 =	vmul.f32 v12, v5  }
0x1b8: {  	v4 =	vld [tilespmem:s3+$0x10];
	_ =	sdelay $0x1  }
0x1b9: {  	v5 =	vmul.f32 v9, v5;
	[tilespmem:s8+$0x20] =	vst v13  }
0x1ba: {  	v58 =	vmul.f32 v10, v11;
	v59 =	vld [tilespmem:s3+$0x20];
	[tilespmem:s8+$0x30] =	vst v12  }
0x1bb: {  	[tilespmem:s8+$0xFFFFFFF0] =	vst v5;
	v5 =	vmul.f32 v7, v11;
	v12 =	vld [tilespmem:s3+$0x30]  }
0x1bc: {  	s29 =	sadd.s32 $0x80, s3;
	[tilespmem:s3+$0xFFFFFFC0] =	vst v58;
	v60 =	vld [tilespmem:s3+$0xFFFFFFF0];
	v6 =	vmul.f32 v6, v11;
	v4 =	vmul.f32 v4, v11  }
0x1bd: {  	v9 =	vld [tilespmem:s29+$0xFFFFFFC0];
	[tilespmem:s3+$0xFFFFFFD0] =	vst v5;
	v8 =	vmul.f32 v8, v11  }
0x1be: {  	v5 =	vld [tilespmem:s29+$0xFFFFFFD0];
	[tilespmem:s3+$0xFFFFFFE0] =	vst v6  }
0x1bf: {  	v6 =	vld [tilespmem:s29+$0xFFFFFFE0];
	[tilespmem:s3+$0x0] =	vst v8;
	v10 =	vmul.f32 v59, v11  }
0x1c0: {  	v8 =	vld [tilespmem:s29+$0x0];
	[tilespmem:s3+$0x10] =	vst v4;
	v12 =	vmul.f32 v12, v11;
	v4, _, _ =	vpop (xrf2)  }
0x1c1: {  	v13 =	vld [tilespmem:s29+$0x10];
	[tilespmem:s3+$0x20] =	vst v10;
	v4 =	vbroadcast v4, $0xF  }
0x1c2: {  	v7 =	vmul.f32 v60, v11;
	v10 =	vld [tilespmem:s29+$0x20];
	[tilespmem:s3+$0x30] =	vst v12  }
0x1c3: {  	v61 =	vld [tilespmem:s29+$0x30];
	v9 =	vmul.f32 v9, v4  }
0x1c4: {  	[tilespmem:s3+$0xFFFFFFF0] =	vst v7;
	v5 =	vmul.f32 v5, v4  }
0x1c5: {  	v7 =	vld [tilespmem:s29+$0xFFFFFFF0];
	v6 =	vmul.f32 v6, v4;
	[tilespmem:s29+$0xFFFFFFC0] =	vst v9  }
0x1c6: {  	s16 =	sadd.s32 $0x1, s16;
	v62 =	vmul.f32 v13, v4;
	[tilespmem:s29+$0xFFFFFFD0] =	vst v5  }
0x1c7: {  	p2 =	sne.s32 s16, $0x8;
	v5 =	vmul.f32 v8, v4;
	[tilespmem:s29+$0xFFFFFFE0] =	vst v6  }
.Ltmp8:
0x1c8: {  	[tilespmem:s29+$0x10] =	vst v62;
	v63 =	vmul.f32 v61, v4;
	(pc) =	sbr.rel @p2 .LBB2_12-.Ltmp8, $4  }
0x1c9: {  	[tilespmem:s29+$0x0] =	vst v5;
	v5 =	vmul.f32 v10, v4  }
0x1ca: {  	v4 =	vmul.f32 v7, v4;
	[tilespmem:s29+$0x30] =	vst v63  }
0x1cb: {  	[tilespmem:s29+$0x20] =	vst v5  }
0x1cc: {  	s10 =	sadd.s32 $0x800, s10;
	[tilespmem:s29+$0xFFFFFFF0] =	vst v4  }
0x1cd: {  	s9 =	simm.s32 $0x0;
	s3 =	rddreg [dreg:$0x12]  }
0x1ce: {  	[hbm4b:s3+s9] =	stream.linear.scatter [tilespmem:s25], [sflag:$0x2], $0x4000, $0x38;
	[tilespmem:$0x1EAF8] =	vst v63  }
0x1cf: {  	_ =	swait.ge [sflag:s26], $0x4000  }
0x1d0: {  	[sflag:s26] =	ssyncset.done $0x0  }
0x1d1: {  	s29 =	rddreg [dreg:$0x13];
	[sflag:s26] =	ssyncadd.s32 $0xFFFFC000  }
0x1d2: {  	[tilespmem:s12], [sflag:$0x8] =	stream.linear.gather [hbm4b:s29+s9], $0x4000, $0x38;
	[tilespmem:$0x1EAF8] =	vst v63  }
0x1d3: {  	_ =	swait.ge [sflag:s11], $0x4000  }
0x1d4: {  	[sflag:s11] =	ssyncset.done $0x0  }
0x1d5: {  	s10 =	simm.s32 $0x2DC0;
	s16 =	simm.s32 $0x0;
	[sflag:s11] =	ssyncadd.s32 $0xFFFFC000  }
.LBB2_16:
0x1d6: {  	s3 =	sshll.u32 s16, $0x4  }
0x1d7: {  	v4 =	vld [tilespmem:s3+$0xAE80];
	_ =	sdelay $0x2  }
0x1d8: {  	v5 =	vmov s9  }
0x1d9: {  	vm0 =	veq.s32 v5, v3  }
0x1da: {  	v5 =	vnsel vm0, $0x0, v4  }
0x1db: {  	(xrf2) =	vadd.scan.msk.f32 $0xffff, v5;
	_ =	sdelay $0x7  }
0x1dc: {  	s8 =	simm.s32 $0x1  }
0x1dd: {  	v6 =	vld [tilespmem:s10+$0xFFFFFFC0];
	v5 =	vmov s8  }
0x1de: {  	vm14 =	veq.s32 v5, v3;
	v7, _, _ =	vpop (xrf2)  }
0x1df: {  	v8 =	vld [tilespmem:s10+$0xFFFFFFD0];
	v5 =	vbroadcast v7, $0xF;
	v7 =	vnsel vm14, $0x0, v4  }
0x1e0: {  	v11 =	vld [tilespmem:s10+$0xFFFFFFE0];
	(xrf2) =	vadd.scan.msk.f32 $0xffff, v7;
	_ =	sdelay $0x1  }
0x1e1: {  	v12 =	vld [tilespmem:s10+$0x0];
	v6 =	vmul.f32 v6, v5  }
0x1e2: {  	v13 =	vld [tilespmem:s10+$0x10]  }
0x1e3: {  	v14 =	vld [tilespmem:s10+$0x20];
	[tilespmem:s10+$0xFFFFFFC0] =	vst v6;
	v6 =	vmul.f32 v8, v5  }
0x1e4: {  	v9 =	vld [tilespmem:s10+$0xFFFFFFF0];
	s3 =	sadd.s32 $0x80, s10;
	v8 =	vmul.f32 v11, v5  }
0x1e5: {  	s8 =	simm.s32 $0x2;
	v10 =	vld [tilespmem:s3+$0xFFFFFFC0];
	[tilespmem:s10+$0xFFFFFFD0] =	vst v6  }
0x1e6: {  	v11 =	vmul.f32 v12, v5;
	v7 =	vld [tilespmem:s3+$0xFFFFFFD0];
	[tilespmem:s10+$0xFFFFFFE0] =	vst v8;
	v8 =	vmov s8  }
0x1e7: {  	v15 =	vld [tilespmem:s10+$0x30];
	vm15 =	veq.s32 v8, v3  }
0x1e8: {  	v6 =	vld [tilespmem:s3+$0xFFFFFFE0];
	[tilespmem:s10+$0x0] =	vst v11;
	v11 =	vnsel vm15, $0x0, v4  }
0x1e9: {  	v16, _, _ =	vpop (xrf2);
	(xrf2) =	vadd.scan.msk.f32 $0xffff, v11  }
0x1ea: {  	v12 =	vmul.f32 v13, v5  }
0x1eb: {  	v13 =	vmul.f32 v14, v5  }
0x1ec: {  	s29 =	simm.s32 $0x3;
	s8 =	smov.u32 s10;
	v8 =	vld [tilespmem:s3+$0x0];
	[tilespmem:s10+$0x10] =	vst v12;
	v12 =	vmul.f32 v15, v5;
	v11 =	vbroadcast v16, $0xF  }
.LBB2_17:
0x1ed: {  	p2 =	sne.s32 s29, $0xF;
	v14 =	vld [tilespmem:s3+$0x10];
	v9 =	vmul.f32 v9, v5;
	[tilespmem:s8+$0x20] =	vst v13  }
0x1ee: {  	v13 =	vmov s29;
	v10 =	vmul.f32 v10, v11;
	v15 =	vld [tilespmem:s3+$0x20];
	[tilespmem:s8+$0x30] =	vst v12;
	v5 =	vmov v11  }
0x1ef: {  	vm0 =	veq.s32 v13, v3;
	v7 =	vmul.f32 v7, v5;
	v12 =	vld [tilespmem:s3+$0x30];
	[tilespmem:s8+$0xFFFFFFF0] =	vst v9;
	s8 =	smov.u32 s3  }
.Ltmp9:
0x1f0: {  	v11 =	vnsel vm0, $0x0, v4;
	s3 =	sadd.s32 $0x80, s3;
	[tilespmem:s8+$0xFFFFFFC0] =	vst v10;
	v6 =	vmul.f32 v6, v5;
	v9 =	vld [tilespmem:s8+$0xFFFFFFF0];
	(pc) =	sbr.rel @p2 .LBB2_17-.Ltmp9, $4  }
0x1f1: {  	(xrf2) =	vadd.scan.msk.f32 $0xffff, v11;
	v10 =	vld [tilespmem:s3+$0xFFFFFFC0];
	[tilespmem:s8+$0xFFFFFFD0] =	vst v7;
	v8 =	vmul.f32 v8, v5  }
0x1f2: {  	v7 =	vld [tilespmem:s3+$0xFFFFFFD0];
	[tilespmem:s8+$0xFFFFFFE0] =	vst v6;
	v14 =	vmul.f32 v14, v5  }
0x1f3: {  	v6 =	vld [tilespmem:s3+$0xFFFFFFE0];
	v11, _, _ =	vpop (xrf2);
	[tilespmem:s8+$0x0] =	vst v8;
	v13 =	vmul.f32 v15, v5  }
0x1f4: {  	s29 =	sadd.s32 $0x1, s29;
	v11 =	vbroadcast v11, $0xF;
	v8 =	vld [tilespmem:s3+$0x0];
	[tilespmem:s8+$0x10] =	vst v14;
	v12 =	vmul.f32 v12, v5  }
0x1f5: {  	v4 =	vld [tilespmem:s3+$0x10];
	_ =	sdelay $0x1  }
0x1f6: {  	v5 =	vmul.f32 v9, v5;
	[tilespmem:s8+$0x20] =	vst v13  }
0x1f7: {  	v58 =	vmul.f32 v10, v11;
	v59 =	vld [tilespmem:s3+$0x20];
	[tilespmem:s8+$0x30] =	vst v12  }
0x1f8: {  	[tilespmem:s8+$0xFFFFFFF0] =	vst v5;
	v5 =	vmul.f32 v7, v11;
	v12 =	vld [tilespmem:s3+$0x30]  }
0x1f9: {  	s29 =	sadd.s32 $0x80, s3;
	[tilespmem:s3+$0xFFFFFFC0] =	vst v58;
	v60 =	vld [tilespmem:s3+$0xFFFFFFF0];
	v6 =	vmul.f32 v6, v11;
	v4 =	vmul.f32 v4, v11  }
0x1fa: {  	v9 =	vld [tilespmem:s29+$0xFFFFFFC0];
	[tilespmem:s3+$0xFFFFFFD0] =	vst v5;
	v8 =	vmul.f32 v8, v11  }
0x1fb: {  	v5 =	vld [tilespmem:s29+$0xFFFFFFD0];
	[tilespmem:s3+$0xFFFFFFE0] =	vst v6  }
0x1fc: {  	v6 =	vld [tilespmem:s29+$0xFFFFFFE0];
	[tilespmem:s3+$0x0] =	vst v8;
	v10 =	vmul.f32 v59, v11  }
0x1fd: {  	v8 =	vld [tilespmem:s29+$0x0];
	[tilespmem:s3+$0x10] =	vst v4;
	v12 =	vmul.f32 v12, v11;
	v4, _, _ =	vpop (xrf2)  }
0x1fe: {  	v13 =	vld [tilespmem:s29+$0x10];
	[tilespmem:s3+$0x20] =	vst v10;
	v4 =	vbroadcast v4, $0xF  }
0x1ff: {  	v7 =	vmul.f32 v60, v11;
	v10 =	vld [tilespmem:s29+$0x20];
	[tilespmem:s3+$0x30] =	vst v12  }
0x200: {  	v61 =	vld [tilespmem:s29+$0x30];
	v9 =	vmul.f32 v9, v4  }
0x201: {  	[tilespmem:s3+$0xFFFFFFF0] =	vst v7;
	v5 =	vmul.f32 v5, v4  }
0x202: {  	v7 =	vld [tilespmem:s29+$0xFFFFFFF0];
	v6 =	vmul.f32 v6, v4;
	[tilespmem:s29+$0xFFFFFFC0] =	vst v9  }
0x203: {  	s16 =	sadd.s32 $0x1, s16;
	v62 =	vmul.f32 v13, v4;
	[tilespmem:s29+$0xFFFFFFD0] =	vst v5  }
0x204: {  	p2 =	sne.s32 s16, $0x8;
	v5 =	vmul.f32 v8, v4;
	[tilespmem:s29+$0xFFFFFFE0] =	vst v6  }
.Ltmp10:
0x205: {  	[tilespmem:s29+$0x10] =	vst v62;
	v63 =	vmul.f32 v61, v4;
	(pc) =	sbr.rel @p2 .LBB2_16-.Ltmp10, $4  }
0x206: {  	[tilespmem:s29+$0x0] =	vst v5;
	v5 =	vmul.f32 v10, v4  }
0x207: {  	v4 =	vmul.f32 v7, v4;
	[tilespmem:s29+$0x30] =	vst v63  }
0x208: {  	[tilespmem:s29+$0x20] =	vst v5  }
0x209: {  	s10 =	sadd.s32 $0x800, s10;
	[tilespmem:s29+$0xFFFFFFF0] =	vst v4  }
0x20a: {  	s9 =	simm.s32 $0x0;
	s3 =	rddreg [dreg:$0x14]  }
0x20b: {  	[hbm4b:s3+s9] =	stream.linear.scatter [tilespmem:s12], [sflag:$0x1], $0x4000, $0x38;
	[tilespmem:$0x1EAF8] =	vst v63  }
0x20c: {  	_ =	swait.ge [sflag:s28], $0x4000  }
0x20d: {  	[sflag:s28] =	ssyncset.done $0x0  }
0x20e: {  	s29 =	rddreg [dreg:$0x17];
	[sflag:s28] =	ssyncadd.s32 $0xFFFFC000  }
0x20f: {  	[tilespmem:s25], [sflag:$0x8] =	stream.linear.gather [hbm4b:s29+s9], $0x4000, $0x38;
	[tilespmem:$0x1EAF8] =	vst v63  }
0x210: {  	_ =	swait.ge [sflag:s11], $0x4000  }
0x211: {  	[sflag:s11] =	ssyncset.done $0x0  }
0x212: {  	s10 =	simm.s32 $0x6DC0;
	s16 =	simm.s32 $0x0;
	[sflag:s11] =	ssyncadd.s32 $0xFFFFC000  }
.LBB2_20:
0x213: {  	s3 =	sshll.u32 s16, $0x4  }
0x214: {  	v4 =	vld [tilespmem:s3+$0xAF00];
	_ =	sdelay $0x2  }
0x215: {  	v5 =	vmov s9  }
0x216: {  	vm0 =	veq.s32 v5, v3  }
0x217: {  	v5 =	vnsel vm0, $0x0, v4  }
0x218: {  	(xrf2) =	vadd.scan.msk.f32 $0xffff, v5;
	_ =	sdelay $0x7  }
0x219: {  	s8 =	simm.s32 $0x1  }
0x21a: {  	v6 =	vld [tilespmem:s10+$0xFFFFFFC0];
	v5 =	vmov s8  }
0x21b: {  	vm14 =	veq.s32 v5, v3;
	v7, _, _ =	vpop (xrf2)  }
0x21c: {  	v8 =	vld [tilespmem:s10+$0xFFFFFFD0];
	v5 =	vbroadcast v7, $0xF;
	v7 =	vnsel vm14, $0x0, v4  }
0x21d: {  	v11 =	vld [tilespmem:s10+$0xFFFFFFE0];
	(xrf2) =	vadd.scan.msk.f32 $0xffff, v7;
	_ =	sdelay $0x1  }
0x21e: {  	v12 =	vld [tilespmem:s10+$0x0];
	v6 =	vmul.f32 v6, v5  }
0x21f: {  	v13 =	vld [tilespmem:s10+$0x10]  }
0x220: {  	v14 =	vld [tilespmem:s10+$0x20];
	[tilespmem:s10+$0xFFFFFFC0] =	vst v6;
	v6 =	vmul.f32 v8, v5  }
0x221: {  	v9 =	vld [tilespmem:s10+$0xFFFFFFF0];
	s3 =	sadd.s32 $0x80, s10;
	v8 =	vmul.f32 v11, v5  }
0x222: {  	s8 =	simm.s32 $0x2;
	v10 =	vld [tilespmem:s3+$0xFFFFFFC0];
	[tilespmem:s10+$0xFFFFFFD0] =	vst v6  }
0x223: {  	v11 =	vmul.f32 v12, v5;
	v7 =	vld [tilespmem:s3+$0xFFFFFFD0];
	[tilespmem:s10+$0xFFFFFFE0] =	vst v8;
	v8 =	vmov s8  }
0x224: {  	v15 =	vld [tilespmem:s10+$0x30];
	vm15 =	veq.s32 v8, v3  }
0x225: {  	v6 =	vld [tilespmem:s3+$0xFFFFFFE0];
	[tilespmem:s10+$0x0] =	vst v11;
	v11 =	vnsel vm15, $0x0, v4  }
0x226: {  	v16, _, _ =	vpop (xrf2);
	(xrf2) =	vadd.scan.msk.f32 $0xffff, v11  }
0x227: {  	v12 =	vmul.f32 v13, v5  }
0x228: {  	v13 =	vmul.f32 v14, v5  }
0x229: {  	s29 =	simm.s32 $0x3;
	s8 =	smov.u32 s10;
	v8 =	vld [tilespmem:s3+$0x0];
	[tilespmem:s10+$0x10] =	vst v12;
	v12 =	vmul.f32 v15, v5;
	v11 =	vbroadcast v16, $0xF  }
.LBB2_21:
0x22a: {  	p2 =	sne.s32 s29, $0xF;
	v14 =	vld [tilespmem:s3+$0x10];
	v9 =	vmul.f32 v9, v5;
	[tilespmem:s8+$0x20] =	vst v13  }
0x22b: {  	v13 =	vmov s29;
	v10 =	vmul.f32 v10, v11;
	v15 =	vld [tilespmem:s3+$0x20];
	[tilespmem:s8+$0x30] =	vst v12;
	v5 =	vmov v11  }
0x22c: {  	vm0 =	veq.s32 v13, v3;
	v7 =	vmul.f32 v7, v5;
	v12 =	vld [tilespmem:s3+$0x30];
	[tilespmem:s8+$0xFFFFFFF0] =	vst v9;
	s8 =	smov.u32 s3  }
.Ltmp11:
0x22d: {  	v11 =	vnsel vm0, $0x0, v4;
	s3 =	sadd.s32 $0x80, s3;
	[tilespmem:s8+$0xFFFFFFC0] =	vst v10;
	v6 =	vmul.f32 v6, v5;
	v9 =	vld [tilespmem:s8+$0xFFFFFFF0];
	(pc) =	sbr.rel @p2 .LBB2_21-.Ltmp11, $4  }
0x22e: {  	(xrf2) =	vadd.scan.msk.f32 $0xffff, v11;
	v10 =	vld [tilespmem:s3+$0xFFFFFFC0];
	[tilespmem:s8+$0xFFFFFFD0] =	vst v7;
	v8 =	vmul.f32 v8, v5  }
0x22f: {  	v7 =	vld [tilespmem:s3+$0xFFFFFFD0];
	[tilespmem:s8+$0xFFFFFFE0] =	vst v6;
	v14 =	vmul.f32 v14, v5  }
0x230: {  	v6 =	vld [tilespmem:s3+$0xFFFFFFE0];
	v11, _, _ =	vpop (xrf2);
	[tilespmem:s8+$0x0] =	vst v8;
	v13 =	vmul.f32 v15, v5  }
0x231: {  	s29 =	sadd.s32 $0x1, s29;
	v11 =	vbroadcast v11, $0xF;
	v8 =	vld [tilespmem:s3+$0x0];
	[tilespmem:s8+$0x10] =	vst v14;
	v12 =	vmul.f32 v12, v5  }
0x232: {  	v4 =	vld [tilespmem:s3+$0x10];
	_ =	sdelay $0x1  }
0x233: {  	v5 =	vmul.f32 v9, v5;
	[tilespmem:s8+$0x20] =	vst v13  }
0x234: {  	v58 =	vmul.f32 v10, v11;
	v59 =	vld [tilespmem:s3+$0x20];
	[tilespmem:s8+$0x30] =	vst v12  }
0x235: {  	[tilespmem:s8+$0xFFFFFFF0] =	vst v5;
	v5 =	vmul.f32 v7, v11;
	v12 =	vld [tilespmem:s3+$0x30]  }
0x236: {  	s29 =	sadd.s32 $0x80, s3;
	[tilespmem:s3+$0xFFFFFFC0] =	vst v58;
	v60 =	vld [tilespmem:s3+$0xFFFFFFF0];
	v6 =	vmul.f32 v6, v11;
	v4 =	vmul.f32 v4, v11  }
0x237: {  	v9 =	vld [tilespmem:s29+$0xFFFFFFC0];
	[tilespmem:s3+$0xFFFFFFD0] =	vst v5;
	v8 =	vmul.f32 v8, v11  }
0x238: {  	v5 =	vld [tilespmem:s29+$0xFFFFFFD0];
	[tilespmem:s3+$0xFFFFFFE0] =	vst v6  }
0x239: {  	v6 =	vld [tilespmem:s29+$0xFFFFFFE0];
	[tilespmem:s3+$0x0] =	vst v8;
	v10 =	vmul.f32 v59, v11  }
0x23a: {  	v8 =	vld [tilespmem:s29+$0x0];
	[tilespmem:s3+$0x10] =	vst v4;
	v12 =	vmul.f32 v12, v11;
	v4, _, _ =	vpop (xrf2)  }
0x23b: {  	v13 =	vld [tilespmem:s29+$0x10];
	[tilespmem:s3+$0x20] =	vst v10;
	v4 =	vbroadcast v4, $0xF  }
0x23c: {  	v7 =	vmul.f32 v60, v11;
	v10 =	vld [tilespmem:s29+$0x20];
	[tilespmem:s3+$0x30] =	vst v12  }
0x23d: {  	v61 =	vld [tilespmem:s29+$0x30];
	v9 =	vmul.f32 v9, v4  }
0x23e: {  	[tilespmem:s3+$0xFFFFFFF0] =	vst v7;
	v5 =	vmul.f32 v5, v4  }
0x23f: {  	v7 =	vld [tilespmem:s29+$0xFFFFFFF0];
	v6 =	vmul.f32 v6, v4;
	[tilespmem:s29+$0xFFFFFFC0] =	vst v9  }
0x240: {  	s16 =	sadd.s32 $0x1, s16;
	v62 =	vmul.f32 v13, v4;
	[tilespmem:s29+$0xFFFFFFD0] =	vst v5  }
0x241: {  	p2 =	sne.s32 s16, $0x8;
	v5 =	vmul.f32 v8, v4;
	[tilespmem:s29+$0xFFFFFFE0] =	vst v6  }
.Ltmp12:
0x242: {  	[tilespmem:s29+$0x10] =	vst v62;
	v63 =	vmul.f32 v61, v4;
	(pc) =	sbr.rel @p2 .LBB2_20-.Ltmp12, $4  }
0x243: {  	[tilespmem:s29+$0x0] =	vst v5;
	v5 =	vmul.f32 v10, v4  }
0x244: {  	v4 =	vmul.f32 v7, v4;
	[tilespmem:s29+$0x30] =	vst v63  }
0x245: {  	[tilespmem:s29+$0x20] =	vst v5  }
0x246: {  	s10 =	sadd.s32 $0x800, s10;
	[tilespmem:s29+$0xFFFFFFF0] =	vst v4  }
.Ltmp13:
0x247: {  	s3 =	rddreg [dreg:$0x18];
	(pc) =	sbr.rel @!p1 .LBB2_24-.Ltmp13, $4  }
0x248: {  	[hbm4b:s3+s4] =	stream.linear.scatter [tilespmem:s25], [sflag:$0x2], $0x4000, $0x38;
	[tilespmem:$0x1EAF8] =	vst v63  }
0x249: {  	_ =	swait.ge [sflag:s26], $0x4000  }
0x24a: {  	[sflag:s26] =	ssyncset.done $0x0  }
0x24b: {  	s9 =	simm.s32 $0x0;
	[sflag:s26] =	ssyncadd.s32 $0xFFFFC000  }
0x24c: {  	s3 =	rddreg [dreg:$0x19]  }
0x24d: {  	[tilespmem:s12], [sflag:$0x8] =	stream.linear.gather [hbm4b:s3+s9], $0x4000, $0x38;
	[tilespmem:$0x1EAF8] =	vst v63  }
0x24e: {  	_ =	swait.ge [sflag:s11], $0x4000  }
0x24f: {  	[sflag:s11] =	ssyncset.done $0x0  }
0x250: {  	s10 =	simm.s32 $0x2DC0;
	s16 =	simm.s32 $0x0;
	[sflag:s11] =	ssyncadd.s32 $0xFFFFC000  }
.LBB2_30:
0x251: {  	s3 =	sshll.u32 s16, $0x4  }
0x252: {  	v4 =	vld [tilespmem:s3+$0xAF80];
	_ =	sdelay $0x2  }
0x253: {  	v5 =	vmov s9  }
0x254: {  	vm0 =	veq.s32 v5, v3  }
0x255: {  	v5 =	vnsel vm0, $0x0, v4  }
0x256: {  	(xrf2) =	vadd.scan.msk.f32 $0xffff, v5;
	_ =	sdelay $0x7  }
0x257: {  	s8 =	simm.s32 $0x1  }
0x258: {  	v6 =	vld [tilespmem:s10+$0xFFFFFFC0];
	v5 =	vmov s8  }
0x259: {  	vm14 =	veq.s32 v5, v3;
	v7, _, _ =	vpop (xrf2)  }
0x25a: {  	v8 =	vld [tilespmem:s10+$0xFFFFFFD0];
	v5 =	vbroadcast v7, $0xF;
	v7 =	vnsel vm14, $0x0, v4  }
0x25b: {  	v11 =	vld [tilespmem:s10+$0xFFFFFFE0];
	(xrf2) =	vadd.scan.msk.f32 $0xffff, v7;
	_ =	sdelay $0x1  }
0x25c: {  	v12 =	vld [tilespmem:s10+$0x0];
	v6 =	vmul.f32 v6, v5  }
0x25d: {  	v13 =	vld [tilespmem:s10+$0x10]  }
0x25e: {  	v14 =	vld [tilespmem:s10+$0x20];
	[tilespmem:s10+$0xFFFFFFC0] =	vst v6;
	v6 =	vmul.f32 v8, v5  }
0x25f: {  	v9 =	vld [tilespmem:s10+$0xFFFFFFF0];
	s3 =	sadd.s32 $0x80, s10;
	v8 =	vmul.f32 v11, v5  }
0x260: {  	s8 =	simm.s32 $0x2;
	v10 =	vld [tilespmem:s3+$0xFFFFFFC0];
	[tilespmem:s10+$0xFFFFFFD0] =	vst v6  }
0x261: {  	v11 =	vmul.f32 v12, v5;
	v7 =	vld [tilespmem:s3+$0xFFFFFFD0];
	[tilespmem:s10+$0xFFFFFFE0] =	vst v8;
	v8 =	vmov s8  }
0x262: {  	v15 =	vld [tilespmem:s10+$0x30];
	vm15 =	veq.s32 v8, v3  }
0x263: {  	v6 =	vld [tilespmem:s3+$0xFFFFFFE0];
	[tilespmem:s10+$0x0] =	vst v11;
	v11 =	vnsel vm15, $0x0, v4  }
0x264: {  	v16, _, _ =	vpop (xrf2);
	(xrf2) =	vadd.scan.msk.f32 $0xffff, v11  }
0x265: {  	v12 =	vmul.f32 v13, v5  }
0x266: {  	v13 =	vmul.f32 v14, v5  }
0x267: {  	s29 =	simm.s32 $0x3;
	s8 =	smov.u32 s10;
	v8 =	vld [tilespmem:s3+$0x0];
	[tilespmem:s10+$0x10] =	vst v12;
	v12 =	vmul.f32 v15, v5;
	v11 =	vbroadcast v16, $0xF  }
.LBB2_31:
0x268: {  	p2 =	sne.s32 s29, $0xF;
	v14 =	vld [tilespmem:s3+$0x10];
	v9 =	vmul.f32 v9, v5;
	[tilespmem:s8+$0x20] =	vst v13  }
0x269: {  	v13 =	vmov s29;
	v10 =	vmul.f32 v10, v11;
	v15 =	vld [tilespmem:s3+$0x20];
	[tilespmem:s8+$0x30] =	vst v12;
	v5 =	vmov v11  }
0x26a: {  	vm0 =	veq.s32 v13, v3;
	v7 =	vmul.f32 v7, v5;
	v12 =	vld [tilespmem:s3+$0x30];
	[tilespmem:s8+$0xFFFFFFF0] =	vst v9;
	s8 =	smov.u32 s3  }
.Ltmp14:
0x26b: {  	v11 =	vnsel vm0, $0x0, v4;
	s3 =	sadd.s32 $0x80, s3;
	[tilespmem:s8+$0xFFFFFFC0] =	vst v10;
	v6 =	vmul.f32 v6, v5;
	v9 =	vld [tilespmem:s8+$0xFFFFFFF0];
	(pc) =	sbr.rel @p2 .LBB2_31-.Ltmp14, $4  }
0x26c: {  	(xrf2) =	vadd.scan.msk.f32 $0xffff, v11;
	v10 =	vld [tilespmem:s3+$0xFFFFFFC0];
	[tilespmem:s8+$0xFFFFFFD0] =	vst v7;
	v8 =	vmul.f32 v8, v5  }
0x26d: {  	v7 =	vld [tilespmem:s3+$0xFFFFFFD0];
	[tilespmem:s8+$0xFFFFFFE0] =	vst v6;
	v14 =	vmul.f32 v14, v5  }
0x26e: {  	v6 =	vld [tilespmem:s3+$0xFFFFFFE0];
	v11, _, _ =	vpop (xrf2);
	[tilespmem:s8+$0x0] =	vst v8;
	v13 =	vmul.f32 v15, v5  }
0x26f: {  	s29 =	sadd.s32 $0x1, s29;
	v11 =	vbroadcast v11, $0xF;
	v8 =	vld [tilespmem:s3+$0x0];
	[tilespmem:s8+$0x10] =	vst v14;
	v12 =	vmul.f32 v12, v5  }
0x270: {  	v4 =	vld [tilespmem:s3+$0x10];
	_ =	sdelay $0x1  }
0x271: {  	v5 =	vmul.f32 v9, v5;
	[tilespmem:s8+$0x20] =	vst v13  }
0x272: {  	v58 =	vmul.f32 v10, v11;
	v59 =	vld [tilespmem:s3+$0x20];
	[tilespmem:s8+$0x30] =	vst v12  }
0x273: {  	[tilespmem:s8+$0xFFFFFFF0] =	vst v5;
	v5 =	vmul.f32 v7, v11;
	v12 =	vld [tilespmem:s3+$0x30]  }
0x274: {  	s29 =	sadd.s32 $0x80, s3;
	[tilespmem:s3+$0xFFFFFFC0] =	vst v58;
	v60 =	vld [tilespmem:s3+$0xFFFFFFF0];
	v6 =	vmul.f32 v6, v11;
	v4 =	vmul.f32 v4, v11  }
0x275: {  	v9 =	vld [tilespmem:s29+$0xFFFFFFC0];
	[tilespmem:s3+$0xFFFFFFD0] =	vst v5;
	v8 =	vmul.f32 v8, v11  }
0x276: {  	v5 =	vld [tilespmem:s29+$0xFFFFFFD0];
	[tilespmem:s3+$0xFFFFFFE0] =	vst v6  }
0x277: {  	v6 =	vld [tilespmem:s29+$0xFFFFFFE0];
	[tilespmem:s3+$0x0] =	vst v8;
	v10 =	vmul.f32 v59, v11  }
0x278: {  	v8 =	vld [tilespmem:s29+$0x0];
	[tilespmem:s3+$0x10] =	vst v4;
	v12 =	vmul.f32 v12, v11;
	v4, _, _ =	vpop (xrf2)  }
0x279: {  	v13 =	vld [tilespmem:s29+$0x10];
	[tilespmem:s3+$0x20] =	vst v10;
	v4 =	vbroadcast v4, $0xF  }
0x27a: {  	v7 =	vmul.f32 v60, v11;
	v10 =	vld [tilespmem:s29+$0x20];
	[tilespmem:s3+$0x30] =	vst v12  }
0x27b: {  	v61 =	vld [tilespmem:s29+$0x30];
	v9 =	vmul.f32 v9, v4  }
0x27c: {  	[tilespmem:s3+$0xFFFFFFF0] =	vst v7;
	v5 =	vmul.f32 v5, v4  }
0x27d: {  	v7 =	vld [tilespmem:s29+$0xFFFFFFF0];
	v6 =	vmul.f32 v6, v4;
	[tilespmem:s29+$0xFFFFFFC0] =	vst v9  }
0x27e: {  	s16 =	sadd.s32 $0x1, s16;
	v62 =	vmul.f32 v13, v4;
	[tilespmem:s29+$0xFFFFFFD0] =	vst v5  }
0x27f: {  	p2 =	sne.s32 s16, $0x8;
	v5 =	vmul.f32 v8, v4;
	[tilespmem:s29+$0xFFFFFFE0] =	vst v6  }
.Ltmp15:
0x280: {  	[tilespmem:s29+$0x10] =	vst v62;
	v63 =	vmul.f32 v61, v4;
	(pc) =	sbr.rel @p2 .LBB2_30-.Ltmp15, $4  }
0x281: {  	[tilespmem:s29+$0x0] =	vst v5;
	v5 =	vmul.f32 v10, v4  }
0x282: {  	v4 =	vmul.f32 v7, v4;
	[tilespmem:s29+$0x30] =	vst v63  }
0x283: {  	[tilespmem:s29+$0x20] =	vst v5  }
0x284: {  	s10 =	sadd.s32 $0x800, s10;
	[tilespmem:s29+$0xFFFFFFF0] =	vst v4  }
.Ltmp16:
0x285: {  	s3 =	rddreg [dreg:$0x1a];
	(pc) =	sbr.rel .LBB2_34-.Ltmp16, $4  }
0x286: {  	[hbm4b:s3+s4] =	stream.linear.scatter [tilespmem:s12], [sflag:$0x1], $0x4000, $0x38;
	[tilespmem:$0x1EAF8] =	vst v63  }
0x287: {  	_ =	swait.ge [sflag:s26], $0x4000  }
0x288: {  	[sflag:s26] =	ssyncset.done $0x0  }
0x289: {  	[sflag:s26] =	ssyncadd.s32 $0xFFFFC000  }
.LBB2_24:
0x28a: {  	s3 =	rddreg [dreg:$0x19]  }
0x28b: {  	[tilespmem:s12], [sflag:$0x8] =	stream.linear.gather [hbm4b:s3+s9], $0x3800, $0x38;
	[tilespmem:$0x1EAF8] =	vst v63  }
0x28c: {  	_ =	swait.ge [sflag:s11], $0x3800  }
0x28d: {  	[sflag:s11] =	ssyncset.done $0x0  }
0x28e: {  	s10 =	simm.s32 $0x2DC0;
	s16 =	simm.s32 $0x0;
	[sflag:s11] =	ssyncadd.s32 $0xFFFFC800  }
.LBB2_25:
0x28f: {  	s3 =	sshll.u32 s16, $0x4  }
0x290: {  	v4 =	vld [tilespmem:s3+$0xAF80];
	_ =	sdelay $0x2  }
0x291: {  	v5 =	vmov s9  }
0x292: {  	vm0 =	veq.s32 v5, v3  }
0x293: {  	v5 =	vnsel vm0, $0x0, v4  }
0x294: {  	(xrf2) =	vadd.scan.msk.f32 $0xffff, v5;
	_ =	sdelay $0x7  }
0x295: {  	s8 =	simm.s32 $0x1  }
0x296: {  	v6 =	vld [tilespmem:s10+$0xFFFFFFC0];
	v5 =	vmov s8  }
0x297: {  	vm14 =	veq.s32 v5, v3;
	v7, _, _ =	vpop (xrf2)  }
0x298: {  	v8 =	vld [tilespmem:s10+$0xFFFFFFD0];
	v5 =	vbroadcast v7, $0xF;
	v7 =	vnsel vm14, $0x0, v4  }
0x299: {  	v11 =	vld [tilespmem:s10+$0xFFFFFFE0];
	(xrf2) =	vadd.scan.msk.f32 $0xffff, v7;
	_ =	sdelay $0x1  }
0x29a: {  	v12 =	vld [tilespmem:s10+$0x0];
	v6 =	vmul.f32 v6, v5  }
0x29b: {  	v13 =	vld [tilespmem:s10+$0x10]  }
0x29c: {  	v14 =	vld [tilespmem:s10+$0x20];
	[tilespmem:s10+$0xFFFFFFC0] =	vst v6;
	v6 =	vmul.f32 v8, v5  }
0x29d: {  	v9 =	vld [tilespmem:s10+$0xFFFFFFF0];
	s3 =	sadd.s32 $0x80, s10;
	v8 =	vmul.f32 v11, v5  }
0x29e: {  	s8 =	simm.s32 $0x2;
	v10 =	vld [tilespmem:s3+$0xFFFFFFC0];
	[tilespmem:s10+$0xFFFFFFD0] =	vst v6  }
0x29f: {  	v11 =	vmul.f32 v12, v5;
	v7 =	vld [tilespmem:s3+$0xFFFFFFD0];
	[tilespmem:s10+$0xFFFFFFE0] =	vst v8;
	v8 =	vmov s8  }
0x2a0: {  	v15 =	vld [tilespmem:s10+$0x30];
	vm15 =	veq.s32 v8, v3  }
0x2a1: {  	v6 =	vld [tilespmem:s3+$0xFFFFFFE0];
	[tilespmem:s10+$0x0] =	vst v11;
	v11 =	vnsel vm15, $0x0, v4  }
0x2a2: {  	v16, _, _ =	vpop (xrf2);
	(xrf2) =	vadd.scan.msk.f32 $0xffff, v11  }
0x2a3: {  	v12 =	vmul.f32 v13, v5  }
0x2a4: {  	v13 =	vmul.f32 v14, v5  }
0x2a5: {  	s29 =	simm.s32 $0x3;
	s8 =	smov.u32 s10;
	v8 =	vld [tilespmem:s3+$0x0];
	[tilespmem:s10+$0x10] =	vst v12;
	v12 =	vmul.f32 v15, v5;
	v11 =	vbroadcast v16, $0xF  }
.LBB2_26:
0x2a6: {  	p2 =	sne.s32 s29, $0xF;
	v14 =	vld [tilespmem:s3+$0x10];
	v9 =	vmul.f32 v9, v5;
	[tilespmem:s8+$0x20] =	vst v13  }
0x2a7: {  	v13 =	vmov s29;
	v10 =	vmul.f32 v10, v11;
	v15 =	vld [tilespmem:s3+$0x20];
	[tilespmem:s8+$0x30] =	vst v12;
	v5 =	vmov v11  }
0x2a8: {  	vm0 =	veq.s32 v13, v3;
	v7 =	vmul.f32 v7, v5;
	v12 =	vld [tilespmem:s3+$0x30];
	[tilespmem:s8+$0xFFFFFFF0] =	vst v9;
	s8 =	smov.u32 s3  }
.Ltmp17:
0x2a9: {  	v11 =	vnsel vm0, $0x0, v4;
	s3 =	sadd.s32 $0x80, s3;
	[tilespmem:s8+$0xFFFFFFC0] =	vst v10;
	v6 =	vmul.f32 v6, v5;
	v9 =	vld [tilespmem:s8+$0xFFFFFFF0];
	(pc) =	sbr.rel @p2 .LBB2_26-.Ltmp17, $4  }
0x2aa: {  	(xrf2) =	vadd.scan.msk.f32 $0xffff, v11;
	v10 =	vld [tilespmem:s3+$0xFFFFFFC0];
	[tilespmem:s8+$0xFFFFFFD0] =	vst v7;
	v8 =	vmul.f32 v8, v5  }
0x2ab: {  	v7 =	vld [tilespmem:s3+$0xFFFFFFD0];
	[tilespmem:s8+$0xFFFFFFE0] =	vst v6;
	v14 =	vmul.f32 v14, v5  }
0x2ac: {  	v6 =	vld [tilespmem:s3+$0xFFFFFFE0];
	v11, _, _ =	vpop (xrf2);
	[tilespmem:s8+$0x0] =	vst v8;
	v13 =	vmul.f32 v15, v5  }
0x2ad: {  	s29 =	sadd.s32 $0x1, s29;
	v11 =	vbroadcast v11, $0xF;
	v8 =	vld [tilespmem:s3+$0x0];
	[tilespmem:s8+$0x10] =	vst v14;
	v12 =	vmul.f32 v12, v5  }
0x2ae: {  	v4 =	vld [tilespmem:s3+$0x10];
	_ =	sdelay $0x1  }
0x2af: {  	v5 =	vmul.f32 v9, v5;
	[tilespmem:s8+$0x20] =	vst v13  }
0x2b0: {  	v58 =	vmul.f32 v10, v11;
	v59 =	vld [tilespmem:s3+$0x20];
	[tilespmem:s8+$0x30] =	vst v12  }
0x2b1: {  	[tilespmem:s8+$0xFFFFFFF0] =	vst v5;
	v5 =	vmul.f32 v7, v11;
	v12 =	vld [tilespmem:s3+$0x30]  }
0x2b2: {  	s29 =	sadd.s32 $0x80, s3;
	[tilespmem:s3+$0xFFFFFFC0] =	vst v58;
	v60 =	vld [tilespmem:s3+$0xFFFFFFF0];
	v6 =	vmul.f32 v6, v11;
	v4 =	vmul.f32 v4, v11  }
0x2b3: {  	v9 =	vld [tilespmem:s29+$0xFFFFFFC0];
	[tilespmem:s3+$0xFFFFFFD0] =	vst v5;
	v8 =	vmul.f32 v8, v11  }
0x2b4: {  	v5 =	vld [tilespmem:s29+$0xFFFFFFD0];
	[tilespmem:s3+$0xFFFFFFE0] =	vst v6  }
0x2b5: {  	v6 =	vld [tilespmem:s29+$0xFFFFFFE0];
	[tilespmem:s3+$0x0] =	vst v8;
	v10 =	vmul.f32 v59, v11  }
0x2b6: {  	v8 =	vld [tilespmem:s29+$0x0];
	[tilespmem:s3+$0x10] =	vst v4;
	v12 =	vmul.f32 v12, v11;
	v4, _, _ =	vpop (xrf2)  }
0x2b7: {  	v13 =	vld [tilespmem:s29+$0x10];
	[tilespmem:s3+$0x20] =	vst v10;
	v4 =	vbroadcast v4, $0xF  }
0x2b8: {  	v7 =	vmul.f32 v60, v11;
	v10 =	vld [tilespmem:s29+$0x20];
	[tilespmem:s3+$0x30] =	vst v12  }
0x2b9: {  	v61 =	vld [tilespmem:s29+$0x30];
	v9 =	vmul.f32 v9, v4  }
0x2ba: {  	[tilespmem:s3+$0xFFFFFFF0] =	vst v7;
	v5 =	vmul.f32 v5, v4  }
0x2bb: {  	v7 =	vld [tilespmem:s29+$0xFFFFFFF0];
	v6 =	vmul.f32 v6, v4;
	[tilespmem:s29+$0xFFFFFFC0] =	vst v9  }
0x2bc: {  	s16 =	sadd.s32 $0x1, s16;
	v62 =	vmul.f32 v13, v4;
	[tilespmem:s29+$0xFFFFFFD0] =	vst v5  }
0x2bd: {  	p2 =	sne.s32 s16, $0x7;
	v5 =	vmul.f32 v8, v4;
	[tilespmem:s29+$0xFFFFFFE0] =	vst v6  }
.Ltmp18:
0x2be: {  	[tilespmem:s29+$0x10] =	vst v62;
	v63 =	vmul.f32 v61, v4;
	(pc) =	sbr.rel @p2 .LBB2_25-.Ltmp18, $4  }
0x2bf: {  	[tilespmem:s29+$0x0] =	vst v5;
	v5 =	vmul.f32 v10, v4  }
0x2c0: {  	v4 =	vmul.f32 v7, v4;
	[tilespmem:s29+$0x30] =	vst v63  }
0x2c1: {  	[tilespmem:s29+$0x20] =	vst v5  }
0x2c2: {  	s10 =	sadd.s32 $0x800, s10;
	[tilespmem:s29+$0xFFFFFFF0] =	vst v4  }
0x2c3: {  	s3 =	rddreg [dreg:$0x1a]  }
0x2c4: {  	[hbm4b:s3+s4] =	stream.linear.scatter [tilespmem:s12], [sflag:$0x1], $0x3800, $0x38;
	[tilespmem:$0x1EAF8] =	vst v63  }
0x2c5: {  	_ =	swait.ge [sflag:s26], $0x3800  }
0x2c6: {  	[sflag:s26] =	ssyncset.done $0x0  }
0x2c7: {  	[sflag:s26] =	ssyncadd.s32 $0xFFFFC800  }
.LBB2_34:
0x2c8: {  	_ =	swait.ge [sflag:s28], $0x4000  }
0x2c9: {  	[sflag:s28] =	ssyncset.done $0x0  }
0x2ca: {  	[sflag:s28] =	ssyncadd.s32 $0xFFFFC000  }
0x2cb: {  	s9 =	simm.s32 $0x0;
	[bflag:$0x0] =	sbarrier.arrive $0xFFFF  }
0x2cc: {  	s8 =	simm.s32 $0x2780;
	s16 =	simm.s32 $0x3;
	s3 =	rddreg [dreg:$0x10]  }
0x2cd: {  	[tilespmem:s8], [sflag:$0x3] =	stream.linear.gather [hbm4b:s3+s9], $0x80, $0x38;
	[tilespmem:$0x1EAF8] =	vst v63  }
0x2ce: {  	_ =	swait.ge [sflag:s16], $0x80  }
0x2cf: {  	[sflag:s16] =	ssyncset.done $0x0  }
0x2d0: {  	[sflag:s16] =	ssyncadd.s32 $0xFFFFFF80  }
0x2d1: {  	v4 =	vld [tilespmem:$0x2780]  }
0x2d2: {  	v5 =	vld [tilespmem:$0x2790]  }
0x2d3: {  	v6 =	vld [tilespmem:$0x27A0]  }
0x2d4: {  	v7 =	vld [tilespmem:$0x27B0]  }
0x2d5: {  	v8 =	vld [tilespmem:$0x27C0]  }
0x2d6: {  	v9 =	vld [tilespmem:$0x27D0];
	v4 =	vadd.s32 v0, v4  }
0x2d7: {  	[tilespmem:$0x2780] =	vst v4;
	v4 =	vadd.s32 v0, v5;
	v5 =	vld [tilespmem:$0x27E0]  }
0x2d8: {  	v63 =	vld [tilespmem:$0x27F0];
	[tilespmem:$0x2790] =	vst v4;
	v4 =	vadd.s32 v0, v6  }
0x2d9: {  	[tilespmem:$0x27A0] =	vst v4;
	v4 =	vadd.s32 v0, v7  }
0x2da: {  	[tilespmem:$0x27B0] =	vst v4;
	v4 =	vadd.s32 v0, v8  }
0x2db: {  	[tilespmem:$0x27C0] =	vst v4;
	v4 =	vadd.s32 v0, v9  }
0x2dc: {  	[tilespmem:$0x27D0] =	vst v4;
	v4 =	vadd.s32 v0, v5  }
0x2dd: {  	[tilespmem:$0x27E0] =	vst v4;
	v4 =	vadd.s32 v0, v63  }
0x2de: {  	s10 =	simm.s32 $0x80;
	s29 =	sld [smem:$0x7FC];
	[tilespmem:$0x27F0] =	vst v4  }
0x2df: {  	[tilespmem:s12], [sflag:$0x1] =	stream.indirect.gather [hbm4b:s5+s10], $0x80, s8, s10, $0xb8;
	[tilespmem:$0x1EAF8] =	vst v63  }
0x2e0: {  	_ = 	snop  }
0x2e1: {  	[tilespmem:s0], [sflag:$0x4] =	stream.linear.gather [hbm4b:s29+s9], $0x80, $0x38;
	[tilespmem:$0x1EAF8] =	vst v63  }
.LBB2_35:
0x2e2: {  	p2 =	seq.s32 s9, $0x0  }
0x2e3: {  	s3 =	simm.s32 @!p2 $0x6  }
0x2e4: {  	_ =	swait.ge @!p2 [sflag:s3], $0x4000  }
0x2e5: {  	[sflag:s3] =	ssyncset.done @!p2 $0x0  }
0x2e6: {  	[sflag:s3] =	ssyncadd.s32 @!p2 $0xFFFFC000  }
0x2e7: {  	_ =	swait.ge [sflag:s15], $0x80  }
0x2e8: {  	[sflag:s15] =	ssyncset.done $0x0  }
0x2e9: {  	[sflag:s15] =	ssyncadd.s32 $0xFFFFFF80  }
0x2ea: {  	v4 =	vld [tilespmem:$0x2800]  }
0x2eb: {  	v5 =	vld [tilespmem:$0x2810]  }
0x2ec: {  	v6 =	vld [tilespmem:$0x2820]  }
0x2ed: {  	v7 =	vld [tilespmem:$0x2830]  }
0x2ee: {  	v8 =	vld [tilespmem:$0x2840]  }
0x2ef: {  	v9 =	vld [tilespmem:$0x2850];
	v4 =	vadd.s32 v0, v4  }
0x2f0: {  	[tilespmem:$0x2800] =	vst v4;
	v4 =	vadd.s32 v0, v5;
	v5 =	vld [tilespmem:$0x2860]  }
0x2f1: {  	v63 =	vld [tilespmem:$0x2870];
	[tilespmem:$0x2810] =	vst v4;
	v4 =	vadd.s32 v0, v6  }
0x2f2: {  	[tilespmem:$0x2820] =	vst v4;
	v4 =	vadd.s32 v0, v7  }
0x2f3: {  	[tilespmem:$0x2830] =	vst v4;
	v4 =	vadd.s32 v0, v8  }
0x2f4: {  	[tilespmem:$0x2840] =	vst v4;
	v4 =	vadd.s32 v0, v9  }
0x2f5: {  	[tilespmem:$0x2850] =	vst v4;
	v4 =	vadd.s32 v0, v5  }
0x2f6: {  	[tilespmem:$0x2860] =	vst v4;
	v4 =	vadd.s32 v0, v63  }
0x2f7: {  	[tilespmem:$0x2870] =	vst v4  }
0x2f8: {  	[tilespmem:s25], [sflag:$0x2] =	stream.indirect.gather [hbm4b:s5+s31], $0x80, s0, s31, $0xb8;
	[tilespmem:$0x1EAF8] =	vst v63  }
0x2f9: {  	_ =	swait.ge [sflag:s26], $0x4000  }
0x2fa: {  	[sflag:s26] =	ssyncset.done $0x0  }
0x2fb: {  	[sflag:s26] =	ssyncadd.s32 $0xFFFFC000  }
0x2fc: {  	v4 =	vld [tilespmem:s10+$0xFFFFFF80];
	_ =	sdelay $0x4  }
0x2fd: {  	[tilespmem:$0x2880] =	vst v4  }
0x2fe: {  	v4 =	vld [tilespmem:s10+$0xFFFFFF90];
	_ =	sdelay $0x4  }
0x2ff: {  	[tilespmem:$0x2890] =	vst v4  }
0x300: {  	v4 =	vld [tilespmem:s10+$0xFFFFFFA0];
	_ =	sdelay $0x4  }
0x301: {  	[tilespmem:$0x28A0] =	vst v4  }
0x302: {  	v4 =	vld [tilespmem:s10+$0xFFFFFFB0];
	_ =	sdelay $0x4  }
0x303: {  	[tilespmem:$0x28B0] =	vst v4  }
0x304: {  	v4 =	vld [tilespmem:s10+$0xFFFFFFC0];
	_ =	sdelay $0x4  }
0x305: {  	[tilespmem:$0x28C0] =	vst v4  }
0x306: {  	v4 =	vld [tilespmem:s10+$0xFFFFFFD0];
	_ =	sdelay $0x4  }
0x307: {  	[tilespmem:$0x28D0] =	vst v4  }
0x308: {  	v4 =	vld [tilespmem:s10+$0xFFFFFFE0];
	_ =	sdelay $0x4  }
0x309: {  	[tilespmem:$0x28E0] =	vst v4  }
0x30a: {  	v4 =	vld [tilespmem:s10+$0xFFFFFFF0];
	_ =	sdelay $0x3  }
0x30b: {  	p2 =	seq.s32 s9, $0x4C0  }
0x30c: {  	s3 =	simm.s32 @p2 $0x5;
	[tilespmem:$0x28F0] =	vst v4  }
0x30d: {  	[spmem:s1] =	stream.indirect.scatter.add.f32 [tilespmem:s12], [sflag:$0x5], $0x80, s6, s31, $0xb8;
	[tilespmem:$0x1EAF8] =	vst v63  }
0x30e: {  	_ =	swait.ge @p2 [sflag:s3], $0x4000  }
0x30f: {  	[sflag:s3] =	ssyncset.done @p2 $0x0  }
0x310: {  	[sflag:s3] =	ssyncadd.s32 @p2 $0xFFFFC000;
	s3 =	sadd.s32 @!p2 s9, s18  }
0x311: {  	s8 =	simm.s32 @!p2 $0x0;
	s16 =	simm.s32 @!p2 $0x2780;
	s3 =	sadd.s32 @!p2 $0x20, s3  }
0x312: {  	[tilespmem:s16], [sflag:$0x3] =	stream.linear.gather @!p2 [hbm4b:s3+s8], $0x80, $0x38;
	[tilespmem:$0x1EAF8] =	vst v63  }
0x313: {  	s3 =	simm.s32 @!p2 $0x5  }
0x314: {  	_ =	swait.ge @!p2 [sflag:s3], $0x4000  }
0x315: {  	[sflag:s3] =	ssyncset.done @!p2 $0x0  }
0x316: {  	[sflag:s3] =	ssyncadd.s32 @!p2 $0xFFFFC000;
	s3 =	simm.s32 @!p2 $0x3  }
0x317: {  	_ =	swait.ge @!p2 [sflag:s3], $0x80  }
0x318: {  	[sflag:s3] =	ssyncset.done @!p2 $0x0  }
0x319: {  	[sflag:s3] =	ssyncadd.s32 @!p2 $0xFFFFFF80  }
0x31a: {  	v4 =	vld @!p2 [tilespmem:$0x2780]  }
0x31b: {  	v5 =	vld @!p2 [tilespmem:$0x2790]  }
0x31c: {  	v6 =	vld @!p2 [tilespmem:$0x27A0]  }
0x31d: {  	v7 =	vld @!p2 [tilespmem:$0x27B0]  }
0x31e: {  	v8 =	vld @!p2 [tilespmem:$0x27C0]  }
0x31f: {  	v9 =	vld @!p2 [tilespmem:$0x27D0];
	v4 =	vadd.s32 @!p2 v0, v4  }
0x320: {  	[tilespmem:$0x2780] =	vst @!p2 v4;
	v4 =	vadd.s32 @!p2 v0, v5;
	v5 =	vld @!p2 [tilespmem:$0x27E0]  }
0x321: {  	[tilespmem:$0x2790] =	vst @!p2 v4;
	v4 =	vadd.s32 @!p2 v0, v6;
	v6 =	vld @!p2 [tilespmem:$0x27F0]  }
0x322: {  	[tilespmem:$0x27A0] =	vst @!p2 v4;
	v4 =	vadd.s32 @!p2 v0, v7  }
0x323: {  	[tilespmem:$0x27B0] =	vst @!p2 v4;
	v4 =	vadd.s32 @!p2 v0, v8  }
0x324: {  	[tilespmem:$0x27C0] =	vst @!p2 v4;
	v4 =	vadd.s32 @!p2 v0, v9  }
0x325: {  	[tilespmem:$0x27D0] =	vst @!p2 v4;
	v4 =	vadd.s32 @!p2 v0, v5  }
0x326: {  	[tilespmem:$0x27E0] =	vst @!p2 v4;
	v4 =	vadd.s32 @!p2 v0, v6  }
0x327: {  	s8 =	simm.s32 @!p2 $0x2D80;
	s3 =	simm.s32 @!p2 $0x80;
	[tilespmem:$0x27F0] =	vst @!p2 v4  }
0x328: {  	[tilespmem:s8], [sflag:$0x1] =	stream.indirect.gather @!p2 [hbm4b:s5+s3], $0x80, s16, s3, $0xb8;
	[tilespmem:$0x1EAF8] =	vst v63  }
0x329: {  	_ =	swait.ge [sflag:s28], $0x4000  }
0x32a: {  	[sflag:s28] =	ssyncset.done $0x0  }
0x32b: {  	[sflag:s28] =	ssyncadd.s32 $0xFFFFC000  }
0x32c: {  	v4 =	vld [tilespmem:s10+$0x0];
	_ =	sdelay $0x4  }
0x32d: {  	[tilespmem:$0x2900] =	vst v4  }
0x32e: {  	v4 =	vld [tilespmem:s10+$0x10];
	_ =	sdelay $0x4  }
0x32f: {  	[tilespmem:$0x2910] =	vst v4  }
0x330: {  	v4 =	vld [tilespmem:s10+$0x20];
	_ =	sdelay $0x4  }
0x331: {  	[tilespmem:$0x2920] =	vst v4  }
0x332: {  	v4 =	vld [tilespmem:s10+$0x30];
	_ =	sdelay $0x4  }
0x333: {  	[tilespmem:$0x2930] =	vst v4  }
0x334: {  	v4 =	vld [tilespmem:s10+$0x40];
	_ =	sdelay $0x4  }
0x335: {  	[tilespmem:$0x2940] =	vst v4  }
0x336: {  	v4 =	vld [tilespmem:s10+$0x50];
	_ =	sdelay $0x4  }
0x337: {  	[tilespmem:$0x2950] =	vst v4  }
0x338: {  	v4 =	vld [tilespmem:s10+$0x60];
	_ =	sdelay $0x4  }
0x339: {  	[tilespmem:$0x2960] =	vst v4  }
0x33a: {  	v4 =	vld [tilespmem:s10+$0x70];
	_ =	sdelay $0x1  }
.Ltmp19:
0x33b: {  	_ = 	snop;
	(pc) =	sbr.rel @p2 .LBB2_37-.Ltmp19, $3  }
0x33c: {  	_ =	sdelay $0x1  }
0x33d: {  	[tilespmem:$0x2970] =	vst v4  }
0x33e: {  	[spmem:s1] =	stream.indirect.scatter.add.f32 [tilespmem:s25], [sflag:$0x6], $0x80, s17, s31, $0xb8;
	[tilespmem:$0x1EAF8] =	vst v63  }
.Ltmp20:
0x33f: {  	(pc) =	sbr.rel .LBB2_35-.Ltmp20, $4  }
0x340: {  	_ = 	snop  }
0x341: {  	s3 =	sadd.s32 s9, s18  }
0x342: {  	s9 =	sadd.s32 $0x20, s9;
	s10 =	sadd.s32 $0x100, s10;
	s3 =	sadd.s32 $0x30, s3  }
0x343: {  	[tilespmem:s0], [sflag:$0x4] =	stream.linear.gather [hbm4b:s3+s4], $0x80, $0x38;
	[tilespmem:$0x1EAF8] =	vst v63  }
.LBB2_37:
0x344: {  	s3 =	simm.s32 $0x6  }
0x345: {  	_ =	swait.ge [sflag:s3], $0x4000  }
0x346: {  	s29 =	sld [smem:$0x7FD]  }
0x347: {  	[sflag:s3] =	ssyncset.done $0x0  }
0x348: {  	s9 =	simm.s32 $0x0;
	s8 =	simm.s32 $0x2980;
	[sflag:s3] =	ssyncadd.s32 $0xFFFFC000  }
0x349: {  	[tilespmem:s8], [sflag:$0x8] =	stream.linear.gather [hbm4b:s29+s9], $0x10, $0x38;
	[tilespmem:$0x1EAF8] =	vst v63  }
0x34a: {  	_ =	swait.ge [sflag:s11], $0x10  }
0x34b: {  	[sflag:s11] =	ssyncset.done $0x0  }
0x34c: {  	[sflag:s11] =	ssyncadd.s32 $0xFFFFFFF0  }
0x34d: {  	v4 =	vld [tilespmem:$0x2980];
	_ =	sdelay $0x4  }
0x34e: {  	v4 =	vadd.s32 v0, v4  }
0x34f: {  	s10 =	simm.s32 $0x10;
	[tilespmem:$0x2980] =	vst v4  }
0x350: {  	[tilespmem:s12], [sflag:$0x1] =	stream.indirect.gather [hbm4b:s5+s10], $0x80, s8, s10, $0xb8;
	[tilespmem:$0x1EAF8] =	vst v63  }
0x351: {  	v4 =	vld [tilespmem:$0x2700];
	_ =	sdelay $0x4  }
0x352: {  	[tilespmem:$0x2A00] =	vst v4  }
0x353: {  	_ =	swait.ge [sflag:s26], $0x800  }
0x354: {  	[sflag:s26] =	ssyncset.done $0x0  }
0x355: {  	s16 =	simm.s32 $0x2A00;
	[sflag:s26] =	ssyncadd.s32 $0xFFFFF800  }
0x356: {  	[spmem:s1] =	stream.indirect.scatter.add.f32 [tilespmem:s12], [sflag:$0x8], $0x80, s16, s10, $0xb8;
	[tilespmem:$0x1EAF8] =	vst v63  }
0x357: {  	_ =	swait.ge [sflag:s11], $0x800  }
0x358: {  	[sflag:s11] =	ssyncset.done $0x0  }
0x359: {  	[sflag:s11] =	ssyncadd.s32 $0xFFFFF800  }
0x35a: {  	[bflag:$0x0] =	sbarrier.arrive $0xFFFF  }
0x35b: {  	s29 =	rddreg [dreg:$0x7]  }
0x35c: {  	[tilespmem:s12], [sflag:$0x8] =	stream.linear.gather [spmem:s29], $0x4000, $0x38;
	[tilespmem:$0x1EAF8] =	vst v63  }
0x35d: {  	_ =	swait.ge [sflag:s11], $0x4000  }
0x35e: {  	[sflag:s11] =	ssyncset.done $0x0  }
0x35f: {  	s10 =	simm.s32 $0x2DC0;
	s16 =	simm.s32 $0x0;
	[sflag:s11] =	ssyncadd.s32 $0xFFFFC000  }
.LBB2_38:
0x360: {  	s3 =	sshll.u32 s16, $0x4  }
0x361: {  	v4 =	vld [tilespmem:s3+$0xAD80];
	_ =	sdelay $0x2  }
0x362: {  	v5 =	vmov s9  }
0x363: {  	vm0 =	veq.s32 v5, v3  }
0x364: {  	v5 =	vnsel vm0, $0x0, v4  }
0x365: {  	(xrf2) =	vadd.scan.msk.f32 $0xffff, v5;
	_ =	sdelay $0x7  }
0x366: {  	s8 =	simm.s32 $0x1  }
0x367: {  	v6 =	vld [tilespmem:s10+$0xFFFFFFC0];
	v5 =	vmov s8  }
0x368: {  	vm14 =	veq.s32 v5, v3;
	v7, _, _ =	vpop (xrf2)  }
0x369: {  	v8 =	vld [tilespmem:s10+$0xFFFFFFD0];
	v5 =	vbroadcast v7, $0xF;
	v7 =	vnsel vm14, $0x0, v4  }
0x36a: {  	v11 =	vld [tilespmem:s10+$0xFFFFFFE0];
	(xrf2) =	vadd.scan.msk.f32 $0xffff, v7;
	_ =	sdelay $0x1  }
0x36b: {  	v12 =	vld [tilespmem:s10+$0x0];
	v6 =	vmul.f32 v6, v5  }
0x36c: {  	v13 =	vld [tilespmem:s10+$0x10]  }
0x36d: {  	v14 =	vld [tilespmem:s10+$0x20];
	[tilespmem:s10+$0xFFFFFFC0] =	vst v6;
	v6 =	vmul.f32 v8, v5  }
0x36e: {  	v9 =	vld [tilespmem:s10+$0xFFFFFFF0];
	s3 =	sadd.s32 $0x80, s10;
	v8 =	vmul.f32 v11, v5  }
0x36f: {  	s8 =	simm.s32 $0x2;
	v10 =	vld [tilespmem:s3+$0xFFFFFFC0];
	[tilespmem:s10+$0xFFFFFFD0] =	vst v6  }
0x370: {  	v11 =	vmul.f32 v12, v5;
	v7 =	vld [tilespmem:s3+$0xFFFFFFD0];
	[tilespmem:s10+$0xFFFFFFE0] =	vst v8;
	v8 =	vmov s8  }
0x371: {  	v15 =	vld [tilespmem:s10+$0x30];
	vm15 =	veq.s32 v8, v3  }
0x372: {  	v6 =	vld [tilespmem:s3+$0xFFFFFFE0];
	[tilespmem:s10+$0x0] =	vst v11;
	v11 =	vnsel vm15, $0x0, v4  }
0x373: {  	v16, _, _ =	vpop (xrf2);
	(xrf2) =	vadd.scan.msk.f32 $0xffff, v11  }
0x374: {  	v12 =	vmul.f32 v13, v5  }
0x375: {  	v13 =	vmul.f32 v14, v5  }
0x376: {  	s29 =	simm.s32 $0x3;
	s8 =	smov.u32 s10;
	v8 =	vld [tilespmem:s3+$0x0];
	[tilespmem:s10+$0x10] =	vst v12;
	v12 =	vmul.f32 v15, v5;
	v11 =	vbroadcast v16, $0xF  }
.LBB2_39:
0x377: {  	p2 =	sne.s32 s29, $0xF;
	v14 =	vld [tilespmem:s3+$0x10];
	v9 =	vmul.f32 v9, v5;
	[tilespmem:s8+$0x20] =	vst v13  }
0x378: {  	v13 =	vmov s29;
	v10 =	vmul.f32 v10, v11;
	v15 =	vld [tilespmem:s3+$0x20];
	[tilespmem:s8+$0x30] =	vst v12;
	v5 =	vmov v11  }
0x379: {  	vm0 =	veq.s32 v13, v3;
	v7 =	vmul.f32 v7, v5;
	v12 =	vld [tilespmem:s3+$0x30];
	[tilespmem:s8+$0xFFFFFFF0] =	vst v9;
	s8 =	smov.u32 s3  }
.Ltmp21:
0x37a: {  	v11 =	vnsel vm0, $0x0, v4;
	s3 =	sadd.s32 $0x80, s3;
	[tilespmem:s8+$0xFFFFFFC0] =	vst v10;
	v6 =	vmul.f32 v6, v5;
	v9 =	vld [tilespmem:s8+$0xFFFFFFF0];
	(pc) =	sbr.rel @p2 .LBB2_39-.Ltmp21, $4  }
0x37b: {  	(xrf2) =	vadd.scan.msk.f32 $0xffff, v11;
	v10 =	vld [tilespmem:s3+$0xFFFFFFC0];
	[tilespmem:s8+$0xFFFFFFD0] =	vst v7;
	v8 =	vmul.f32 v8, v5  }
0x37c: {  	v7 =	vld [tilespmem:s3+$0xFFFFFFD0];
	[tilespmem:s8+$0xFFFFFFE0] =	vst v6;
	v14 =	vmul.f32 v14, v5  }
0x37d: {  	v6 =	vld [tilespmem:s3+$0xFFFFFFE0];
	v11, _, _ =	vpop (xrf2);
	[tilespmem:s8+$0x0] =	vst v8;
	v13 =	vmul.f32 v15, v5  }
0x37e: {  	s29 =	sadd.s32 $0x1, s29;
	v11 =	vbroadcast v11, $0xF;
	v8 =	vld [tilespmem:s3+$0x0];
	[tilespmem:s8+$0x10] =	vst v14;
	v12 =	vmul.f32 v12, v5  }
0x37f: {  	v4 =	vld [tilespmem:s3+$0x10];
	_ =	sdelay $0x1  }
0x380: {  	v5 =	vmul.f32 v9, v5;
	[tilespmem:s8+$0x20] =	vst v13  }
0x381: {  	v58 =	vmul.f32 v10, v11;
	v59 =	vld [tilespmem:s3+$0x20];
	[tilespmem:s8+$0x30] =	vst v12  }
0x382: {  	[tilespmem:s8+$0xFFFFFFF0] =	vst v5;
	v5 =	vmul.f32 v7, v11;
	v12 =	vld [tilespmem:s3+$0x30]  }
0x383: {  	s29 =	sadd.s32 $0x80, s3;
	[tilespmem:s3+$0xFFFFFFC0] =	vst v58;
	v60 =	vld [tilespmem:s3+$0xFFFFFFF0];
	v6 =	vmul.f32 v6, v11;
	v4 =	vmul.f32 v4, v11  }
0x384: {  	v9 =	vld [tilespmem:s29+$0xFFFFFFC0];
	[tilespmem:s3+$0xFFFFFFD0] =	vst v5;
	v8 =	vmul.f32 v8, v11  }
0x385: {  	v5 =	vld [tilespmem:s29+$0xFFFFFFD0];
	[tilespmem:s3+$0xFFFFFFE0] =	vst v6  }
0x386: {  	v6 =	vld [tilespmem:s29+$0xFFFFFFE0];
	[tilespmem:s3+$0x0] =	vst v8;
	v10 =	vmul.f32 v59, v11  }
0x387: {  	v8 =	vld [tilespmem:s29+$0x0];
	[tilespmem:s3+$0x10] =	vst v4;
	v12 =	vmul.f32 v12, v11;
	v4, _, _ =	vpop (xrf2)  }
0x388: {  	v13 =	vld [tilespmem:s29+$0x10];
	[tilespmem:s3+$0x20] =	vst v10;
	v4 =	vbroadcast v4, $0xF  }
0x389: {  	v7 =	vmul.f32 v60, v11;
	v10 =	vld [tilespmem:s29+$0x20];
	[tilespmem:s3+$0x30] =	vst v12  }
0x38a: {  	v61 =	vld [tilespmem:s29+$0x30];
	v9 =	vmul.f32 v9, v4  }
0x38b: {  	[tilespmem:s3+$0xFFFFFFF0] =	vst v7;
	v5 =	vmul.f32 v5, v4  }
0x38c: {  	v7 =	vld [tilespmem:s29+$0xFFFFFFF0];
	v6 =	vmul.f32 v6, v4;
	[tilespmem:s29+$0xFFFFFFC0] =	vst v9  }
0x38d: {  	s16 =	sadd.s32 $0x1, s16;
	v62 =	vmul.f32 v13, v4;
	[tilespmem:s29+$0xFFFFFFD0] =	vst v5  }
0x38e: {  	p2 =	sne.s32 s16, $0x8;
	v5 =	vmul.f32 v8, v4;
	[tilespmem:s29+$0xFFFFFFE0] =	vst v6  }
.Ltmp22:
0x38f: {  	[tilespmem:s29+$0x10] =	vst v62;
	v63 =	vmul.f32 v61, v4;
	(pc) =	sbr.rel @p2 .LBB2_38-.Ltmp22, $4  }
0x390: {  	[tilespmem:s29+$0x0] =	vst v5;
	v5 =	vmul.f32 v10, v4  }
0x391: {  	v4 =	vmul.f32 v7, v4;
	[tilespmem:s29+$0x30] =	vst v63  }
0x392: {  	[tilespmem:s29+$0x20] =	vst v5  }
0x393: {  	s10 =	sadd.s32 $0x800, s10;
	[tilespmem:s29+$0xFFFFFFF0] =	vst v4  }
0x394: {  	s3 =	rddreg [dreg:$0xa];
	s8 =	simm.s32 $0x400  }
0x395: {  	[hbm4b:s3+s8] =	stream.strided.scatter [tilespmem:s12], [sflag:$0x1], $0x4000, s30, s8, $0x38;
	[tilespmem:$0x1EAF8] =	vst v63  }
0x396: {  	s29 =	rddreg [dreg:$0x8]  }
0x397: {  	[tilespmem:s25], [sflag:$0x8] =	stream.linear.gather [spmem:s29], $0x4000, $0x38;
	[tilespmem:$0x1EAF8] =	vst v63  }
0x398: {  	_ =	swait.ge [sflag:s11], $0x4000  }
0x399: {  	s9 =	simm.s32 $0x0;
	[sflag:s11] =	ssyncset.done $0x0  }
0x39a: {  	s10 =	simm.s32 $0x6DC0;
	s16 =	simm.s32 $0x0;
	[sflag:s11] =	ssyncadd.s32 $0xFFFFC000  }
.LBB2_42:
0x39b: {  	s3 =	sshll.u32 s16, $0x4  }
0x39c: {  	v4 =	vld [tilespmem:s3+$0xAE00];
	_ =	sdelay $0x2  }
0x39d: {  	v5 =	vmov s9  }
0x39e: {  	vm0 =	veq.s32 v5, v3  }
0x39f: {  	v5 =	vnsel vm0, $0x0, v4  }
0x3a0: {  	(xrf2) =	vadd.scan.msk.f32 $0xffff, v5;
	_ =	sdelay $0x7  }
0x3a1: {  	s8 =	simm.s32 $0x1  }
0x3a2: {  	v6 =	vld [tilespmem:s10+$0xFFFFFFC0];
	v5 =	vmov s8  }
0x3a3: {  	vm14 =	veq.s32 v5, v3;
	v7, _, _ =	vpop (xrf2)  }
0x3a4: {  	v8 =	vld [tilespmem:s10+$0xFFFFFFD0];
	v5 =	vbroadcast v7, $0xF;
	v7 =	vnsel vm14, $0x0, v4  }
0x3a5: {  	v11 =	vld [tilespmem:s10+$0xFFFFFFE0];
	(xrf2) =	vadd.scan.msk.f32 $0xffff, v7;
	_ =	sdelay $0x1  }
0x3a6: {  	v12 =	vld [tilespmem:s10+$0x0];
	v6 =	vmul.f32 v6, v5  }
0x3a7: {  	v13 =	vld [tilespmem:s10+$0x10]  }
0x3a8: {  	v14 =	vld [tilespmem:s10+$0x20];
	[tilespmem:s10+$0xFFFFFFC0] =	vst v6;
	v6 =	vmul.f32 v8, v5  }
0x3a9: {  	v9 =	vld [tilespmem:s10+$0xFFFFFFF0];
	s3 =	sadd.s32 $0x80, s10;
	v8 =	vmul.f32 v11, v5  }
0x3aa: {  	s8 =	simm.s32 $0x2;
	v10 =	vld [tilespmem:s3+$0xFFFFFFC0];
	[tilespmem:s10+$0xFFFFFFD0] =	vst v6  }
0x3ab: {  	v11 =	vmul.f32 v12, v5;
	v7 =	vld [tilespmem:s3+$0xFFFFFFD0];
	[tilespmem:s10+$0xFFFFFFE0] =	vst v8;
	v8 =	vmov s8  }
0x3ac: {  	v15 =	vld [tilespmem:s10+$0x30];
	vm15 =	veq.s32 v8, v3  }
0x3ad: {  	v6 =	vld [tilespmem:s3+$0xFFFFFFE0];
	[tilespmem:s10+$0x0] =	vst v11;
	v11 =	vnsel vm15, $0x0, v4  }
0x3ae: {  	v16, _, _ =	vpop (xrf2);
	(xrf2) =	vadd.scan.msk.f32 $0xffff, v11  }
0x3af: {  	v12 =	vmul.f32 v13, v5  }
0x3b0: {  	v13 =	vmul.f32 v14, v5  }
0x3b1: {  	s29 =	simm.s32 $0x3;
	s8 =	smov.u32 s10;
	v8 =	vld [tilespmem:s3+$0x0];
	[tilespmem:s10+$0x10] =	vst v12;
	v12 =	vmul.f32 v15, v5;
	v11 =	vbroadcast v16, $0xF  }
.LBB2_43:
0x3b2: {  	p2 =	sne.s32 s29, $0xF;
	v14 =	vld [tilespmem:s3+$0x10];
	v9 =	vmul.f32 v9, v5;
	[tilespmem:s8+$0x20] =	vst v13  }
0x3b3: {  	v13 =	vmov s29;
	v10 =	vmul.f32 v10, v11;
	v15 =	vld [tilespmem:s3+$0x20];
	[tilespmem:s8+$0x30] =	vst v12;
	v5 =	vmov v11  }
0x3b4: {  	vm0 =	veq.s32 v13, v3;
	v7 =	vmul.f32 v7, v5;
	v12 =	vld [tilespmem:s3+$0x30];
	[tilespmem:s8+$0xFFFFFFF0] =	vst v9;
	s8 =	smov.u32 s3  }
.Ltmp23:
0x3b5: {  	v11 =	vnsel vm0, $0x0, v4;
	s3 =	sadd.s32 $0x80, s3;
	[tilespmem:s8+$0xFFFFFFC0] =	vst v10;
	v6 =	vmul.f32 v6, v5;
	v9 =	vld [tilespmem:s8+$0xFFFFFFF0];
	(pc) =	sbr.rel @p2 .LBB2_43-.Ltmp23, $4  }
0x3b6: {  	(xrf2) =	vadd.scan.msk.f32 $0xffff, v11;
	v10 =	vld [tilespmem:s3+$0xFFFFFFC0];
	[tilespmem:s8+$0xFFFFFFD0] =	vst v7;
	v8 =	vmul.f32 v8, v5  }
0x3b7: {  	v7 =	vld [tilespmem:s3+$0xFFFFFFD0];
	[tilespmem:s8+$0xFFFFFFE0] =	vst v6;
	v14 =	vmul.f32 v14, v5  }
0x3b8: {  	v6 =	vld [tilespmem:s3+$0xFFFFFFE0];
	v11, _, _ =	vpop (xrf2);
	[tilespmem:s8+$0x0] =	vst v8;
	v13 =	vmul.f32 v15, v5  }
0x3b9: {  	s29 =	sadd.s32 $0x1, s29;
	v11 =	vbroadcast v11, $0xF;
	v8 =	vld [tilespmem:s3+$0x0];
	[tilespmem:s8+$0x10] =	vst v14;
	v12 =	vmul.f32 v12, v5  }
0x3ba: {  	v4 =	vld [tilespmem:s3+$0x10];
	_ =	sdelay $0x1  }
0x3bb: {  	v5 =	vmul.f32 v9, v5;
	[tilespmem:s8+$0x20] =	vst v13  }
0x3bc: {  	v58 =	vmul.f32 v10, v11;
	v59 =	vld [tilespmem:s3+$0x20];
	[tilespmem:s8+$0x30] =	vst v12  }
0x3bd: {  	[tilespmem:s8+$0xFFFFFFF0] =	vst v5;
	v5 =	vmul.f32 v7, v11;
	v12 =	vld [tilespmem:s3+$0x30]  }
0x3be: {  	s29 =	sadd.s32 $0x80, s3;
	[tilespmem:s3+$0xFFFFFFC0] =	vst v58;
	v60 =	vld [tilespmem:s3+$0xFFFFFFF0];
	v6 =	vmul.f32 v6, v11;
	v4 =	vmul.f32 v4, v11  }
0x3bf: {  	v9 =	vld [tilespmem:s29+$0xFFFFFFC0];
	[tilespmem:s3+$0xFFFFFFD0] =	vst v5;
	v8 =	vmul.f32 v8, v11  }
0x3c0: {  	v5 =	vld [tilespmem:s29+$0xFFFFFFD0];
	[tilespmem:s3+$0xFFFFFFE0] =	vst v6  }
0x3c1: {  	v6 =	vld [tilespmem:s29+$0xFFFFFFE0];
	[tilespmem:s3+$0x0] =	vst v8;
	v10 =	vmul.f32 v59, v11  }
0x3c2: {  	v8 =	vld [tilespmem:s29+$0x0];
	[tilespmem:s3+$0x10] =	vst v4;
	v12 =	vmul.f32 v12, v11;
	v4, _, _ =	vpop (xrf2)  }
0x3c3: {  	v13 =	vld [tilespmem:s29+$0x10];
	[tilespmem:s3+$0x20] =	vst v10;
	v4 =	vbroadcast v4, $0xF  }
0x3c4: {  	v7 =	vmul.f32 v60, v11;
	v10 =	vld [tilespmem:s29+$0x20];
	[tilespmem:s3+$0x30] =	vst v12  }
0x3c5: {  	v61 =	vld [tilespmem:s29+$0x30];
	v9 =	vmul.f32 v9, v4  }
0x3c6: {  	[tilespmem:s3+$0xFFFFFFF0] =	vst v7;
	v5 =	vmul.f32 v5, v4  }
0x3c7: {  	v7 =	vld [tilespmem:s29+$0xFFFFFFF0];
	v6 =	vmul.f32 v6, v4;
	[tilespmem:s29+$0xFFFFFFC0] =	vst v9  }
0x3c8: {  	s16 =	sadd.s32 $0x1, s16;
	v62 =	vmul.f32 v13, v4;
	[tilespmem:s29+$0xFFFFFFD0] =	vst v5  }
0x3c9: {  	p2 =	sne.s32 s16, $0x8;
	v5 =	vmul.f32 v8, v4;
	[tilespmem:s29+$0xFFFFFFE0] =	vst v6  }
.Ltmp24:
0x3ca: {  	[tilespmem:s29+$0x10] =	vst v62;
	v63 =	vmul.f32 v61, v4;
	(pc) =	sbr.rel @p2 .LBB2_42-.Ltmp24, $4  }
0x3cb: {  	[tilespmem:s29+$0x0] =	vst v5;
	v5 =	vmul.f32 v10, v4  }
0x3cc: {  	v4 =	vmul.f32 v7, v4;
	[tilespmem:s29+$0x30] =	vst v63  }
0x3cd: {  	[tilespmem:s29+$0x20] =	vst v5  }
0x3ce: {  	s10 =	sadd.s32 $0x800, s10;
	[tilespmem:s29+$0xFFFFFFF0] =	vst v4  }
0x3cf: {  	s3 =	rddreg [dreg:$0xb];
	s8 =	simm.s32 $0x400  }
0x3d0: {  	[hbm4b:s3+s8] =	stream.strided.scatter [tilespmem:s25], [sflag:$0x2], $0x4000, s30, s8, $0x38;
	[tilespmem:$0x1EAF8] =	vst v63  }
0x3d1: {  	_ =	swait.ge [sflag:s26], $0x4000  }
0x3d2: {  	[sflag:s26] =	ssyncset.done $0x0  }
0x3d3: {  	s29 =	rddreg [dreg:$0x9];
	[sflag:s26] =	ssyncadd.s32 $0xFFFFC000  }
0x3d4: {  	[tilespmem:s12], [sflag:$0x8] =	stream.linear.gather [spmem:s29], $0x4000, $0x38;
	[tilespmem:$0x1EAF8] =	vst v63  }
0x3d5: {  	_ =	swait.ge [sflag:s11], $0x4000  }
0x3d6: {  	s9 =	simm.s32 $0x0;
	[sflag:s11] =	ssyncset.done $0x0  }
0x3d7: {  	s10 =	simm.s32 $0x2DC0;
	s16 =	simm.s32 $0x0;
	[sflag:s11] =	ssyncadd.s32 $0xFFFFC000  }
.LBB2_46:
0x3d8: {  	s3 =	sshll.u32 s16, $0x4  }
0x3d9: {  	v4 =	vld [tilespmem:s3+$0xAE80];
	_ =	sdelay $0x2  }
0x3da: {  	v5 =	vmov s9  }
0x3db: {  	vm0 =	veq.s32 v5, v3  }
0x3dc: {  	v5 =	vnsel vm0, $0x0, v4  }
0x3dd: {  	(xrf2) =	vadd.scan.msk.f32 $0xffff, v5;
	_ =	sdelay $0x7  }
0x3de: {  	s8 =	simm.s32 $0x1  }
0x3df: {  	v6 =	vld [tilespmem:s10+$0xFFFFFFC0];
	v5 =	vmov s8  }
0x3e0: {  	vm14 =	veq.s32 v5, v3;
	v7, _, _ =	vpop (xrf2)  }
0x3e1: {  	v8 =	vld [tilespmem:s10+$0xFFFFFFD0];
	v5 =	vbroadcast v7, $0xF;
	v7 =	vnsel vm14, $0x0, v4  }
0x3e2: {  	v11 =	vld [tilespmem:s10+$0xFFFFFFE0];
	(xrf2) =	vadd.scan.msk.f32 $0xffff, v7;
	_ =	sdelay $0x1  }
0x3e3: {  	v12 =	vld [tilespmem:s10+$0x0];
	v6 =	vmul.f32 v6, v5  }
0x3e4: {  	v13 =	vld [tilespmem:s10+$0x10]  }
0x3e5: {  	v14 =	vld [tilespmem:s10+$0x20];
	[tilespmem:s10+$0xFFFFFFC0] =	vst v6;
	v6 =	vmul.f32 v8, v5  }
0x3e6: {  	v9 =	vld [tilespmem:s10+$0xFFFFFFF0];
	s3 =	sadd.s32 $0x80, s10;
	v8 =	vmul.f32 v11, v5  }
0x3e7: {  	s8 =	simm.s32 $0x2;
	v10 =	vld [tilespmem:s3+$0xFFFFFFC0];
	[tilespmem:s10+$0xFFFFFFD0] =	vst v6  }
0x3e8: {  	v11 =	vmul.f32 v12, v5;
	v7 =	vld [tilespmem:s3+$0xFFFFFFD0];
	[tilespmem:s10+$0xFFFFFFE0] =	vst v8;
	v8 =	vmov s8  }
0x3e9: {  	v15 =	vld [tilespmem:s10+$0x30];
	vm15 =	veq.s32 v8, v3  }
0x3ea: {  	v6 =	vld [tilespmem:s3+$0xFFFFFFE0];
	[tilespmem:s10+$0x0] =	vst v11;
	v11 =	vnsel vm15, $0x0, v4  }
0x3eb: {  	v16, _, _ =	vpop (xrf2);
	(xrf2) =	vadd.scan.msk.f32 $0xffff, v11  }
0x3ec: {  	v12 =	vmul.f32 v13, v5  }
0x3ed: {  	v13 =	vmul.f32 v14, v5  }
0x3ee: {  	s29 =	simm.s32 $0x3;
	s8 =	smov.u32 s10;
	v8 =	vld [tilespmem:s3+$0x0];
	[tilespmem:s10+$0x10] =	vst v12;
	v12 =	vmul.f32 v15, v5;
	v11 =	vbroadcast v16, $0xF  }
.LBB2_47:
0x3ef: {  	p2 =	sne.s32 s29, $0xF;
	v14 =	vld [tilespmem:s3+$0x10];
	v9 =	vmul.f32 v9, v5;
	[tilespmem:s8+$0x20] =	vst v13  }
0x3f0: {  	v13 =	vmov s29;
	v10 =	vmul.f32 v10, v11;
	v15 =	vld [tilespmem:s3+$0x20];
	[tilespmem:s8+$0x30] =	vst v12;
	v5 =	vmov v11  }
0x3f1: {  	vm0 =	veq.s32 v13, v3;
	v7 =	vmul.f32 v7, v5;
	v12 =	vld [tilespmem:s3+$0x30];
	[tilespmem:s8+$0xFFFFFFF0] =	vst v9;
	s8 =	smov.u32 s3  }
.Ltmp25:
0x3f2: {  	v11 =	vnsel vm0, $0x0, v4;
	s3 =	sadd.s32 $0x80, s3;
	[tilespmem:s8+$0xFFFFFFC0] =	vst v10;
	v6 =	vmul.f32 v6, v5;
	v9 =	vld [tilespmem:s8+$0xFFFFFFF0];
	(pc) =	sbr.rel @p2 .LBB2_47-.Ltmp25, $4  }
0x3f3: {  	(xrf2) =	vadd.scan.msk.f32 $0xffff, v11;
	v10 =	vld [tilespmem:s3+$0xFFFFFFC0];
	[tilespmem:s8+$0xFFFFFFD0] =	vst v7;
	v8 =	vmul.f32 v8, v5  }
0x3f4: {  	v7 =	vld [tilespmem:s3+$0xFFFFFFD0];
	[tilespmem:s8+$0xFFFFFFE0] =	vst v6;
	v14 =	vmul.f32 v14, v5  }
0x3f5: {  	v6 =	vld [tilespmem:s3+$0xFFFFFFE0];
	v11, _, _ =	vpop (xrf2);
	[tilespmem:s8+$0x0] =	vst v8;
	v13 =	vmul.f32 v15, v5  }
0x3f6: {  	s29 =	sadd.s32 $0x1, s29;
	v11 =	vbroadcast v11, $0xF;
	v8 =	vld [tilespmem:s3+$0x0];
	[tilespmem:s8+$0x10] =	vst v14;
	v12 =	vmul.f32 v12, v5  }
0x3f7: {  	v4 =	vld [tilespmem:s3+$0x10];
	_ =	sdelay $0x1  }
0x3f8: {  	v5 =	vmul.f32 v9, v5;
	[tilespmem:s8+$0x20] =	vst v13  }
0x3f9: {  	v58 =	vmul.f32 v10, v11;
	v59 =	vld [tilespmem:s3+$0x20];
	[tilespmem:s8+$0x30] =	vst v12  }
0x3fa: {  	[tilespmem:s8+$0xFFFFFFF0] =	vst v5;
	v5 =	vmul.f32 v7, v11;
	v12 =	vld [tilespmem:s3+$0x30]  }
0x3fb: {  	s29 =	sadd.s32 $0x80, s3;
	[tilespmem:s3+$0xFFFFFFC0] =	vst v58;
	v60 =	vld [tilespmem:s3+$0xFFFFFFF0];
	v6 =	vmul.f32 v6, v11;
	v4 =	vmul.f32 v4, v11  }
0x3fc: {  	v9 =	vld [tilespmem:s29+$0xFFFFFFC0];
	[tilespmem:s3+$0xFFFFFFD0] =	vst v5;
	v8 =	vmul.f32 v8, v11  }
0x3fd: {  	v5 =	vld [tilespmem:s29+$0xFFFFFFD0];
	[tilespmem:s3+$0xFFFFFFE0] =	vst v6  }
0x3fe: {  	v6 =	vld [tilespmem:s29+$0xFFFFFFE0];
	[tilespmem:s3+$0x0] =	vst v8;
	v10 =	vmul.f32 v59, v11  }
0x3ff: {  	v8 =	vld [tilespmem:s29+$0x0];
	[tilespmem:s3+$0x10] =	vst v4;
	v12 =	vmul.f32 v12, v11;
	v4, _, _ =	vpop (xrf2)  }
0x400: {  	v13 =	vld [tilespmem:s29+$0x10];
	[tilespmem:s3+$0x20] =	vst v10;
	v4 =	vbroadcast v4, $0xF  }
0x401: {  	v7 =	vmul.f32 v60, v11;
	v10 =	vld [tilespmem:s29+$0x20];
	[tilespmem:s3+$0x30] =	vst v12  }
0x402: {  	v61 =	vld [tilespmem:s29+$0x30];
	v9 =	vmul.f32 v9, v4  }
0x403: {  	[tilespmem:s3+$0xFFFFFFF0] =	vst v7;
	v5 =	vmul.f32 v5, v4  }
0x404: {  	v7 =	vld [tilespmem:s29+$0xFFFFFFF0];
	v6 =	vmul.f32 v6, v4;
	[tilespmem:s29+$0xFFFFFFC0] =	vst v9  }
0x405: {  	s16 =	sadd.s32 $0x1, s16;
	v62 =	vmul.f32 v13, v4;
	[tilespmem:s29+$0xFFFFFFD0] =	vst v5  }
0x406: {  	p2 =	sne.s32 s16, $0x8;
	v5 =	vmul.f32 v8, v4;
	[tilespmem:s29+$0xFFFFFFE0] =	vst v6  }
.Ltmp26:
0x407: {  	[tilespmem:s29+$0x10] =	vst v62;
	v63 =	vmul.f32 v61, v4;
	(pc) =	sbr.rel @p2 .LBB2_46-.Ltmp26, $4  }
0x408: {  	[tilespmem:s29+$0x0] =	vst v5;
	v5 =	vmul.f32 v10, v4  }
0x409: {  	v4 =	vmul.f32 v7, v4;
	[tilespmem:s29+$0x30] =	vst v63  }
0x40a: {  	[tilespmem:s29+$0x20] =	vst v5  }
0x40b: {  	s10 =	sadd.s32 $0x800, s10;
	[tilespmem:s29+$0xFFFFFFF0] =	vst v4  }
0x40c: {  	s3 =	rddreg [dreg:$0xc];
	s8 =	simm.s32 $0x400  }
0x40d: {  	[hbm4b:s3+s8] =	stream.strided.scatter [tilespmem:s12], [sflag:$0x1], $0x4000, s30, s8, $0x38;
	[tilespmem:$0x1EAF8] =	vst v63  }
0x40e: {  	_ =	swait.ge [sflag:s28], $0x4000  }
0x40f: {  	[sflag:s28] =	ssyncset.done $0x0  }
0x410: {  	s29 =	rddreg [dreg:$0xf];
	[sflag:s28] =	ssyncadd.s32 $0xFFFFC000  }
0x411: {  	[tilespmem:s25], [sflag:$0x8] =	stream.linear.gather [spmem:s29], $0x4000, $0x38;
	[tilespmem:$0x1EAF8] =	vst v63  }
0x412: {  	_ =	swait.ge [sflag:s11], $0x4000  }
0x413: {  	s9 =	simm.s32 $0x0;
	[sflag:s11] =	ssyncset.done $0x0  }
0x414: {  	s10 =	simm.s32 $0x6DC0;
	s16 =	simm.s32 $0x0;
	[sflag:s11] =	ssyncadd.s32 $0xFFFFC000  }
.LBB2_50:
0x415: {  	s3 =	sshll.u32 s16, $0x4  }
0x416: {  	v4 =	vld [tilespmem:s3+$0xAF00];
	_ =	sdelay $0x2  }
0x417: {  	v5 =	vmov s9  }
0x418: {  	vm0 =	veq.s32 v5, v3  }
0x419: {  	v5 =	vnsel vm0, $0x0, v4  }
0x41a: {  	(xrf2) =	vadd.scan.msk.f32 $0xffff, v5;
	_ =	sdelay $0x7  }
0x41b: {  	s8 =	simm.s32 $0x1  }
0x41c: {  	v6 =	vld [tilespmem:s10+$0xFFFFFFC0];
	v5 =	vmov s8  }
0x41d: {  	vm14 =	veq.s32 v5, v3;
	v7, _, _ =	vpop (xrf2)  }
0x41e: {  	v8 =	vld [tilespmem:s10+$0xFFFFFFD0];
	v5 =	vbroadcast v7, $0xF;
	v7 =	vnsel vm14, $0x0, v4  }
0x41f: {  	v11 =	vld [tilespmem:s10+$0xFFFFFFE0];
	(xrf2) =	vadd.scan.msk.f32 $0xffff, v7;
	_ =	sdelay $0x1  }
0x420: {  	v12 =	vld [tilespmem:s10+$0x0];
	v6 =	vmul.f32 v6, v5  }
0x421: {  	v13 =	vld [tilespmem:s10+$0x10]  }
0x422: {  	v14 =	vld [tilespmem:s10+$0x20];
	[tilespmem:s10+$0xFFFFFFC0] =	vst v6;
	v6 =	vmul.f32 v8, v5  }
0x423: {  	v9 =	vld [tilespmem:s10+$0xFFFFFFF0];
	s3 =	sadd.s32 $0x80, s10;
	v8 =	vmul.f32 v11, v5  }
0x424: {  	s8 =	simm.s32 $0x2;
	v10 =	vld [tilespmem:s3+$0xFFFFFFC0];
	[tilespmem:s10+$0xFFFFFFD0] =	vst v6  }
0x425: {  	v11 =	vmul.f32 v12, v5;
	v7 =	vld [tilespmem:s3+$0xFFFFFFD0];
	[tilespmem:s10+$0xFFFFFFE0] =	vst v8;
	v8 =	vmov s8  }
0x426: {  	v15 =	vld [tilespmem:s10+$0x30];
	vm15 =	veq.s32 v8, v3  }
0x427: {  	v6 =	vld [tilespmem:s3+$0xFFFFFFE0];
	[tilespmem:s10+$0x0] =	vst v11;
	v11 =	vnsel vm15, $0x0, v4  }
0x428: {  	v16, _, _ =	vpop (xrf2);
	(xrf2) =	vadd.scan.msk.f32 $0xffff, v11  }
0x429: {  	v12 =	vmul.f32 v13, v5  }
0x42a: {  	v13 =	vmul.f32 v14, v5  }
0x42b: {  	s29 =	simm.s32 $0x3;
	s8 =	smov.u32 s10;
	v8 =	vld [tilespmem:s3+$0x0];
	[tilespmem:s10+$0x10] =	vst v12;
	v12 =	vmul.f32 v15, v5;
	v11 =	vbroadcast v16, $0xF  }
.LBB2_51:
0x42c: {  	p2 =	sne.s32 s29, $0xF;
	v14 =	vld [tilespmem:s3+$0x10];
	v9 =	vmul.f32 v9, v5;
	[tilespmem:s8+$0x20] =	vst v13  }
0x42d: {  	v13 =	vmov s29;
	v10 =	vmul.f32 v10, v11;
	v15 =	vld [tilespmem:s3+$0x20];
	[tilespmem:s8+$0x30] =	vst v12;
	v5 =	vmov v11  }
0x42e: {  	vm0 =	veq.s32 v13, v3;
	v7 =	vmul.f32 v7, v5;
	v12 =	vld [tilespmem:s3+$0x30];
	[tilespmem:s8+$0xFFFFFFF0] =	vst v9;
	s8 =	smov.u32 s3  }
.Ltmp27:
0x42f: {  	v11 =	vnsel vm0, $0x0, v4;
	s3 =	sadd.s32 $0x80, s3;
	[tilespmem:s8+$0xFFFFFFC0] =	vst v10;
	v6 =	vmul.f32 v6, v5;
	v9 =	vld [tilespmem:s8+$0xFFFFFFF0];
	(pc) =	sbr.rel @p2 .LBB2_51-.Ltmp27, $4  }
0x430: {  	(xrf2) =	vadd.scan.msk.f32 $0xffff, v11;
	v10 =	vld [tilespmem:s3+$0xFFFFFFC0];
	[tilespmem:s8+$0xFFFFFFD0] =	vst v7;
	v8 =	vmul.f32 v8, v5  }
0x431: {  	v7 =	vld [tilespmem:s3+$0xFFFFFFD0];
	[tilespmem:s8+$0xFFFFFFE0] =	vst v6;
	v14 =	vmul.f32 v14, v5  }
0x432: {  	v6 =	vld [tilespmem:s3+$0xFFFFFFE0];
	v11, _, _ =	vpop (xrf2);
	[tilespmem:s8+$0x0] =	vst v8;
	v13 =	vmul.f32 v15, v5  }
0x433: {  	s29 =	sadd.s32 $0x1, s29;
	v11 =	vbroadcast v11, $0xF;
	v8 =	vld [tilespmem:s3+$0x0];
	[tilespmem:s8+$0x10] =	vst v14;
	v12 =	vmul.f32 v12, v5  }
0x434: {  	v4 =	vld [tilespmem:s3+$0x10];
	_ =	sdelay $0x1  }
0x435: {  	v5 =	vmul.f32 v9, v5;
	[tilespmem:s8+$0x20] =	vst v13  }
0x436: {  	v58 =	vmul.f32 v10, v11;
	v59 =	vld [tilespmem:s3+$0x20];
	[tilespmem:s8+$0x30] =	vst v12  }
0x437: {  	[tilespmem:s8+$0xFFFFFFF0] =	vst v5;
	v5 =	vmul.f32 v7, v11;
	v12 =	vld [tilespmem:s3+$0x30]  }
0x438: {  	s29 =	sadd.s32 $0x80, s3;
	[tilespmem:s3+$0xFFFFFFC0] =	vst v58;
	v60 =	vld [tilespmem:s3+$0xFFFFFFF0];
	v6 =	vmul.f32 v6, v11;
	v4 =	vmul.f32 v4, v11  }
0x439: {  	v9 =	vld [tilespmem:s29+$0xFFFFFFC0];
	[tilespmem:s3+$0xFFFFFFD0] =	vst v5;
	v8 =	vmul.f32 v8, v11  }
0x43a: {  	v5 =	vld [tilespmem:s29+$0xFFFFFFD0];
	[tilespmem:s3+$0xFFFFFFE0] =	vst v6  }
0x43b: {  	v6 =	vld [tilespmem:s29+$0xFFFFFFE0];
	[tilespmem:s3+$0x0] =	vst v8;
	v10 =	vmul.f32 v59, v11  }
0x43c: {  	v8 =	vld [tilespmem:s29+$0x0];
	[tilespmem:s3+$0x10] =	vst v4;
	v12 =	vmul.f32 v12, v11;
	v4, _, _ =	vpop (xrf2)  }
0x43d: {  	v13 =	vld [tilespmem:s29+$0x10];
	[tilespmem:s3+$0x20] =	vst v10;
	v4 =	vbroadcast v4, $0xF  }
0x43e: {  	v7 =	vmul.f32 v60, v11;
	v10 =	vld [tilespmem:s29+$0x20];
	[tilespmem:s3+$0x30] =	vst v12  }
0x43f: {  	v61 =	vld [tilespmem:s29+$0x30];
	v9 =	vmul.f32 v9, v4  }
0x440: {  	[tilespmem:s3+$0xFFFFFFF0] =	vst v7;
	v5 =	vmul.f32 v5, v4  }
0x441: {  	v7 =	vld [tilespmem:s29+$0xFFFFFFF0];
	v6 =	vmul.f32 v6, v4;
	[tilespmem:s29+$0xFFFFFFC0] =	vst v9  }
0x442: {  	s16 =	sadd.s32 $0x1, s16;
	v62 =	vmul.f32 v13, v4;
	[tilespmem:s29+$0xFFFFFFD0] =	vst v5  }
0x443: {  	p2 =	sne.s32 s16, $0x8;
	v5 =	vmul.f32 v8, v4;
	[tilespmem:s29+$0xFFFFFFE0] =	vst v6  }
.Ltmp28:
0x444: {  	[tilespmem:s29+$0x10] =	vst v62;
	v63 =	vmul.f32 v61, v4;
	(pc) =	sbr.rel @p2 .LBB2_50-.Ltmp28, $4  }
0x445: {  	[tilespmem:s29+$0x0] =	vst v5;
	v5 =	vmul.f32 v10, v4  }
0x446: {  	v4 =	vmul.f32 v7, v4;
	[tilespmem:s29+$0x30] =	vst v63  }
0x447: {  	[tilespmem:s29+$0x20] =	vst v5  }
0x448: {  	s10 =	sadd.s32 $0x800, s10;
	[tilespmem:s29+$0xFFFFFFF0] =	vst v4  }
.Ltmp29:
0x449: {  	s3 =	rddreg [dreg:$0xd];
	s8 =	simm.s32 $0x400;
	(pc) =	sbr.rel @!p1 .LBB2_54-.Ltmp29, $4  }
0x44a: {  	[hbm4b:s3+s8] =	stream.strided.scatter [tilespmem:s25], [sflag:$0x2], $0x4000, s30, s8, $0x38;
	[tilespmem:$0x1EAF8] =	vst v63  }
0x44b: {  	_ =	swait.ge [sflag:s26], $0x4000  }
0x44c: {  	[sflag:s26] =	ssyncset.done $0x0  }
0x44d: {  	[sflag:s26] =	ssyncadd.s32 $0xFFFFC000  }
0x44e: {  	s3 =	sld [smem:$0x7FB];
	_ =	sdelay $0x2  }
0x44f: {  	[tilespmem:s12], [sflag:$0x8] =	stream.linear.gather [spmem:s3], $0x4000, $0x38;
	[tilespmem:$0x1EAF8] =	vst v63  }
0x450: {  	_ =	swait.ge [sflag:s11], $0x4000  }
0x451: {  	s9 =	simm.s32 $0x0;
	[sflag:s11] =	ssyncset.done $0x0  }
0x452: {  	s10 =	simm.s32 $0x2DC0;
	s16 =	simm.s32 $0x0;
	[sflag:s11] =	ssyncadd.s32 $0xFFFFC000  }
.LBB2_60:
0x453: {  	s3 =	sshll.u32 s16, $0x4  }
0x454: {  	v4 =	vld [tilespmem:s3+$0xAF80];
	_ =	sdelay $0x2  }
0x455: {  	v5 =	vmov s9  }
0x456: {  	vm0 =	veq.s32 v5, v3  }
0x457: {  	v5 =	vnsel vm0, $0x0, v4  }
0x458: {  	(xrf2) =	vadd.scan.msk.f32 $0xffff, v5;
	_ =	sdelay $0x7  }
0x459: {  	s8 =	simm.s32 $0x1  }
0x45a: {  	v6 =	vld [tilespmem:s10+$0xFFFFFFC0];
	v5 =	vmov s8  }
0x45b: {  	vm14 =	veq.s32 v5, v3;
	v7, _, _ =	vpop (xrf2)  }
0x45c: {  	v8 =	vld [tilespmem:s10+$0xFFFFFFD0];
	v5 =	vbroadcast v7, $0xF;
	v7 =	vnsel vm14, $0x0, v4  }
0x45d: {  	v11 =	vld [tilespmem:s10+$0xFFFFFFE0];
	(xrf2) =	vadd.scan.msk.f32 $0xffff, v7;
	_ =	sdelay $0x1  }
0x45e: {  	v12 =	vld [tilespmem:s10+$0x0];
	v6 =	vmul.f32 v6, v5  }
0x45f: {  	v13 =	vld [tilespmem:s10+$0x10]  }
0x460: {  	v14 =	vld [tilespmem:s10+$0x20];
	[tilespmem:s10+$0xFFFFFFC0] =	vst v6;
	v6 =	vmul.f32 v8, v5  }
0x461: {  	v9 =	vld [tilespmem:s10+$0xFFFFFFF0];
	s3 =	sadd.s32 $0x80, s10;
	v8 =	vmul.f32 v11, v5  }
0x462: {  	s8 =	simm.s32 $0x2;
	v10 =	vld [tilespmem:s3+$0xFFFFFFC0];
	[tilespmem:s10+$0xFFFFFFD0] =	vst v6  }
0x463: {  	v11 =	vmul.f32 v12, v5;
	v7 =	vld [tilespmem:s3+$0xFFFFFFD0];
	[tilespmem:s10+$0xFFFFFFE0] =	vst v8;
	v8 =	vmov s8  }
0x464: {  	v15 =	vld [tilespmem:s10+$0x30];
	vm15 =	veq.s32 v8, v3  }
0x465: {  	v6 =	vld [tilespmem:s3+$0xFFFFFFE0];
	[tilespmem:s10+$0x0] =	vst v11;
	v11 =	vnsel vm15, $0x0, v4  }
0x466: {  	v16, _, _ =	vpop (xrf2);
	(xrf2) =	vadd.scan.msk.f32 $0xffff, v11  }
0x467: {  	v12 =	vmul.f32 v13, v5  }
0x468: {  	v13 =	vmul.f32 v14, v5  }
0x469: {  	s29 =	simm.s32 $0x3;
	s8 =	smov.u32 s10;
	v8 =	vld [tilespmem:s3+$0x0];
	[tilespmem:s10+$0x10] =	vst v12;
	v12 =	vmul.f32 v15, v5;
	v11 =	vbroadcast v16, $0xF  }
.LBB2_61:
0x46a: {  	p2 =	sne.s32 s29, $0xF;
	v14 =	vld [tilespmem:s3+$0x10];
	v9 =	vmul.f32 v9, v5;
	[tilespmem:s8+$0x20] =	vst v13  }
0x46b: {  	v13 =	vmov s29;
	v10 =	vmul.f32 v10, v11;
	v15 =	vld [tilespmem:s3+$0x20];
	[tilespmem:s8+$0x30] =	vst v12;
	v5 =	vmov v11  }
0x46c: {  	vm0 =	veq.s32 v13, v3;
	v7 =	vmul.f32 v7, v5;
	v12 =	vld [tilespmem:s3+$0x30];
	[tilespmem:s8+$0xFFFFFFF0] =	vst v9;
	s8 =	smov.u32 s3  }
.Ltmp30:
0x46d: {  	v11 =	vnsel vm0, $0x0, v4;
	s3 =	sadd.s32 $0x80, s3;
	[tilespmem:s8+$0xFFFFFFC0] =	vst v10;
	v6 =	vmul.f32 v6, v5;
	v9 =	vld [tilespmem:s8+$0xFFFFFFF0];
	(pc) =	sbr.rel @p2 .LBB2_61-.Ltmp30, $4  }
0x46e: {  	(xrf2) =	vadd.scan.msk.f32 $0xffff, v11;
	v10 =	vld [tilespmem:s3+$0xFFFFFFC0];
	[tilespmem:s8+$0xFFFFFFD0] =	vst v7;
	v8 =	vmul.f32 v8, v5  }
0x46f: {  	v7 =	vld [tilespmem:s3+$0xFFFFFFD0];
	[tilespmem:s8+$0xFFFFFFE0] =	vst v6;
	v14 =	vmul.f32 v14, v5  }
0x470: {  	v6 =	vld [tilespmem:s3+$0xFFFFFFE0];
	v11, _, _ =	vpop (xrf2);
	[tilespmem:s8+$0x0] =	vst v8;
	v13 =	vmul.f32 v15, v5  }
0x471: {  	s29 =	sadd.s32 $0x1, s29;
	v11 =	vbroadcast v11, $0xF;
	v8 =	vld [tilespmem:s3+$0x0];
	[tilespmem:s8+$0x10] =	vst v14;
	v12 =	vmul.f32 v12, v5  }
0x472: {  	v4 =	vld [tilespmem:s3+$0x10];
	_ =	sdelay $0x1  }
0x473: {  	v5 =	vmul.f32 v9, v5;
	[tilespmem:s8+$0x20] =	vst v13  }
0x474: {  	v58 =	vmul.f32 v10, v11;
	v59 =	vld [tilespmem:s3+$0x20];
	[tilespmem:s8+$0x30] =	vst v12  }
0x475: {  	[tilespmem:s8+$0xFFFFFFF0] =	vst v5;
	v5 =	vmul.f32 v7, v11;
	v12 =	vld [tilespmem:s3+$0x30]  }
0x476: {  	s29 =	sadd.s32 $0x80, s3;
	[tilespmem:s3+$0xFFFFFFC0] =	vst v58;
	v60 =	vld [tilespmem:s3+$0xFFFFFFF0];
	v6 =	vmul.f32 v6, v11;
	v4 =	vmul.f32 v4, v11  }
0x477: {  	v9 =	vld [tilespmem:s29+$0xFFFFFFC0];
	[tilespmem:s3+$0xFFFFFFD0] =	vst v5;
	v8 =	vmul.f32 v8, v11  }
0x478: {  	v5 =	vld [tilespmem:s29+$0xFFFFFFD0];
	[tilespmem:s3+$0xFFFFFFE0] =	vst v6  }
0x479: {  	v6 =	vld [tilespmem:s29+$0xFFFFFFE0];
	[tilespmem:s3+$0x0] =	vst v8;
	v10 =	vmul.f32 v59, v11  }
0x47a: {  	v8 =	vld [tilespmem:s29+$0x0];
	[tilespmem:s3+$0x10] =	vst v4;
	v12 =	vmul.f32 v12, v11;
	v4, _, _ =	vpop (xrf2)  }
0x47b: {  	v13 =	vld [tilespmem:s29+$0x10];
	[tilespmem:s3+$0x20] =	vst v10;
	v4 =	vbroadcast v4, $0xF  }
0x47c: {  	v7 =	vmul.f32 v60, v11;
	v10 =	vld [tilespmem:s29+$0x20];
	[tilespmem:s3+$0x30] =	vst v12  }
0x47d: {  	v61 =	vld [tilespmem:s29+$0x30];
	v9 =	vmul.f32 v9, v4  }
0x47e: {  	[tilespmem:s3+$0xFFFFFFF0] =	vst v7;
	v5 =	vmul.f32 v5, v4  }
0x47f: {  	v7 =	vld [tilespmem:s29+$0xFFFFFFF0];
	v6 =	vmul.f32 v6, v4;
	[tilespmem:s29+$0xFFFFFFC0] =	vst v9  }
0x480: {  	s16 =	sadd.s32 $0x1, s16;
	v62 =	vmul.f32 v13, v4;
	[tilespmem:s29+$0xFFFFFFD0] =	vst v5  }
0x481: {  	p2 =	sne.s32 s16, $0x8;
	v5 =	vmul.f32 v8, v4;
	[tilespmem:s29+$0xFFFFFFE0] =	vst v6  }
.Ltmp31:
0x482: {  	[tilespmem:s29+$0x10] =	vst v62;
	v63 =	vmul.f32 v61, v4;
	(pc) =	sbr.rel @p2 .LBB2_60-.Ltmp31, $4  }
0x483: {  	[tilespmem:s29+$0x0] =	vst v5;
	v5 =	vmul.f32 v10, v4  }
0x484: {  	v4 =	vmul.f32 v7, v4;
	[tilespmem:s29+$0x30] =	vst v63  }
0x485: {  	[tilespmem:s29+$0x20] =	vst v5  }
0x486: {  	s10 =	sadd.s32 $0x800, s10;
	[tilespmem:s29+$0xFFFFFFF0] =	vst v4  }
.Ltmp32:
0x487: {  	s3 =	rddreg [dreg:$0x1c];
	s8 =	simm.s32 $0x400;
	(pc) =	sbr.rel .LBB2_64-.Ltmp32, $4  }
0x488: {  	[hbm4b:s3+s8] =	stream.strided.scatter [tilespmem:s12], [sflag:$0x1], $0x4000, s30, s8, $0x38;
	[tilespmem:$0x1EAF8] =	vst v63  }
0x489: {  	_ =	swait.ge [sflag:s26], $0x4000  }
0x48a: {  	[sflag:s26] =	ssyncset.done $0x0  }
0x48b: {  	[sflag:s26] =	ssyncadd.s32 $0xFFFFC000  }
.LBB2_54:
0x48c: {  	s3 =	rddreg [dreg:$0x1b]  }
0x48d: {  	[tilespmem:s12], [sflag:$0x8] =	stream.linear.gather [spmem:s3], $0x3800, $0x38;
	[tilespmem:$0x1EAF8] =	vst v63  }
0x48e: {  	_ =	swait.ge [sflag:s11], $0x3800  }
0x48f: {  	s9 =	simm.s32 $0x0;
	[sflag:s11] =	ssyncset.done $0x0  }
0x490: {  	s10 =	simm.s32 $0x2DC0;
	s16 =	simm.s32 $0x0;
	[sflag:s11] =	ssyncadd.s32 $0xFFFFC800  }
.LBB2_55:
0x491: {  	s3 =	sshll.u32 s16, $0x4  }
0x492: {  	v4 =	vld [tilespmem:s3+$0xAF80];
	_ =	sdelay $0x2  }
0x493: {  	v5 =	vmov s9  }
0x494: {  	vm0 =	veq.s32 v5, v3  }
0x495: {  	v5 =	vnsel vm0, $0x0, v4  }
0x496: {  	(xrf2) =	vadd.scan.msk.f32 $0xffff, v5;
	_ =	sdelay $0x7  }
0x497: {  	s8 =	simm.s32 $0x1  }
0x498: {  	v6 =	vld [tilespmem:s10+$0xFFFFFFC0];
	v5 =	vmov s8  }
0x499: {  	vm14 =	veq.s32 v5, v3;
	v7, _, _ =	vpop (xrf2)  }
0x49a: {  	v8 =	vld [tilespmem:s10+$0xFFFFFFD0];
	v5 =	vbroadcast v7, $0xF;
	v7 =	vnsel vm14, $0x0, v4  }
0x49b: {  	v11 =	vld [tilespmem:s10+$0xFFFFFFE0];
	(xrf2) =	vadd.scan.msk.f32 $0xffff, v7;
	_ =	sdelay $0x1  }
0x49c: {  	v12 =	vld [tilespmem:s10+$0x0];
	v6 =	vmul.f32 v6, v5  }
0x49d: {  	v13 =	vld [tilespmem:s10+$0x10]  }
0x49e: {  	v14 =	vld [tilespmem:s10+$0x20];
	[tilespmem:s10+$0xFFFFFFC0] =	vst v6;
	v6 =	vmul.f32 v8, v5  }
0x49f: {  	v9 =	vld [tilespmem:s10+$0xFFFFFFF0];
	s3 =	sadd.s32 $0x80, s10;
	v8 =	vmul.f32 v11, v5  }
0x4a0: {  	s8 =	simm.s32 $0x2;
	v10 =	vld [tilespmem:s3+$0xFFFFFFC0];
	[tilespmem:s10+$0xFFFFFFD0] =	vst v6  }
0x4a1: {  	v11 =	vmul.f32 v12, v5;
	v7 =	vld [tilespmem:s3+$0xFFFFFFD0];
	[tilespmem:s10+$0xFFFFFFE0] =	vst v8;
	v8 =	vmov s8  }
0x4a2: {  	v15 =	vld [tilespmem:s10+$0x30];
	vm15 =	veq.s32 v8, v3  }
0x4a3: {  	v6 =	vld [tilespmem:s3+$0xFFFFFFE0];
	[tilespmem:s10+$0x0] =	vst v11;
	v11 =	vnsel vm15, $0x0, v4  }
0x4a4: {  	v16, _, _ =	vpop (xrf2);
	(xrf2) =	vadd.scan.msk.f32 $0xffff, v11  }
0x4a5: {  	v12 =	vmul.f32 v13, v5  }
0x4a6: {  	v13 =	vmul.f32 v14, v5  }
0x4a7: {  	s29 =	simm.s32 $0x3;
	s8 =	smov.u32 s10;
	v8 =	vld [tilespmem:s3+$0x0];
	[tilespmem:s10+$0x10] =	vst v12;
	v12 =	vmul.f32 v15, v5;
	v11 =	vbroadcast v16, $0xF  }
.LBB2_56:
0x4a8: {  	p2 =	sne.s32 s29, $0xF;
	v14 =	vld [tilespmem:s3+$0x10];
	v9 =	vmul.f32 v9, v5;
	[tilespmem:s8+$0x20] =	vst v13  }
0x4a9: {  	v13 =	vmov s29;
	v10 =	vmul.f32 v10, v11;
	v15 =	vld [tilespmem:s3+$0x20];
	[tilespmem:s8+$0x30] =	vst v12;
	v5 =	vmov v11  }
0x4aa: {  	vm0 =	veq.s32 v13, v3;
	v7 =	vmul.f32 v7, v5;
	v12 =	vld [tilespmem:s3+$0x30];
	[tilespmem:s8+$0xFFFFFFF0] =	vst v9;
	s8 =	smov.u32 s3  }
.Ltmp33:
0x4ab: {  	v11 =	vnsel vm0, $0x0, v4;
	s3 =	sadd.s32 $0x80, s3;
	[tilespmem:s8+$0xFFFFFFC0] =	vst v10;
	v6 =	vmul.f32 v6, v5;
	v9 =	vld [tilespmem:s8+$0xFFFFFFF0];
	(pc) =	sbr.rel @p2 .LBB2_56-.Ltmp33, $4  }
0x4ac: {  	(xrf2) =	vadd.scan.msk.f32 $0xffff, v11;
	v10 =	vld [tilespmem:s3+$0xFFFFFFC0];
	[tilespmem:s8+$0xFFFFFFD0] =	vst v7;
	v8 =	vmul.f32 v8, v5  }
0x4ad: {  	v7 =	vld [tilespmem:s3+$0xFFFFFFD0];
	[tilespmem:s8+$0xFFFFFFE0] =	vst v6;
	v14 =	vmul.f32 v14, v5  }
0x4ae: {  	v6 =	vld [tilespmem:s3+$0xFFFFFFE0];
	v11, _, _ =	vpop (xrf2);
	[tilespmem:s8+$0x0] =	vst v8;
	v13 =	vmul.f32 v15, v5  }
0x4af: {  	s29 =	sadd.s32 $0x1, s29;
	v11 =	vbroadcast v11, $0xF;
	v8 =	vld [tilespmem:s3+$0x0];
	[tilespmem:s8+$0x10] =	vst v14;
	v12 =	vmul.f32 v12, v5  }
0x4b0: {  	v4 =	vld [tilespmem:s3+$0x10];
	_ =	sdelay $0x1  }
0x4b1: {  	v5 =	vmul.f32 v9, v5;
	[tilespmem:s8+$0x20] =	vst v13  }
0x4b2: {  	v58 =	vmul.f32 v10, v11;
	v59 =	vld [tilespmem:s3+$0x20];
	[tilespmem:s8+$0x30] =	vst v12  }
0x4b3: {  	[tilespmem:s8+$0xFFFFFFF0] =	vst v5;
	v5 =	vmul.f32 v7, v11;
	v12 =	vld [tilespmem:s3+$0x30]  }
0x4b4: {  	s29 =	sadd.s32 $0x80, s3;
	[tilespmem:s3+$0xFFFFFFC0] =	vst v58;
	v60 =	vld [tilespmem:s3+$0xFFFFFFF0];
	v6 =	vmul.f32 v6, v11;
	v4 =	vmul.f32 v4, v11  }
0x4b5: {  	v9 =	vld [tilespmem:s29+$0xFFFFFFC0];
	[tilespmem:s3+$0xFFFFFFD0] =	vst v5;
	v8 =	vmul.f32 v8, v11  }
0x4b6: {  	v5 =	vld [tilespmem:s29+$0xFFFFFFD0];
	[tilespmem:s3+$0xFFFFFFE0] =	vst v6  }
0x4b7: {  	v6 =	vld [tilespmem:s29+$0xFFFFFFE0];
	[tilespmem:s3+$0x0] =	vst v8;
	v10 =	vmul.f32 v59, v11  }
0x4b8: {  	v8 =	vld [tilespmem:s29+$0x0];
	[tilespmem:s3+$0x10] =	vst v4;
	v12 =	vmul.f32 v12, v11;
	v4, _, _ =	vpop (xrf2)  }
0x4b9: {  	v13 =	vld [tilespmem:s29+$0x10];
	[tilespmem:s3+$0x20] =	vst v10;
	v4 =	vbroadcast v4, $0xF  }
0x4ba: {  	v7 =	vmul.f32 v60, v11;
	v10 =	vld [tilespmem:s29+$0x20];
	[tilespmem:s3+$0x30] =	vst v12  }
0x4bb: {  	v61 =	vld [tilespmem:s29+$0x30];
	v9 =	vmul.f32 v9, v4  }
0x4bc: {  	[tilespmem:s3+$0xFFFFFFF0] =	vst v7;
	v5 =	vmul.f32 v5, v4  }
0x4bd: {  	v7 =	vld [tilespmem:s29+$0xFFFFFFF0];
	v6 =	vmul.f32 v6, v4;
	[tilespmem:s29+$0xFFFFFFC0] =	vst v9  }
0x4be: {  	s16 =	sadd.s32 $0x1, s16;
	v62 =	vmul.f32 v13, v4;
	[tilespmem:s29+$0xFFFFFFD0] =	vst v5  }
0x4bf: {  	p2 =	sne.s32 s16, $0x7;
	v5 =	vmul.f32 v8, v4;
	[tilespmem:s29+$0xFFFFFFE0] =	vst v6  }
.Ltmp34:
0x4c0: {  	[tilespmem:s29+$0x10] =	vst v62;
	v63 =	vmul.f32 v61, v4;
	(pc) =	sbr.rel @p2 .LBB2_55-.Ltmp34, $4  }
0x4c1: {  	[tilespmem:s29+$0x0] =	vst v5;
	v5 =	vmul.f32 v10, v4  }
0x4c2: {  	v4 =	vmul.f32 v7, v4;
	[tilespmem:s29+$0x30] =	vst v63  }
0x4c3: {  	[tilespmem:s29+$0x20] =	vst v5  }
0x4c4: {  	s10 =	sadd.s32 $0x800, s10;
	[tilespmem:s29+$0xFFFFFFF0] =	vst v4  }
.Ltmp35:
0x4c5: {  	s3 =	rddreg [dreg:$0xe];
	s8 =	simm.s32 $0x400;
	(pc) =	sbr.rel .LBB2_64-.Ltmp35, $4  }
0x4c6: {  	[hbm4b:s3+s8] =	stream.strided.scatter [tilespmem:s12], [sflag:$0x1], $0x3800, s30, s8, $0x38;
	[tilespmem:$0x1EAF8] =	vst v63  }
0x4c7: {  	_ =	swait.ge [sflag:s26], $0x3800  }
0x4c8: {  	[sflag:s26] =	ssyncset.done $0x0  }
0x4c9: {  	[sflag:s26] =	ssyncadd.s32 $0xFFFFC800  }
.LBB2_65:
0x4ca: {  	_ =	sfence.sel $0x180000  }
0x4cb: {  	[bflag:$0x0] =	sbarrier.arrive $0xFFFF  }
0x4cc: {  	_ =	strace $0x90000047  }
0x4cd: {  	s0 =	stileid.u32;
	[bflag:$0x2] =	sbarrier.arrive $0xFFFF  }
0x4ce: {  	p0 =	sne.s32 s0, $0x0;
	s0 =	rddreg [dreg:$0x4]  }
0x4cf: {  	s0 =	sadd.s32 @!p0 $0x100000, s0  }
0x4d0: {  	[sflag:s0] =	ssyncadd.tile.s32 @!p0 $0x1;
	_ =	shalt  }
.Lfunc_end2:
_tile_overlayer_lowered:
.L_overlay_start_2:
0x4d1: {  	(tag) =	ssettag $0x2  }
0x4d2: {  	s0 =	rddreg [dreg:$0x0];
	s2 =	stileid.u32  }
0x4d3: {  	s1 =	rddreg [dreg:$0x1];
	p0 =	sne.s32 s2, $0x0  }
0x4d4: {  	s3 =	rddreg [dreg:$0x2];
	[bflag:$0x3] =	sbarrier.arrive $0xFFFF;
	s2 =	simm.s32 @!p0 $0x1C08  }
0x4d5: {  	[timem:s3], [sflag:s2] =	dma.local @!p0 [hbm:s0], s1  }
0x4d6: {  	s0 =	simm.s32 @!p0 $0x8  }
0x4d7: {  	_ =	swait.ge @!p0 [sflag:s0], s1  }
0x4d8: {  	s1 =	ssub.s32 @!p0 $0x0, s1;
	[sflag:s0] =	ssyncset.done @!p0 $0x0  }
0x4d9: {  	[sflag:s0] =	ssyncadd.s32 @!p0 s1  }
0x4da: {  	[bflag:$0x3] =	sbarrier.arrive $0xFFFF  }
0x4db: {  	_ =	shalt  }

</sc_bundles>
